<compile_context>
chip_gen: v7x
topology: tpu7x:2x2x1
jax: 0.10.2.dev20260603
libtpu: 0.0.44.dev20260713+nightly
codegen_flags: <defaults>
</compile_context>

<pallas_src>
import functools

import jax
import jax.numpy as jnp
from jax import lax
from jax.experimental import pallas as pl
from jax.experimental.pallas import tpu as pltpu
from jax.experimental.pallas import tpu_sc as plsc

BATCH = 64
XDIM = 3072
D = 256
L = 16

_NW = 8
_RPW = BATCH // _NW
_LN2 = 0.6931471805599453


def _select_body(noise_ref, u_ref, tgt_ref, jflat_ref, tsel_ref):
    noise = noise_ref[...]
    u = u_ref[...]
    r = jnp.clip(jnp.floor(u * jnp.float32(XDIM)).astype(jnp.int32), 0, XDIM - 1)

    lo = jnp.zeros((BATCH, 1), jnp.int32)
    hi = jnp.full((BATCH, 1), XDIM - 1, jnp.int32)
    ghi = jnp.zeros((BATCH, 1), jnp.int32)
    for _ in range(12):
        mid = (lo + hi + 1) >> 1
        cnt = jnp.sum((noise >= mid).astype(jnp.int32), axis=1, keepdims=True)
        ok = cnt >= r + 1
        lo = jnp.where(ok, mid, lo)
        hi = jnp.where(ok, hi, mid - 1)
        ghi = jnp.where(ok, ghi, cnt)
    v = lo

    m = r - ghi
    colidx = jax.lax.broadcasted_iota(jnp.int32, (BATCH, XDIM), 1)
    eqcol = jnp.where(noise == v, colidx, XDIM)

    lo2 = jnp.zeros((BATCH, 1), jnp.int32)
    hi2 = jnp.full((BATCH, 1), XDIM - 1, jnp.int32)
    for _ in range(12):
        mid = (lo2 + hi2) >> 1
        cnt = jnp.sum((eqcol <= mid).astype(jnp.int32), axis=1, keepdims=True)
        ok = cnt >= m + 1
        lo2 = jnp.where(ok, lo2, mid + 1)
        hi2 = jnp.where(ok, mid, hi2)
    j = lo2

    b_iota = jax.lax.broadcasted_iota(jnp.int32, (BATCH, 1), 0)
    jflat_ref[...] = b_iota * XDIM + j
    tsel_ref[...] = jnp.sum(jnp.where(colidx == j, tgt_ref[...], 0), axis=1,
                            keepdims=True)


def _vlog(s_vec):
    bits = lax.bitcast_convert_type(s_vec, jnp.int32)
    e = ((bits >> 23) & 255) - 127
    frac = (bits & 0x7FFFFF).astype(jnp.float32) * jnp.float32(1.0 / 8388608.0)
    y = (e.astype(jnp.float32) + frac) * jnp.float32(_LN2)
    for _ in range(3):
        y = y + s_vec * jnp.exp(-y) - 1.0
    return y


_DNUMS = lax.GatherDimensionNumbers(
    offset_dims=(), collapsed_slice_dims=(0,), start_index_map=(0,))


def _shuffle(x, idx):
    return lax.gather(x, idx[:, None], _DNUMS, slice_sizes=(1,),
                      mode=lax.GatherScatterMode.PROMISE_IN_BOUNDS)


def _vreduce(x, op):
    lane = lax.iota(jnp.int32, L)
    for k in (8, 4, 2, 1):
        x = op(x, _shuffle(x, jnp.bitwise_xor(lane, k)))
    return x


def _sc_body(logits_hbm, jf_hbm, ts_hbm, part_hbm, out_hbm,
             idx_v, tsr_v, rows_v, acc_v, out_v, red_v, sem):
    wid = lax.axis_index("s")

    @pl.when(wid < _NW)
    def _():
        base = wid * _RPW
        pltpu.sync_copy(jf_hbm.at[pl.ds(base, _RPW)], idx_v)
        pltpu.sync_copy(ts_hbm.at[pl.ds(base, _RPW)], tsr_v.at[pl.ds(0, _RPW)])
        pltpu.async_copy(logits_hbm.at[idx_v], rows_v, sem).wait()
        lane = lax.iota(jnp.int32, L)
        tv16 = tsr_v[...]
        acc = jnp.zeros((L,), jnp.float32)
        for rloc in range(_RPW):
            mx = rows_v[rloc, pl.ds(0, L)]
            for c in range(1, D // L):
                mx = jnp.maximum(mx, rows_v[rloc, pl.ds(c * L, L)])
            m_vec = _vreduce(mx, jnp.maximum)
            t_vec = _shuffle(tv16, jnp.full((L,), rloc, jnp.int32))
            sv = jnp.zeros((L,), jnp.float32)
            pk = jnp.zeros((L,), jnp.float32)
            for c in range(D // L):
                chunk = rows_v[rloc, pl.ds(c * L, L)]
                sv = sv + jnp.exp(chunk - m_vec)
                pk = pk + jnp.where(lane + (c * L) == t_vec, chunk, 0.0)
            s_vec = _vreduce(sv, jnp.add)
            picked = _vreduce(pk, jnp.add)
            acc = acc + picked - m_vec - _vlog(s_vec)
        acc_v[...] = acc
        pltpu.sync_copy(acc_v, part_hbm.at[wid])

    plsc.subcore_barrier()

    @pl.when(wid == 0)
    def _():
        pltpu.sync_copy(part_hbm, red_v)
        tot = red_v[0, :]
        for w in range(1, _NW):
            tot = tot + red_v[w, :]
        out_v[...] = tot * jnp.float32(1.0 / BATCH)
        pltpu.sync_copy(out_v, out_hbm)


@jax.jit
def kernel(x, logits, rand_noise, u, targets):
    del x
    tgt_flat = targets.reshape(BATCH, XDIM)
    u2 = u.reshape(BATCH, 1)

    jflat, tsel = pl.pallas_call(
        _select_body,
        out_shape=(
            jax.ShapeDtypeStruct((BATCH, 1), jnp.int32),
            jax.ShapeDtypeStruct((BATCH, 1), jnp.int32),
        ),
    )(rand_noise, u2, tgt_flat)

    logits2d = logits.reshape(BATCH * XDIM, D)
    sc_fused = functools.partial(
        pl.kernel,
        out_type=(jax.ShapeDtypeStruct((_NW, L), jnp.float32),
                  jax.ShapeDtypeStruct((L,), jnp.float32)),
        mesh=plsc.VectorSubcoreMesh(core_axis_name="c", subcore_axis_name="s",
                                    num_cores=1),
        scratch_types=[
            pltpu.VMEM((_RPW,), jnp.int32),
            pltpu.VMEM((L,), jnp.int32),
            pltpu.VMEM((_RPW, D), jnp.float32),
            pltpu.VMEM((L,), jnp.float32),
            pltpu.VMEM((L,), jnp.float32),
            pltpu.VMEM((_NW, L), jnp.float32),
            pltpu.SemaphoreType.DMA,
        ],
    )(_sc_body)
    _, out = sc_fused(logits2d, jflat.reshape(BATCH), tsel.reshape(BATCH))
    return out[:1].reshape(())

# --- scband reference (transcript-rebuilt; emitter-appended) ---
"""Pipeline reference for scband-mac-1580547975416 (READ-ONLY COPY).

The authoritative reference and input builder live on the scoring server;
editing this copy changes nothing except your own understanding.
"""

import jax, jax.numpy as jnp
import numpy as np

IMAGE_DIMS = (3, 32, 32)
XDIM = 3072
D = 256


def setup_inputs(seed: int = 0) -> dict:
    key = jax.random.key(seed)
    k1, k2, k3, k4, k5 = jax.random.split(key, 5)
    batch = 64
    x = jax.random.uniform(k1, (batch, 3, 32, 32), dtype=jnp.float32)
    logits = jax.random.normal(k2, (batch, XDIM, D), dtype=jnp.float32)
    rand_noise = jax.random.randint(k3, (batch, XDIM), 0, XDIM, dtype=jnp.int32)
    u = jax.random.uniform(k4, (batch,), dtype=jnp.float32)
    targets = jax.random.randint(k5, (batch, 3, 32, 32), 0, 256, dtype=jnp.int32)
    return {"x": x, "logits": logits, "rand_noise": rand_noise, "u": u, "targets": targets}


def reference(x, logits, rand_noise, u, targets):
    # Faithful translation of MAC.likelihood(full=False) with mask=ones and
    # cfg.mask.strategy='none' (sigma = mask_to_order(mask, 'random')).
    # ARDM_UNet output is represented by the `logits` input (already reshaped
    # to (batch, xdim, 256) i.e. the permuted (0,2,3,4,1) categorical logits).
    batch = x.shape[0]
    large_constant = 100000000
    # mask_to_order with order_strategy='random' and mask = all ones:
    flat_mask = jnp.full((batch, XDIM), large_constant, dtype=jnp.int32)
    flat_noise_mask = flat_mask + rand_noise
    # argsort(descending).argsort() -> rank in descending order
    sigma_flat = jnp.argsort(jnp.argsort(-flat_noise_mask, axis=-1), axis=-1)
    sigma = sigma_flat.reshape(batch, *IMAGE_DIMS)
    # T = sum_except_batch(mask) = xdim (mask all ones); t = T
    t = jnp.full((batch,), XDIM, dtype=jnp.float32)
    # torch.multinomial over uniform weights on [0, t) == uniform integer in [0, t)
    tpre = jnp.clip(jnp.floor(u * t).astype(jnp.int32), 0, XDIM - 1)
    twrap = tpre.reshape(batch, 1, 1, 1)
    previous_selection = sigma < twrap
    current_selection = sigma == twrap
    zeroimg = jnp.zeros((batch, *IMAGE_DIMS), dtype=x.dtype)
    xin = x * previous_selection.astype(x.dtype) + zeroimg * (~previous_selection).astype(x.dtype)
    # logits stands in for unet_forward(xin, previous_selection) after reshape/permute
    logp = jax.nn.log_softmax(logits, axis=-1)  # Categorical(logits=...).log_prob
    tgt = targets.reshape(batch, XDIM)
    ll_pix = jnp.take_along_axis(logp, tgt[:, :, None], axis=-1)[..., 0]
    cur_flat = current_selection.reshape(batch, XDIM).astype(ll_pix.dtype)
    ll = jnp.sum(ll_pix * cur_flat, axis=-1)  # sum_except_batch(ll * current_selection)
    ll = ll * t / XDIM
    return jnp.mean(ll)

if __name__ == "__main__":
    import jax
    _d = setup_inputs()
    print(jax.jit(kernel)(*tuple(_d.values())))

</pallas_src>

<mosaic_0001>
#map = affine_map<(d0, d1) -> (0, 0)>
#map1 = affine_map<(d0, d1) -> (0)>
module attributes {stable_mosaic.version = 14 : i64} {
  func.func @_sc_body(%arg0: i32, %arg1: i32, %arg2: memref<196608x256xf32, #tpu.memory_space<hbm>>, %arg3: memref<64xi32, #tpu.memory_space<hbm>>, %arg4: memref<64xi32, #tpu.memory_space<hbm>>, %arg5: memref<8x16xf32, #tpu.memory_space<hbm>>, %arg6: memref<16xf32, #tpu.memory_space<hbm>>, %arg7: memref<8xi32, #tpu.memory_space<vmem>>, %arg8: memref<16xi32, #tpu.memory_space<vmem>>, %arg9: memref<8x256xf32, #tpu.memory_space<vmem>>, %arg10: memref<16xf32, #tpu.memory_space<vmem>>, %arg11: memref<16xf32, #tpu.memory_space<vmem>>, %arg12: memref<8x16xf32, #tpu.memory_space<vmem>>, %arg13: memref<!tpu.dma_semaphore, #tpu.memory_space<semaphore_mem>>) attributes {dimension_semantics = [#tpu.dimension_semantics<core_parallel>, #tpu.dimension_semantics<subcore_parallel>], iteration_bounds = array<i64: 1, 16>, scalar_prefetch = 0 : i64, scratch_operands = 7 : i64, tpu.core_type = #tpu.core_type<sc_vector_subcore>, window_params = [{transform_indices = #map}, {transform_indices = #map1}, {transform_indices = #map1}, {transform_indices = #map}, {transform_indices = #map1}]} {
    %lt3A = arith.constant 8 : i32
    %lt3A_0 = arith.cmpi slt, %arg1, %lt3A : i32
    %convert_element_type3A = arith.extui %lt3A_0 : i1 to i32
    %cond3A = arith.constant 0 : i32
    %cond3A_1 = arith.cmpi ne, %convert_element_type3A, %cond3A : i32
    scf.if %cond3A_1 {
      %mul3A = arith.constant 8 : i32
      %mul3A_6 = arith.muli %arg1, %mul3A : i32
      "tpu.region"() ({
        %run_scoped3A = tpu.sem_alloc : memref<!tpu.dma_semaphore, #tpu.memory_space<semaphore_mem>>
        %dma_start3A_3997 = tpu.memref_slice %arg3[%mul3A_6] : memref<64xi32, #tpu.memory_space<hbm>> -> memref<8xi32, #tpu.memory_space<hbm>>
        %dma_start3A_3998 = tpu.memref_slice %arg3[%mul3A_6] : memref<64xi32, #tpu.memory_space<hbm>> -> memref<8xi32, #tpu.memory_space<hbm>>
        tpu.enqueue_dma source(%dma_start3A_3998 : memref<8xi32, #tpu.memory_space<hbm>>) target(%arg7 : memref<8xi32, #tpu.memory_space<vmem>>) target_semaphore(%run_scoped3A : memref<!tpu.dma_semaphore, #tpu.memory_space<semaphore_mem>>)
        %dma_wait3A_3999 = tpu.memref_slice %arg3[%mul3A_6] : memref<64xi32, #tpu.memory_space<hbm>> -> memref<8xi32, #tpu.memory_space<hbm>>
        %dma_wait3A_4000 = tpu.memref_slice %arg3[%mul3A_6] : memref<64xi32, #tpu.memory_space<hbm>> -> memref<8xi32, #tpu.memory_space<hbm>>
        tpu.wait_dma2 semaphore(%run_scoped3A : memref<!tpu.dma_semaphore, #tpu.memory_space<semaphore_mem>>) src(%dma_wait3A_4000 : memref<8xi32, #tpu.memory_space<hbm>>) dst(%arg7 : memref<8xi32, #tpu.memory_space<vmem>>)
        tpu.yield
      }) : () -> ()
      "tpu.region"() ({
        %run_scoped3A = tpu.sem_alloc : memref<!tpu.dma_semaphore, #tpu.memory_space<semaphore_mem>>
        %dma_start3A_3997 = arith.constant 0 : i32
        %dma_start3A_3998 = tpu.memref_slice %arg8[%dma_start3A_3997] : memref<16xi32, #tpu.memory_space<vmem>> -> memref<8xi32, #tpu.memory_space<vmem>>
        %dma_start3A_3999 = tpu.memref_slice %arg4[%mul3A_6] : memref<64xi32, #tpu.memory_space<hbm>> -> memref<8xi32, #tpu.memory_space<hbm>>
        %dma_start3A_4000 = arith.constant 0 : i32
        %dma_start3A_4001 = tpu.memref_slice %arg8[%dma_start3A_4000] : memref<16xi32, #tpu.memory_space<vmem>> -> memref<8xi32, #tpu.memory_space<vmem>>
        %dma_start3A_4002 = tpu.memref_slice %arg4[%mul3A_6] : memref<64xi32, #tpu.memory_space<hbm>> -> memref<8xi32, #tpu.memory_space<hbm>>
        tpu.enqueue_dma source(%dma_start3A_4002 : memref<8xi32, #tpu.memory_space<hbm>>) target(%dma_start3A_4001 : memref<8xi32, #tpu.memory_space<vmem>>) target_semaphore(%run_scoped3A : memref<!tpu.dma_semaphore, #tpu.memory_space<semaphore_mem>>)
        %dma_wait3A_4003 = arith.constant 0 : i32
        %dma_wait3A_4004 = tpu.memref_slice %arg8[%dma_wait3A_4003] : memref<16xi32, #tpu.memory_space<vmem>> -> memref<8xi32, #tpu.memory_space<vmem>>
        %dma_wait3A_4005 = tpu.memref_slice %arg4[%mul3A_6] : memref<64xi32, #tpu.memory_space<hbm>> -> memref<8xi32, #tpu.memory_space<hbm>>
        %dma_wait3A_4006 = arith.constant 0 : i32
        %dma_wait3A_4007 = tpu.memref_slice %arg8[%dma_wait3A_4006] : memref<16xi32, #tpu.memory_space<vmem>> -> memref<8xi32, #tpu.memory_space<vmem>>
        %dma_wait3A_4008 = tpu.memref_slice %arg4[%mul3A_6] : memref<64xi32, #tpu.memory_space<hbm>> -> memref<8xi32, #tpu.memory_space<hbm>>
        tpu.wait_dma2 semaphore(%run_scoped3A : memref<!tpu.dma_semaphore, #tpu.memory_space<semaphore_mem>>) src(%dma_wait3A_4008 : memref<8xi32, #tpu.memory_space<hbm>>) dst(%dma_wait3A_4007 : memref<8xi32, #tpu.memory_space<vmem>>)
        tpu.yield
      }) : () -> ()
      %dma_start3A = arith.constant 0 : i32
      %dma_start3A_7 = arith.constant 0 : i32
      %dma_start3A_8 = tpu.memref_slice %arg2[%dma_start3A, %dma_start3A_7] : memref<196608x256xf32, #tpu.memory_space<hbm>> -> memref<196608x256xf32, #tpu.memory_space<hbm>>
      tpu.enqueue_indirect_dma source(%dma_start3A_8 : memref<196608x256xf32, #tpu.memory_space<hbm>>) target(%arg9 : memref<8x256xf32, #tpu.memory_space<vmem>>) offsets(%arg7 : memref<8xi32, #tpu.memory_space<vmem>>) semaphore(%arg13 : memref<!tpu.dma_semaphore, #tpu.memory_space<semaphore_mem>>)
      %dma_wait3A = arith.constant 0 : i32
      %dma_wait3A_9 = arith.constant 0 : i32
      %dma_wait3A_10 = tpu.memref_slice %arg2[%dma_wait3A, %dma_wait3A_9] : memref<196608x256xf32, #tpu.memory_space<hbm>> -> memref<196608x256xf32, #tpu.memory_space<hbm>>
      tpu.wait_indirect_dma semaphore(%arg13 : memref<!tpu.dma_semaphore, #tpu.memory_space<semaphore_mem>>) src(%dma_wait3A_10 : memref<196608x256xf32, #tpu.memory_space<hbm>>) dst(%arg9 : memref<8x256xf32, #tpu.memory_space<vmem>>)
      %iota3A = tpu.iota {dimensions = array<i32: 0>} : vector<16xi32>
      %get3A = arith.constant 0 : index
      %get3A_11 = tpu.vector_load %arg8[%get3A] {strides = array<i32>} : memref<16xi32, #tpu.memory_space<vmem>>, vector<16xi32>,
      %get3A_12 = vector.shape_cast %get3A_11 : vector<16xi32> to vector<16xi32>
      %broadcast_in_dim3A = arith.constant 0.000000e+00 : f32
      %broadcast_in_dim3A_13 = vector.broadcast %broadcast_in_dim3A : f32 to vector<16xf32>
      %get3A_14 = arith.constant 0 : i32
      %get3A_15 = arith.index_cast %get3A_14 : i32 to index
      %get3A_16 = arith.constant 0 : index
      %get3A_17 = tpu.vector_load %arg9[%get3A_15, %get3A_16] {strides = array<i32>} : memref<8x256xf32, #tpu.memory_space<vmem>>, vector<1x16xf32>,
      %get3A_18 = vector.shape_cast %get3A_17 : vector<1x16xf32> to vector<16xf32>
      %get3A_19 = arith.constant 0 : i32
      %get3A_20 = arith.index_cast %get3A_19 : i32 to index
      %get3A_21 = arith.constant 16 : index
      %get3A_22 = tpu.vector_load %arg9[%get3A_20, %get3A_21] {strides = array<i32>} : memref<8x256xf32, #tpu.memory_space<vmem>>, vector<1x16xf32>,
      %get3A_23 = vector.shape_cast %get3A_22 : vector<1x16xf32> to vector<16xf32>
      %max3A = arith.maximumf %get3A_18, %get3A_23 : vector<16xf32>
      %get3A_24 = arith.constant 0 : i32
      %get3A_25 = arith.index_cast %get3A_24 : i32 to index
      %get3A_26 = arith.constant 32 : index
      %get3A_27 = tpu.vector_load %arg9[%get3A_25, %get3A_26] {strides = array<i32>} : memref<8x256xf32, #tpu.memory_space<vmem>>, vector<1x16xf32>,
      %get3A_28 = vector.shape_cast %get3A_27 : vector<1x16xf32> to vector<16xf32>
      %max3A_29 = arith.maximumf %max3A, %get3A_28 : vector<16xf32>
      %get3A_30 = arith.constant 0 : i32
      %get3A_31 = arith.index_cast %get3A_30 : i32 to index
      %get3A_32 = arith.constant 48 : index
      %get3A_33 = tpu.vector_load %arg9[%get3A_31, %get3A_32] {strides = array<i32>} : memref<8x256xf32, #tpu.memory_space<vmem>>, vector<1x16xf32>,
      %get3A_34 = vector.shape_cast %get3A_33 : vector<1x16xf32> to vector<16xf32>
      %max3A_35 = arith.maximumf %max3A_29, %get3A_34 : vector<16xf32>
      %get3A_36 = arith.constant 0 : i32
      %get3A_37 = arith.index_cast %get3A_36 : i32 to index
      %get3A_38 = arith.constant 64 : index
      %get3A_39 = tpu.vector_load %arg9[%get3A_37, %get3A_38] {strides = array<i32>} : memref<8x256xf32, #tpu.memory_space<vmem>>, vector<1x16xf32>,
      %get3A_40 = vector.shape_cast %get3A_39 : vector<1x16xf32> to vector<16xf32>
      %max3A_41 = arith.maximumf %max3A_35, %get3A_40 : vector<16xf32>
      %get3A_42 = arith.constant 0 : i32
      %get3A_43 = arith.index_cast %get3A_42 : i32 to index
      %get3A_44 = arith.constant 80 : index
      %get3A_45 = tpu.vector_load %arg9[%get3A_43, %get3A_44] {strides = array<i32>} : memref<8x256xf32, #tpu.memory_space<vmem>>, vector<1x16xf32>,
      %get3A_46 = vector.shape_cast %get3A_45 : vector<1x16xf32> to vector<16xf32>
      %max3A_47 = arith.maximumf %max3A_41, %get3A_46 : vector<16xf32>
      %get3A_48 = arith.constant 0 : i32
      %get3A_49 = arith.index_cast %get3A_48 : i32 to index
      %get3A_50 = arith.constant 96 : index
      %get3A_51 = tpu.vector_load %arg9[%get3A_49, %get3A_50] {strides = array<i32>} : memref<8x256xf32, #tpu.memory_space<vmem>>, vector<1x16xf32>,
      %get3A_52 = vector.shape_cast %get3A_51 : vector<1x16xf32> to vector<16xf32>
      %max3A_53 = arith.maximumf %max3A_47, %get3A_52 : vector<16xf32>
      %get3A_54 = arith.constant 0 : i32
      %get3A_55 = arith.index_cast %get3A_54 : i32 to index
      %get3A_56 = arith.constant 112 : index
      %get3A_57 = tpu.vector_load %arg9[%get3A_55, %get3A_56] {strides = array<i32>} : memref<8x256xf32, #tpu.memory_space<vmem>>, vector<1x16xf32>,
      %get3A_58 = vector.shape_cast %get3A_57 : vector<1x16xf32> to vector<16xf32>
      %max3A_59 = arith.maximumf %max3A_53, %get3A_58 : vector<16xf32>
      %get3A_60 = arith.constant 0 : i32
      %get3A_61 = arith.index_cast %get3A_60 : i32 to index
      %get3A_62 = arith.constant 128 : index
      %get3A_63 = tpu.vector_load %arg9[%get3A_61, %get3A_62] {strides = array<i32>} : memref<8x256xf32, #tpu.memory_space<vmem>>, vector<1x16xf32>,
      %get3A_64 = vector.shape_cast %get3A_63 : vector<1x16xf32> to vector<16xf32>
      %max3A_65 = arith.maximumf %max3A_59, %get3A_64 : vector<16xf32>
      %get3A_66 = arith.constant 0 : i32
      %get3A_67 = arith.index_cast %get3A_66 : i32 to index
      %get3A_68 = arith.constant 144 : index
      %get3A_69 = tpu.vector_load %arg9[%get3A_67, %get3A_68] {strides = array<i32>} : memref<8x256xf32, #tpu.memory_space<vmem>>, vector<1x16xf32>,
      %get3A_70 = vector.shape_cast %get3A_69 : vector<1x16xf32> to vector<16xf32>
      %max3A_71 = arith.maximumf %max3A_65, %get3A_70 : vector<16xf32>
      %get3A_72 = arith.constant 0 : i32
      %get3A_73 = arith.index_cast %get3A_72 : i32 to index
      %get3A_74 = arith.constant 160 : index
      %get3A_75 = tpu.vector_load %arg9[%get3A_73, %get3A_74] {strides = array<i32>} : memref<8x256xf32, #tpu.memory_space<vmem>>, vector<1x16xf32>,
      %get3A_76 = vector.shape_cast %get3A_75 : vector<1x16xf32> to vector<16xf32>
      %max3A_77 = arith.maximumf %max3A_71, %get3A_76 : vector<16xf32>
      %get3A_78 = arith.constant 0 : i32
      %get3A_79 = arith.index_cast %get3A_78 : i32 to index
      %get3A_80 = arith.constant 176 : index
      %get3A_81 = tpu.vector_load %arg9[%get3A_79, %get3A_80] {strides = array<i32>} : memref<8x256xf32, #tpu.memory_space<vmem>>, vector<1x16xf32>,
      %get3A_82 = vector.shape_cast %get3A_81 : vector<1x16xf32> to vector<16xf32>
      %max3A_83 = arith.maximumf %max3A_77, %get3A_82 : vector<16xf32>
      %get3A_84 = arith.constant 0 : i32
      %get3A_85 = arith.index_cast %get3A_84 : i32 to index
      %get3A_86 = arith.constant 192 : index
      %get3A_87 = tpu.vector_load %arg9[%get3A_85, %get3A_86] {strides = array<i32>} : memref<8x256xf32, #tpu.memory_space<vmem>>, vector<1x16xf32>,
      %get3A_88 = vector.shape_cast %get3A_87 : vector<1x16xf32> to vector<16xf32>
      %max3A_89 = arith.maximumf %max3A_83, %get3A_88 : vector<16xf32>
      %get3A_90 = arith.constant 0 : i32
      %get3A_91 = arith.index_cast %get3A_90 : i32 to index
      %get3A_92 = arith.constant 208 : index
      %get3A_93 = tpu.vector_load %arg9[%get3A_91, %get3A_92] {strides = array<i32>} : memref<8x256xf32, #tpu.memory_space<vmem>>, vector<1x16xf32>,
      %get3A_94 = vector.shape_cast %get3A_93 : vector<1x16xf32> to vector<16xf32>
      %max3A_95 = arith.maximumf %max3A_89, %get3A_94 : vector<16xf32>
      %get3A_96 = arith.constant 0 : i32
      %get3A_97 = arith.index_cast %get3A_96 : i32 to index
      %get3A_98 = arith.constant 224 : index
      %get3A_99 = tpu.vector_load %arg9[%get3A_97, %get3A_98] {strides = array<i32>} : memref<8x256xf32, #tpu.memory_space<vmem>>, vector<1x16xf32>,
      %get3A_100 = vector.shape_cast %get3A_99 : vector<1x16xf32> to vector<16xf32>
      %max3A_101 = arith.maximumf %max3A_95, %get3A_100 : vector<16xf32>
      %get3A_102 = arith.constant 0 : i32
      %get3A_103 = arith.index_cast %get3A_102 : i32 to index
      %get3A_104 = arith.constant 240 : index
      %get3A_105 = tpu.vector_load %arg9[%get3A_103, %get3A_104] {strides = array<i32>} : memref<8x256xf32, #tpu.memory_space<vmem>>, vector<1x16xf32>,
      %get3A_106 = vector.shape_cast %get3A_105 : vector<1x16xf32> to vector<16xf32>
      %max3A_107 = arith.maximumf %max3A_101, %get3A_106 : vector<16xf32>
      %iota3A_108 = tpu.iota {dimensions = array<i32: 0>} : vector<16xi32>
      %xor3A = arith.constant 8 : i32
      %xor3A_109 = vector.broadcast %xor3A : i32 to vector<16xi32>
      %xor3A_110 = arith.xori %iota3A_108, %xor3A_109 : vector<16xi32>
      %broadcast_in_dim3A_111 = vector.shape_cast %xor3A_110 : vector<16xi32> to vector<16x1xi32>
      %gather3A = vector.shape_cast %broadcast_in_dim3A_111 : vector<16x1xi32> to vector<16xi32>
      %gather3A_112 = tpu.dynamic_gather %max3A_107[%gather3A] in [0] : vector<16xf32>, vector<16xi32> -> vector<16xf32>
      %max3A_113 = arith.maximumf %max3A_107, %gather3A_112 : vector<16xf32>
      %xor3A_114 = arith.constant 4 : i32
      %xor3A_115 = vector.broadcast %xor3A_114 : i32 to vector<16xi32>
      %xor3A_116 = arith.xori %iota3A_108, %xor3A_115 : vector<16xi32>
      %broadcast_in_dim3A_117 = vector.shape_cast %xor3A_116 : vector<16xi32> to vector<16x1xi32>
      %gather3A_118 = vector.shape_cast %broadcast_in_dim3A_117 : vector<16x1xi32> to vector<16xi32>
      %gather3A_119 = tpu.dynamic_gather %max3A_113[%gather3A_118] in [0] : vector<16xf32>, vector<16xi32> -> vector<16xf32>
      %max3A_120 = arith.maximumf %max3A_113, %gather3A_119 : vector<16xf32>
      %xor3A_121 = arith.constant 2 : i32
      %xor3A_122 = vector.broadcast %xor3A_121 : i32 to vector<16xi32>
      %xor3A_123 = arith.xori %iota3A_108, %xor3A_122 : vector<16xi32>
      %broadcast_in_dim3A_124 = vector.shape_cast %xor3A_123 : vector<16xi32> to vector<16x1xi32>
      %gather3A_125 = vector.shape_cast %broadcast_in_dim3A_124 : vector<16x1xi32> to vector<16xi32>
      %gather3A_126 = tpu.dynamic_gather %max3A_120[%gather3A_125] in [0] : vector<16xf32>, vector<16xi32> -> vector<16xf32>
      %max3A_127 = arith.maximumf %max3A_120, %gather3A_126 : vector<16xf32>
      %xor3A_128 = arith.constant 1 : i32
      %xor3A_129 = vector.broadcast %xor3A_128 : i32 to vector<16xi32>
      %xor3A_130 = arith.xori %iota3A_108, %xor3A_129 : vector<16xi32>
      %broadcast_in_dim3A_131 = vector.shape_cast %xor3A_130 : vector<16xi32> to vector<16x1xi32>
      %gather3A_132 = vector.shape_cast %broadcast_in_dim3A_131 : vector<16x1xi32> to vector<16xi32>
      %gather3A_133 = tpu.dynamic_gather %max3A_127[%gather3A_132] in [0] : vector<16xf32>, vector<16xi32> -> vector<16xf32>
      %max3A_134 = arith.maximumf %max3A_127, %gather3A_133 : vector<16xf32>
      %broadcast_in_dim3A_135 = arith.constant 0 : i32
      %broadcast_in_dim3A_136 = vector.broadcast %broadcast_in_dim3A_135 : i32 to vector<16xi32>
      %broadcast_in_dim3A_137 = vector.shape_cast %broadcast_in_dim3A_136 : vector<16xi32> to vector<16x1xi32>
      %gather3A_138 = vector.shape_cast %broadcast_in_dim3A_137 : vector<16x1xi32> to vector<16xi32>
      %gather3A_139 = tpu.dynamic_gather %get3A_12[%gather3A_138] in [0] : vector<16xi32>, vector<16xi32> -> vector<16xi32>
      %broadcast_in_dim3A_140 = arith.constant 0.000000e+00 : f32
      %broadcast_in_dim3A_141 = vector.broadcast %broadcast_in_dim3A_140 : f32 to vector<16xf32>
      %broadcast_in_dim3A_142 = arith.constant 0.000000e+00 : f32
      %broadcast_in_dim3A_143 = vector.broadcast %broadcast_in_dim3A_142 : f32 to vector<16xf32>
      %get3A_144 = arith.constant 0 : i32
      %get3A_145 = arith.index_cast %get3A_144 : i32 to index
      %get3A_146 = arith.constant 0 : index
      %get3A_147 = tpu.vector_load %arg9[%get3A_145, %get3A_146] {strides = array<i32>} : memref<8x256xf32, #tpu.memory_space<vmem>>, vector<1x16xf32>,
      %get3A_148 = vector.shape_cast %get3A_147 : vector<1x16xf32> to vector<16xf32>
      %sub3A = arith.subf %get3A_148, %max3A_134 : vector<16xf32>
      %exp3A = math.exp %sub3A : vector<16xf32>
      %add3A = arith.addf %broadcast_in_dim3A_141, %exp3A : vector<16xf32>
      %add3A_149 = arith.constant 0 : i32
      %add3A_150 = vector.broadcast %add3A_149 : i32 to vector<16xi32>
      %add3A_151 = arith.addi %iota3A, %add3A_150 : vector<16xi32>
      %eq3A_152 = arith.cmpi eq, %add3A_151, %gather3A_139 : vector<16xi32>
      %jit3A = arith.constant 0.000000e+00 : f32
      %broadcast_in_dim3A_153 = vector.broadcast %jit3A : f32 to vector<16xf32>
      %select_n3A = arith.select %eq3A_152, %get3A_148, %broadcast_in_dim3A_153 : vector<16xi1>, vector<16xf32>
      %add3A_154 = arith.addf %broadcast_in_dim3A_143, %select_n3A : vector<16xf32>
      %get3A_155 = arith.constant 0 : i32
      %get3A_156 = arith.index_cast %get3A_155 : i32 to index
      %get3A_157 = arith.constant 16 : index
      %get3A_158 = tpu.vector_load %arg9[%get3A_156, %get3A_157] {strides = array<i32>} : memref<8x256xf32, #tpu.memory_space<vmem>>, vector<1x16xf32>,
      %get3A_159 = vector.shape_cast %get3A_158 : vector<1x16xf32> to vector<16xf32>
      %sub3A_160 = arith.subf %get3A_159, %max3A_134 : vector<16xf32>
      %exp3A_161 = math.exp %sub3A_160 : vector<16xf32>
      %add3A_162 = arith.addf %add3A, %exp3A_161 : vector<16xf32>
      %add3A_163 = arith.constant 16 : i32
      %add3A_164 = vector.broadcast %add3A_163 : i32 to vector<16xi32>
      %add3A_165 = arith.addi %iota3A, %add3A_164 : vector<16xi32>
      %eq3A_166 = arith.cmpi eq, %add3A_165, %gather3A_139 : vector<16xi32>
      %jit3A_167 = arith.constant 0.000000e+00 : f32
      %broadcast_in_dim3A_168 = vector.broadcast %jit3A_167 : f32 to vector<16xf32>
      %select_n3A_169 = arith.select %eq3A_166, %get3A_159, %broadcast_in_dim3A_168 : vector<16xi1>, vector<16xf32>
      %add3A_170 = arith.addf %add3A_154, %select_n3A_169 : vector<16xf32>
      %get3A_171 = arith.constant 0 : i32
      %get3A_172 = arith.index_cast %get3A_171 : i32 to index
      %get3A_173 = arith.constant 32 : index
      %get3A_174 = tpu.vector_load %arg9[%get3A_172, %get3A_173] {strides = array<i32>} : memref<8x256xf32, #tpu.memory_space<vmem>>, vector<1x16xf32>,
      %get3A_175 = vector.shape_cast %get3A_174 : vector<1x16xf32> to vector<16xf32>
      %sub3A_176 = arith.subf %get3A_175, %max3A_134 : vector<16xf32>
      %exp3A_177 = math.exp %sub3A_176 : vector<16xf32>
      %add3A_178 = arith.addf %add3A_162, %exp3A_177 : vector<16xf32>
      %add3A_179 = arith.constant 32 : i32
      %add3A_180 = vector.broadcast %add3A_179 : i32 to vector<16xi32>
      %add3A_181 = arith.addi %iota3A, %add3A_180 : vector<16xi32>
      %eq3A_182 = arith.cmpi eq, %add3A_181, %gather3A_139 : vector<16xi32>
      %jit3A_183 = arith.constant 0.000000e+00 : f32
      %broadcast_in_dim3A_184 = vector.broadcast %jit3A_183 : f32 to vector<16xf32>
      %select_n3A_185 = arith.select %eq3A_182, %get3A_175, %broadcast_in_dim3A_184 : vector<16xi1>, vector<16xf32>
      %add3A_186 = arith.addf %add3A_170, %select_n3A_185 : vector<16xf32>
      %get3A_187 = arith.constant 0 : i32
      %get3A_188 = arith.index_cast %get3A_187 : i32 to index
      %get3A_189 = arith.constant 48 : index
      %get3A_190 = tpu.vector_load %arg9[%get3A_188, %get3A_189] {strides = array<i32>} : memref<8x256xf32, #tpu.memory_space<vmem>>, vector<1x16xf32>,
      %get3A_191 = vector.shape_cast %get3A_190 : vector<1x16xf32> to vector<16xf32>
      %sub3A_192 = arith.subf %get3A_191, %max3A_134 : vector<16xf32>
      %exp3A_193 = math.exp %sub3A_192 : vector<16xf32>
      %add3A_194 = arith.addf %add3A_178, %exp3A_193 : vector<16xf32>
      %add3A_195 = arith.constant 48 : i32
      %add3A_196 = vector.broadcast %add3A_195 : i32 to vector<16xi32>
      %add3A_197 = arith.addi %iota3A, %add3A_196 : vector<16xi32>
      %eq3A_198 = arith.cmpi eq, %add3A_197, %gather3A_139 : vector<16xi32>
      %jit3A_199 = arith.constant 0.000000e+00 : f32
      %broadcast_in_dim3A_200 = vector.broadcast %jit3A_199 : f32 to vector<16xf32>
      %select_n3A_201 = arith.select %eq3A_198, %get3A_191, %broadcast_in_dim3A_200 : vector<16xi1>, vector<16xf32>
      %add3A_202 = arith.addf %add3A_186, %select_n3A_201 : vector<16xf32>
      %get3A_203 = arith.constant 0 : i32
      %get3A_204 = arith.index_cast %get3A_203 : i32 to index
      %get3A_205 = arith.constant 64 : index
      %get3A_206 = tpu.vector_load %arg9[%get3A_204, %get3A_205] {strides = array<i32>} : memref<8x256xf32, #tpu.memory_space<vmem>>, vector<1x16xf32>,
      %get3A_207 = vector.shape_cast %get3A_206 : vector<1x16xf32> to vector<16xf32>
      %sub3A_208 = arith.subf %get3A_207, %max3A_134 : vector<16xf32>
      %exp3A_209 = math.exp %sub3A_208 : vector<16xf32>
      %add3A_210 = arith.addf %add3A_194, %exp3A_209 : vector<16xf32>
      %add3A_211 = arith.constant 64 : i32
      %add3A_212 = vector.broadcast %add3A_211 : i32 to vector<16xi32>
      %add3A_213 = arith.addi %iota3A, %add3A_212 : vector<16xi32>
      %eq3A_214 = arith.cmpi eq, %add3A_213, %gather3A_139 : vector<16xi32>
      %jit3A_215 = arith.constant 0.000000e+00 : f32
      %broadcast_in_dim3A_216 = vector.broadcast %jit3A_215 : f32 to vector<16xf32>
      %select_n3A_217 = arith.select %eq3A_214, %get3A_207, %broadcast_in_dim3A_216 : vector<16xi1>, vector<16xf32>
      %add3A_218 = arith.addf %add3A_202, %select_n3A_217 : vector<16xf32>
      %get3A_219 = arith.constant 0 : i32
      %get3A_220 = arith.index_cast %get3A_219 : i32 to index
      %get3A_221 = arith.constant 80 : index
      %get3A_222 = tpu.vector_load %arg9[%get3A_220, %get3A_221] {strides = array<i32>} : memref<8x256xf32, #tpu.memory_space<vmem>>, vector<1x16xf32>,
      %get3A_223 = vector.shape_cast %get3A_222 : vector<1x16xf32> to vector<16xf32>
      %sub3A_224 = arith.subf %get3A_223, %max3A_134 : vector<16xf32>
      %exp3A_225 = math.exp %sub3A_224 : vector<16xf32>
      %add3A_226 = arith.addf %add3A_210, %exp3A_225 : vector<16xf32>
      %add3A_227 = arith.constant 80 : i32
      %add3A_228 = vector.broadcast %add3A_227 : i32 to vector<16xi32>
      %add3A_229 = arith.addi %iota3A, %add3A_228 : vector<16xi32>
      %eq3A_230 = arith.cmpi eq, %add3A_229, %gather3A_139 : vector<16xi32>
      %jit3A_231 = arith.constant 0.000000e+00 : f32
      %broadcast_in_dim3A_232 = vector.broadcast %jit3A_231 : f32 to vector<16xf32>
      %select_n3A_233 = arith.select %eq3A_230, %get3A_223, %broadcast_in_dim3A_232 : vector<16xi1>, vector<16xf32>
      %add3A_234 = arith.addf %add3A_218, %select_n3A_233 : vector<16xf32>
      %get3A_235 = arith.constant 0 : i32
      %get3A_236 = arith.index_cast %get3A_235 : i32 to index
      %get3A_237 = arith.constant 96 : index
      %get3A_238 = tpu.vector_load %arg9[%get3A_236, %get3A_237] {strides = array<i32>} : memref<8x256xf32, #tpu.memory_space<vmem>>, vector<1x16xf32>,
      %get3A_239 = vector.shape_cast %get3A_238 : vector<1x16xf32> to vector<16xf32>
      %sub3A_240 = arith.subf %get3A_239, %max3A_134 : vector<16xf32>
      %exp3A_241 = math.exp %sub3A_240 : vector<16xf32>
      %add3A_242 = arith.addf %add3A_226, %exp3A_241 : vector<16xf32>
      %add3A_243 = arith.constant 96 : i32
      %add3A_244 = vector.broadcast %add3A_243 : i32 to vector<16xi32>
      %add3A_245 = arith.addi %iota3A, %add3A_244 : vector<16xi32>
      %eq3A_246 = arith.cmpi eq, %add3A_245, %gather3A_139 : vector<16xi32>
      %jit3A_247 = arith.constant 0.000000e+00 : f32
      %broadcast_in_dim3A_248 = vector.broadcast %jit3A_247 : f32 to vector<16xf32>
      %select_n3A_249 = arith.select %eq3A_246, %get3A_239, %broadcast_in_dim3A_248 : vector<16xi1>, vector<16xf32>
      %add3A_250 = arith.addf %add3A_234, %select_n3A_249 : vector<16xf32>
      %get3A_251 = arith.constant 0 : i32
      %get3A_252 = arith.index_cast %get3A_251 : i32 to index
      %get3A_253 = arith.constant 112 : index
      %get3A_254 = tpu.vector_load %arg9[%get3A_252, %get3A_253] {strides = array<i32>} : memref<8x256xf32, #tpu.memory_space<vmem>>, vector<1x16xf32>,
      %get3A_255 = vector.shape_cast %get3A_254 : vector<1x16xf32> to vector<16xf32>
      %sub3A_256 = arith.subf %get3A_255, %max3A_134 : vector<16xf32>
      %exp3A_257 = math.exp %sub3A_256 : vector<16xf32>
      %add3A_258 = arith.addf %add3A_242, %exp3A_257 : vector<16xf32>
      %add3A_259 = arith.constant 112 : i32
      %add3A_260 = vector.broadcast %add3A_259 : i32 to vector<16xi32>
      %add3A_261 = arith.addi %iota3A, %add3A_260 : vector<16xi32>
      %eq3A_262 = arith.cmpi eq, %add3A_261, %gather3A_139 : vector<16xi32>
      %jit3A_263 = arith.constant 0.000000e+00 : f32
      %broadcast_in_dim3A_264 = vector.broadcast %jit3A_263 : f32 to vector<16xf32>
      %select_n3A_265 = arith.select %eq3A_262, %get3A_255, %broadcast_in_dim3A_264 : vector<16xi1>, vector<16xf32>
      %add3A_266 = arith.addf %add3A_250, %select_n3A_265 : vector<16xf32>
      %get3A_267 = arith.constant 0 : i32
      %get3A_268 = arith.index_cast %get3A_267 : i32 to index
      %get3A_269 = arith.constant 128 : index
      %get3A_270 = tpu.vector_load %arg9[%get3A_268, %get3A_269] {strides = array<i32>} : memref<8x256xf32, #tpu.memory_space<vmem>>, vector<1x16xf32>,
      %get3A_271 = vector.shape_cast %get3A_270 : vector<1x16xf32> to vector<16xf32>
      %sub3A_272 = arith.subf %get3A_271, %max3A_134 : vector<16xf32>
      %exp3A_273 = math.exp %sub3A_272 : vector<16xf32>
      %add3A_274 = arith.addf %add3A_258, %exp3A_273 : vector<16xf32>
      %add3A_275 = arith.constant 128 : i32
      %add3A_276 = vector.broadcast %add3A_275 : i32 to vector<16xi32>
      %add3A_277 = arith.addi %iota3A, %add3A_276 : vector<16xi32>
      %eq3A_278 = arith.cmpi eq, %add3A_277, %gather3A_139 : vector<16xi32>
      %jit3A_279 = arith.constant 0.000000e+00 : f32
      %broadcast_in_dim3A_280 = vector.broadcast %jit3A_279 : f32 to vector<16xf32>
      %select_n3A_281 = arith.select %eq3A_278, %get3A_271, %broadcast_in_dim3A_280 : vector<16xi1>, vector<16xf32>
      %add3A_282 = arith.addf %add3A_266, %select_n3A_281 : vector<16xf32>
      %get3A_283 = arith.constant 0 : i32
      %get3A_284 = arith.index_cast %get3A_283 : i32 to index
      %get3A_285 = arith.constant 144 : index
      %get3A_286 = tpu.vector_load %arg9[%get3A_284, %get3A_285] {strides = array<i32>} : memref<8x256xf32, #tpu.memory_space<vmem>>, vector<1x16xf32>,
      %get3A_287 = vector.shape_cast %get3A_286 : vector<1x16xf32> to vector<16xf32>
      %sub3A_288 = arith.subf %get3A_287, %max3A_134 : vector<16xf32>
      %exp3A_289 = math.exp %sub3A_288 : vector<16xf32>
      %add3A_290 = arith.addf %add3A_274, %exp3A_289 : vector<16xf32>
      %add3A_291 = arith.constant 144 : i32
      %add3A_292 = vector.broadcast %add3A_291 : i32 to vector<16xi32>
      %add3A_293 = arith.addi %iota3A, %add3A_292 : vector<16xi32>
      %eq3A_294 = arith.cmpi eq, %add3A_293, %gather3A_139 : vector<16xi32>
      %jit3A_295 = arith.constant 0.000000e+00 : f32
      %broadcast_in_dim3A_296 = vector.broadcast %jit3A_295 : f32 to vector<16xf32>
      %select_n3A_297 = arith.select %eq3A_294, %get3A_287, %broadcast_in_dim3A_296 : vector<16xi1>, vector<16xf32>
      %add3A_298 = arith.addf %add3A_282, %select_n3A_297 : vector<16xf32>
      %get3A_299 = arith.constant 0 : i32
      %get3A_300 = arith.index_cast %get3A_299 : i32 to index
      %get3A_301 = arith.constant 160 : index
      %get3A_302 = tpu.vector_load %arg9[%get3A_300, %get3A_301] {strides = array<i32>} : memref<8x256xf32, #tpu.memory_space<vmem>>, vector<1x16xf32>,
      %get3A_303 = vector.shape_cast %get3A_302 : vector<1x16xf32> to vector<16xf32>
      %sub3A_304 = arith.subf %get3A_303, %max3A_134 : vector<16xf32>
      %exp3A_305 = math.exp %sub3A_304 : vector<16xf32>
      %add3A_306 = arith.addf %add3A_290, %exp3A_305 : vector<16xf32>
      %add3A_307 = arith.constant 160 : i32
      %add3A_308 = vector.broadcast %add3A_307 : i32 to vector<16xi32>
      %add3A_309 = arith.addi %iota3A, %add3A_308 : vector<16xi32>
      %eq3A_310 = arith.cmpi eq, %add3A_309, %gather3A_139 : vector<16xi32>
      %jit3A_311 = arith.constant 0.000000e+00 : f32
      %broadcast_in_dim3A_312 = vector.broadcast %jit3A_311 : f32 to vector<16xf32>
      %select_n3A_313 = arith.select %eq3A_310, %get3A_303, %broadcast_in_dim3A_312 : vector<16xi1>, vector<16xf32>
      %add3A_314 = arith.addf %add3A_298, %select_n3A_313 : vector<16xf32>
      %get3A_315 = arith.constant 0 : i32
      %get3A_316 = arith.index_cast %get3A_315 : i32 to index
      %get3A_317 = arith.constant 176 : index
      %get3A_318 = tpu.vector_load %arg9[%get3A_316, %get3A_317] {strides = array<i32>} : memref<8x256xf32, #tpu.memory_space<vmem>>, vector<1x16xf32>,
      %get3A_319 = vector.shape_cast %get3A_318 : vector<1x16xf32> to vector<16xf32>
      %sub3A_320 = arith.subf %get3A_319, %max3A_134 : vector<16xf32>
      %exp3A_321 = math.exp %sub3A_320 : vector<16xf32>
      %add3A_322 = arith.addf %add3A_306, %exp3A_321 : vector<16xf32>
      %add3A_323 = arith.constant 176 : i32
      %add3A_324 = vector.broadcast %add3A_323 : i32 to vector<16xi32>
      %add3A_325 = arith.addi %iota3A, %add3A_324 : vector<16xi32>
      %eq3A_326 = arith.cmpi eq, %add3A_325, %gather3A_139 : vector<16xi32>
      %jit3A_327 = arith.constant 0.000000e+00 : f32
      %broadcast_in_dim3A_328 = vector.broadcast %jit3A_327 : f32 to vector<16xf32>
      %select_n3A_329 = arith.select %eq3A_326, %get3A_319, %broadcast_in_dim3A_328 : vector<16xi1>, vector<16xf32>
      %add3A_330 = arith.addf %add3A_314, %select_n3A_329 : vector<16xf32>
      %get3A_331 = arith.constant 0 : i32
      %get3A_332 = arith.index_cast %get3A_331 : i32 to index
      %get3A_333 = arith.constant 192 : index
      %get3A_334 = tpu.vector_load %arg9[%get3A_332, %get3A_333] {strides = array<i32>} : memref<8x256xf32, #tpu.memory_space<vmem>>, vector<1x16xf32>,
      %get3A_335 = vector.shape_cast %get3A_334 : vector<1x16xf32> to vector<16xf32>
      %sub3A_336 = arith.subf %get3A_335, %max3A_134 : vector<16xf32>
      %exp3A_337 = math.exp %sub3A_336 : vector<16xf32>
      %add3A_338 = arith.addf %add3A_322, %exp3A_337 : vector<16xf32>
      %add3A_339 = arith.constant 192 : i32
      %add3A_340 = vector.broadcast %add3A_339 : i32 to vector<16xi32>
      %add3A_341 = arith.addi %iota3A, %add3A_340 : vector<16xi32>
      %eq3A_342 = arith.cmpi eq, %add3A_341, %gather3A_139 : vector<16xi32>
      %jit3A_343 = arith.constant 0.000000e+00 : f32
      %broadcast_in_dim3A_344 = vector.broadcast %jit3A_343 : f32 to vector<16xf32>
      %select_n3A_345 = arith.select %eq3A_342, %get3A_335, %broadcast_in_dim3A_344 : vector<16xi1>, vector<16xf32>
      %add3A_346 = arith.addf %add3A_330, %select_n3A_345 : vector<16xf32>
      %get3A_347 = arith.constant 0 : i32
      %get3A_348 = arith.index_cast %get3A_347 : i32 to index
      %get3A_349 = arith.constant 208 : index
      %get3A_350 = tpu.vector_load %arg9[%get3A_348, %get3A_349] {strides = array<i32>} : memref<8x256xf32, #tpu.memory_space<vmem>>, vector<1x16xf32>,
      %get3A_351 = vector.shape_cast %get3A_350 : vector<1x16xf32> to vector<16xf32>
      %sub3A_352 = arith.subf %get3A_351, %max3A_134 : vector<16xf32>
      %exp3A_353 = math.exp %sub3A_352 : vector<16xf32>
      %add3A_354 = arith.addf %add3A_338, %exp3A_353 : vector<16xf32>
      %add3A_355 = arith.constant 208 : i32
      %add3A_356 = vector.broadcast %add3A_355 : i32 to vector<16xi32>
      %add3A_357 = arith.addi %iota3A, %add3A_356 : vector<16xi32>
      %eq3A_358 = arith.cmpi eq, %add3A_357, %gather3A_139 : vector<16xi32>
      %jit3A_359 = arith.constant 0.000000e+00 : f32
      %broadcast_in_dim3A_360 = vector.broadcast %jit3A_359 : f32 to vector<16xf32>
      %select_n3A_361 = arith.select %eq3A_358, %get3A_351, %broadcast_in_dim3A_360 : vector<16xi1>, vector<16xf32>
      %add3A_362 = arith.addf %add3A_346, %select_n3A_361 : vector<16xf32>
      %get3A_363 = arith.constant 0 : i32
      %get3A_364 = arith.index_cast %get3A_363 : i32 to index
      %get3A_365 = arith.constant 224 : index
      %get3A_366 = tpu.vector_load %arg9[%get3A_364, %get3A_365] {strides = array<i32>} : memref<8x256xf32, #tpu.memory_space<vmem>>, vector<1x16xf32>,
      %get3A_367 = vector.shape_cast %get3A_366 : vector<1x16xf32> to vector<16xf32>
      %sub3A_368 = arith.subf %get3A_367, %max3A_134 : vector<16xf32>
      %exp3A_369 = math.exp %sub3A_368 : vector<16xf32>
      %add3A_370 = arith.addf %add3A_354, %exp3A_369 : vector<16xf32>
      %add3A_371 = arith.constant 224 : i32
      %add3A_372 = vector.broadcast %add3A_371 : i32 to vector<16xi32>
      %add3A_373 = arith.addi %iota3A, %add3A_372 : vector<16xi32>
      %eq3A_374 = arith.cmpi eq, %add3A_373, %gather3A_139 : vector<16xi32>
      %jit3A_375 = arith.constant 0.000000e+00 : f32
      %broadcast_in_dim3A_376 = vector.broadcast %jit3A_375 : f32 to vector<16xf32>
      %select_n3A_377 = arith.select %eq3A_374, %get3A_367, %broadcast_in_dim3A_376 : vector<16xi1>, vector<16xf32>
      %add3A_378 = arith.addf %add3A_362, %select_n3A_377 : vector<16xf32>
      %get3A_379 = arith.constant 0 : i32
      %get3A_380 = arith.index_cast %get3A_379 : i32 to index
      %get3A_381 = arith.constant 240 : index
      %get3A_382 = tpu.vector_load %arg9[%get3A_380, %get3A_381] {strides = array<i32>} : memref<8x256xf32, #tpu.memory_space<vmem>>, vector<1x16xf32>,
      %get3A_383 = vector.shape_cast %get3A_382 : vector<1x16xf32> to vector<16xf32>
      %sub3A_384 = arith.subf %get3A_383, %max3A_134 : vector<16xf32>
      %exp3A_385 = math.exp %sub3A_384 : vector<16xf32>
      %add3A_386 = arith.addf %add3A_370, %exp3A_385 : vector<16xf32>
      %add3A_387 = arith.constant 240 : i32
      %add3A_388 = vector.broadcast %add3A_387 : i32 to vector<16xi32>
      %add3A_389 = arith.addi %iota3A, %add3A_388 : vector<16xi32>
      %eq3A_390 = arith.cmpi eq, %add3A_389, %gather3A_139 : vector<16xi32>
      %jit3A_391 = arith.constant 0.000000e+00 : f32
      %broadcast_in_dim3A_392 = vector.broadcast %jit3A_391 : f32 to vector<16xf32>
      %select_n3A_393 = arith.select %eq3A_390, %get3A_383, %broadcast_in_dim3A_392 : vector<16xi1>, vector<16xf32>
      %add3A_394 = arith.addf %add3A_378, %select_n3A_393 : vector<16xf32>
      %iota3A_395 = tpu.iota {dimensions = array<i32: 0>} : vector<16xi32>
      %xor3A_396 = arith.constant 8 : i32
      %xor3A_397 = vector.broadcast %xor3A_396 : i32 to vector<16xi32>
      %xor3A_398 = arith.xori %iota3A_395, %xor3A_397 : vector<16xi32>
      %broadcast_in_dim3A_399 = vector.shape_cast %xor3A_398 : vector<16xi32> to vector<16x1xi32>
      %gather3A_400 = vector.shape_cast %broadcast_in_dim3A_399 : vector<16x1xi32> to vector<16xi32>
      %gather3A_401 = tpu.dynamic_gather %add3A_386[%gather3A_400] in [0] : vector<16xf32>, vector<16xi32> -> vector<16xf32>
      %add3A_402 = arith.addf %add3A_386, %gather3A_401 : vector<16xf32>
      %xor3A_403 = arith.constant 4 : i32
      %xor3A_404 = vector.broadcast %xor3A_403 : i32 to vector<16xi32>
      %xor3A_405 = arith.xori %iota3A_395, %xor3A_404 : vector<16xi32>
      %broadcast_in_dim3A_406 = vector.shape_cast %xor3A_405 : vector<16xi32> to vector<16x1xi32>
      %gather3A_407 = vector.shape_cast %broadcast_in_dim3A_406 : vector<16x1xi32> to vector<16xi32>
      %gather3A_408 = tpu.dynamic_gather %add3A_402[%gather3A_407] in [0] : vector<16xf32>, vector<16xi32> -> vector<16xf32>
      %add3A_409 = arith.addf %add3A_402, %gather3A_408 : vector<16xf32>
      %xor3A_410 = arith.constant 2 : i32
      %xor3A_411 = vector.broadcast %xor3A_410 : i32 to vector<16xi32>
      %xor3A_412 = arith.xori %iota3A_395, %xor3A_411 : vector<16xi32>
      %broadcast_in_dim3A_413 = vector.shape_cast %xor3A_412 : vector<16xi32> to vector<16x1xi32>
      %gather3A_414 = vector.shape_cast %broadcast_in_dim3A_413 : vector<16x1xi32> to vector<16xi32>
      %gather3A_415 = tpu.dynamic_gather %add3A_409[%gather3A_414] in [0] : vector<16xf32>, vector<16xi32> -> vector<16xf32>
      %add3A_416 = arith.addf %add3A_409, %gather3A_415 : vector<16xf32>
      %xor3A_417 = arith.constant 1 : i32
      %xor3A_418 = vector.broadcast %xor3A_417 : i32 to vector<16xi32>
      %xor3A_419 = arith.xori %iota3A_395, %xor3A_418 : vector<16xi32>
      %broadcast_in_dim3A_420 = vector.shape_cast %xor3A_419 : vector<16xi32> to vector<16x1xi32>
      %gather3A_421 = vector.shape_cast %broadcast_in_dim3A_420 : vector<16x1xi32> to vector<16xi32>
      %gather3A_422 = tpu.dynamic_gather %add3A_416[%gather3A_421] in [0] : vector<16xf32>, vector<16xi32> -> vector<16xf32>
      %add3A_423 = arith.addf %add3A_416, %gather3A_422 : vector<16xf32>
      %iota3A_424 = tpu.iota {dimensions = array<i32: 0>} : vector<16xi32>
      %xor3A_425 = arith.constant 8 : i32
      %xor3A_426 = vector.broadcast %xor3A_425 : i32 to vector<16xi32>
      %xor3A_427 = arith.xori %iota3A_424, %xor3A_426 : vector<16xi32>
      %broadcast_in_dim3A_428 = vector.shape_cast %xor3A_427 : vector<16xi32> to vector<16x1xi32>
      %gather3A_429 = vector.shape_cast %broadcast_in_dim3A_428 : vector<16x1xi32> to vector<16xi32>
      %gather3A_430 = tpu.dynamic_gather %add3A_394[%gather3A_429] in [0] : vector<16xf32>, vector<16xi32> -> vector<16xf32>
      %add3A_431 = arith.addf %add3A_394, %gather3A_430 : vector<16xf32>
      %xor3A_432 = arith.constant 4 : i32
      %xor3A_433 = vector.broadcast %xor3A_432 : i32 to vector<16xi32>
      %xor3A_434 = arith.xori %iota3A_424, %xor3A_433 : vector<16xi32>
      %broadcast_in_dim3A_435 = vector.shape_cast %xor3A_434 : vector<16xi32> to vector<16x1xi32>
      %gather3A_436 = vector.shape_cast %broadcast_in_dim3A_435 : vector<16x1xi32> to vector<16xi32>
      %gather3A_437 = tpu.dynamic_gather %add3A_431[%gather3A_436] in [0] : vector<16xf32>, vector<16xi32> -> vector<16xf32>
      %add3A_438 = arith.addf %add3A_431, %gather3A_437 : vector<16xf32>
      %xor3A_439 = arith.constant 2 : i32
      %xor3A_440 = vector.broadcast %xor3A_439 : i32 to vector<16xi32>
      %xor3A_441 = arith.xori %iota3A_424, %xor3A_440 : vector<16xi32>
      %broadcast_in_dim3A_442 = vector.shape_cast %xor3A_441 : vector<16xi32> to vector<16x1xi32>
      %gather3A_443 = vector.shape_cast %broadcast_in_dim3A_442 : vector<16x1xi32> to vector<16xi32>
      %gather3A_444 = tpu.dynamic_gather %add3A_438[%gather3A_443] in [0] : vector<16xf32>, vector<16xi32> -> vector<16xf32>
      %add3A_445 = arith.addf %add3A_438, %gather3A_444 : vector<16xf32>
      %xor3A_446 = arith.constant 1 : i32
      %xor3A_447 = vector.broadcast %xor3A_446 : i32 to vector<16xi32>
      %xor3A_448 = arith.xori %iota3A_424, %xor3A_447 : vector<16xi32>
      %broadcast_in_dim3A_449 = vector.shape_cast %xor3A_448 : vector<16xi32> to vector<16x1xi32>
      %gather3A_450 = vector.shape_cast %broadcast_in_dim3A_449 : vector<16x1xi32> to vector<16xi32>
      %gather3A_451 = tpu.dynamic_gather %add3A_445[%gather3A_450] in [0] : vector<16xf32>, vector<16xi32> -> vector<16xf32>
      %add3A_452 = arith.addf %add3A_445, %gather3A_451 : vector<16xf32>
      %add3A_453 = arith.addf %broadcast_in_dim3A_13, %add3A_452 : vector<16xf32>
      %sub3A_454 = arith.subf %add3A_453, %max3A_134 : vector<16xf32>
      %bitcast_convert_type3A = tpu.bitcast %add3A_423 : vector<16xf32> -> vector<16xi32>
      %shift_right_arithmetic3A = arith.constant 23 : i32
      %shift_right_arithmetic3A_455 = vector.broadcast %shift_right_arithmetic3A : i32 to vector<16xi32>
      %shift_right_arithmetic3A_456 = arith.shrsi %bitcast_convert_type3A, %shift_right_arithmetic3A_455 : vector<16xi32>
      %and3A = arith.constant 255 : i32
      %and3A_457 = vector.broadcast %and3A : i32 to vector<16xi32>
      %and3A_458 = arith.andi %shift_right_arithmetic3A_456, %and3A_457 : vector<16xi32>
      %sub3A_459 = arith.constant 127 : i32
      %sub3A_460 = vector.broadcast %sub3A_459 : i32 to vector<16xi32>
      %sub3A_461 = arith.subi %and3A_458, %sub3A_460 : vector<16xi32>
      %and3A_462 = arith.constant 8388607 : i32
      %and3A_463 = vector.broadcast %and3A_462 : i32 to vector<16xi32>
      %and3A_464 = arith.andi %bitcast_convert_type3A, %and3A_463 : vector<16xi32>
      %convert_element_type3A_465 = arith.sitofp %and3A_464 : vector<16xi32> to vector<16xf32>
      %mul3A_466 = arith.constant 1.1920929E-7 : f32
      %mul3A_467 = vector.broadcast %mul3A_466 : f32 to vector<16xf32>
      %mul3A_468 = arith.mulf %convert_element_type3A_465, %mul3A_467 : vector<16xf32>
      %convert_element_type3A_469 = arith.sitofp %sub3A_461 : vector<16xi32> to vector<16xf32>
      %add3A_470 = arith.addf %convert_element_type3A_469, %mul3A_468 : vector<16xf32>
      %mul3A_471 = arith.constant 0.693147182 : f32
      %mul3A_472 = vector.broadcast %mul3A_471 : f32 to vector<16xf32>
      %mul3A_473 = arith.mulf %add3A_470, %mul3A_472 : vector<16xf32>
      %neg3A = arith.constant 0.000000e+00 : f32
      %neg3A_474 = vector.broadcast %neg3A : f32 to vector<16xf32>
      %neg3A_475 = arith.subf %neg3A_474, %mul3A_473 : vector<16xf32>
      %exp3A_476 = math.exp %neg3A_475 : vector<16xf32>
      %mul3A_477 = arith.mulf %add3A_423, %exp3A_476 : vector<16xf32>
      %add3A_478 = arith.addf %mul3A_473, %mul3A_477 : vector<16xf32>
      %sub3A_479 = arith.constant 1.000000e+00 : f32
      %sub3A_480 = vector.broadcast %sub3A_479 : f32 to vector<16xf32>
      %sub3A_481 = arith.subf %add3A_478, %sub3A_480 : vector<16xf32>
      %neg3A_482 = arith.constant 0.000000e+00 : f32
      %neg3A_483 = vector.broadcast %neg3A_482 : f32 to vector<16xf32>
      %neg3A_484 = arith.subf %neg3A_483, %sub3A_481 : vector<16xf32>
      %exp3A_485 = math.exp %neg3A_484 : vector<16xf32>
      %mul3A_486 = arith.mulf %add3A_423, %exp3A_485 : vector<16xf32>
      %add3A_487 = arith.addf %sub3A_481, %mul3A_486 : vector<16xf32>
      %sub3A_488 = arith.constant 1.000000e+00 : f32
      %sub3A_489 = vector.broadcast %sub3A_488 : f32 to vector<16xf32>
      %sub3A_490 = arith.subf %add3A_487, %sub3A_489 : vector<16xf32>
      %neg3A_491 = arith.constant 0.000000e+00 : f32
      %neg3A_492 = vector.broadcast %neg3A_491 : f32 to vector<16xf32>
      %neg3A_493 = arith.subf %neg3A_492, %sub3A_490 : vector<16xf32>
      %exp3A_494 = math.exp %neg3A_493 : vector<16xf32>
      %mul3A_495 = arith.mulf %add3A_423, %exp3A_494 : vector<16xf32>
      %add3A_496 = arith.addf %sub3A_490, %mul3A_495 : vector<16xf32>
      %sub3A_497 = arith.constant 1.000000e+00 : f32
      %sub3A_498 = vector.broadcast %sub3A_497 : f32 to vector<16xf32>
      %sub3A_499 = arith.subf %add3A_496, %sub3A_498 : vector<16xf32>
      %sub3A_500 = arith.subf %sub3A_454, %sub3A_499 : vector<16xf32>
      %get3A_501 = arith.constant 1 : i32
      %get3A_502 = arith.index_cast %get3A_501 : i32 to index
      %get3A_503 = arith.constant 0 : index
      %get3A_504 = tpu.vector_load %arg9[%get3A_502, %get3A_503] {strides = array<i32>} : memref<8x256xf32, #tpu.memory_space<vmem>>, vector<1x16xf32>,
      %get3A_505 = vector.shape_cast %get3A_504 : vector<1x16xf32> to vector<16xf32>
      %get3A_506 = arith.constant 1 : i32
      %get3A_507 = arith.index_cast %get3A_506 : i32 to index
      %get3A_508 = arith.constant 16 : index
      %get3A_509 = tpu.vector_load %arg9[%get3A_507, %get3A_508] {strides = array<i32>} : memref<8x256xf32, #tpu.memory_space<vmem>>, vector<1x16xf32>,
      %get3A_510 = vector.shape_cast %get3A_509 : vector<1x16xf32> to vector<16xf32>
      %max3A_511 = arith.maximumf %get3A_505, %get3A_510 : vector<16xf32>
      %get3A_512 = arith.constant 1 : i32
      %get3A_513 = arith.index_cast %get3A_512 : i32 to index
      %get3A_514 = arith.constant 32 : index
      %get3A_515 = tpu.vector_load %arg9[%get3A_513, %get3A_514] {strides = array<i32>} : memref<8x256xf32, #tpu.memory_space<vmem>>, vector<1x16xf32>,
      %get3A_516 = vector.shape_cast %get3A_515 : vector<1x16xf32> to vector<16xf32>
      %max3A_517 = arith.maximumf %max3A_511, %get3A_516 : vector<16xf32>
      %get3A_518 = arith.constant 1 : i32
      %get3A_519 = arith.index_cast %get3A_518 : i32 to index
      %get3A_520 = arith.constant 48 : index
      %get3A_521 = tpu.vector_load %arg9[%get3A_519, %get3A_520] {strides = array<i32>} : memref<8x256xf32, #tpu.memory_space<vmem>>, vector<1x16xf32>,
      %get3A_522 = vector.shape_cast %get3A_521 : vector<1x16xf32> to vector<16xf32>
      %max3A_523 = arith.maximumf %max3A_517, %get3A_522 : vector<16xf32>
      %get3A_524 = arith.constant 1 : i32
      %get3A_525 = arith.index_cast %get3A_524 : i32 to index
      %get3A_526 = arith.constant 64 : index
      %get3A_527 = tpu.vector_load %arg9[%get3A_525, %get3A_526] {strides = array<i32>} : memref<8x256xf32, #tpu.memory_space<vmem>>, vector<1x16xf32>,
      %get3A_528 = vector.shape_cast %get3A_527 : vector<1x16xf32> to vector<16xf32>
      %max3A_529 = arith.maximumf %max3A_523, %get3A_528 : vector<16xf32>
      %get3A_530 = arith.constant 1 : i32
      %get3A_531 = arith.index_cast %get3A_530 : i32 to index
      %get3A_532 = arith.constant 80 : index
      %get3A_533 = tpu.vector_load %arg9[%get3A_531, %get3A_532] {strides = array<i32>} : memref<8x256xf32, #tpu.memory_space<vmem>>, vector<1x16xf32>,
      %get3A_534 = vector.shape_cast %get3A_533 : vector<1x16xf32> to vector<16xf32>
      %max3A_535 = arith.maximumf %max3A_529, %get3A_534 : vector<16xf32>
      %get3A_536 = arith.constant 1 : i32
      %get3A_537 = arith.index_cast %get3A_536 : i32 to index
      %get3A_538 = arith.constant 96 : index
      %get3A_539 = tpu.vector_load %arg9[%get3A_537, %get3A_538] {strides = array<i32>} : memref<8x256xf32, #tpu.memory_space<vmem>>, vector<1x16xf32>,
      %get3A_540 = vector.shape_cast %get3A_539 : vector<1x16xf32> to vector<16xf32>
      %max3A_541 = arith.maximumf %max3A_535, %get3A_540 : vector<16xf32>
      %get3A_542 = arith.constant 1 : i32
      %get3A_543 = arith.index_cast %get3A_542 : i32 to index
      %get3A_544 = arith.constant 112 : index
      %get3A_545 = tpu.vector_load %arg9[%get3A_543, %get3A_544] {strides = array<i32>} : memref<8x256xf32, #tpu.memory_space<vmem>>, vector<1x16xf32>,
      %get3A_546 = vector.shape_cast %get3A_545 : vector<1x16xf32> to vector<16xf32>
      %max3A_547 = arith.maximumf %max3A_541, %get3A_546 : vector<16xf32>
      %get3A_548 = arith.constant 1 : i32
      %get3A_549 = arith.index_cast %get3A_548 : i32 to index
      %get3A_550 = arith.constant 128 : index
      %get3A_551 = tpu.vector_load %arg9[%get3A_549, %get3A_550] {strides = array<i32>} : memref<8x256xf32, #tpu.memory_space<vmem>>, vector<1x16xf32>,
      %get3A_552 = vector.shape_cast %get3A_551 : vector<1x16xf32> to vector<16xf32>
      %max3A_553 = arith.maximumf %max3A_547, %get3A_552 : vector<16xf32>
      %get3A_554 = arith.constant 1 : i32
      %get3A_555 = arith.index_cast %get3A_554 : i32 to index
      %get3A_556 = arith.constant 144 : index
      %get3A_557 = tpu.vector_load %arg9[%get3A_555, %get3A_556] {strides = array<i32>} : memref<8x256xf32, #tpu.memory_space<vmem>>, vector<1x16xf32>,
      %get3A_558 = vector.shape_cast %get3A_557 : vector<1x16xf32> to vector<16xf32>
      %max3A_559 = arith.maximumf %max3A_553, %get3A_558 : vector<16xf32>
      %get3A_560 = arith.constant 1 : i32
      %get3A_561 = arith.index_cast %get3A_560 : i32 to index
      %get3A_562 = arith.constant 160 : index
      %get3A_563 = tpu.vector_load %arg9[%get3A_561, %get3A_562] {strides = array<i32>} : memref<8x256xf32, #tpu.memory_space<vmem>>, vector<1x16xf32>,
      %get3A_564 = vector.shape_cast %get3A_563 : vector<1x16xf32> to vector<16xf32>
      %max3A_565 = arith.maximumf %max3A_559, %get3A_564 : vector<16xf32>
      %get3A_566 = arith.constant 1 : i32
      %get3A_567 = arith.index_cast %get3A_566 : i32 to index
      %get3A_568 = arith.constant 176 : index
      %get3A_569 = tpu.vector_load %arg9[%get3A_567, %get3A_568] {strides = array<i32>} : memref<8x256xf32, #tpu.memory_space<vmem>>, vector<1x16xf32>,
      %get3A_570 = vector.shape_cast %get3A_569 : vector<1x16xf32> to vector<16xf32>
      %max3A_571 = arith.maximumf %max3A_565, %get3A_570 : vector<16xf32>
      %get3A_572 = arith.constant 1 : i32
      %get3A_573 = arith.index_cast %get3A_572 : i32 to index
      %get3A_574 = arith.constant 192 : index
      %get3A_575 = tpu.vector_load %arg9[%get3A_573, %get3A_574] {strides = array<i32>} : memref<8x256xf32, #tpu.memory_space<vmem>>, vector<1x16xf32>,
      %get3A_576 = vector.shape_cast %get3A_575 : vector<1x16xf32> to vector<16xf32>
      %max3A_577 = arith.maximumf %max3A_571, %get3A_576 : vector<16xf32>
      %get3A_578 = arith.constant 1 : i32
      %get3A_579 = arith.index_cast %get3A_578 : i32 to index
      %get3A_580 = arith.constant 208 : index
      %get3A_581 = tpu.vector_load %arg9[%get3A_579, %get3A_580] {strides = array<i32>} : memref<8x256xf32, #tpu.memory_space<vmem>>, vector<1x16xf32>,
      %get3A_582 = vector.shape_cast %get3A_581 : vector<1x16xf32> to vector<16xf32>
      %max3A_583 = arith.maximumf %max3A_577, %get3A_582 : vector<16xf32>
      %get3A_584 = arith.constant 1 : i32
      %get3A_585 = arith.index_cast %get3A_584 : i32 to index
      %get3A_586 = arith.constant 224 : index
      %get3A_587 = tpu.vector_load %arg9[%get3A_585, %get3A_586] {strides = array<i32>} : memref<8x256xf32, #tpu.memory_space<vmem>>, vector<1x16xf32>,
      %get3A_588 = vector.shape_cast %get3A_587 : vector<1x16xf32> to vector<16xf32>
      %max3A_589 = arith.maximumf %max3A_583, %get3A_588 : vector<16xf32>
      %get3A_590 = arith.constant 1 : i32
      %get3A_591 = arith.index_cast %get3A_590 : i32 to index
      %get3A_592 = arith.constant 240 : index
      %get3A_593 = tpu.vector_load %arg9[%get3A_591, %get3A_592] {strides = array<i32>} : memref<8x256xf32, #tpu.memory_space<vmem>>, vector<1x16xf32>,
      %get3A_594 = vector.shape_cast %get3A_593 : vector<1x16xf32> to vector<16xf32>
      %max3A_595 = arith.maximumf %max3A_589, %get3A_594 : vector<16xf32>
      %iota3A_596 = tpu.iota {dimensions = array<i32: 0>} : vector<16xi32>
      %xor3A_597 = arith.constant 8 : i32
      %xor3A_598 = vector.broadcast %xor3A_597 : i32 to vector<16xi32>
      %xor3A_599 = arith.xori %iota3A_596, %xor3A_598 : vector<16xi32>
      %broadcast_in_dim3A_600 = vector.shape_cast %xor3A_599 : vector<16xi32> to vector<16x1xi32>
      %gather3A_601 = vector.shape_cast %broadcast_in_dim3A_600 : vector<16x1xi32> to vector<16xi32>
      %gather3A_602 = tpu.dynamic_gather %max3A_595[%gather3A_601] in [0] : vector<16xf32>, vector<16xi32> -> vector<16xf32>
      %max3A_603 = arith.maximumf %max3A_595, %gather3A_602 : vector<16xf32>
      %xor3A_604 = arith.constant 4 : i32
      %xor3A_605 = vector.broadcast %xor3A_604 : i32 to vector<16xi32>
      %xor3A_606 = arith.xori %iota3A_596, %xor3A_605 : vector<16xi32>
      %broadcast_in_dim3A_607 = vector.shape_cast %xor3A_606 : vector<16xi32> to vector<16x1xi32>
      %gather3A_608 = vector.shape_cast %broadcast_in_dim3A_607 : vector<16x1xi32> to vector<16xi32>
      %gather3A_609 = tpu.dynamic_gather %max3A_603[%gather3A_608] in [0] : vector<16xf32>, vector<16xi32> -> vector<16xf32>
      %max3A_610 = arith.maximumf %max3A_603, %gather3A_609 : vector<16xf32>
      %xor3A_611 = arith.constant 2 : i32
      %xor3A_612 = vector.broadcast %xor3A_611 : i32 to vector<16xi32>
      %xor3A_613 = arith.xori %iota3A_596, %xor3A_612 : vector<16xi32>
      %broadcast_in_dim3A_614 = vector.shape_cast %xor3A_613 : vector<16xi32> to vector<16x1xi32>
      %gather3A_615 = vector.shape_cast %broadcast_in_dim3A_614 : vector<16x1xi32> to vector<16xi32>
      %gather3A_616 = tpu.dynamic_gather %max3A_610[%gather3A_615] in [0] : vector<16xf32>, vector<16xi32> -> vector<16xf32>
      %max3A_617 = arith.maximumf %max3A_610, %gather3A_616 : vector<16xf32>
      %xor3A_618 = arith.constant 1 : i32
      %xor3A_619 = vector.broadcast %xor3A_618 : i32 to vector<16xi32>
      %xor3A_620 = arith.xori %iota3A_596, %xor3A_619 : vector<16xi32>
      %broadcast_in_dim3A_621 = vector.shape_cast %xor3A_620 : vector<16xi32> to vector<16x1xi32>
      %gather3A_622 = vector.shape_cast %broadcast_in_dim3A_621 : vector<16x1xi32> to vector<16xi32>
      %gather3A_623 = tpu.dynamic_gather %max3A_617[%gather3A_622] in [0] : vector<16xf32>, vector<16xi32> -> vector<16xf32>
      %max3A_624 = arith.maximumf %max3A_617, %gather3A_623 : vector<16xf32>
      %broadcast_in_dim3A_625 = arith.constant 1 : i32
      %broadcast_in_dim3A_626 = vector.broadcast %broadcast_in_dim3A_625 : i32 to vector<16xi32>
      %broadcast_in_dim3A_627 = vector.shape_cast %broadcast_in_dim3A_626 : vector<16xi32> to vector<16x1xi32>
      %gather3A_628 = vector.shape_cast %broadcast_in_dim3A_627 : vector<16x1xi32> to vector<16xi32>
      %gather3A_629 = tpu.dynamic_gather %get3A_12[%gather3A_628] in [0] : vector<16xi32>, vector<16xi32> -> vector<16xi32>
      %broadcast_in_dim3A_630 = arith.constant 0.000000e+00 : f32
      %broadcast_in_dim3A_631 = vector.broadcast %broadcast_in_dim3A_630 : f32 to vector<16xf32>
      %broadcast_in_dim3A_632 = arith.constant 0.000000e+00 : f32
      %broadcast_in_dim3A_633 = vector.broadcast %broadcast_in_dim3A_632 : f32 to vector<16xf32>
      %get3A_634 = arith.constant 1 : i32
      %get3A_635 = arith.index_cast %get3A_634 : i32 to index
      %get3A_636 = arith.constant 0 : index
      %get3A_637 = tpu.vector_load %arg9[%get3A_635, %get3A_636] {strides = array<i32>} : memref<8x256xf32, #tpu.memory_space<vmem>>, vector<1x16xf32>,
      %get3A_638 = vector.shape_cast %get3A_637 : vector<1x16xf32> to vector<16xf32>
      %sub3A_639 = arith.subf %get3A_638, %max3A_624 : vector<16xf32>
      %exp3A_640 = math.exp %sub3A_639 : vector<16xf32>
      %add3A_641 = arith.addf %broadcast_in_dim3A_631, %exp3A_640 : vector<16xf32>
      %add3A_642 = arith.constant 0 : i32
      %add3A_643 = vector.broadcast %add3A_642 : i32 to vector<16xi32>
      %add3A_644 = arith.addi %iota3A, %add3A_643 : vector<16xi32>
      %eq3A_645 = arith.cmpi eq, %add3A_644, %gather3A_629 : vector<16xi32>
      %jit3A_646 = arith.constant 0.000000e+00 : f32
      %broadcast_in_dim3A_647 = vector.broadcast %jit3A_646 : f32 to vector<16xf32>
      %select_n3A_648 = arith.select %eq3A_645, %get3A_638, %broadcast_in_dim3A_647 : vector<16xi1>, vector<16xf32>
      %add3A_649 = arith.addf %broadcast_in_dim3A_633, %select_n3A_648 : vector<16xf32>
      %get3A_650 = arith.constant 1 : i32
      %get3A_651 = arith.index_cast %get3A_650 : i32 to index
      %get3A_652 = arith.constant 16 : index
      %get3A_653 = tpu.vector_load %arg9[%get3A_651, %get3A_652] {strides = array<i32>} : memref<8x256xf32, #tpu.memory_space<vmem>>, vector<1x16xf32>,
      %get3A_654 = vector.shape_cast %get3A_653 : vector<1x16xf32> to vector<16xf32>
      %sub3A_655 = arith.subf %get3A_654, %max3A_624 : vector<16xf32>
      %exp3A_656 = math.exp %sub3A_655 : vector<16xf32>
      %add3A_657 = arith.addf %add3A_641, %exp3A_656 : vector<16xf32>
      %add3A_658 = arith.constant 16 : i32
      %add3A_659 = vector.broadcast %add3A_658 : i32 to vector<16xi32>
      %add3A_660 = arith.addi %iota3A, %add3A_659 : vector<16xi32>
      %eq3A_661 = arith.cmpi eq, %add3A_660, %gather3A_629 : vector<16xi32>
      %jit3A_662 = arith.constant 0.000000e+00 : f32
      %broadcast_in_dim3A_663 = vector.broadcast %jit3A_662 : f32 to vector<16xf32>
      %select_n3A_664 = arith.select %eq3A_661, %get3A_654, %broadcast_in_dim3A_663 : vector<16xi1>, vector<16xf32>
      %add3A_665 = arith.addf %add3A_649, %select_n3A_664 : vector<16xf32>
      %get3A_666 = arith.constant 1 : i32
      %get3A_667 = arith.index_cast %get3A_666 : i32 to index
      %get3A_668 = arith.constant 32 : index
      %get3A_669 = tpu.vector_load %arg9[%get3A_667, %get3A_668] {strides = array<i32>} : memref<8x256xf32, #tpu.memory_space<vmem>>, vector<1x16xf32>,
      %get3A_670 = vector.shape_cast %get3A_669 : vector<1x16xf32> to vector<16xf32>
      %sub3A_671 = arith.subf %get3A_670, %max3A_624 : vector<16xf32>
      %exp3A_672 = math.exp %sub3A_671 : vector<16xf32>
      %add3A_673 = arith.addf %add3A_657, %exp3A_672 : vector<16xf32>
      %add3A_674 = arith.constant 32 : i32
      %add3A_675 = vector.broadcast %add3A_674 : i32 to vector<16xi32>
      %add3A_676 = arith.addi %iota3A, %add3A_675 : vector<16xi32>
      %eq3A_677 = arith.cmpi eq, %add3A_676, %gather3A_629 : vector<16xi32>
      %jit3A_678 = arith.constant 0.000000e+00 : f32
      %broadcast_in_dim3A_679 = vector.broadcast %jit3A_678 : f32 to vector<16xf32>
      %select_n3A_680 = arith.select %eq3A_677, %get3A_670, %broadcast_in_dim3A_679 : vector<16xi1>, vector<16xf32>
      %add3A_681 = arith.addf %add3A_665, %select_n3A_680 : vector<16xf32>
      %get3A_682 = arith.constant 1 : i32
      %get3A_683 = arith.index_cast %get3A_682 : i32 to index
      %get3A_684 = arith.constant 48 : index
      %get3A_685 = tpu.vector_load %arg9[%get3A_683, %get3A_684] {strides = array<i32>} : memref<8x256xf32, #tpu.memory_space<vmem>>, vector<1x16xf32>,
      %get3A_686 = vector.shape_cast %get3A_685 : vector<1x16xf32> to vector<16xf32>
      %sub3A_687 = arith.subf %get3A_686, %max3A_624 : vector<16xf32>
      %exp3A_688 = math.exp %sub3A_687 : vector<16xf32>
      %add3A_689 = arith.addf %add3A_673, %exp3A_688 : vector<16xf32>
      %add3A_690 = arith.constant 48 : i32
      %add3A_691 = vector.broadcast %add3A_690 : i32 to vector<16xi32>
      %add3A_692 = arith.addi %iota3A, %add3A_691 : vector<16xi32>
      %eq3A_693 = arith.cmpi eq, %add3A_692, %gather3A_629 : vector<16xi32>
      %jit3A_694 = arith.constant 0.000000e+00 : f32
      %broadcast_in_dim3A_695 = vector.broadcast %jit3A_694 : f32 to vector<16xf32>
      %select_n3A_696 = arith.select %eq3A_693, %get3A_686, %broadcast_in_dim3A_695 : vector<16xi1>, vector<16xf32>
      %add3A_697 = arith.addf %add3A_681, %select_n3A_696 : vector<16xf32>
      %get3A_698 = arith.constant 1 : i32
      %get3A_699 = arith.index_cast %get3A_698 : i32 to index
      %get3A_700 = arith.constant 64 : index
      %get3A_701 = tpu.vector_load %arg9[%get3A_699, %get3A_700] {strides = array<i32>} : memref<8x256xf32, #tpu.memory_space<vmem>>, vector<1x16xf32>,
      %get3A_702 = vector.shape_cast %get3A_701 : vector<1x16xf32> to vector<16xf32>
      %sub3A_703 = arith.subf %get3A_702, %max3A_624 : vector<16xf32>
      %exp3A_704 = math.exp %sub3A_703 : vector<16xf32>
      %add3A_705 = arith.addf %add3A_689, %exp3A_704 : vector<16xf32>
      %add3A_706 = arith.constant 64 : i32
      %add3A_707 = vector.broadcast %add3A_706 : i32 to vector<16xi32>
      %add3A_708 = arith.addi %iota3A, %add3A_707 : vector<16xi32>
      %eq3A_709 = arith.cmpi eq, %add3A_708, %gather3A_629 : vector<16xi32>
      %jit3A_710 = arith.constant 0.000000e+00 : f32
      %broadcast_in_dim3A_711 = vector.broadcast %jit3A_710 : f32 to vector<16xf32>
      %select_n3A_712 = arith.select %eq3A_709, %get3A_702, %broadcast_in_dim3A_711 : vector<16xi1>, vector<16xf32>
      %add3A_713 = arith.addf %add3A_697, %select_n3A_712 : vector<16xf32>
      %get3A_714 = arith.constant 1 : i32
      %get3A_715 = arith.index_cast %get3A_714 : i32 to index
      %get3A_716 = arith.constant 80 : index
      %get3A_717 = tpu.vector_load %arg9[%get3A_715, %get3A_716] {strides = array<i32>} : memref<8x256xf32, #tpu.memory_space<vmem>>, vector<1x16xf32>,
      %get3A_718 = vector.shape_cast %get3A_717 : vector<1x16xf32> to vector<16xf32>
      %sub3A_719 = arith.subf %get3A_718, %max3A_624 : vector<16xf32>
      %exp3A_720 = math.exp %sub3A_719 : vector<16xf32>
      %add3A_721 = arith.addf %add3A_705, %exp3A_720 : vector<16xf32>
      %add3A_722 = arith.constant 80 : i32
      %add3A_723 = vector.broadcast %add3A_722 : i32 to vector<16xi32>
      %add3A_724 = arith.addi %iota3A, %add3A_723 : vector<16xi32>
      %eq3A_725 = arith.cmpi eq, %add3A_724, %gather3A_629 : vector<16xi32>
      %jit3A_726 = arith.constant 0.000000e+00 : f32
      %broadcast_in_dim3A_727 = vector.broadcast %jit3A_726 : f32 to vector<16xf32>
      %select_n3A_728 = arith.select %eq3A_725, %get3A_718, %broadcast_in_dim3A_727 : vector<16xi1>, vector<16xf32>
      %add3A_729 = arith.addf %add3A_713, %select_n3A_728 : vector<16xf32>
      %get3A_730 = arith.constant 1 : i32
      %get3A_731 = arith.index_cast %get3A_730 : i32 to index
      %get3A_732 = arith.constant 96 : index
      %get3A_733 = tpu.vector_load %arg9[%get3A_731, %get3A_732] {strides = array<i32>} : memref<8x256xf32, #tpu.memory_space<vmem>>, vector<1x16xf32>,
      %get3A_734 = vector.shape_cast %get3A_733 : vector<1x16xf32> to vector<16xf32>
      %sub3A_735 = arith.subf %get3A_734, %max3A_624 : vector<16xf32>
      %exp3A_736 = math.exp %sub3A_735 : vector<16xf32>
      %add3A_737 = arith.addf %add3A_721, %exp3A_736 : vector<16xf32>
      %add3A_738 = arith.constant 96 : i32
      %add3A_739 = vector.broadcast %add3A_738 : i32 to vector<16xi32>
      %add3A_740 = arith.addi %iota3A, %add3A_739 : vector<16xi32>
      %eq3A_741 = arith.cmpi eq, %add3A_740, %gather3A_629 : vector<16xi32>
      %jit3A_742 = arith.constant 0.000000e+00 : f32
      %broadcast_in_dim3A_743 = vector.broadcast %jit3A_742 : f32 to vector<16xf32>
      %select_n3A_744 = arith.select %eq3A_741, %get3A_734, %broadcast_in_dim3A_743 : vector<16xi1>, vector<16xf32>
      %add3A_745 = arith.addf %add3A_729, %select_n3A_744 : vector<16xf32>
      %get3A_746 = arith.constant 1 : i32
      %get3A_747 = arith.index_cast %get3A_746 : i32 to index
      %get3A_748 = arith.constant 112 : index
      %get3A_749 = tpu.vector_load %arg9[%get3A_747, %get3A_748] {strides = array<i32>} : memref<8x256xf32, #tpu.memory_space<vmem>>, vector<1x16xf32>,
      %get3A_750 = vector.shape_cast %get3A_749 : vector<1x16xf32> to vector<16xf32>
      %sub3A_751 = arith.subf %get3A_750, %max3A_624 : vector<16xf32>
      %exp3A_752 = math.exp %sub3A_751 : vector<16xf32>
      %add3A_753 = arith.addf %add3A_737, %exp3A_752 : vector<16xf32>
      %add3A_754 = arith.constant 112 : i32
      %add3A_755 = vector.broadcast %add3A_754 : i32 to vector<16xi32>
      %add3A_756 = arith.addi %iota3A, %add3A_755 : vector<16xi32>
      %eq3A_757 = arith.cmpi eq, %add3A_756, %gather3A_629 : vector<16xi32>
      %jit3A_758 = arith.constant 0.000000e+00 : f32
      %broadcast_in_dim3A_759 = vector.broadcast %jit3A_758 : f32 to vector<16xf32>
      %select_n3A_760 = arith.select %eq3A_757, %get3A_750, %broadcast_in_dim3A_759 : vector<16xi1>, vector<16xf32>
      %add3A_761 = arith.addf %add3A_745, %select_n3A_760 : vector<16xf32>
      %get3A_762 = arith.constant 1 : i32
      %get3A_763 = arith.index_cast %get3A_762 : i32 to index
      %get3A_764 = arith.constant 128 : index
      %get3A_765 = tpu.vector_load %arg9[%get3A_763, %get3A_764] {strides = array<i32>} : memref<8x256xf32, #tpu.memory_space<vmem>>, vector<1x16xf32>,
      %get3A_766 = vector.shape_cast %get3A_765 : vector<1x16xf32> to vector<16xf32>
      %sub3A_767 = arith.subf %get3A_766, %max3A_624 : vector<16xf32>
      %exp3A_768 = math.exp %sub3A_767 : vector<16xf32>
      %add3A_769 = arith.addf %add3A_753, %exp3A_768 : vector<16xf32>
      %add3A_770 = arith.constant 128 : i32
      %add3A_771 = vector.broadcast %add3A_770 : i32 to vector<16xi32>
      %add3A_772 = arith.addi %iota3A, %add3A_771 : vector<16xi32>
      %eq3A_773 = arith.cmpi eq, %add3A_772, %gather3A_629 : vector<16xi32>
      %jit3A_774 = arith.constant 0.000000e+00 : f32
      %broadcast_in_dim3A_775 = vector.broadcast %jit3A_774 : f32 to vector<16xf32>
      %select_n3A_776 = arith.select %eq3A_773, %get3A_766, %broadcast_in_dim3A_775 : vector<16xi1>, vector<16xf32>
      %add3A_777 = arith.addf %add3A_761, %select_n3A_776 : vector<16xf32>
      %get3A_778 = arith.constant 1 : i32
      %get3A_779 = arith.index_cast %get3A_778 : i32 to index
      %get3A_780 = arith.constant 144 : index
      %get3A_781 = tpu.vector_load %arg9[%get3A_779, %get3A_780] {strides = array<i32>} : memref<8x256xf32, #tpu.memory_space<vmem>>, vector<1x16xf32>,
      %get3A_782 = vector.shape_cast %get3A_781 : vector<1x16xf32> to vector<16xf32>
      %sub3A_783 = arith.subf %get3A_782, %max3A_624 : vector<16xf32>
      %exp3A_784 = math.exp %sub3A_783 : vector<16xf32>
      %add3A_785 = arith.addf %add3A_769, %exp3A_784 : vector<16xf32>
      %add3A_786 = arith.constant 144 : i32
      %add3A_787 = vector.broadcast %add3A_786 : i32 to vector<16xi32>
      %add3A_788 = arith.addi %iota3A, %add3A_787 : vector<16xi32>
      %eq3A_789 = arith.cmpi eq, %add3A_788, %gather3A_629 : vector<16xi32>
      %jit3A_790 = arith.constant 0.000000e+00 : f32
      %broadcast_in_dim3A_791 = vector.broadcast %jit3A_790 : f32 to vector<16xf32>
      %select_n3A_792 = arith.select %eq3A_789, %get3A_782, %broadcast_in_dim3A_791 : vector<16xi1>, vector<16xf32>
      %add3A_793 = arith.addf %add3A_777, %select_n3A_792 : vector<16xf32>
      %get3A_794 = arith.constant 1 : i32
      %get3A_795 = arith.index_cast %get3A_794 : i32 to index
      %get3A_796 = arith.constant 160 : index
      %get3A_797 = tpu.vector_load %arg9[%get3A_795, %get3A_796] {strides = array<i32>} : memref<8x256xf32, #tpu.memory_space<vmem>>, vector<1x16xf32>,
      %get3A_798 = vector.shape_cast %get3A_797 : vector<1x16xf32> to vector<16xf32>
      %sub3A_799 = arith.subf %get3A_798, %max3A_624 : vector<16xf32>
      %exp3A_800 = math.exp %sub3A_799 : vector<16xf32>
      %add3A_801 = arith.addf %add3A_785, %exp3A_800 : vector<16xf32>
      %add3A_802 = arith.constant 160 : i32
      %add3A_803 = vector.broadcast %add3A_802 : i32 to vector<16xi32>
      %add3A_804 = arith.addi %iota3A, %add3A_803 : vector<16xi32>
      %eq3A_805 = arith.cmpi eq, %add3A_804, %gather3A_629 : vector<16xi32>
      %jit3A_806 = arith.constant 0.000000e+00 : f32
      %broadcast_in_dim3A_807 = vector.broadcast %jit3A_806 : f32 to vector<16xf32>
      %select_n3A_808 = arith.select %eq3A_805, %get3A_798, %broadcast_in_dim3A_807 : vector<16xi1>, vector<16xf32>
      %add3A_809 = arith.addf %add3A_793, %select_n3A_808 : vector<16xf32>
      %get3A_810 = arith.constant 1 : i32
      %get3A_811 = arith.index_cast %get3A_810 : i32 to index
      %get3A_812 = arith.constant 176 : index
      %get3A_813 = tpu.vector_load %arg9[%get3A_811, %get3A_812] {strides = array<i32>} : memref<8x256xf32, #tpu.memory_space<vmem>>, vector<1x16xf32>,
      %get3A_814 = vector.shape_cast %get3A_813 : vector<1x16xf32> to vector<16xf32>
      %sub3A_815 = arith.subf %get3A_814, %max3A_624 : vector<16xf32>
      %exp3A_816 = math.exp %sub3A_815 : vector<16xf32>
      %add3A_817 = arith.addf %add3A_801, %exp3A_816 : vector<16xf32>
      %add3A_818 = arith.constant 176 : i32
      %add3A_819 = vector.broadcast %add3A_818 : i32 to vector<16xi32>
      %add3A_820 = arith.addi %iota3A, %add3A_819 : vector<16xi32>
      %eq3A_821 = arith.cmpi eq, %add3A_820, %gather3A_629 : vector<16xi32>
      %jit3A_822 = arith.constant 0.000000e+00 : f32
      %broadcast_in_dim3A_823 = vector.broadcast %jit3A_822 : f32 to vector<16xf32>
      %select_n3A_824 = arith.select %eq3A_821, %get3A_814, %broadcast_in_dim3A_823 : vector<16xi1>, vector<16xf32>
      %add3A_825 = arith.addf %add3A_809, %select_n3A_824 : vector<16xf32>
      %get3A_826 = arith.constant 1 : i32
      %get3A_827 = arith.index_cast %get3A_826 : i32 to index
      %get3A_828 = arith.constant 192 : index
      %get3A_829 = tpu.vector_load %arg9[%get3A_827, %get3A_828] {strides = array<i32>} : memref<8x256xf32, #tpu.memory_space<vmem>>, vector<1x16xf32>,
      %get3A_830 = vector.shape_cast %get3A_829 : vector<1x16xf32> to vector<16xf32>
      %sub3A_831 = arith.subf %get3A_830, %max3A_624 : vector<16xf32>
      %exp3A_832 = math.exp %sub3A_831 : vector<16xf32>
      %add3A_833 = arith.addf %add3A_817, %exp3A_832 : vector<16xf32>
      %add3A_834 = arith.constant 192 : i32
      %add3A_835 = vector.broadcast %add3A_834 : i32 to vector<16xi32>
      %add3A_836 = arith.addi %iota3A, %add3A_835 : vector<16xi32>
      %eq3A_837 = arith.cmpi eq, %add3A_836, %gather3A_629 : vector<16xi32>
      %jit3A_838 = arith.constant 0.000000e+00 : f32
      %broadcast_in_dim3A_839 = vector.broadcast %jit3A_838 : f32 to vector<16xf32>
      %select_n3A_840 = arith.select %eq3A_837, %get3A_830, %broadcast_in_dim3A_839 : vector<16xi1>, vector<16xf32>
      %add3A_841 = arith.addf %add3A_825, %select_n3A_840 : vector<16xf32>
      %get3A_842 = arith.constant 1 : i32
      %get3A_843 = arith.index_cast %get3A_842 : i32 to index
      %get3A_844 = arith.constant 208 : index
      %get3A_845 = tpu.vector_load %arg9[%get3A_843, %get3A_844] {strides = array<i32>} : memref<8x256xf32, #tpu.memory_space<vmem>>, vector<1x16xf32>,
      %get3A_846 = vector.shape_cast %get3A_845 : vector<1x16xf32> to vector<16xf32>
      %sub3A_847 = arith.subf %get3A_846, %max3A_624 : vector<16xf32>
      %exp3A_848 = math.exp %sub3A_847 : vector<16xf32>
      %add3A_849 = arith.addf %add3A_833, %exp3A_848 : vector<16xf32>
      %add3A_850 = arith.constant 208 : i32
      %add3A_851 = vector.broadcast %add3A_850 : i32 to vector<16xi32>
      %add3A_852 = arith.addi %iota3A, %add3A_851 : vector<16xi32>
      %eq3A_853 = arith.cmpi eq, %add3A_852, %gather3A_629 : vector<16xi32>
      %jit3A_854 = arith.constant 0.000000e+00 : f32
      %broadcast_in_dim3A_855 = vector.broadcast %jit3A_854 : f32 to vector<16xf32>
      %select_n3A_856 = arith.select %eq3A_853, %get3A_846, %broadcast_in_dim3A_855 : vector<16xi1>, vector<16xf32>
      %add3A_857 = arith.addf %add3A_841, %select_n3A_856 : vector<16xf32>
      %get3A_858 = arith.constant 1 : i32
      %get3A_859 = arith.index_cast %get3A_858 : i32 to index
      %get3A_860 = arith.constant 224 : index
      %get3A_861 = tpu.vector_load %arg9[%get3A_859, %get3A_860] {strides = array<i32>} : memref<8x256xf32, #tpu.memory_space<vmem>>, vector<1x16xf32>,
      %get3A_862 = vector.shape_cast %get3A_861 : vector<1x16xf32> to vector<16xf32>
      %sub3A_863 = arith.subf %get3A_862, %max3A_624 : vector<16xf32>
      %exp3A_864 = math.exp %sub3A_863 : vector<16xf32>
      %add3A_865 = arith.addf %add3A_849, %exp3A_864 : vector<16xf32>
      %add3A_866 = arith.constant 224 : i32
      %add3A_867 = vector.broadcast %add3A_866 : i32 to vector<16xi32>
      %add3A_868 = arith.addi %iota3A, %add3A_867 : vector<16xi32>
      %eq3A_869 = arith.cmpi eq, %add3A_868, %gather3A_629 : vector<16xi32>
      %jit3A_870 = arith.constant 0.000000e+00 : f32
      %broadcast_in_dim3A_871 = vector.broadcast %jit3A_870 : f32 to vector<16xf32>
      %select_n3A_872 = arith.select %eq3A_869, %get3A_862, %broadcast_in_dim3A_871 : vector<16xi1>, vector<16xf32>
      %add3A_873 = arith.addf %add3A_857, %select_n3A_872 : vector<16xf32>
      %get3A_874 = arith.constant 1 : i32
      %get3A_875 = arith.index_cast %get3A_874 : i32 to index
      %get3A_876 = arith.constant 240 : index
      %get3A_877 = tpu.vector_load %arg9[%get3A_875, %get3A_876] {strides = array<i32>} : memref<8x256xf32, #tpu.memory_space<vmem>>, vector<1x16xf32>,
      %get3A_878 = vector.shape_cast %get3A_877 : vector<1x16xf32> to vector<16xf32>
      %sub3A_879 = arith.subf %get3A_878, %max3A_624 : vector<16xf32>
      %exp3A_880 = math.exp %sub3A_879 : vector<16xf32>
      %add3A_881 = arith.addf %add3A_865, %exp3A_880 : vector<16xf32>
      %add3A_882 = arith.constant 240 : i32
      %add3A_883 = vector.broadcast %add3A_882 : i32 to vector<16xi32>
      %add3A_884 = arith.addi %iota3A, %add3A_883 : vector<16xi32>
      %eq3A_885 = arith.cmpi eq, %add3A_884, %gather3A_629 : vector<16xi32>
      %jit3A_886 = arith.constant 0.000000e+00 : f32
      %broadcast_in_dim3A_887 = vector.broadcast %jit3A_886 : f32 to vector<16xf32>
      %select_n3A_888 = arith.select %eq3A_885, %get3A_878, %broadcast_in_dim3A_887 : vector<16xi1>, vector<16xf32>
      %add3A_889 = arith.addf %add3A_873, %select_n3A_888 : vector<16xf32>
      %iota3A_890 = tpu.iota {dimensions = array<i32: 0>} : vector<16xi32>
      %xor3A_891 = arith.constant 8 : i32
      %xor3A_892 = vector.broadcast %xor3A_891 : i32 to vector<16xi32>
      %xor3A_893 = arith.xori %iota3A_890, %xor3A_892 : vector<16xi32>
      %broadcast_in_dim3A_894 = vector.shape_cast %xor3A_893 : vector<16xi32> to vector<16x1xi32>
      %gather3A_895 = vector.shape_cast %broadcast_in_dim3A_894 : vector<16x1xi32> to vector<16xi32>
      %gather3A_896 = tpu.dynamic_gather %add3A_881[%gather3A_895] in [0] : vector<16xf32>, vector<16xi32> -> vector<16xf32>
      %add3A_897 = arith.addf %add3A_881, %gather3A_896 : vector<16xf32>
      %xor3A_898 = arith.constant 4 : i32
      %xor3A_899 = vector.broadcast %xor3A_898 : i32 to vector<16xi32>
      %xor3A_900 = arith.xori %iota3A_890, %xor3A_899 : vector<16xi32>
      %broadcast_in_dim3A_901 = vector.shape_cast %xor3A_900 : vector<16xi32> to vector<16x1xi32>
      %gather3A_902 = vector.shape_cast %broadcast_in_dim3A_901 : vector<16x1xi32> to vector<16xi32>
      %gather3A_903 = tpu.dynamic_gather %add3A_897[%gather3A_902] in [0] : vector<16xf32>, vector<16xi32> -> vector<16xf32>
      %add3A_904 = arith.addf %add3A_897, %gather3A_903 : vector<16xf32>
      %xor3A_905 = arith.constant 2 : i32
      %xor3A_906 = vector.broadcast %xor3A_905 : i32 to vector<16xi32>
      %xor3A_907 = arith.xori %iota3A_890, %xor3A_906 : vector<16xi32>
      %broadcast_in_dim3A_908 = vector.shape_cast %xor3A_907 : vector<16xi32> to vector<16x1xi32>
      %gather3A_909 = vector.shape_cast %broadcast_in_dim3A_908 : vector<16x1xi32> to vector<16xi32>
      %gather3A_910 = tpu.dynamic_gather %add3A_904[%gather3A_909] in [0] : vector<16xf32>, vector<16xi32> -> vector<16xf32>
      %add3A_911 = arith.addf %add3A_904, %gather3A_910 : vector<16xf32>
      %xor3A_912 = arith.constant 1 : i32
      %xor3A_913 = vector.broadcast %xor3A_912 : i32 to vector<16xi32>
      %xor3A_914 = arith.xori %iota3A_890, %xor3A_913 : vector<16xi32>
      %broadcast_in_dim3A_915 = vector.shape_cast %xor3A_914 : vector<16xi32> to vector<16x1xi32>
      %gather3A_916 = vector.shape_cast %broadcast_in_dim3A_915 : vector<16x1xi32> to vector<16xi32>
      %gather3A_917 = tpu.dynamic_gather %add3A_911[%gather3A_916] in [0] : vector<16xf32>, vector<16xi32> -> vector<16xf32>
      %add3A_918 = arith.addf %add3A_911, %gather3A_917 : vector<16xf32>
      %iota3A_919 = tpu.iota {dimensions = array<i32: 0>} : vector<16xi32>
      %xor3A_920 = arith.constant 8 : i32
      %xor3A_921 = vector.broadcast %xor3A_920 : i32 to vector<16xi32>
      %xor3A_922 = arith.xori %iota3A_919, %xor3A_921 : vector<16xi32>
      %broadcast_in_dim3A_923 = vector.shape_cast %xor3A_922 : vector<16xi32> to vector<16x1xi32>
      %gather3A_924 = vector.shape_cast %broadcast_in_dim3A_923 : vector<16x1xi32> to vector<16xi32>
      %gather3A_925 = tpu.dynamic_gather %add3A_889[%gather3A_924] in [0] : vector<16xf32>, vector<16xi32> -> vector<16xf32>
      %add3A_926 = arith.addf %add3A_889, %gather3A_925 : vector<16xf32>
      %xor3A_927 = arith.constant 4 : i32
      %xor3A_928 = vector.broadcast %xor3A_927 : i32 to vector<16xi32>
      %xor3A_929 = arith.xori %iota3A_919, %xor3A_928 : vector<16xi32>
      %broadcast_in_dim3A_930 = vector.shape_cast %xor3A_929 : vector<16xi32> to vector<16x1xi32>
      %gather3A_931 = vector.shape_cast %broadcast_in_dim3A_930 : vector<16x1xi32> to vector<16xi32>
      %gather3A_932 = tpu.dynamic_gather %add3A_926[%gather3A_931] in [0] : vector<16xf32>, vector<16xi32> -> vector<16xf32>
      %add3A_933 = arith.addf %add3A_926, %gather3A_932 : vector<16xf32>
      %xor3A_934 = arith.constant 2 : i32
      %xor3A_935 = vector.broadcast %xor3A_934 : i32 to vector<16xi32>
      %xor3A_936 = arith.xori %iota3A_919, %xor3A_935 : vector<16xi32>
      %broadcast_in_dim3A_937 = vector.shape_cast %xor3A_936 : vector<16xi32> to vector<16x1xi32>
      %gather3A_938 = vector.shape_cast %broadcast_in_dim3A_937 : vector<16x1xi32> to vector<16xi32>
      %gather3A_939 = tpu.dynamic_gather %add3A_933[%gather3A_938] in [0] : vector<16xf32>, vector<16xi32> -> vector<16xf32>
      %add3A_940 = arith.addf %add3A_933, %gather3A_939 : vector<16xf32>
      %xor3A_941 = arith.constant 1 : i32
      %xor3A_942 = vector.broadcast %xor3A_941 : i32 to vector<16xi32>
      %xor3A_943 = arith.xori %iota3A_919, %xor3A_942 : vector<16xi32>
      %broadcast_in_dim3A_944 = vector.shape_cast %xor3A_943 : vector<16xi32> to vector<16x1xi32>
      %gather3A_945 = vector.shape_cast %broadcast_in_dim3A_944 : vector<16x1xi32> to vector<16xi32>
      %gather3A_946 = tpu.dynamic_gather %add3A_940[%gather3A_945] in [0] : vector<16xf32>, vector<16xi32> -> vector<16xf32>
      %add3A_947 = arith.addf %add3A_940, %gather3A_946 : vector<16xf32>
      %add3A_948 = arith.addf %sub3A_500, %add3A_947 : vector<16xf32>
      %sub3A_949 = arith.subf %add3A_948, %max3A_624 : vector<16xf32>
      %bitcast_convert_type3A_950 = tpu.bitcast %add3A_918 : vector<16xf32> -> vector<16xi32>
      %shift_right_arithmetic3A_951 = arith.constant 23 : i32
      %shift_right_arithmetic3A_952 = vector.broadcast %shift_right_arithmetic3A_951 : i32 to vector<16xi32>
      %shift_right_arithmetic3A_953 = arith.shrsi %bitcast_convert_type3A_950, %shift_right_arithmetic3A_952 : vector<16xi32>
      %and3A_954 = arith.constant 255 : i32
      %and3A_955 = vector.broadcast %and3A_954 : i32 to vector<16xi32>
      %and3A_956 = arith.andi %shift_right_arithmetic3A_953, %and3A_955 : vector<16xi32>
      %sub3A_957 = arith.constant 127 : i32
      %sub3A_958 = vector.broadcast %sub3A_957 : i32 to vector<16xi32>
      %sub3A_959 = arith.subi %and3A_956, %sub3A_958 : vector<16xi32>
      %and3A_960 = arith.constant 8388607 : i32
      %and3A_961 = vector.broadcast %and3A_960 : i32 to vector<16xi32>
      %and3A_962 = arith.andi %bitcast_convert_type3A_950, %and3A_961 : vector<16xi32>
      %convert_element_type3A_963 = arith.sitofp %and3A_962 : vector<16xi32> to vector<16xf32>
      %mul3A_964 = arith.constant 1.1920929E-7 : f32
      %mul3A_965 = vector.broadcast %mul3A_964 : f32 to vector<16xf32>
      %mul3A_966 = arith.mulf %convert_element_type3A_963, %mul3A_965 : vector<16xf32>
      %convert_element_type3A_967 = arith.sitofp %sub3A_959 : vector<16xi32> to vector<16xf32>
      %add3A_968 = arith.addf %convert_element_type3A_967, %mul3A_966 : vector<16xf32>
      %mul3A_969 = arith.constant 0.693147182 : f32
      %mul3A_970 = vector.broadcast %mul3A_969 : f32 to vector<16xf32>
      %mul3A_971 = arith.mulf %add3A_968, %mul3A_970 : vector<16xf32>
      %neg3A_972 = arith.constant 0.000000e+00 : f32
      %neg3A_973 = vector.broadcast %neg3A_972 : f32 to vector<16xf32>
      %neg3A_974 = arith.subf %neg3A_973, %mul3A_971 : vector<16xf32>
      %exp3A_975 = math.exp %neg3A_974 : vector<16xf32>
      %mul3A_976 = arith.mulf %add3A_918, %exp3A_975 : vector<16xf32>
      %add3A_977 = arith.addf %mul3A_971, %mul3A_976 : vector<16xf32>
      %sub3A_978 = arith.constant 1.000000e+00 : f32
      %sub3A_979 = vector.broadcast %sub3A_978 : f32 to vector<16xf32>
      %sub3A_980 = arith.subf %add3A_977, %sub3A_979 : vector<16xf32>
      %neg3A_981 = arith.constant 0.000000e+00 : f32
      %neg3A_982 = vector.broadcast %neg3A_981 : f32 to vector<16xf32>
      %neg3A_983 = arith.subf %neg3A_982, %sub3A_980 : vector<16xf32>
      %exp3A_984 = math.exp %neg3A_983 : vector<16xf32>
      %mul3A_985 = arith.mulf %add3A_918, %exp3A_984 : vector<16xf32>
      %add3A_986 = arith.addf %sub3A_980, %mul3A_985 : vector<16xf32>
      %sub3A_987 = arith.constant 1.000000e+00 : f32
      %sub3A_988 = vector.broadcast %sub3A_987 : f32 to vector<16xf32>
      %sub3A_989 = arith.subf %add3A_986, %sub3A_988 : vector<16xf32>
      %neg3A_990 = arith.constant 0.000000e+00 : f32
      %neg3A_991 = vector.broadcast %neg3A_990 : f32 to vector<16xf32>
      %neg3A_992 = arith.subf %neg3A_991, %sub3A_989 : vector<16xf32>
      %exp3A_993 = math.exp %neg3A_992 : vector<16xf32>
      %mul3A_994 = arith.mulf %add3A_918, %exp3A_993 : vector<16xf32>
      %add3A_995 = arith.addf %sub3A_989, %mul3A_994 : vector<16xf32>
      %sub3A_996 = arith.constant 1.000000e+00 : f32
      %sub3A_997 = vector.broadcast %sub3A_996 : f32 to vector<16xf32>
      %sub3A_998 = arith.subf %add3A_995, %sub3A_997 : vector<16xf32>
      %sub3A_999 = arith.subf %sub3A_949, %sub3A_998 : vector<16xf32>
      %get3A_1000 = arith.constant 2 : i32
      %get3A_1001 = arith.index_cast %get3A_1000 : i32 to index
      %get3A_1002 = arith.constant 0 : index
      %get3A_1003 = tpu.vector_load %arg9[%get3A_1001, %get3A_1002] {strides = array<i32>} : memref<8x256xf32, #tpu.memory_space<vmem>>, vector<1x16xf32>,
      %get3A_1004 = vector.shape_cast %get3A_1003 : vector<1x16xf32> to vector<16xf32>
      %get3A_1005 = arith.constant 2 : i32
      %get3A_1006 = arith.index_cast %get3A_1005 : i32 to index
      %get3A_1007 = arith.constant 16 : index
      %get3A_1008 = tpu.vector_load %arg9[%get3A_1006, %get3A_1007] {strides = array<i32>} : memref<8x256xf32, #tpu.memory_space<vmem>>, vector<1x16xf32>,
      %get3A_1009 = vector.shape_cast %get3A_1008 : vector<1x16xf32> to vector<16xf32>
      %max3A_1010 = arith.maximumf %get3A_1004, %get3A_1009 : vector<16xf32>
      %get3A_1011 = arith.constant 2 : i32
      %get3A_1012 = arith.index_cast %get3A_1011 : i32 to index
      %get3A_1013 = arith.constant 32 : index
      %get3A_1014 = tpu.vector_load %arg9[%get3A_1012, %get3A_1013] {strides = array<i32>} : memref<8x256xf32, #tpu.memory_space<vmem>>, vector<1x16xf32>,
      %get3A_1015 = vector.shape_cast %get3A_1014 : vector<1x16xf32> to vector<16xf32>
      %max3A_1016 = arith.maximumf %max3A_1010, %get3A_1015 : vector<16xf32>
      %get3A_1017 = arith.constant 2 : i32
      %get3A_1018 = arith.index_cast %get3A_1017 : i32 to index
      %get3A_1019 = arith.constant 48 : index
      %get3A_1020 = tpu.vector_load %arg9[%get3A_1018, %get3A_1019] {strides = array<i32>} : memref<8x256xf32, #tpu.memory_space<vmem>>, vector<1x16xf32>,
      %get3A_1021 = vector.shape_cast %get3A_1020 : vector<1x16xf32> to vector<16xf32>
      %max3A_1022 = arith.maximumf %max3A_1016, %get3A_1021 : vector<16xf32>
      %get3A_1023 = arith.constant 2 : i32
      %get3A_1024 = arith.index_cast %get3A_1023 : i32 to index
      %get3A_1025 = arith.constant 64 : index
      %get3A_1026 = tpu.vector_load %arg9[%get3A_1024, %get3A_1025] {strides = array<i32>} : memref<8x256xf32, #tpu.memory_space<vmem>>, vector<1x16xf32>,
      %get3A_1027 = vector.shape_cast %get3A_1026 : vector<1x16xf32> to vector<16xf32>
      %max3A_1028 = arith.maximumf %max3A_1022, %get3A_1027 : vector<16xf32>
      %get3A_1029 = arith.constant 2 : i32
      %get3A_1030 = arith.index_cast %get3A_1029 : i32 to index
      %get3A_1031 = arith.constant 80 : index
      %get3A_1032 = tpu.vector_load %arg9[%get3A_1030, %get3A_1031] {strides = array<i32>} : memref<8x256xf32, #tpu.memory_space<vmem>>, vector<1x16xf32>,
      %get3A_1033 = vector.shape_cast %get3A_1032 : vector<1x16xf32> to vector<16xf32>
      %max3A_1034 = arith.maximumf %max3A_1028, %get3A_1033 : vector<16xf32>
      %get3A_1035 = arith.constant 2 : i32
      %get3A_1036 = arith.index_cast %get3A_1035 : i32 to index
      %get3A_1037 = arith.constant 96 : index
      %get3A_1038 = tpu.vector_load %arg9[%get3A_1036, %get3A_1037] {strides = array<i32>} : memref<8x256xf32, #tpu.memory_space<vmem>>, vector<1x16xf32>,
      %get3A_1039 = vector.shape_cast %get3A_1038 : vector<1x16xf32> to vector<16xf32>
      %max3A_1040 = arith.maximumf %max3A_1034, %get3A_1039 : vector<16xf32>
      %get3A_1041 = arith.constant 2 : i32
      %get3A_1042 = arith.index_cast %get3A_1041 : i32 to index
      %get3A_1043 = arith.constant 112 : index
      %get3A_1044 = tpu.vector_load %arg9[%get3A_1042, %get3A_1043] {strides = array<i32>} : memref<8x256xf32, #tpu.memory_space<vmem>>, vector<1x16xf32>,
      %get3A_1045 = vector.shape_cast %get3A_1044 : vector<1x16xf32> to vector<16xf32>
      %max3A_1046 = arith.maximumf %max3A_1040, %get3A_1045 : vector<16xf32>
      %get3A_1047 = arith.constant 2 : i32
      %get3A_1048 = arith.index_cast %get3A_1047 : i32 to index
      %get3A_1049 = arith.constant 128 : index
      %get3A_1050 = tpu.vector_load %arg9[%get3A_1048, %get3A_1049] {strides = array<i32>} : memref<8x256xf32, #tpu.memory_space<vmem>>, vector<1x16xf32>,
      %get3A_1051 = vector.shape_cast %get3A_1050 : vector<1x16xf32> to vector<16xf32>
      %max3A_1052 = arith.maximumf %max3A_1046, %get3A_1051 : vector<16xf32>
      %get3A_1053 = arith.constant 2 : i32
      %get3A_1054 = arith.index_cast %get3A_1053 : i32 to index
      %get3A_1055 = arith.constant 144 : index
      %get3A_1056 = tpu.vector_load %arg9[%get3A_1054, %get3A_1055] {strides = array<i32>} : memref<8x256xf32, #tpu.memory_space<vmem>>, vector<1x16xf32>,
      %get3A_1057 = vector.shape_cast %get3A_1056 : vector<1x16xf32> to vector<16xf32>
      %max3A_1058 = arith.maximumf %max3A_1052, %get3A_1057 : vector<16xf32>
      %get3A_1059 = arith.constant 2 : i32
      %get3A_1060 = arith.index_cast %get3A_1059 : i32 to index
      %get3A_1061 = arith.constant 160 : index
      %get3A_1062 = tpu.vector_load %arg9[%get3A_1060, %get3A_1061] {strides = array<i32>} : memref<8x256xf32, #tpu.memory_space<vmem>>, vector<1x16xf32>,
      %get3A_1063 = vector.shape_cast %get3A_1062 : vector<1x16xf32> to vector<16xf32>
      %max3A_1064 = arith.maximumf %max3A_1058, %get3A_1063 : vector<16xf32>
      %get3A_1065 = arith.constant 2 : i32
      %get3A_1066 = arith.index_cast %get3A_1065 : i32 to index
      %get3A_1067 = arith.constant 176 : index
      %get3A_1068 = tpu.vector_load %arg9[%get3A_1066, %get3A_1067] {strides = array<i32>} : memref<8x256xf32, #tpu.memory_space<vmem>>, vector<1x16xf32>,
      %get3A_1069 = vector.shape_cast %get3A_1068 : vector<1x16xf32> to vector<16xf32>
      %max3A_1070 = arith.maximumf %max3A_1064, %get3A_1069 : vector<16xf32>
      %get3A_1071 = arith.constant 2 : i32
      %get3A_1072 = arith.index_cast %get3A_1071 : i32 to index
      %get3A_1073 = arith.constant 192 : index
      %get3A_1074 = tpu.vector_load %arg9[%get3A_1072, %get3A_1073] {strides = array<i32>} : memref<8x256xf32, #tpu.memory_space<vmem>>, vector<1x16xf32>,
      %get3A_1075 = vector.shape_cast %get3A_1074 : vector<1x16xf32> to vector<16xf32>
      %max3A_1076 = arith.maximumf %max3A_1070, %get3A_1075 : vector<16xf32>
      %get3A_1077 = arith.constant 2 : i32
      %get3A_1078 = arith.index_cast %get3A_1077 : i32 to index
      %get3A_1079 = arith.constant 208 : index
      %get3A_1080 = tpu.vector_load %arg9[%get3A_1078, %get3A_1079] {strides = array<i32>} : memref<8x256xf32, #tpu.memory_space<vmem>>, vector<1x16xf32>,
      %get3A_1081 = vector.shape_cast %get3A_1080 : vector<1x16xf32> to vector<16xf32>
      %max3A_1082 = arith.maximumf %max3A_1076, %get3A_1081 : vector<16xf32>
      %get3A_1083 = arith.constant 2 : i32
      %get3A_1084 = arith.index_cast %get3A_1083 : i32 to index
      %get3A_1085 = arith.constant 224 : index
      %get3A_1086 = tpu.vector_load %arg9[%get3A_1084, %get3A_1085] {strides = array<i32>} : memref<8x256xf32, #tpu.memory_space<vmem>>, vector<1x16xf32>,
      %get3A_1087 = vector.shape_cast %get3A_1086 : vector<1x16xf32> to vector<16xf32>
      %max3A_1088 = arith.maximumf %max3A_1082, %get3A_1087 : vector<16xf32>
      %get3A_1089 = arith.constant 2 : i32
      %get3A_1090 = arith.index_cast %get3A_1089 : i32 to index
      %get3A_1091 = arith.constant 240 : index
      %get3A_1092 = tpu.vector_load %arg9[%get3A_1090, %get3A_1091] {strides = array<i32>} : memref<8x256xf32, #tpu.memory_space<vmem>>, vector<1x16xf32>,
      %get3A_1093 = vector.shape_cast %get3A_1092 : vector<1x16xf32> to vector<16xf32>
      %max3A_1094 = arith.maximumf %max3A_1088, %get3A_1093 : vector<16xf32>
      %iota3A_1095 = tpu.iota {dimensions = array<i32: 0>} : vector<16xi32>
      %xor3A_1096 = arith.constant 8 : i32
      %xor3A_1097 = vector.broadcast %xor3A_1096 : i32 to vector<16xi32>
      %xor3A_1098 = arith.xori %iota3A_1095, %xor3A_1097 : vector<16xi32>
      %broadcast_in_dim3A_1099 = vector.shape_cast %xor3A_1098 : vector<16xi32> to vector<16x1xi32>
      %gather3A_1100 = vector.shape_cast %broadcast_in_dim3A_1099 : vector<16x1xi32> to vector<16xi32>
      %gather3A_1101 = tpu.dynamic_gather %max3A_1094[%gather3A_1100] in [0] : vector<16xf32>, vector<16xi32> -> vector<16xf32>
      %max3A_1102 = arith.maximumf %max3A_1094, %gather3A_1101 : vector<16xf32>
      %xor3A_1103 = arith.constant 4 : i32
      %xor3A_1104 = vector.broadcast %xor3A_1103 : i32 to vector<16xi32>
      %xor3A_1105 = arith.xori %iota3A_1095, %xor3A_1104 : vector<16xi32>
      %broadcast_in_dim3A_1106 = vector.shape_cast %xor3A_1105 : vector<16xi32> to vector<16x1xi32>
      %gather3A_1107 = vector.shape_cast %broadcast_in_dim3A_1106 : vector<16x1xi32> to vector<16xi32>
      %gather3A_1108 = tpu.dynamic_gather %max3A_1102[%gather3A_1107] in [0] : vector<16xf32>, vector<16xi32> -> vector<16xf32>
      %max3A_1109 = arith.maximumf %max3A_1102, %gather3A_1108 : vector<16xf32>
      %xor3A_1110 = arith.constant 2 : i32
      %xor3A_1111 = vector.broadcast %xor3A_1110 : i32 to vector<16xi32>
      %xor3A_1112 = arith.xori %iota3A_1095, %xor3A_1111 : vector<16xi32>
      %broadcast_in_dim3A_1113 = vector.shape_cast %xor3A_1112 : vector<16xi32> to vector<16x1xi32>
      %gather3A_1114 = vector.shape_cast %broadcast_in_dim3A_1113 : vector<16x1xi32> to vector<16xi32>
      %gather3A_1115 = tpu.dynamic_gather %max3A_1109[%gather3A_1114] in [0] : vector<16xf32>, vector<16xi32> -> vector<16xf32>
      %max3A_1116 = arith.maximumf %max3A_1109, %gather3A_1115 : vector<16xf32>
      %xor3A_1117 = arith.constant 1 : i32
      %xor3A_1118 = vector.broadcast %xor3A_1117 : i32 to vector<16xi32>
      %xor3A_1119 = arith.xori %iota3A_1095, %xor3A_1118 : vector<16xi32>
      %broadcast_in_dim3A_1120 = vector.shape_cast %xor3A_1119 : vector<16xi32> to vector<16x1xi32>
      %gather3A_1121 = vector.shape_cast %broadcast_in_dim3A_1120 : vector<16x1xi32> to vector<16xi32>
      %gather3A_1122 = tpu.dynamic_gather %max3A_1116[%gather3A_1121] in [0] : vector<16xf32>, vector<16xi32> -> vector<16xf32>
      %max3A_1123 = arith.maximumf %max3A_1116, %gather3A_1122 : vector<16xf32>
      %broadcast_in_dim3A_1124 = arith.constant 2 : i32
      %broadcast_in_dim3A_1125 = vector.broadcast %broadcast_in_dim3A_1124 : i32 to vector<16xi32>
      %broadcast_in_dim3A_1126 = vector.shape_cast %broadcast_in_dim3A_1125 : vector<16xi32> to vector<16x1xi32>
      %gather3A_1127 = vector.shape_cast %broadcast_in_dim3A_1126 : vector<16x1xi32> to vector<16xi32>
      %gather3A_1128 = tpu.dynamic_gather %get3A_12[%gather3A_1127] in [0] : vector<16xi32>, vector<16xi32> -> vector<16xi32>
      %broadcast_in_dim3A_1129 = arith.constant 0.000000e+00 : f32
      %broadcast_in_dim3A_1130 = vector.broadcast %broadcast_in_dim3A_1129 : f32 to vector<16xf32>
      %broadcast_in_dim3A_1131 = arith.constant 0.000000e+00 : f32
      %broadcast_in_dim3A_1132 = vector.broadcast %broadcast_in_dim3A_1131 : f32 to vector<16xf32>
      %get3A_1133 = arith.constant 2 : i32
      %get3A_1134 = arith.index_cast %get3A_1133 : i32 to index
      %get3A_1135 = arith.constant 0 : index
      %get3A_1136 = tpu.vector_load %arg9[%get3A_1134, %get3A_1135] {strides = array<i32>} : memref<8x256xf32, #tpu.memory_space<vmem>>, vector<1x16xf32>,
      %get3A_1137 = vector.shape_cast %get3A_1136 : vector<1x16xf32> to vector<16xf32>
      %sub3A_1138 = arith.subf %get3A_1137, %max3A_1123 : vector<16xf32>
      %exp3A_1139 = math.exp %sub3A_1138 : vector<16xf32>
      %add3A_1140 = arith.addf %broadcast_in_dim3A_1130, %exp3A_1139 : vector<16xf32>
      %add3A_1141 = arith.constant 0 : i32
      %add3A_1142 = vector.broadcast %add3A_1141 : i32 to vector<16xi32>
      %add3A_1143 = arith.addi %iota3A, %add3A_1142 : vector<16xi32>
      %eq3A_1144 = arith.cmpi eq, %add3A_1143, %gather3A_1128 : vector<16xi32>
      %jit3A_1145 = arith.constant 0.000000e+00 : f32
      %broadcast_in_dim3A_1146 = vector.broadcast %jit3A_1145 : f32 to vector<16xf32>
      %select_n3A_1147 = arith.select %eq3A_1144, %get3A_1137, %broadcast_in_dim3A_1146 : vector<16xi1>, vector<16xf32>
      %add3A_1148 = arith.addf %broadcast_in_dim3A_1132, %select_n3A_1147 : vector<16xf32>
      %get3A_1149 = arith.constant 2 : i32
      %get3A_1150 = arith.index_cast %get3A_1149 : i32 to index
      %get3A_1151 = arith.constant 16 : index
      %get3A_1152 = tpu.vector_load %arg9[%get3A_1150, %get3A_1151] {strides = array<i32>} : memref<8x256xf32, #tpu.memory_space<vmem>>, vector<1x16xf32>,
      %get3A_1153 = vector.shape_cast %get3A_1152 : vector<1x16xf32> to vector<16xf32>
      %sub3A_1154 = arith.subf %get3A_1153, %max3A_1123 : vector<16xf32>
      %exp3A_1155 = math.exp %sub3A_1154 : vector<16xf32>
      %add3A_1156 = arith.addf %add3A_1140, %exp3A_1155 : vector<16xf32>
      %add3A_1157 = arith.constant 16 : i32
      %add3A_1158 = vector.broadcast %add3A_1157 : i32 to vector<16xi32>
      %add3A_1159 = arith.addi %iota3A, %add3A_1158 : vector<16xi32>
      %eq3A_1160 = arith.cmpi eq, %add3A_1159, %gather3A_1128 : vector<16xi32>
      %jit3A_1161 = arith.constant 0.000000e+00 : f32
      %broadcast_in_dim3A_1162 = vector.broadcast %jit3A_1161 : f32 to vector<16xf32>
      %select_n3A_1163 = arith.select %eq3A_1160, %get3A_1153, %broadcast_in_dim3A_1162 : vector<16xi1>, vector<16xf32>
      %add3A_1164 = arith.addf %add3A_1148, %select_n3A_1163 : vector<16xf32>
      %get3A_1165 = arith.constant 2 : i32
      %get3A_1166 = arith.index_cast %get3A_1165 : i32 to index
      %get3A_1167 = arith.constant 32 : index
      %get3A_1168 = tpu.vector_load %arg9[%get3A_1166, %get3A_1167] {strides = array<i32>} : memref<8x256xf32, #tpu.memory_space<vmem>>, vector<1x16xf32>,
      %get3A_1169 = vector.shape_cast %get3A_1168 : vector<1x16xf32> to vector<16xf32>
      %sub3A_1170 = arith.subf %get3A_1169, %max3A_1123 : vector<16xf32>
      %exp3A_1171 = math.exp %sub3A_1170 : vector<16xf32>
      %add3A_1172 = arith.addf %add3A_1156, %exp3A_1171 : vector<16xf32>
      %add3A_1173 = arith.constant 32 : i32
      %add3A_1174 = vector.broadcast %add3A_1173 : i32 to vector<16xi32>
      %add3A_1175 = arith.addi %iota3A, %add3A_1174 : vector<16xi32>
      %eq3A_1176 = arith.cmpi eq, %add3A_1175, %gather3A_1128 : vector<16xi32>
      %jit3A_1177 = arith.constant 0.000000e+00 : f32
      %broadcast_in_dim3A_1178 = vector.broadcast %jit3A_1177 : f32 to vector<16xf32>
      %select_n3A_1179 = arith.select %eq3A_1176, %get3A_1169, %broadcast_in_dim3A_1178 : vector<16xi1>, vector<16xf32>
      %add3A_1180 = arith.addf %add3A_1164, %select_n3A_1179 : vector<16xf32>
      %get3A_1181 = arith.constant 2 : i32
      %get3A_1182 = arith.index_cast %get3A_1181 : i32 to index
      %get3A_1183 = arith.constant 48 : index
      %get3A_1184 = tpu.vector_load %arg9[%get3A_1182, %get3A_1183] {strides = array<i32>} : memref<8x256xf32, #tpu.memory_space<vmem>>, vector<1x16xf32>,
      %get3A_1185 = vector.shape_cast %get3A_1184 : vector<1x16xf32> to vector<16xf32>
      %sub3A_1186 = arith.subf %get3A_1185, %max3A_1123 : vector<16xf32>
      %exp3A_1187 = math.exp %sub3A_1186 : vector<16xf32>
      %add3A_1188 = arith.addf %add3A_1172, %exp3A_1187 : vector<16xf32>
      %add3A_1189 = arith.constant 48 : i32
      %add3A_1190 = vector.broadcast %add3A_1189 : i32 to vector<16xi32>
      %add3A_1191 = arith.addi %iota3A, %add3A_1190 : vector<16xi32>
      %eq3A_1192 = arith.cmpi eq, %add3A_1191, %gather3A_1128 : vector<16xi32>
      %jit3A_1193 = arith.constant 0.000000e+00 : f32
      %broadcast_in_dim3A_1194 = vector.broadcast %jit3A_1193 : f32 to vector<16xf32>
      %select_n3A_1195 = arith.select %eq3A_1192, %get3A_1185, %broadcast_in_dim3A_1194 : vector<16xi1>, vector<16xf32>
      %add3A_1196 = arith.addf %add3A_1180, %select_n3A_1195 : vector<16xf32>
      %get3A_1197 = arith.constant 2 : i32
      %get3A_1198 = arith.index_cast %get3A_1197 : i32 to index
      %get3A_1199 = arith.constant 64 : index
      %get3A_1200 = tpu.vector_load %arg9[%get3A_1198, %get3A_1199] {strides = array<i32>} : memref<8x256xf32, #tpu.memory_space<vmem>>, vector<1x16xf32>,
      %get3A_1201 = vector.shape_cast %get3A_1200 : vector<1x16xf32> to vector<16xf32>
      %sub3A_1202 = arith.subf %get3A_1201, %max3A_1123 : vector<16xf32>
      %exp3A_1203 = math.exp %sub3A_1202 : vector<16xf32>
      %add3A_1204 = arith.addf %add3A_1188, %exp3A_1203 : vector<16xf32>
      %add3A_1205 = arith.constant 64 : i32
      %add3A_1206 = vector.broadcast %add3A_1205 : i32 to vector<16xi32>
      %add3A_1207 = arith.addi %iota3A, %add3A_1206 : vector<16xi32>
      %eq3A_1208 = arith.cmpi eq, %add3A_1207, %gather3A_1128 : vector<16xi32>
      %jit3A_1209 = arith.constant 0.000000e+00 : f32
      %broadcast_in_dim3A_1210 = vector.broadcast %jit3A_1209 : f32 to vector<16xf32>
      %select_n3A_1211 = arith.select %eq3A_1208, %get3A_1201, %broadcast_in_dim3A_1210 : vector<16xi1>, vector<16xf32>
      %add3A_1212 = arith.addf %add3A_1196, %select_n3A_1211 : vector<16xf32>
      %get3A_1213 = arith.constant 2 : i32
      %get3A_1214 = arith.index_cast %get3A_1213 : i32 to index
      %get3A_1215 = arith.constant 80 : index
      %get3A_1216 = tpu.vector_load %arg9[%get3A_1214, %get3A_1215] {strides = array<i32>} : memref<8x256xf32, #tpu.memory_space<vmem>>, vector<1x16xf32>,
      %get3A_1217 = vector.shape_cast %get3A_1216 : vector<1x16xf32> to vector<16xf32>
      %sub3A_1218 = arith.subf %get3A_1217, %max3A_1123 : vector<16xf32>
      %exp3A_1219 = math.exp %sub3A_1218 : vector<16xf32>
      %add3A_1220 = arith.addf %add3A_1204, %exp3A_1219 : vector<16xf32>
      %add3A_1221 = arith.constant 80 : i32
      %add3A_1222 = vector.broadcast %add3A_1221 : i32 to vector<16xi32>
      %add3A_1223 = arith.addi %iota3A, %add3A_1222 : vector<16xi32>
      %eq3A_1224 = arith.cmpi eq, %add3A_1223, %gather3A_1128 : vector<16xi32>
      %jit3A_1225 = arith.constant 0.000000e+00 : f32
      %broadcast_in_dim3A_1226 = vector.broadcast %jit3A_1225 : f32 to vector<16xf32>
      %select_n3A_1227 = arith.select %eq3A_1224, %get3A_1217, %broadcast_in_dim3A_1226 : vector<16xi1>, vector<16xf32>
      %add3A_1228 = arith.addf %add3A_1212, %select_n3A_1227 : vector<16xf32>
      %get3A_1229 = arith.constant 2 : i32
      %get3A_1230 = arith.index_cast %get3A_1229 : i32 to index
      %get3A_1231 = arith.constant 96 : index
      %get3A_1232 = tpu.vector_load %arg9[%get3A_1230, %get3A_1231] {strides = array<i32>} : memref<8x256xf32, #tpu.memory_space<vmem>>, vector<1x16xf32>,
      %get3A_1233 = vector.shape_cast %get3A_1232 : vector<1x16xf32> to vector<16xf32>
      %sub3A_1234 = arith.subf %get3A_1233, %max3A_1123 : vector<16xf32>
      %exp3A_1235 = math.exp %sub3A_1234 : vector<16xf32>
      %add3A_1236 = arith.addf %add3A_1220, %exp3A_1235 : vector<16xf32>
      %add3A_1237 = arith.constant 96 : i32
      %add3A_1238 = vector.broadcast %add3A_1237 : i32 to vector<16xi32>
      %add3A_1239 = arith.addi %iota3A, %add3A_1238 : vector<16xi32>
      %eq3A_1240 = arith.cmpi eq, %add3A_1239, %gather3A_1128 : vector<16xi32>
      %jit3A_1241 = arith.constant 0.000000e+00 : f32
      %broadcast_in_dim3A_1242 = vector.broadcast %jit3A_1241 : f32 to vector<16xf32>
      %select_n3A_1243 = arith.select %eq3A_1240, %get3A_1233, %broadcast_in_dim3A_1242 : vector<16xi1>, vector<16xf32>
      %add3A_1244 = arith.addf %add3A_1228, %select_n3A_1243 : vector<16xf32>
      %get3A_1245 = arith.constant 2 : i32
      %get3A_1246 = arith.index_cast %get3A_1245 : i32 to index
      %get3A_1247 = arith.constant 112 : index
      %get3A_1248 = tpu.vector_load %arg9[%get3A_1246, %get3A_1247] {strides = array<i32>} : memref<8x256xf32, #tpu.memory_space<vmem>>, vector<1x16xf32>,
      %get3A_1249 = vector.shape_cast %get3A_1248 : vector<1x16xf32> to vector<16xf32>
      %sub3A_1250 = arith.subf %get3A_1249, %max3A_1123 : vector<16xf32>
      %exp3A_1251 = math.exp %sub3A_1250 : vector<16xf32>
      %add3A_1252 = arith.addf %add3A_1236, %exp3A_1251 : vector<16xf32>
      %add3A_1253 = arith.constant 112 : i32
      %add3A_1254 = vector.broadcast %add3A_1253 : i32 to vector<16xi32>
      %add3A_1255 = arith.addi %iota3A, %add3A_1254 : vector<16xi32>
      %eq3A_1256 = arith.cmpi eq, %add3A_1255, %gather3A_1128 : vector<16xi32>
      %jit3A_1257 = arith.constant 0.000000e+00 : f32
      %broadcast_in_dim3A_1258 = vector.broadcast %jit3A_1257 : f32 to vector<16xf32>
      %select_n3A_1259 = arith.select %eq3A_1256, %get3A_1249, %broadcast_in_dim3A_1258 : vector<16xi1>, vector<16xf32>
      %add3A_1260 = arith.addf %add3A_1244, %select_n3A_1259 : vector<16xf32>
      %get3A_1261 = arith.constant 2 : i32
      %get3A_1262 = arith.index_cast %get3A_1261 : i32 to index
      %get3A_1263 = arith.constant 128 : index
      %get3A_1264 = tpu.vector_load %arg9[%get3A_1262, %get3A_1263] {strides = array<i32>} : memref<8x256xf32, #tpu.memory_space<vmem>>, vector<1x16xf32>,
      %get3A_1265 = vector.shape_cast %get3A_1264 : vector<1x16xf32> to vector<16xf32>
      %sub3A_1266 = arith.subf %get3A_1265, %max3A_1123 : vector<16xf32>
      %exp3A_1267 = math.exp %sub3A_1266 : vector<16xf32>
      %add3A_1268 = arith.addf %add3A_1252, %exp3A_1267 : vector<16xf32>
      %add3A_1269 = arith.constant 128 : i32
      %add3A_1270 = vector.broadcast %add3A_1269 : i32 to vector<16xi32>
      %add3A_1271 = arith.addi %iota3A, %add3A_1270 : vector<16xi32>
      %eq3A_1272 = arith.cmpi eq, %add3A_1271, %gather3A_1128 : vector<16xi32>
      %jit3A_1273 = arith.constant 0.000000e+00 : f32
      %broadcast_in_dim3A_1274 = vector.broadcast %jit3A_1273 : f32 to vector<16xf32>
      %select_n3A_1275 = arith.select %eq3A_1272, %get3A_1265, %broadcast_in_dim3A_1274 : vector<16xi1>, vector<16xf32>
      %add3A_1276 = arith.addf %add3A_1260, %select_n3A_1275 : vector<16xf32>
      %get3A_1277 = arith.constant 2 : i32
      %get3A_1278 = arith.index_cast %get3A_1277 : i32 to index
      %get3A_1279 = arith.constant 144 : index
      %get3A_1280 = tpu.vector_load %arg9[%get3A_1278, %get3A_1279] {strides = array<i32>} : memref<8x256xf32, #tpu.memory_space<vmem>>, vector<1x16xf32>,
      %get3A_1281 = vector.shape_cast %get3A_1280 : vector<1x16xf32> to vector<16xf32>
      %sub3A_1282 = arith.subf %get3A_1281, %max3A_1123 : vector<16xf32>
      %exp3A_1283 = math.exp %sub3A_1282 : vector<16xf32>
      %add3A_1284 = arith.addf %add3A_1268, %exp3A_1283 : vector<16xf32>
      %add3A_1285 = arith.constant 144 : i32
      %add3A_1286 = vector.broadcast %add3A_1285 : i32 to vector<16xi32>
      %add3A_1287 = arith.addi %iota3A, %add3A_1286 : vector<16xi32>
      %eq3A_1288 = arith.cmpi eq, %add3A_1287, %gather3A_1128 : vector<16xi32>
      %jit3A_1289 = arith.constant 0.000000e+00 : f32
      %broadcast_in_dim3A_1290 = vector.broadcast %jit3A_1289 : f32 to vector<16xf32>
      %select_n3A_1291 = arith.select %eq3A_1288, %get3A_1281, %broadcast_in_dim3A_1290 : vector<16xi1>, vector<16xf32>
      %add3A_1292 = arith.addf %add3A_1276, %select_n3A_1291 : vector<16xf32>
      %get3A_1293 = arith.constant 2 : i32
      %get3A_1294 = arith.index_cast %get3A_1293 : i32 to index
      %get3A_1295 = arith.constant 160 : index
      %get3A_1296 = tpu.vector_load %arg9[%get3A_1294, %get3A_1295] {strides = array<i32>} : memref<8x256xf32, #tpu.memory_space<vmem>>, vector<1x16xf32>,
      %get3A_1297 = vector.shape_cast %get3A_1296 : vector<1x16xf32> to vector<16xf32>
      %sub3A_1298 = arith.subf %get3A_1297, %max3A_1123 : vector<16xf32>
      %exp3A_1299 = math.exp %sub3A_1298 : vector<16xf32>
      %add3A_1300 = arith.addf %add3A_1284, %exp3A_1299 : vector<16xf32>
      %add3A_1301 = arith.constant 160 : i32
      %add3A_1302 = vector.broadcast %add3A_1301 : i32 to vector<16xi32>
      %add3A_1303 = arith.addi %iota3A, %add3A_1302 : vector<16xi32>
      %eq3A_1304 = arith.cmpi eq, %add3A_1303, %gather3A_1128 : vector<16xi32>
      %jit3A_1305 = arith.constant 0.000000e+00 : f32
      %broadcast_in_dim3A_1306 = vector.broadcast %jit3A_1305 : f32 to vector<16xf32>
      %select_n3A_1307 = arith.select %eq3A_1304, %get3A_1297, %broadcast_in_dim3A_1306 : vector<16xi1>, vector<16xf32>
      %add3A_1308 = arith.addf %add3A_1292, %select_n3A_1307 : vector<16xf32>
      %get3A_1309 = arith.constant 2 : i32
      %get3A_1310 = arith.index_cast %get3A_1309 : i32 to index
      %get3A_1311 = arith.constant 176 : index
      %get3A_1312 = tpu.vector_load %arg9[%get3A_1310, %get3A_1311] {strides = array<i32>} : memref<8x256xf32, #tpu.memory_space<vmem>>, vector<1x16xf32>,
      %get3A_1313 = vector.shape_cast %get3A_1312 : vector<1x16xf32> to vector<16xf32>
      %sub3A_1314 = arith.subf %get3A_1313, %max3A_1123 : vector<16xf32>
      %exp3A_1315 = math.exp %sub3A_1314 : vector<16xf32>
      %add3A_1316 = arith.addf %add3A_1300, %exp3A_1315 : vector<16xf32>
      %add3A_1317 = arith.constant 176 : i32
      %add3A_1318 = vector.broadcast %add3A_1317 : i32 to vector<16xi32>
      %add3A_1319 = arith.addi %iota3A, %add3A_1318 : vector<16xi32>
      %eq3A_1320 = arith.cmpi eq, %add3A_1319, %gather3A_1128 : vector<16xi32>
      %jit3A_1321 = arith.constant 0.000000e+00 : f32
      %broadcast_in_dim3A_1322 = vector.broadcast %jit3A_1321 : f32 to vector<16xf32>
      %select_n3A_1323 = arith.select %eq3A_1320, %get3A_1313, %broadcast_in_dim3A_1322 : vector<16xi1>, vector<16xf32>
      %add3A_1324 = arith.addf %add3A_1308, %select_n3A_1323 : vector<16xf32>
      %get3A_1325 = arith.constant 2 : i32
      %get3A_1326 = arith.index_cast %get3A_1325 : i32 to index
      %get3A_1327 = arith.constant 192 : index
      %get3A_1328 = tpu.vector_load %arg9[%get3A_1326, %get3A_1327] {strides = array<i32>} : memref<8x256xf32, #tpu.memory_space<vmem>>, vector<1x16xf32>,
      %get3A_1329 = vector.shape_cast %get3A_1328 : vector<1x16xf32> to vector<16xf32>
      %sub3A_1330 = arith.subf %get3A_1329, %max3A_1123 : vector<16xf32>
      %exp3A_1331 = math.exp %sub3A_1330 : vector<16xf32>
      %add3A_1332 = arith.addf %add3A_1316, %exp3A_1331 : vector<16xf32>
      %add3A_1333 = arith.constant 192 : i32
      %add3A_1334 = vector.broadcast %add3A_1333 : i32 to vector<16xi32>
      %add3A_1335 = arith.addi %iota3A, %add3A_1334 : vector<16xi32>
      %eq3A_1336 = arith.cmpi eq, %add3A_1335, %gather3A_1128 : vector<16xi32>
      %jit3A_1337 = arith.constant 0.000000e+00 : f32
      %broadcast_in_dim3A_1338 = vector.broadcast %jit3A_1337 : f32 to vector<16xf32>
      %select_n3A_1339 = arith.select %eq3A_1336, %get3A_1329, %broadcast_in_dim3A_1338 : vector<16xi1>, vector<16xf32>
      %add3A_1340 = arith.addf %add3A_1324, %select_n3A_1339 : vector<16xf32>
      %get3A_1341 = arith.constant 2 : i32
      %get3A_1342 = arith.index_cast %get3A_1341 : i32 to index
      %get3A_1343 = arith.constant 208 : index
      %get3A_1344 = tpu.vector_load %arg9[%get3A_1342, %get3A_1343] {strides = array<i32>} : memref<8x256xf32, #tpu.memory_space<vmem>>, vector<1x16xf32>,
      %get3A_1345 = vector.shape_cast %get3A_1344 : vector<1x16xf32> to vector<16xf32>
      %sub3A_1346 = arith.subf %get3A_1345, %max3A_1123 : vector<16xf32>
      %exp3A_1347 = math.exp %sub3A_1346 : vector<16xf32>
      %add3A_1348 = arith.addf %add3A_1332, %exp3A_1347 : vector<16xf32>
      %add3A_1349 = arith.constant 208 : i32
      %add3A_1350 = vector.broadcast %add3A_1349 : i32 to vector<16xi32>
      %add3A_1351 = arith.addi %iota3A, %add3A_1350 : vector<16xi32>
      %eq3A_1352 = arith.cmpi eq, %add3A_1351, %gather3A_1128 : vector<16xi32>
      %jit3A_1353 = arith.constant 0.000000e+00 : f32
      %broadcast_in_dim3A_1354 = vector.broadcast %jit3A_1353 : f32 to vector<16xf32>
      %select_n3A_1355 = arith.select %eq3A_1352, %get3A_1345, %broadcast_in_dim3A_1354 : vector<16xi1>, vector<16xf32>
      %add3A_1356 = arith.addf %add3A_1340, %select_n3A_1355 : vector<16xf32>
      %get3A_1357 = arith.constant 2 : i32
      %get3A_1358 = arith.index_cast %get3A_1357 : i32 to index
      %get3A_1359 = arith.constant 224 : index
      %get3A_1360 = tpu.vector_load %arg9[%get3A_1358, %get3A_1359] {strides = array<i32>} : memref<8x256xf32, #tpu.memory_space<vmem>>, vector<1x16xf32>,
      %get3A_1361 = vector.shape_cast %get3A_1360 : vector<1x16xf32> to vector<16xf32>
      %sub3A_1362 = arith.subf %get3A_1361, %max3A_1123 : vector<16xf32>
      %exp3A_1363 = math.exp %sub3A_1362 : vector<16xf32>
      %add3A_1364 = arith.addf %add3A_1348, %exp3A_1363 : vector<16xf32>
      %add3A_1365 = arith.constant 224 : i32
      %add3A_1366 = vector.broadcast %add3A_1365 : i32 to vector<16xi32>
      %add3A_1367 = arith.addi %iota3A, %add3A_1366 : vector<16xi32>
      %eq3A_1368 = arith.cmpi eq, %add3A_1367, %gather3A_1128 : vector<16xi32>
      %jit3A_1369 = arith.constant 0.000000e+00 : f32
      %broadcast_in_dim3A_1370 = vector.broadcast %jit3A_1369 : f32 to vector<16xf32>
      %select_n3A_1371 = arith.select %eq3A_1368, %get3A_1361, %broadcast_in_dim3A_1370 : vector<16xi1>, vector<16xf32>
      %add3A_1372 = arith.addf %add3A_1356, %select_n3A_1371 : vector<16xf32>
      %get3A_1373 = arith.constant 2 : i32
      %get3A_1374 = arith.index_cast %get3A_1373 : i32 to index
      %get3A_1375 = arith.constant 240 : index
      %get3A_1376 = tpu.vector_load %arg9[%get3A_1374, %get3A_1375] {strides = array<i32>} : memref<8x256xf32, #tpu.memory_space<vmem>>, vector<1x16xf32>,
      %get3A_1377 = vector.shape_cast %get3A_1376 : vector<1x16xf32> to vector<16xf32>
      %sub3A_1378 = arith.subf %get3A_1377, %max3A_1123 : vector<16xf32>
      %exp3A_1379 = math.exp %sub3A_1378 : vector<16xf32>
      %add3A_1380 = arith.addf %add3A_1364, %exp3A_1379 : vector<16xf32>
      %add3A_1381 = arith.constant 240 : i32
      %add3A_1382 = vector.broadcast %add3A_1381 : i32 to vector<16xi32>
      %add3A_1383 = arith.addi %iota3A, %add3A_1382 : vector<16xi32>
      %eq3A_1384 = arith.cmpi eq, %add3A_1383, %gather3A_1128 : vector<16xi32>
      %jit3A_1385 = arith.constant 0.000000e+00 : f32
      %broadcast_in_dim3A_1386 = vector.broadcast %jit3A_1385 : f32 to vector<16xf32>
      %select_n3A_1387 = arith.select %eq3A_1384, %get3A_1377, %broadcast_in_dim3A_1386 : vector<16xi1>, vector<16xf32>
      %add3A_1388 = arith.addf %add3A_1372, %select_n3A_1387 : vector<16xf32>
      %iota3A_1389 = tpu.iota {dimensions = array<i32: 0>} : vector<16xi32>
      %xor3A_1390 = arith.constant 8 : i32
      %xor3A_1391 = vector.broadcast %xor3A_1390 : i32 to vector<16xi32>
      %xor3A_1392 = arith.xori %iota3A_1389, %xor3A_1391 : vector<16xi32>
      %broadcast_in_dim3A_1393 = vector.shape_cast %xor3A_1392 : vector<16xi32> to vector<16x1xi32>
      %gather3A_1394 = vector.shape_cast %broadcast_in_dim3A_1393 : vector<16x1xi32> to vector<16xi32>
      %gather3A_1395 = tpu.dynamic_gather %add3A_1380[%gather3A_1394] in [0] : vector<16xf32>, vector<16xi32> -> vector<16xf32>
      %add3A_1396 = arith.addf %add3A_1380, %gather3A_1395 : vector<16xf32>
      %xor3A_1397 = arith.constant 4 : i32
      %xor3A_1398 = vector.broadcast %xor3A_1397 : i32 to vector<16xi32>
      %xor3A_1399 = arith.xori %iota3A_1389, %xor3A_1398 : vector<16xi32>
      %broadcast_in_dim3A_1400 = vector.shape_cast %xor3A_1399 : vector<16xi32> to vector<16x1xi32>
      %gather3A_1401 = vector.shape_cast %broadcast_in_dim3A_1400 : vector<16x1xi32> to vector<16xi32>
      %gather3A_1402 = tpu.dynamic_gather %add3A_1396[%gather3A_1401] in [0] : vector<16xf32>, vector<16xi32> -> vector<16xf32>
      %add3A_1403 = arith.addf %add3A_1396, %gather3A_1402 : vector<16xf32>
      %xor3A_1404 = arith.constant 2 : i32
      %xor3A_1405 = vector.broadcast %xor3A_1404 : i32 to vector<16xi32>
      %xor3A_1406 = arith.xori %iota3A_1389, %xor3A_1405 : vector<16xi32>
      %broadcast_in_dim3A_1407 = vector.shape_cast %xor3A_1406 : vector<16xi32> to vector<16x1xi32>
      %gather3A_1408 = vector.shape_cast %broadcast_in_dim3A_1407 : vector<16x1xi32> to vector<16xi32>
      %gather3A_1409 = tpu.dynamic_gather %add3A_1403[%gather3A_1408] in [0] : vector<16xf32>, vector<16xi32> -> vector<16xf32>
      %add3A_1410 = arith.addf %add3A_1403, %gather3A_1409 : vector<16xf32>
      %xor3A_1411 = arith.constant 1 : i32
      %xor3A_1412 = vector.broadcast %xor3A_1411 : i32 to vector<16xi32>
      %xor3A_1413 = arith.xori %iota3A_1389, %xor3A_1412 : vector<16xi32>
      %broadcast_in_dim3A_1414 = vector.shape_cast %xor3A_1413 : vector<16xi32> to vector<16x1xi32>
      %gather3A_1415 = vector.shape_cast %broadcast_in_dim3A_1414 : vector<16x1xi32> to vector<16xi32>
      %gather3A_1416 = tpu.dynamic_gather %add3A_1410[%gather3A_1415] in [0] : vector<16xf32>, vector<16xi32> -> vector<16xf32>
      %add3A_1417 = arith.addf %add3A_1410, %gather3A_1416 : vector<16xf32>
      %iota3A_1418 = tpu.iota {dimensions = array<i32: 0>} : vector<16xi32>
      %xor3A_1419 = arith.constant 8 : i32
      %xor3A_1420 = vector.broadcast %xor3A_1419 : i32 to vector<16xi32>
      %xor3A_1421 = arith.xori %iota3A_1418, %xor3A_1420 : vector<16xi32>
      %broadcast_in_dim3A_1422 = vector.shape_cast %xor3A_1421 : vector<16xi32> to vector<16x1xi32>
      %gather3A_1423 = vector.shape_cast %broadcast_in_dim3A_1422 : vector<16x1xi32> to vector<16xi32>
      %gather3A_1424 = tpu.dynamic_gather %add3A_1388[%gather3A_1423] in [0] : vector<16xf32>, vector<16xi32> -> vector<16xf32>
      %add3A_1425 = arith.addf %add3A_1388, %gather3A_1424 : vector<16xf32>
      %xor3A_1426 = arith.constant 4 : i32
      %xor3A_1427 = vector.broadcast %xor3A_1426 : i32 to vector<16xi32>
      %xor3A_1428 = arith.xori %iota3A_1418, %xor3A_1427 : vector<16xi32>
      %broadcast_in_dim3A_1429 = vector.shape_cast %xor3A_1428 : vector<16xi32> to vector<16x1xi32>
      %gather3A_1430 = vector.shape_cast %broadcast_in_dim3A_1429 : vector<16x1xi32> to vector<16xi32>
      %gather3A_1431 = tpu.dynamic_gather %add3A_1425[%gather3A_1430] in [0] : vector<16xf32>, vector<16xi32> -> vector<16xf32>
      %add3A_1432 = arith.addf %add3A_1425, %gather3A_1431 : vector<16xf32>
      %xor3A_1433 = arith.constant 2 : i32
      %xor3A_1434 = vector.broadcast %xor3A_1433 : i32 to vector<16xi32>
      %xor3A_1435 = arith.xori %iota3A_1418, %xor3A_1434 : vector<16xi32>
      %broadcast_in_dim3A_1436 = vector.shape_cast %xor3A_1435 : vector<16xi32> to vector<16x1xi32>
      %gather3A_1437 = vector.shape_cast %broadcast_in_dim3A_1436 : vector<16x1xi32> to vector<16xi32>
      %gather3A_1438 = tpu.dynamic_gather %add3A_1432[%gather3A_1437] in [0] : vector<16xf32>, vector<16xi32> -> vector<16xf32>
      %add3A_1439 = arith.addf %add3A_1432, %gather3A_1438 : vector<16xf32>
      %xor3A_1440 = arith.constant 1 : i32
      %xor3A_1441 = vector.broadcast %xor3A_1440 : i32 to vector<16xi32>
      %xor3A_1442 = arith.xori %iota3A_1418, %xor3A_1441 : vector<16xi32>
      %broadcast_in_dim3A_1443 = vector.shape_cast %xor3A_1442 : vector<16xi32> to vector<16x1xi32>
      %gather3A_1444 = vector.shape_cast %broadcast_in_dim3A_1443 : vector<16x1xi32> to vector<16xi32>
      %gather3A_1445 = tpu.dynamic_gather %add3A_1439[%gather3A_1444] in [0] : vector<16xf32>, vector<16xi32> -> vector<16xf32>
      %add3A_1446 = arith.addf %add3A_1439, %gather3A_1445 : vector<16xf32>
      %add3A_1447 = arith.addf %sub3A_999, %add3A_1446 : vector<16xf32>
      %sub3A_1448 = arith.subf %add3A_1447, %max3A_1123 : vector<16xf32>
      %bitcast_convert_type3A_1449 = tpu.bitcast %add3A_1417 : vector<16xf32> -> vector<16xi32>
      %shift_right_arithmetic3A_1450 = arith.constant 23 : i32
      %shift_right_arithmetic3A_1451 = vector.broadcast %shift_right_arithmetic3A_1450 : i32 to vector<16xi32>
      %shift_right_arithmetic3A_1452 = arith.shrsi %bitcast_convert_type3A_1449, %shift_right_arithmetic3A_1451 : vector<16xi32>
      %and3A_1453 = arith.constant 255 : i32
      %and3A_1454 = vector.broadcast %and3A_1453 : i32 to vector<16xi32>
      %and3A_1455 = arith.andi %shift_right_arithmetic3A_1452, %and3A_1454 : vector<16xi32>
      %sub3A_1456 = arith.constant 127 : i32
      %sub3A_1457 = vector.broadcast %sub3A_1456 : i32 to vector<16xi32>
      %sub3A_1458 = arith.subi %and3A_1455, %sub3A_1457 : vector<16xi32>
      %and3A_1459 = arith.constant 8388607 : i32
      %and3A_1460 = vector.broadcast %and3A_1459 : i32 to vector<16xi32>
      %and3A_1461 = arith.andi %bitcast_convert_type3A_1449, %and3A_1460 : vector<16xi32>
      %convert_element_type3A_1462 = arith.sitofp %and3A_1461 : vector<16xi32> to vector<16xf32>
      %mul3A_1463 = arith.constant 1.1920929E-7 : f32
      %mul3A_1464 = vector.broadcast %mul3A_1463 : f32 to vector<16xf32>
      %mul3A_1465 = arith.mulf %convert_element_type3A_1462, %mul3A_1464 : vector<16xf32>
      %convert_element_type3A_1466 = arith.sitofp %sub3A_1458 : vector<16xi32> to vector<16xf32>
      %add3A_1467 = arith.addf %convert_element_type3A_1466, %mul3A_1465 : vector<16xf32>
      %mul3A_1468 = arith.constant 0.693147182 : f32
      %mul3A_1469 = vector.broadcast %mul3A_1468 : f32 to vector<16xf32>
      %mul3A_1470 = arith.mulf %add3A_1467, %mul3A_1469 : vector<16xf32>
      %neg3A_1471 = arith.constant 0.000000e+00 : f32
      %neg3A_1472 = vector.broadcast %neg3A_1471 : f32 to vector<16xf32>
      %neg3A_1473 = arith.subf %neg3A_1472, %mul3A_1470 : vector<16xf32>
      %exp3A_1474 = math.exp %neg3A_1473 : vector<16xf32>
      %mul3A_1475 = arith.mulf %add3A_1417, %exp3A_1474 : vector<16xf32>
      %add3A_1476 = arith.addf %mul3A_1470, %mul3A_1475 : vector<16xf32>
      %sub3A_1477 = arith.constant 1.000000e+00 : f32
      %sub3A_1478 = vector.broadcast %sub3A_1477 : f32 to vector<16xf32>
      %sub3A_1479 = arith.subf %add3A_1476, %sub3A_1478 : vector<16xf32>
      %neg3A_1480 = arith.constant 0.000000e+00 : f32
      %neg3A_1481 = vector.broadcast %neg3A_1480 : f32 to vector<16xf32>
      %neg3A_1482 = arith.subf %neg3A_1481, %sub3A_1479 : vector<16xf32>
      %exp3A_1483 = math.exp %neg3A_1482 : vector<16xf32>
      %mul3A_1484 = arith.mulf %add3A_1417, %exp3A_1483 : vector<16xf32>
      %add3A_1485 = arith.addf %sub3A_1479, %mul3A_1484 : vector<16xf32>
      %sub3A_1486 = arith.constant 1.000000e+00 : f32
      %sub3A_1487 = vector.broadcast %sub3A_1486 : f32 to vector<16xf32>
      %sub3A_1488 = arith.subf %add3A_1485, %sub3A_1487 : vector<16xf32>
      %neg3A_1489 = arith.constant 0.000000e+00 : f32
      %neg3A_1490 = vector.broadcast %neg3A_1489 : f32 to vector<16xf32>
      %neg3A_1491 = arith.subf %neg3A_1490, %sub3A_1488 : vector<16xf32>
      %exp3A_1492 = math.exp %neg3A_1491 : vector<16xf32>
      %mul3A_1493 = arith.mulf %add3A_1417, %exp3A_1492 : vector<16xf32>
      %add3A_1494 = arith.addf %sub3A_1488, %mul3A_1493 : vector<16xf32>
      %sub3A_1495 = arith.constant 1.000000e+00 : f32
      %sub3A_1496 = vector.broadcast %sub3A_1495 : f32 to vector<16xf32>
      %sub3A_1497 = arith.subf %add3A_1494, %sub3A_1496 : vector<16xf32>
      %sub3A_1498 = arith.subf %sub3A_1448, %sub3A_1497 : vector<16xf32>
      %get3A_1499 = arith.constant 3 : i32
      %get3A_1500 = arith.index_cast %get3A_1499 : i32 to index
      %get3A_1501 = arith.constant 0 : index
      %get3A_1502 = tpu.vector_load %arg9[%get3A_1500, %get3A_1501] {strides = array<i32>} : memref<8x256xf32, #tpu.memory_space<vmem>>, vector<1x16xf32>,
      %get3A_1503 = vector.shape_cast %get3A_1502 : vector<1x16xf32> to vector<16xf32>
      %get3A_1504 = arith.constant 3 : i32
      %get3A_1505 = arith.index_cast %get3A_1504 : i32 to index
      %get3A_1506 = arith.constant 16 : index
      %get3A_1507 = tpu.vector_load %arg9[%get3A_1505, %get3A_1506] {strides = array<i32>} : memref<8x256xf32, #tpu.memory_space<vmem>>, vector<1x16xf32>,
      %get3A_1508 = vector.shape_cast %get3A_1507 : vector<1x16xf32> to vector<16xf32>
      %max3A_1509 = arith.maximumf %get3A_1503, %get3A_1508 : vector<16xf32>
      %get3A_1510 = arith.constant 3 : i32
      %get3A_1511 = arith.index_cast %get3A_1510 : i32 to index
      %get3A_1512 = arith.constant 32 : index
      %get3A_1513 = tpu.vector_load %arg9[%get3A_1511, %get3A_1512] {strides = array<i32>} : memref<8x256xf32, #tpu.memory_space<vmem>>, vector<1x16xf32>,
      %get3A_1514 = vector.shape_cast %get3A_1513 : vector<1x16xf32> to vector<16xf32>
      %max3A_1515 = arith.maximumf %max3A_1509, %get3A_1514 : vector<16xf32>
      %get3A_1516 = arith.constant 3 : i32
      %get3A_1517 = arith.index_cast %get3A_1516 : i32 to index
      %get3A_1518 = arith.constant 48 : index
      %get3A_1519 = tpu.vector_load %arg9[%get3A_1517, %get3A_1518] {strides = array<i32>} : memref<8x256xf32, #tpu.memory_space<vmem>>, vector<1x16xf32>,
      %get3A_1520 = vector.shape_cast %get3A_1519 : vector<1x16xf32> to vector<16xf32>
      %max3A_1521 = arith.maximumf %max3A_1515, %get3A_1520 : vector<16xf32>
      %get3A_1522 = arith.constant 3 : i32
      %get3A_1523 = arith.index_cast %get3A_1522 : i32 to index
      %get3A_1524 = arith.constant 64 : index
      %get3A_1525 = tpu.vector_load %arg9[%get3A_1523, %get3A_1524] {strides = array<i32>} : memref<8x256xf32, #tpu.memory_space<vmem>>, vector<1x16xf32>,
      %get3A_1526 = vector.shape_cast %get3A_1525 : vector<1x16xf32> to vector<16xf32>
      %max3A_1527 = arith.maximumf %max3A_1521, %get3A_1526 : vector<16xf32>
      %get3A_1528 = arith.constant 3 : i32
      %get3A_1529 = arith.index_cast %get3A_1528 : i32 to index
      %get3A_1530 = arith.constant 80 : index
      %get3A_1531 = tpu.vector_load %arg9[%get3A_1529, %get3A_1530] {strides = array<i32>} : memref<8x256xf32, #tpu.memory_space<vmem>>, vector<1x16xf32>,
      %get3A_1532 = vector.shape_cast %get3A_1531 : vector<1x16xf32> to vector<16xf32>
      %max3A_1533 = arith.maximumf %max3A_1527, %get3A_1532 : vector<16xf32>
      %get3A_1534 = arith.constant 3 : i32
      %get3A_1535 = arith.index_cast %get3A_1534 : i32 to index
      %get3A_1536 = arith.constant 96 : index
      %get3A_1537 = tpu.vector_load %arg9[%get3A_1535, %get3A_1536] {strides = array<i32>} : memref<8x256xf32, #tpu.memory_space<vmem>>, vector<1x16xf32>,
      %get3A_1538 = vector.shape_cast %get3A_1537 : vector<1x16xf32> to vector<16xf32>
      %max3A_1539 = arith.maximumf %max3A_1533, %get3A_1538 : vector<16xf32>
      %get3A_1540 = arith.constant 3 : i32
      %get3A_1541 = arith.index_cast %get3A_1540 : i32 to index
      %get3A_1542 = arith.constant 112 : index
      %get3A_1543 = tpu.vector_load %arg9[%get3A_1541, %get3A_1542] {strides = array<i32>} : memref<8x256xf32, #tpu.memory_space<vmem>>, vector<1x16xf32>,
      %get3A_1544 = vector.shape_cast %get3A_1543 : vector<1x16xf32> to vector<16xf32>
      %max3A_1545 = arith.maximumf %max3A_1539, %get3A_1544 : vector<16xf32>
      %get3A_1546 = arith.constant 3 : i32
      %get3A_1547 = arith.index_cast %get3A_1546 : i32 to index
      %get3A_1548 = arith.constant 128 : index
      %get3A_1549 = tpu.vector_load %arg9[%get3A_1547, %get3A_1548] {strides = array<i32>} : memref<8x256xf32, #tpu.memory_space<vmem>>, vector<1x16xf32>,
      %get3A_1550 = vector.shape_cast %get3A_1549 : vector<1x16xf32> to vector<16xf32>
      %max3A_1551 = arith.maximumf %max3A_1545, %get3A_1550 : vector<16xf32>
      %get3A_1552 = arith.constant 3 : i32
      %get3A_1553 = arith.index_cast %get3A_1552 : i32 to index
      %get3A_1554 = arith.constant 144 : index
      %get3A_1555 = tpu.vector_load %arg9[%get3A_1553, %get3A_1554] {strides = array<i32>} : memref<8x256xf32, #tpu.memory_space<vmem>>, vector<1x16xf32>,
      %get3A_1556 = vector.shape_cast %get3A_1555 : vector<1x16xf32> to vector<16xf32>
      %max3A_1557 = arith.maximumf %max3A_1551, %get3A_1556 : vector<16xf32>
      %get3A_1558 = arith.constant 3 : i32
      %get3A_1559 = arith.index_cast %get3A_1558 : i32 to index
      %get3A_1560 = arith.constant 160 : index
      %get3A_1561 = tpu.vector_load %arg9[%get3A_1559, %get3A_1560] {strides = array<i32>} : memref<8x256xf32, #tpu.memory_space<vmem>>, vector<1x16xf32>,
      %get3A_1562 = vector.shape_cast %get3A_1561 : vector<1x16xf32> to vector<16xf32>
      %max3A_1563 = arith.maximumf %max3A_1557, %get3A_1562 : vector<16xf32>
      %get3A_1564 = arith.constant 3 : i32
      %get3A_1565 = arith.index_cast %get3A_1564 : i32 to index
      %get3A_1566 = arith.constant 176 : index
      %get3A_1567 = tpu.vector_load %arg9[%get3A_1565, %get3A_1566] {strides = array<i32>} : memref<8x256xf32, #tpu.memory_space<vmem>>, vector<1x16xf32>,
      %get3A_1568 = vector.shape_cast %get3A_1567 : vector<1x16xf32> to vector<16xf32>
      %max3A_1569 = arith.maximumf %max3A_1563, %get3A_1568 : vector<16xf32>
      %get3A_1570 = arith.constant 3 : i32
      %get3A_1571 = arith.index_cast %get3A_1570 : i32 to index
      %get3A_1572 = arith.constant 192 : index
      %get3A_1573 = tpu.vector_load %arg9[%get3A_1571, %get3A_1572] {strides = array<i32>} : memref<8x256xf32, #tpu.memory_space<vmem>>, vector<1x16xf32>,
      %get3A_1574 = vector.shape_cast %get3A_1573 : vector<1x16xf32> to vector<16xf32>
      %max3A_1575 = arith.maximumf %max3A_1569, %get3A_1574 : vector<16xf32>
      %get3A_1576 = arith.constant 3 : i32
      %get3A_1577 = arith.index_cast %get3A_1576 : i32 to index
      %get3A_1578 = arith.constant 208 : index
      %get3A_1579 = tpu.vector_load %arg9[%get3A_1577, %get3A_1578] {strides = array<i32>} : memref<8x256xf32, #tpu.memory_space<vmem>>, vector<1x16xf32>,
      %get3A_1580 = vector.shape_cast %get3A_1579 : vector<1x16xf32> to vector<16xf32>
      %max3A_1581 = arith.maximumf %max3A_1575, %get3A_1580 : vector<16xf32>
      %get3A_1582 = arith.constant 3 : i32
      %get3A_1583 = arith.index_cast %get3A_1582 : i32 to index
      %get3A_1584 = arith.constant 224 : index
      %get3A_1585 = tpu.vector_load %arg9[%get3A_1583, %get3A_1584] {strides = array<i32>} : memref<8x256xf32, #tpu.memory_space<vmem>>, vector<1x16xf32>,
      %get3A_1586 = vector.shape_cast %get3A_1585 : vector<1x16xf32> to vector<16xf32>
      %max3A_1587 = arith.maximumf %max3A_1581, %get3A_1586 : vector<16xf32>
      %get3A_1588 = arith.constant 3 : i32
      %get3A_1589 = arith.index_cast %get3A_1588 : i32 to index
      %get3A_1590 = arith.constant 240 : index
      %get3A_1591 = tpu.vector_load %arg9[%get3A_1589, %get3A_1590] {strides = array<i32>} : memref<8x256xf32, #tpu.memory_space<vmem>>, vector<1x16xf32>,
      %get3A_1592 = vector.shape_cast %get3A_1591 : vector<1x16xf32> to vector<16xf32>
      %max3A_1593 = arith.maximumf %max3A_1587, %get3A_1592 : vector<16xf32>
      %iota3A_1594 = tpu.iota {dimensions = array<i32: 0>} : vector<16xi32>
      %xor3A_1595 = arith.constant 8 : i32
      %xor3A_1596 = vector.broadcast %xor3A_1595 : i32 to vector<16xi32>
      %xor3A_1597 = arith.xori %iota3A_1594, %xor3A_1596 : vector<16xi32>
      %broadcast_in_dim3A_1598 = vector.shape_cast %xor3A_1597 : vector<16xi32> to vector<16x1xi32>
      %gather3A_1599 = vector.shape_cast %broadcast_in_dim3A_1598 : vector<16x1xi32> to vector<16xi32>
      %gather3A_1600 = tpu.dynamic_gather %max3A_1593[%gather3A_1599] in [0] : vector<16xf32>, vector<16xi32> -> vector<16xf32>
      %max3A_1601 = arith.maximumf %max3A_1593, %gather3A_1600 : vector<16xf32>
      %xor3A_1602 = arith.constant 4 : i32
      %xor3A_1603 = vector.broadcast %xor3A_1602 : i32 to vector<16xi32>
      %xor3A_1604 = arith.xori %iota3A_1594, %xor3A_1603 : vector<16xi32>
      %broadcast_in_dim3A_1605 = vector.shape_cast %xor3A_1604 : vector<16xi32> to vector<16x1xi32>
      %gather3A_1606 = vector.shape_cast %broadcast_in_dim3A_1605 : vector<16x1xi32> to vector<16xi32>
      %gather3A_1607 = tpu.dynamic_gather %max3A_1601[%gather3A_1606] in [0] : vector<16xf32>, vector<16xi32> -> vector<16xf32>
      %max3A_1608 = arith.maximumf %max3A_1601, %gather3A_1607 : vector<16xf32>
      %xor3A_1609 = arith.constant 2 : i32
      %xor3A_1610 = vector.broadcast %xor3A_1609 : i32 to vector<16xi32>
      %xor3A_1611 = arith.xori %iota3A_1594, %xor3A_1610 : vector<16xi32>
      %broadcast_in_dim3A_1612 = vector.shape_cast %xor3A_1611 : vector<16xi32> to vector<16x1xi32>
      %gather3A_1613 = vector.shape_cast %broadcast_in_dim3A_1612 : vector<16x1xi32> to vector<16xi32>
      %gather3A_1614 = tpu.dynamic_gather %max3A_1608[%gather3A_1613] in [0] : vector<16xf32>, vector<16xi32> -> vector<16xf32>
      %max3A_1615 = arith.maximumf %max3A_1608, %gather3A_1614 : vector<16xf32>
      %xor3A_1616 = arith.constant 1 : i32
      %xor3A_1617 = vector.broadcast %xor3A_1616 : i32 to vector<16xi32>
      %xor3A_1618 = arith.xori %iota3A_1594, %xor3A_1617 : vector<16xi32>
      %broadcast_in_dim3A_1619 = vector.shape_cast %xor3A_1618 : vector<16xi32> to vector<16x1xi32>
      %gather3A_1620 = vector.shape_cast %broadcast_in_dim3A_1619 : vector<16x1xi32> to vector<16xi32>
      %gather3A_1621 = tpu.dynamic_gather %max3A_1615[%gather3A_1620] in [0] : vector<16xf32>, vector<16xi32> -> vector<16xf32>
      %max3A_1622 = arith.maximumf %max3A_1615, %gather3A_1621 : vector<16xf32>
      %broadcast_in_dim3A_1623 = arith.constant 3 : i32
      %broadcast_in_dim3A_1624 = vector.broadcast %broadcast_in_dim3A_1623 : i32 to vector<16xi32>
      %broadcast_in_dim3A_1625 = vector.shape_cast %broadcast_in_dim3A_1624 : vector<16xi32> to vector<16x1xi32>
      %gather3A_1626 = vector.shape_cast %broadcast_in_dim3A_1625 : vector<16x1xi32> to vector<16xi32>
      %gather3A_1627 = tpu.dynamic_gather %get3A_12[%gather3A_1626] in [0] : vector<16xi32>, vector<16xi32> -> vector<16xi32>
      %broadcast_in_dim3A_1628 = arith.constant 0.000000e+00 : f32
      %broadcast_in_dim3A_1629 = vector.broadcast %broadcast_in_dim3A_1628 : f32 to vector<16xf32>
      %broadcast_in_dim3A_1630 = arith.constant 0.000000e+00 : f32
      %broadcast_in_dim3A_1631 = vector.broadcast %broadcast_in_dim3A_1630 : f32 to vector<16xf32>
      %get3A_1632 = arith.constant 3 : i32
      %get3A_1633 = arith.index_cast %get3A_1632 : i32 to index
      %get3A_1634 = arith.constant 0 : index
      %get3A_1635 = tpu.vector_load %arg9[%get3A_1633, %get3A_1634] {strides = array<i32>} : memref<8x256xf32, #tpu.memory_space<vmem>>, vector<1x16xf32>,
      %get3A_1636 = vector.shape_cast %get3A_1635 : vector<1x16xf32> to vector<16xf32>
      %sub3A_1637 = arith.subf %get3A_1636, %max3A_1622 : vector<16xf32>
      %exp3A_1638 = math.exp %sub3A_1637 : vector<16xf32>
      %add3A_1639 = arith.addf %broadcast_in_dim3A_1629, %exp3A_1638 : vector<16xf32>
      %add3A_1640 = arith.constant 0 : i32
      %add3A_1641 = vector.broadcast %add3A_1640 : i32 to vector<16xi32>
      %add3A_1642 = arith.addi %iota3A, %add3A_1641 : vector<16xi32>
      %eq3A_1643 = arith.cmpi eq, %add3A_1642, %gather3A_1627 : vector<16xi32>
      %jit3A_1644 = arith.constant 0.000000e+00 : f32
      %broadcast_in_dim3A_1645 = vector.broadcast %jit3A_1644 : f32 to vector<16xf32>
      %select_n3A_1646 = arith.select %eq3A_1643, %get3A_1636, %broadcast_in_dim3A_1645 : vector<16xi1>, vector<16xf32>
      %add3A_1647 = arith.addf %broadcast_in_dim3A_1631, %select_n3A_1646 : vector<16xf32>
      %get3A_1648 = arith.constant 3 : i32
      %get3A_1649 = arith.index_cast %get3A_1648 : i32 to index
      %get3A_1650 = arith.constant 16 : index
      %get3A_1651 = tpu.vector_load %arg9[%get3A_1649, %get3A_1650] {strides = array<i32>} : memref<8x256xf32, #tpu.memory_space<vmem>>, vector<1x16xf32>,
      %get3A_1652 = vector.shape_cast %get3A_1651 : vector<1x16xf32> to vector<16xf32>
      %sub3A_1653 = arith.subf %get3A_1652, %max3A_1622 : vector<16xf32>
      %exp3A_1654 = math.exp %sub3A_1653 : vector<16xf32>
      %add3A_1655 = arith.addf %add3A_1639, %exp3A_1654 : vector<16xf32>
      %add3A_1656 = arith.constant 16 : i32
      %add3A_1657 = vector.broadcast %add3A_1656 : i32 to vector<16xi32>
      %add3A_1658 = arith.addi %iota3A, %add3A_1657 : vector<16xi32>
      %eq3A_1659 = arith.cmpi eq, %add3A_1658, %gather3A_1627 : vector<16xi32>
      %jit3A_1660 = arith.constant 0.000000e+00 : f32
      %broadcast_in_dim3A_1661 = vector.broadcast %jit3A_1660 : f32 to vector<16xf32>
      %select_n3A_1662 = arith.select %eq3A_1659, %get3A_1652, %broadcast_in_dim3A_1661 : vector<16xi1>, vector<16xf32>
      %add3A_1663 = arith.addf %add3A_1647, %select_n3A_1662 : vector<16xf32>
      %get3A_1664 = arith.constant 3 : i32
      %get3A_1665 = arith.index_cast %get3A_1664 : i32 to index
      %get3A_1666 = arith.constant 32 : index
      %get3A_1667 = tpu.vector_load %arg9[%get3A_1665, %get3A_1666] {strides = array<i32>} : memref<8x256xf32, #tpu.memory_space<vmem>>, vector<1x16xf32>,
      %get3A_1668 = vector.shape_cast %get3A_1667 : vector<1x16xf32> to vector<16xf32>
      %sub3A_1669 = arith.subf %get3A_1668, %max3A_1622 : vector<16xf32>
      %exp3A_1670 = math.exp %sub3A_1669 : vector<16xf32>
      %add3A_1671 = arith.addf %add3A_1655, %exp3A_1670 : vector<16xf32>
      %add3A_1672 = arith.constant 32 : i32
      %add3A_1673 = vector.broadcast %add3A_1672 : i32 to vector<16xi32>
      %add3A_1674 = arith.addi %iota3A, %add3A_1673 : vector<16xi32>
      %eq3A_1675 = arith.cmpi eq, %add3A_1674, %gather3A_1627 : vector<16xi32>
      %jit3A_1676 = arith.constant 0.000000e+00 : f32
      %broadcast_in_dim3A_1677 = vector.broadcast %jit3A_1676 : f32 to vector<16xf32>
      %select_n3A_1678 = arith.select %eq3A_1675, %get3A_1668, %broadcast_in_dim3A_1677 : vector<16xi1>, vector<16xf32>
      %add3A_1679 = arith.addf %add3A_1663, %select_n3A_1678 : vector<16xf32>
      %get3A_1680 = arith.constant 3 : i32
      %get3A_1681 = arith.index_cast %get3A_1680 : i32 to index
      %get3A_1682 = arith.constant 48 : index
      %get3A_1683 = tpu.vector_load %arg9[%get3A_1681, %get3A_1682] {strides = array<i32>} : memref<8x256xf32, #tpu.memory_space<vmem>>, vector<1x16xf32>,
      %get3A_1684 = vector.shape_cast %get3A_1683 : vector<1x16xf32> to vector<16xf32>
      %sub3A_1685 = arith.subf %get3A_1684, %max3A_1622 : vector<16xf32>
      %exp3A_1686 = math.exp %sub3A_1685 : vector<16xf32>
      %add3A_1687 = arith.addf %add3A_1671, %exp3A_1686 : vector<16xf32>
      %add3A_1688 = arith.constant 48 : i32
      %add3A_1689 = vector.broadcast %add3A_1688 : i32 to vector<16xi32>
      %add3A_1690 = arith.addi %iota3A, %add3A_1689 : vector<16xi32>
      %eq3A_1691 = arith.cmpi eq, %add3A_1690, %gather3A_1627 : vector<16xi32>
      %jit3A_1692 = arith.constant 0.000000e+00 : f32
      %broadcast_in_dim3A_1693 = vector.broadcast %jit3A_1692 : f32 to vector<16xf32>
      %select_n3A_1694 = arith.select %eq3A_1691, %get3A_1684, %broadcast_in_dim3A_1693 : vector<16xi1>, vector<16xf32>
      %add3A_1695 = arith.addf %add3A_1679, %select_n3A_1694 : vector<16xf32>
      %get3A_1696 = arith.constant 3 : i32
      %get3A_1697 = arith.index_cast %get3A_1696 : i32 to index
      %get3A_1698 = arith.constant 64 : index
      %get3A_1699 = tpu.vector_load %arg9[%get3A_1697, %get3A_1698] {strides = array<i32>} : memref<8x256xf32, #tpu.memory_space<vmem>>, vector<1x16xf32>,
      %get3A_1700 = vector.shape_cast %get3A_1699 : vector<1x16xf32> to vector<16xf32>
      %sub3A_1701 = arith.subf %get3A_1700, %max3A_1622 : vector<16xf32>
      %exp3A_1702 = math.exp %sub3A_1701 : vector<16xf32>
      %add3A_1703 = arith.addf %add3A_1687, %exp3A_1702 : vector<16xf32>
      %add3A_1704 = arith.constant 64 : i32
      %add3A_1705 = vector.broadcast %add3A_1704 : i32 to vector<16xi32>
      %add3A_1706 = arith.addi %iota3A, %add3A_1705 : vector<16xi32>
      %eq3A_1707 = arith.cmpi eq, %add3A_1706, %gather3A_1627 : vector<16xi32>
      %jit3A_1708 = arith.constant 0.000000e+00 : f32
      %broadcast_in_dim3A_1709 = vector.broadcast %jit3A_1708 : f32 to vector<16xf32>
      %select_n3A_1710 = arith.select %eq3A_1707, %get3A_1700, %broadcast_in_dim3A_1709 : vector<16xi1>, vector<16xf32>
      %add3A_1711 = arith.addf %add3A_1695, %select_n3A_1710 : vector<16xf32>
      %get3A_1712 = arith.constant 3 : i32
      %get3A_1713 = arith.index_cast %get3A_1712 : i32 to index
      %get3A_1714 = arith.constant 80 : index
      %get3A_1715 = tpu.vector_load %arg9[%get3A_1713, %get3A_1714] {strides = array<i32>} : memref<8x256xf32, #tpu.memory_space<vmem>>, vector<1x16xf32>,
      %get3A_1716 = vector.shape_cast %get3A_1715 : vector<1x16xf32> to vector<16xf32>
      %sub3A_1717 = arith.subf %get3A_1716, %max3A_1622 : vector<16xf32>
      %exp3A_1718 = math.exp %sub3A_1717 : vector<16xf32>
      %add3A_1719 = arith.addf %add3A_1703, %exp3A_1718 : vector<16xf32>
      %add3A_1720 = arith.constant 80 : i32
      %add3A_1721 = vector.broadcast %add3A_1720 : i32 to vector<16xi32>
      %add3A_1722 = arith.addi %iota3A, %add3A_1721 : vector<16xi32>
      %eq3A_1723 = arith.cmpi eq, %add3A_1722, %gather3A_1627 : vector<16xi32>
      %jit3A_1724 = arith.constant 0.000000e+00 : f32
      %broadcast_in_dim3A_1725 = vector.broadcast %jit3A_1724 : f32 to vector<16xf32>
      %select_n3A_1726 = arith.select %eq3A_1723, %get3A_1716, %broadcast_in_dim3A_1725 : vector<16xi1>, vector<16xf32>
      %add3A_1727 = arith.addf %add3A_1711, %select_n3A_1726 : vector<16xf32>
      %get3A_1728 = arith.constant 3 : i32
      %get3A_1729 = arith.index_cast %get3A_1728 : i32 to index
      %get3A_1730 = arith.constant 96 : index
      %get3A_1731 = tpu.vector_load %arg9[%get3A_1729, %get3A_1730] {strides = array<i32>} : memref<8x256xf32, #tpu.memory_space<vmem>>, vector<1x16xf32>,
      %get3A_1732 = vector.shape_cast %get3A_1731 : vector<1x16xf32> to vector<16xf32>
      %sub3A_1733 = arith.subf %get3A_1732, %max3A_1622 : vector<16xf32>
      %exp3A_1734 = math.exp %sub3A_1733 : vector<16xf32>
      %add3A_1735 = arith.addf %add3A_1719, %exp3A_1734 : vector<16xf32>
      %add3A_1736 = arith.constant 96 : i32
      %add3A_1737 = vector.broadcast %add3A_1736 : i32 to vector<16xi32>
      %add3A_1738 = arith.addi %iota3A, %add3A_1737 : vector<16xi32>
      %eq3A_1739 = arith.cmpi eq, %add3A_1738, %gather3A_1627 : vector<16xi32>
      %jit3A_1740 = arith.constant 0.000000e+00 : f32
      %broadcast_in_dim3A_1741 = vector.broadcast %jit3A_1740 : f32 to vector<16xf32>
      %select_n3A_1742 = arith.select %eq3A_1739, %get3A_1732, %broadcast_in_dim3A_1741 : vector<16xi1>, vector<16xf32>
      %add3A_1743 = arith.addf %add3A_1727, %select_n3A_1742 : vector<16xf32>
      %get3A_1744 = arith.constant 3 : i32
      %get3A_1745 = arith.index_cast %get3A_1744 : i32 to index
      %get3A_1746 = arith.constant 112 : index
      %get3A_1747 = tpu.vector_load %arg9[%get3A_1745, %get3A_1746] {strides = array<i32>} : memref<8x256xf32, #tpu.memory_space<vmem>>, vector<1x16xf32>,
      %get3A_1748 = vector.shape_cast %get3A_1747 : vector<1x16xf32> to vector<16xf32>
      %sub3A_1749 = arith.subf %get3A_1748, %max3A_1622 : vector<16xf32>
      %exp3A_1750 = math.exp %sub3A_1749 : vector<16xf32>
      %add3A_1751 = arith.addf %add3A_1735, %exp3A_1750 : vector<16xf32>
      %add3A_1752 = arith.constant 112 : i32
      %add3A_1753 = vector.broadcast %add3A_1752 : i32 to vector<16xi32>
      %add3A_1754 = arith.addi %iota3A, %add3A_1753 : vector<16xi32>
      %eq3A_1755 = arith.cmpi eq, %add3A_1754, %gather3A_1627 : vector<16xi32>
      %jit3A_1756 = arith.constant 0.000000e+00 : f32
      %broadcast_in_dim3A_1757 = vector.broadcast %jit3A_1756 : f32 to vector<16xf32>
      %select_n3A_1758 = arith.select %eq3A_1755, %get3A_1748, %broadcast_in_dim3A_1757 : vector<16xi1>, vector<16xf32>
      %add3A_1759 = arith.addf %add3A_1743, %select_n3A_1758 : vector<16xf32>
      %get3A_1760 = arith.constant 3 : i32
      %get3A_1761 = arith.index_cast %get3A_1760 : i32 to index
      %get3A_1762 = arith.constant 128 : index
      %get3A_1763 = tpu.vector_load %arg9[%get3A_1761, %get3A_1762] {strides = array<i32>} : memref<8x256xf32, #tpu.memory_space<vmem>>, vector<1x16xf32>,
      %get3A_1764 = vector.shape_cast %get3A_1763 : vector<1x16xf32> to vector<16xf32>
      %sub3A_1765 = arith.subf %get3A_1764, %max3A_1622 : vector<16xf32>
      %exp3A_1766 = math.exp %sub3A_1765 : vector<16xf32>
      %add3A_1767 = arith.addf %add3A_1751, %exp3A_1766 : vector<16xf32>
      %add3A_1768 = arith.constant 128 : i32
      %add3A_1769 = vector.broadcast %add3A_1768 : i32 to vector<16xi32>
      %add3A_1770 = arith.addi %iota3A, %add3A_1769 : vector<16xi32>
      %eq3A_1771 = arith.cmpi eq, %add3A_1770, %gather3A_1627 : vector<16xi32>
      %jit3A_1772 = arith.constant 0.000000e+00 : f32
      %broadcast_in_dim3A_1773 = vector.broadcast %jit3A_1772 : f32 to vector<16xf32>
      %select_n3A_1774 = arith.select %eq3A_1771, %get3A_1764, %broadcast_in_dim3A_1773 : vector<16xi1>, vector<16xf32>
      %add3A_1775 = arith.addf %add3A_1759, %select_n3A_1774 : vector<16xf32>
      %get3A_1776 = arith.constant 3 : i32
      %get3A_1777 = arith.index_cast %get3A_1776 : i32 to index
      %get3A_1778 = arith.constant 144 : index
      %get3A_1779 = tpu.vector_load %arg9[%get3A_1777, %get3A_1778] {strides = array<i32>} : memref<8x256xf32, #tpu.memory_space<vmem>>, vector<1x16xf32>,
      %get3A_1780 = vector.shape_cast %get3A_1779 : vector<1x16xf32> to vector<16xf32>
      %sub3A_1781 = arith.subf %get3A_1780, %max3A_1622 : vector<16xf32>
      %exp3A_1782 = math.exp %sub3A_1781 : vector<16xf32>
      %add3A_1783 = arith.addf %add3A_1767, %exp3A_1782 : vector<16xf32>
      %add3A_1784 = arith.constant 144 : i32
      %add3A_1785 = vector.broadcast %add3A_1784 : i32 to vector<16xi32>
      %add3A_1786 = arith.addi %iota3A, %add3A_1785 : vector<16xi32>
      %eq3A_1787 = arith.cmpi eq, %add3A_1786, %gather3A_1627 : vector<16xi32>
      %jit3A_1788 = arith.constant 0.000000e+00 : f32
      %broadcast_in_dim3A_1789 = vector.broadcast %jit3A_1788 : f32 to vector<16xf32>
      %select_n3A_1790 = arith.select %eq3A_1787, %get3A_1780, %broadcast_in_dim3A_1789 : vector<16xi1>, vector<16xf32>
      %add3A_1791 = arith.addf %add3A_1775, %select_n3A_1790 : vector<16xf32>
      %get3A_1792 = arith.constant 3 : i32
      %get3A_1793 = arith.index_cast %get3A_1792 : i32 to index
      %get3A_1794 = arith.constant 160 : index
      %get3A_1795 = tpu.vector_load %arg9[%get3A_1793, %get3A_1794] {strides = array<i32>} : memref<8x256xf32, #tpu.memory_space<vmem>>, vector<1x16xf32>,
      %get3A_1796 = vector.shape_cast %get3A_1795 : vector<1x16xf32> to vector<16xf32>
      %sub3A_1797 = arith.subf %get3A_1796, %max3A_1622 : vector<16xf32>
      %exp3A_1798 = math.exp %sub3A_1797 : vector<16xf32>
      %add3A_1799 = arith.addf %add3A_1783, %exp3A_1798 : vector<16xf32>
      %add3A_1800 = arith.constant 160 : i32
      %add3A_1801 = vector.broadcast %add3A_1800 : i32 to vector<16xi32>
      %add3A_1802 = arith.addi %iota3A, %add3A_1801 : vector<16xi32>
      %eq3A_1803 = arith.cmpi eq, %add3A_1802, %gather3A_1627 : vector<16xi32>
      %jit3A_1804 = arith.constant 0.000000e+00 : f32
      %broadcast_in_dim3A_1805 = vector.broadcast %jit3A_1804 : f32 to vector<16xf32>
      %select_n3A_1806 = arith.select %eq3A_1803, %get3A_1796, %broadcast_in_dim3A_1805 : vector<16xi1>, vector<16xf32>
      %add3A_1807 = arith.addf %add3A_1791, %select_n3A_1806 : vector<16xf32>
      %get3A_1808 = arith.constant 3 : i32
      %get3A_1809 = arith.index_cast %get3A_1808 : i32 to index
      %get3A_1810 = arith.constant 176 : index
      %get3A_1811 = tpu.vector_load %arg9[%get3A_1809, %get3A_1810] {strides = array<i32>} : memref<8x256xf32, #tpu.memory_space<vmem>>, vector<1x16xf32>,
      %get3A_1812 = vector.shape_cast %get3A_1811 : vector<1x16xf32> to vector<16xf32>
      %sub3A_1813 = arith.subf %get3A_1812, %max3A_1622 : vector<16xf32>
      %exp3A_1814 = math.exp %sub3A_1813 : vector<16xf32>
      %add3A_1815 = arith.addf %add3A_1799, %exp3A_1814 : vector<16xf32>
      %add3A_1816 = arith.constant 176 : i32
      %add3A_1817 = vector.broadcast %add3A_1816 : i32 to vector<16xi32>
      %add3A_1818 = arith.addi %iota3A, %add3A_1817 : vector<16xi32>
      %eq3A_1819 = arith.cmpi eq, %add3A_1818, %gather3A_1627 : vector<16xi32>
      %jit3A_1820 = arith.constant 0.000000e+00 : f32
      %broadcast_in_dim3A_1821 = vector.broadcast %jit3A_1820 : f32 to vector<16xf32>
      %select_n3A_1822 = arith.select %eq3A_1819, %get3A_1812, %broadcast_in_dim3A_1821 : vector<16xi1>, vector<16xf32>
      %add3A_1823 = arith.addf %add3A_1807, %select_n3A_1822 : vector<16xf32>
      %get3A_1824 = arith.constant 3 : i32
      %get3A_1825 = arith.index_cast %get3A_1824 : i32 to index
      %get3A_1826 = arith.constant 192 : index
      %get3A_1827 = tpu.vector_load %arg9[%get3A_1825, %get3A_1826] {strides = array<i32>} : memref<8x256xf32, #tpu.memory_space<vmem>>, vector<1x16xf32>,
      %get3A_1828 = vector.shape_cast %get3A_1827 : vector<1x16xf32> to vector<16xf32>
      %sub3A_1829 = arith.subf %get3A_1828, %max3A_1622 : vector<16xf32>
      %exp3A_1830 = math.exp %sub3A_1829 : vector<16xf32>
      %add3A_1831 = arith.addf %add3A_1815, %exp3A_1830 : vector<16xf32>
      %add3A_1832 = arith.constant 192 : i32
      %add3A_1833 = vector.broadcast %add3A_1832 : i32 to vector<16xi32>
      %add3A_1834 = arith.addi %iota3A, %add3A_1833 : vector<16xi32>
      %eq3A_1835 = arith.cmpi eq, %add3A_1834, %gather3A_1627 : vector<16xi32>
      %jit3A_1836 = arith.constant 0.000000e+00 : f32
      %broadcast_in_dim3A_1837 = vector.broadcast %jit3A_1836 : f32 to vector<16xf32>
      %select_n3A_1838 = arith.select %eq3A_1835, %get3A_1828, %broadcast_in_dim3A_1837 : vector<16xi1>, vector<16xf32>
      %add3A_1839 = arith.addf %add3A_1823, %select_n3A_1838 : vector<16xf32>
      %get3A_1840 = arith.constant 3 : i32
      %get3A_1841 = arith.index_cast %get3A_1840 : i32 to index
      %get3A_1842 = arith.constant 208 : index
      %get3A_1843 = tpu.vector_load %arg9[%get3A_1841, %get3A_1842] {strides = array<i32>} : memref<8x256xf32, #tpu.memory_space<vmem>>, vector<1x16xf32>,
      %get3A_1844 = vector.shape_cast %get3A_1843 : vector<1x16xf32> to vector<16xf32>
      %sub3A_1845 = arith.subf %get3A_1844, %max3A_1622 : vector<16xf32>
      %exp3A_1846 = math.exp %sub3A_1845 : vector<16xf32>
      %add3A_1847 = arith.addf %add3A_1831, %exp3A_1846 : vector<16xf32>
      %add3A_1848 = arith.constant 208 : i32
      %add3A_1849 = vector.broadcast %add3A_1848 : i32 to vector<16xi32>
      %add3A_1850 = arith.addi %iota3A, %add3A_1849 : vector<16xi32>
      %eq3A_1851 = arith.cmpi eq, %add3A_1850, %gather3A_1627 : vector<16xi32>
      %jit3A_1852 = arith.constant 0.000000e+00 : f32
      %broadcast_in_dim3A_1853 = vector.broadcast %jit3A_1852 : f32 to vector<16xf32>
      %select_n3A_1854 = arith.select %eq3A_1851, %get3A_1844, %broadcast_in_dim3A_1853 : vector<16xi1>, vector<16xf32>
      %add3A_1855 = arith.addf %add3A_1839, %select_n3A_1854 : vector<16xf32>
      %get3A_1856 = arith.constant 3 : i32
      %get3A_1857 = arith.index_cast %get3A_1856 : i32 to index
      %get3A_1858 = arith.constant 224 : index
      %get3A_1859 = tpu.vector_load %arg9[%get3A_1857, %get3A_1858] {strides = array<i32>} : memref<8x256xf32, #tpu.memory_space<vmem>>, vector<1x16xf32>,
      %get3A_1860 = vector.shape_cast %get3A_1859 : vector<1x16xf32> to vector<16xf32>
      %sub3A_1861 = arith.subf %get3A_1860, %max3A_1622 : vector<16xf32>
      %exp3A_1862 = math.exp %sub3A_1861 : vector<16xf32>
      %add3A_1863 = arith.addf %add3A_1847, %exp3A_1862 : vector<16xf32>
      %add3A_1864 = arith.constant 224 : i32
      %add3A_1865 = vector.broadcast %add3A_1864 : i32 to vector<16xi32>
      %add3A_1866 = arith.addi %iota3A, %add3A_1865 : vector<16xi32>
      %eq3A_1867 = arith.cmpi eq, %add3A_1866, %gather3A_1627 : vector<16xi32>
      %jit3A_1868 = arith.constant 0.000000e+00 : f32
      %broadcast_in_dim3A_1869 = vector.broadcast %jit3A_1868 : f32 to vector<16xf32>
      %select_n3A_1870 = arith.select %eq3A_1867, %get3A_1860, %broadcast_in_dim3A_1869 : vector<16xi1>, vector<16xf32>
      %add3A_1871 = arith.addf %add3A_1855, %select_n3A_1870 : vector<16xf32>
      %get3A_1872 = arith.constant 3 : i32
      %get3A_1873 = arith.index_cast %get3A_1872 : i32 to index
      %get3A_1874 = arith.constant 240 : index
      %get3A_1875 = tpu.vector_load %arg9[%get3A_1873, %get3A_1874] {strides = array<i32>} : memref<8x256xf32, #tpu.memory_space<vmem>>, vector<1x16xf32>,
      %get3A_1876 = vector.shape_cast %get3A_1875 : vector<1x16xf32> to vector<16xf32>
      %sub3A_1877 = arith.subf %get3A_1876, %max3A_1622 : vector<16xf32>
      %exp3A_1878 = math.exp %sub3A_1877 : vector<16xf32>
      %add3A_1879 = arith.addf %add3A_1863, %exp3A_1878 : vector<16xf32>
      %add3A_1880 = arith.constant 240 : i32
      %add3A_1881 = vector.broadcast %add3A_1880 : i32 to vector<16xi32>
      %add3A_1882 = arith.addi %iota3A, %add3A_1881 : vector<16xi32>
      %eq3A_1883 = arith.cmpi eq, %add3A_1882, %gather3A_1627 : vector<16xi32>
      %jit3A_1884 = arith.constant 0.000000e+00 : f32
      %broadcast_in_dim3A_1885 = vector.broadcast %jit3A_1884 : f32 to vector<16xf32>
      %select_n3A_1886 = arith.select %eq3A_1883, %get3A_1876, %broadcast_in_dim3A_1885 : vector<16xi1>, vector<16xf32>
      %add3A_1887 = arith.addf %add3A_1871, %select_n3A_1886 : vector<16xf32>
      %iota3A_1888 = tpu.iota {dimensions = array<i32: 0>} : vector<16xi32>
      %xor3A_1889 = arith.constant 8 : i32
      %xor3A_1890 = vector.broadcast %xor3A_1889 : i32 to vector<16xi32>
      %xor3A_1891 = arith.xori %iota3A_1888, %xor3A_1890 : vector<16xi32>
      %broadcast_in_dim3A_1892 = vector.shape_cast %xor3A_1891 : vector<16xi32> to vector<16x1xi32>
      %gather3A_1893 = vector.shape_cast %broadcast_in_dim3A_1892 : vector<16x1xi32> to vector<16xi32>
      %gather3A_1894 = tpu.dynamic_gather %add3A_1879[%gather3A_1893] in [0] : vector<16xf32>, vector<16xi32> -> vector<16xf32>
      %add3A_1895 = arith.addf %add3A_1879, %gather3A_1894 : vector<16xf32>
      %xor3A_1896 = arith.constant 4 : i32
      %xor3A_1897 = vector.broadcast %xor3A_1896 : i32 to vector<16xi32>
      %xor3A_1898 = arith.xori %iota3A_1888, %xor3A_1897 : vector<16xi32>
      %broadcast_in_dim3A_1899 = vector.shape_cast %xor3A_1898 : vector<16xi32> to vector<16x1xi32>
      %gather3A_1900 = vector.shape_cast %broadcast_in_dim3A_1899 : vector<16x1xi32> to vector<16xi32>
      %gather3A_1901 = tpu.dynamic_gather %add3A_1895[%gather3A_1900] in [0] : vector<16xf32>, vector<16xi32> -> vector<16xf32>
      %add3A_1902 = arith.addf %add3A_1895, %gather3A_1901 : vector<16xf32>
      %xor3A_1903 = arith.constant 2 : i32
      %xor3A_1904 = vector.broadcast %xor3A_1903 : i32 to vector<16xi32>
      %xor3A_1905 = arith.xori %iota3A_1888, %xor3A_1904 : vector<16xi32>
      %broadcast_in_dim3A_1906 = vector.shape_cast %xor3A_1905 : vector<16xi32> to vector<16x1xi32>
      %gather3A_1907 = vector.shape_cast %broadcast_in_dim3A_1906 : vector<16x1xi32> to vector<16xi32>
      %gather3A_1908 = tpu.dynamic_gather %add3A_1902[%gather3A_1907] in [0] : vector<16xf32>, vector<16xi32> -> vector<16xf32>
      %add3A_1909 = arith.addf %add3A_1902, %gather3A_1908 : vector<16xf32>
      %xor3A_1910 = arith.constant 1 : i32
      %xor3A_1911 = vector.broadcast %xor3A_1910 : i32 to vector<16xi32>
      %xor3A_1912 = arith.xori %iota3A_1888, %xor3A_1911 : vector<16xi32>
      %broadcast_in_dim3A_1913 = vector.shape_cast %xor3A_1912 : vector<16xi32> to vector<16x1xi32>
      %gather3A_1914 = vector.shape_cast %broadcast_in_dim3A_1913 : vector<16x1xi32> to vector<16xi32>
      %gather3A_1915 = tpu.dynamic_gather %add3A_1909[%gather3A_1914] in [0] : vector<16xf32>, vector<16xi32> -> vector<16xf32>
      %add3A_1916 = arith.addf %add3A_1909, %gather3A_1915 : vector<16xf32>
      %iota3A_1917 = tpu.iota {dimensions = array<i32: 0>} : vector<16xi32>
      %xor3A_1918 = arith.constant 8 : i32
      %xor3A_1919 = vector.broadcast %xor3A_1918 : i32 to vector<16xi32>
      %xor3A_1920 = arith.xori %iota3A_1917, %xor3A_1919 : vector<16xi32>
      %broadcast_in_dim3A_1921 = vector.shape_cast %xor3A_1920 : vector<16xi32> to vector<16x1xi32>
      %gather3A_1922 = vector.shape_cast %broadcast_in_dim3A_1921 : vector<16x1xi32> to vector<16xi32>
      %gather3A_1923 = tpu.dynamic_gather %add3A_1887[%gather3A_1922] in [0] : vector<16xf32>, vector<16xi32> -> vector<16xf32>
      %add3A_1924 = arith.addf %add3A_1887, %gather3A_1923 : vector<16xf32>
      %xor3A_1925 = arith.constant 4 : i32
      %xor3A_1926 = vector.broadcast %xor3A_1925 : i32 to vector<16xi32>
      %xor3A_1927 = arith.xori %iota3A_1917, %xor3A_1926 : vector<16xi32>
      %broadcast_in_dim3A_1928 = vector.shape_cast %xor3A_1927 : vector<16xi32> to vector<16x1xi32>
      %gather3A_1929 = vector.shape_cast %broadcast_in_dim3A_1928 : vector<16x1xi32> to vector<16xi32>
      %gather3A_1930 = tpu.dynamic_gather %add3A_1924[%gather3A_1929] in [0] : vector<16xf32>, vector<16xi32> -> vector<16xf32>
      %add3A_1931 = arith.addf %add3A_1924, %gather3A_1930 : vector<16xf32>
      %xor3A_1932 = arith.constant 2 : i32
      %xor3A_1933 = vector.broadcast %xor3A_1932 : i32 to vector<16xi32>
      %xor3A_1934 = arith.xori %iota3A_1917, %xor3A_1933 : vector<16xi32>
      %broadcast_in_dim3A_1935 = vector.shape_cast %xor3A_1934 : vector<16xi32> to vector<16x1xi32>
      %gather3A_1936 = vector.shape_cast %broadcast_in_dim3A_1935 : vector<16x1xi32> to vector<16xi32>
      %gather3A_1937 = tpu.dynamic_gather %add3A_1931[%gather3A_1936] in [0] : vector<16xf32>, vector<16xi32> -> vector<16xf32>
      %add3A_1938 = arith.addf %add3A_1931, %gather3A_1937 : vector<16xf32>
      %xor3A_1939 = arith.constant 1 : i32
      %xor3A_1940 = vector.broadcast %xor3A_1939 : i32 to vector<16xi32>
      %xor3A_1941 = arith.xori %iota3A_1917, %xor3A_1940 : vector<16xi32>
      %broadcast_in_dim3A_1942 = vector.shape_cast %xor3A_1941 : vector<16xi32> to vector<16x1xi32>
      %gather3A_1943 = vector.shape_cast %broadcast_in_dim3A_1942 : vector<16x1xi32> to vector<16xi32>
      %gather3A_1944 = tpu.dynamic_gather %add3A_1938[%gather3A_1943] in [0] : vector<16xf32>, vector<16xi32> -> vector<16xf32>
      %add3A_1945 = arith.addf %add3A_1938, %gather3A_1944 : vector<16xf32>
      %add3A_1946 = arith.addf %sub3A_1498, %add3A_1945 : vector<16xf32>
      %sub3A_1947 = arith.subf %add3A_1946, %max3A_1622 : vector<16xf32>
      %bitcast_convert_type3A_1948 = tpu.bitcast %add3A_1916 : vector<16xf32> -> vector<16xi32>
      %shift_right_arithmetic3A_1949 = arith.constant 23 : i32
      %shift_right_arithmetic3A_1950 = vector.broadcast %shift_right_arithmetic3A_1949 : i32 to vector<16xi32>
      %shift_right_arithmetic3A_1951 = arith.shrsi %bitcast_convert_type3A_1948, %shift_right_arithmetic3A_1950 : vector<16xi32>
      %and3A_1952 = arith.constant 255 : i32
      %and3A_1953 = vector.broadcast %and3A_1952 : i32 to vector<16xi32>
      %and3A_1954 = arith.andi %shift_right_arithmetic3A_1951, %and3A_1953 : vector<16xi32>
      %sub3A_1955 = arith.constant 127 : i32
      %sub3A_1956 = vector.broadcast %sub3A_1955 : i32 to vector<16xi32>
      %sub3A_1957 = arith.subi %and3A_1954, %sub3A_1956 : vector<16xi32>
      %and3A_1958 = arith.constant 8388607 : i32
      %and3A_1959 = vector.broadcast %and3A_1958 : i32 to vector<16xi32>
      %and3A_1960 = arith.andi %bitcast_convert_type3A_1948, %and3A_1959 : vector<16xi32>
      %convert_element_type3A_1961 = arith.sitofp %and3A_1960 : vector<16xi32> to vector<16xf32>
      %mul3A_1962 = arith.constant 1.1920929E-7 : f32
      %mul3A_1963 = vector.broadcast %mul3A_1962 : f32 to vector<16xf32>
      %mul3A_1964 = arith.mulf %convert_element_type3A_1961, %mul3A_1963 : vector<16xf32>
      %convert_element_type3A_1965 = arith.sitofp %sub3A_1957 : vector<16xi32> to vector<16xf32>
      %add3A_1966 = arith.addf %convert_element_type3A_1965, %mul3A_1964 : vector<16xf32>
      %mul3A_1967 = arith.constant 0.693147182 : f32
      %mul3A_1968 = vector.broadcast %mul3A_1967 : f32 to vector<16xf32>
      %mul3A_1969 = arith.mulf %add3A_1966, %mul3A_1968 : vector<16xf32>
      %neg3A_1970 = arith.constant 0.000000e+00 : f32
      %neg3A_1971 = vector.broadcast %neg3A_1970 : f32 to vector<16xf32>
      %neg3A_1972 = arith.subf %neg3A_1971, %mul3A_1969 : vector<16xf32>
      %exp3A_1973 = math.exp %neg3A_1972 : vector<16xf32>
      %mul3A_1974 = arith.mulf %add3A_1916, %exp3A_1973 : vector<16xf32>
      %add3A_1975 = arith.addf %mul3A_1969, %mul3A_1974 : vector<16xf32>
      %sub3A_1976 = arith.constant 1.000000e+00 : f32
      %sub3A_1977 = vector.broadcast %sub3A_1976 : f32 to vector<16xf32>
      %sub3A_1978 = arith.subf %add3A_1975, %sub3A_1977 : vector<16xf32>
      %neg3A_1979 = arith.constant 0.000000e+00 : f32
      %neg3A_1980 = vector.broadcast %neg3A_1979 : f32 to vector<16xf32>
      %neg3A_1981 = arith.subf %neg3A_1980, %sub3A_1978 : vector<16xf32>
      %exp3A_1982 = math.exp %neg3A_1981 : vector<16xf32>
      %mul3A_1983 = arith.mulf %add3A_1916, %exp3A_1982 : vector<16xf32>
      %add3A_1984 = arith.addf %sub3A_1978, %mul3A_1983 : vector<16xf32>
      %sub3A_1985 = arith.constant 1.000000e+00 : f32
      %sub3A_1986 = vector.broadcast %sub3A_1985 : f32 to vector<16xf32>
      %sub3A_1987 = arith.subf %add3A_1984, %sub3A_1986 : vector<16xf32>
      %neg3A_1988 = arith.constant 0.000000e+00 : f32
      %neg3A_1989 = vector.broadcast %neg3A_1988 : f32 to vector<16xf32>
      %neg3A_1990 = arith.subf %neg3A_1989, %sub3A_1987 : vector<16xf32>
      %exp3A_1991 = math.exp %neg3A_1990 : vector<16xf32>
      %mul3A_1992 = arith.mulf %add3A_1916, %exp3A_1991 : vector<16xf32>
      %add3A_1993 = arith.addf %sub3A_1987, %mul3A_1992 : vector<16xf32>
      %sub3A_1994 = arith.constant 1.000000e+00 : f32
      %sub3A_1995 = vector.broadcast %sub3A_1994 : f32 to vector<16xf32>
      %sub3A_1996 = arith.subf %add3A_1993, %sub3A_1995 : vector<16xf32>
      %sub3A_1997 = arith.subf %sub3A_1947, %sub3A_1996 : vector<16xf32>
      %get3A_1998 = arith.constant 4 : i32
      %get3A_1999 = arith.index_cast %get3A_1998 : i32 to index
      %get3A_2000 = arith.constant 0 : index
      %get3A_2001 = tpu.vector_load %arg9[%get3A_1999, %get3A_2000] {strides = array<i32>} : memref<8x256xf32, #tpu.memory_space<vmem>>, vector<1x16xf32>,
      %get3A_2002 = vector.shape_cast %get3A_2001 : vector<1x16xf32> to vector<16xf32>
      %get3A_2003 = arith.constant 4 : i32
      %get3A_2004 = arith.index_cast %get3A_2003 : i32 to index
      %get3A_2005 = arith.constant 16 : index
      %get3A_2006 = tpu.vector_load %arg9[%get3A_2004, %get3A_2005] {strides = array<i32>} : memref<8x256xf32, #tpu.memory_space<vmem>>, vector<1x16xf32>,
      %get3A_2007 = vector.shape_cast %get3A_2006 : vector<1x16xf32> to vector<16xf32>
      %max3A_2008 = arith.maximumf %get3A_2002, %get3A_2007 : vector<16xf32>
      %get3A_2009 = arith.constant 4 : i32
      %get3A_2010 = arith.index_cast %get3A_2009 : i32 to index
      %get3A_2011 = arith.constant 32 : index
      %get3A_2012 = tpu.vector_load %arg9[%get3A_2010, %get3A_2011] {strides = array<i32>} : memref<8x256xf32, #tpu.memory_space<vmem>>, vector<1x16xf32>,
      %get3A_2013 = vector.shape_cast %get3A_2012 : vector<1x16xf32> to vector<16xf32>
      %max3A_2014 = arith.maximumf %max3A_2008, %get3A_2013 : vector<16xf32>
      %get3A_2015 = arith.constant 4 : i32
      %get3A_2016 = arith.index_cast %get3A_2015 : i32 to index
      %get3A_2017 = arith.constant 48 : index
      %get3A_2018 = tpu.vector_load %arg9[%get3A_2016, %get3A_2017] {strides = array<i32>} : memref<8x256xf32, #tpu.memory_space<vmem>>, vector<1x16xf32>,
      %get3A_2019 = vector.shape_cast %get3A_2018 : vector<1x16xf32> to vector<16xf32>
      %max3A_2020 = arith.maximumf %max3A_2014, %get3A_2019 : vector<16xf32>
      %get3A_2021 = arith.constant 4 : i32
      %get3A_2022 = arith.index_cast %get3A_2021 : i32 to index
      %get3A_2023 = arith.constant 64 : index
      %get3A_2024 = tpu.vector_load %arg9[%get3A_2022, %get3A_2023] {strides = array<i32>} : memref<8x256xf32, #tpu.memory_space<vmem>>, vector<1x16xf32>,
      %get3A_2025 = vector.shape_cast %get3A_2024 : vector<1x16xf32> to vector<16xf32>
      %max3A_2026 = arith.maximumf %max3A_2020, %get3A_2025 : vector<16xf32>
      %get3A_2027 = arith.constant 4 : i32
      %get3A_2028 = arith.index_cast %get3A_2027 : i32 to index
      %get3A_2029 = arith.constant 80 : index
      %get3A_2030 = tpu.vector_load %arg9[%get3A_2028, %get3A_2029] {strides = array<i32>} : memref<8x256xf32, #tpu.memory_space<vmem>>, vector<1x16xf32>,
      %get3A_2031 = vector.shape_cast %get3A_2030 : vector<1x16xf32> to vector<16xf32>
      %max3A_2032 = arith.maximumf %max3A_2026, %get3A_2031 : vector<16xf32>
      %get3A_2033 = arith.constant 4 : i32
      %get3A_2034 = arith.index_cast %get3A_2033 : i32 to index
      %get3A_2035 = arith.constant 96 : index
      %get3A_2036 = tpu.vector_load %arg9[%get3A_2034, %get3A_2035] {strides = array<i32>} : memref<8x256xf32, #tpu.memory_space<vmem>>, vector<1x16xf32>,
      %get3A_2037 = vector.shape_cast %get3A_2036 : vector<1x16xf32> to vector<16xf32>
      %max3A_2038 = arith.maximumf %max3A_2032, %get3A_2037 : vector<16xf32>
      %get3A_2039 = arith.constant 4 : i32
      %get3A_2040 = arith.index_cast %get3A_2039 : i32 to index
      %get3A_2041 = arith.constant 112 : index
      %get3A_2042 = tpu.vector_load %arg9[%get3A_2040, %get3A_2041] {strides = array<i32>} : memref<8x256xf32, #tpu.memory_space<vmem>>, vector<1x16xf32>,
      %get3A_2043 = vector.shape_cast %get3A_2042 : vector<1x16xf32> to vector<16xf32>
      %max3A_2044 = arith.maximumf %max3A_2038, %get3A_2043 : vector<16xf32>
      %get3A_2045 = arith.constant 4 : i32
      %get3A_2046 = arith.index_cast %get3A_2045 : i32 to index
      %get3A_2047 = arith.constant 128 : index
      %get3A_2048 = tpu.vector_load %arg9[%get3A_2046, %get3A_2047] {strides = array<i32>} : memref<8x256xf32, #tpu.memory_space<vmem>>, vector<1x16xf32>,
      %get3A_2049 = vector.shape_cast %get3A_2048 : vector<1x16xf32> to vector<16xf32>
      %max3A_2050 = arith.maximumf %max3A_2044, %get3A_2049 : vector<16xf32>
      %get3A_2051 = arith.constant 4 : i32
      %get3A_2052 = arith.index_cast %get3A_2051 : i32 to index
      %get3A_2053 = arith.constant 144 : index
      %get3A_2054 = tpu.vector_load %arg9[%get3A_2052, %get3A_2053] {strides = array<i32>} : memref<8x256xf32, #tpu.memory_space<vmem>>, vector<1x16xf32>,
      %get3A_2055 = vector.shape_cast %get3A_2054 : vector<1x16xf32> to vector<16xf32>
      %max3A_2056 = arith.maximumf %max3A_2050, %get3A_2055 : vector<16xf32>
      %get3A_2057 = arith.constant 4 : i32
      %get3A_2058 = arith.index_cast %get3A_2057 : i32 to index
      %get3A_2059 = arith.constant 160 : index
      %get3A_2060 = tpu.vector_load %arg9[%get3A_2058, %get3A_2059] {strides = array<i32>} : memref<8x256xf32, #tpu.memory_space<vmem>>, vector<1x16xf32>,
      %get3A_2061 = vector.shape_cast %get3A_2060 : vector<1x16xf32> to vector<16xf32>
      %max3A_2062 = arith.maximumf %max3A_2056, %get3A_2061 : vector<16xf32>
      %get3A_2063 = arith.constant 4 : i32
      %get3A_2064 = arith.index_cast %get3A_2063 : i32 to index
      %get3A_2065 = arith.constant 176 : index
      %get3A_2066 = tpu.vector_load %arg9[%get3A_2064, %get3A_2065] {strides = array<i32>} : memref<8x256xf32, #tpu.memory_space<vmem>>, vector<1x16xf32>,
      %get3A_2067 = vector.shape_cast %get3A_2066 : vector<1x16xf32> to vector<16xf32>
      %max3A_2068 = arith.maximumf %max3A_2062, %get3A_2067 : vector<16xf32>
      %get3A_2069 = arith.constant 4 : i32
      %get3A_2070 = arith.index_cast %get3A_2069 : i32 to index
      %get3A_2071 = arith.constant 192 : index
      %get3A_2072 = tpu.vector_load %arg9[%get3A_2070, %get3A_2071] {strides = array<i32>} : memref<8x256xf32, #tpu.memory_space<vmem>>, vector<1x16xf32>,
      %get3A_2073 = vector.shape_cast %get3A_2072 : vector<1x16xf32> to vector<16xf32>
      %max3A_2074 = arith.maximumf %max3A_2068, %get3A_2073 : vector<16xf32>
      %get3A_2075 = arith.constant 4 : i32
      %get3A_2076 = arith.index_cast %get3A_2075 : i32 to index
      %get3A_2077 = arith.constant 208 : index
      %get3A_2078 = tpu.vector_load %arg9[%get3A_2076, %get3A_2077] {strides = array<i32>} : memref<8x256xf32, #tpu.memory_space<vmem>>, vector<1x16xf32>,
      %get3A_2079 = vector.shape_cast %get3A_2078 : vector<1x16xf32> to vector<16xf32>
      %max3A_2080 = arith.maximumf %max3A_2074, %get3A_2079 : vector<16xf32>
      %get3A_2081 = arith.constant 4 : i32
      %get3A_2082 = arith.index_cast %get3A_2081 : i32 to index
      %get3A_2083 = arith.constant 224 : index
      %get3A_2084 = tpu.vector_load %arg9[%get3A_2082, %get3A_2083] {strides = array<i32>} : memref<8x256xf32, #tpu.memory_space<vmem>>, vector<1x16xf32>,
      %get3A_2085 = vector.shape_cast %get3A_2084 : vector<1x16xf32> to vector<16xf32>
      %max3A_2086 = arith.maximumf %max3A_2080, %get3A_2085 : vector<16xf32>
      %get3A_2087 = arith.constant 4 : i32
      %get3A_2088 = arith.index_cast %get3A_2087 : i32 to index
      %get3A_2089 = arith.constant 240 : index
      %get3A_2090 = tpu.vector_load %arg9[%get3A_2088, %get3A_2089] {strides = array<i32>} : memref<8x256xf32, #tpu.memory_space<vmem>>, vector<1x16xf32>,
      %get3A_2091 = vector.shape_cast %get3A_2090 : vector<1x16xf32> to vector<16xf32>
      %max3A_2092 = arith.maximumf %max3A_2086, %get3A_2091 : vector<16xf32>
      %iota3A_2093 = tpu.iota {dimensions = array<i32: 0>} : vector<16xi32>
      %xor3A_2094 = arith.constant 8 : i32
      %xor3A_2095 = vector.broadcast %xor3A_2094 : i32 to vector<16xi32>
      %xor3A_2096 = arith.xori %iota3A_2093, %xor3A_2095 : vector<16xi32>
      %broadcast_in_dim3A_2097 = vector.shape_cast %xor3A_2096 : vector<16xi32> to vector<16x1xi32>
      %gather3A_2098 = vector.shape_cast %broadcast_in_dim3A_2097 : vector<16x1xi32> to vector<16xi32>
      %gather3A_2099 = tpu.dynamic_gather %max3A_2092[%gather3A_2098] in [0] : vector<16xf32>, vector<16xi32> -> vector<16xf32>
      %max3A_2100 = arith.maximumf %max3A_2092, %gather3A_2099 : vector<16xf32>
      %xor3A_2101 = arith.constant 4 : i32
      %xor3A_2102 = vector.broadcast %xor3A_2101 : i32 to vector<16xi32>
      %xor3A_2103 = arith.xori %iota3A_2093, %xor3A_2102 : vector<16xi32>
      %broadcast_in_dim3A_2104 = vector.shape_cast %xor3A_2103 : vector<16xi32> to vector<16x1xi32>
      %gather3A_2105 = vector.shape_cast %broadcast_in_dim3A_2104 : vector<16x1xi32> to vector<16xi32>
      %gather3A_2106 = tpu.dynamic_gather %max3A_2100[%gather3A_2105] in [0] : vector<16xf32>, vector<16xi32> -> vector<16xf32>
      %max3A_2107 = arith.maximumf %max3A_2100, %gather3A_2106 : vector<16xf32>
      %xor3A_2108 = arith.constant 2 : i32
      %xor3A_2109 = vector.broadcast %xor3A_2108 : i32 to vector<16xi32>
      %xor3A_2110 = arith.xori %iota3A_2093, %xor3A_2109 : vector<16xi32>
      %broadcast_in_dim3A_2111 = vector.shape_cast %xor3A_2110 : vector<16xi32> to vector<16x1xi32>
      %gather3A_2112 = vector.shape_cast %broadcast_in_dim3A_2111 : vector<16x1xi32> to vector<16xi32>
      %gather3A_2113 = tpu.dynamic_gather %max3A_2107[%gather3A_2112] in [0] : vector<16xf32>, vector<16xi32> -> vector<16xf32>
      %max3A_2114 = arith.maximumf %max3A_2107, %gather3A_2113 : vector<16xf32>
      %xor3A_2115 = arith.constant 1 : i32
      %xor3A_2116 = vector.broadcast %xor3A_2115 : i32 to vector<16xi32>
      %xor3A_2117 = arith.xori %iota3A_2093, %xor3A_2116 : vector<16xi32>
      %broadcast_in_dim3A_2118 = vector.shape_cast %xor3A_2117 : vector<16xi32> to vector<16x1xi32>
      %gather3A_2119 = vector.shape_cast %broadcast_in_dim3A_2118 : vector<16x1xi32> to vector<16xi32>
      %gather3A_2120 = tpu.dynamic_gather %max3A_2114[%gather3A_2119] in [0] : vector<16xf32>, vector<16xi32> -> vector<16xf32>
      %max3A_2121 = arith.maximumf %max3A_2114, %gather3A_2120 : vector<16xf32>
      %broadcast_in_dim3A_2122 = arith.constant 4 : i32
      %broadcast_in_dim3A_2123 = vector.broadcast %broadcast_in_dim3A_2122 : i32 to vector<16xi32>
      %broadcast_in_dim3A_2124 = vector.shape_cast %broadcast_in_dim3A_2123 : vector<16xi32> to vector<16x1xi32>
      %gather3A_2125 = vector.shape_cast %broadcast_in_dim3A_2124 : vector<16x1xi32> to vector<16xi32>
      %gather3A_2126 = tpu.dynamic_gather %get3A_12[%gather3A_2125] in [0] : vector<16xi32>, vector<16xi32> -> vector<16xi32>
      %broadcast_in_dim3A_2127 = arith.constant 0.000000e+00 : f32
      %broadcast_in_dim3A_2128 = vector.broadcast %broadcast_in_dim3A_2127 : f32 to vector<16xf32>
      %broadcast_in_dim3A_2129 = arith.constant 0.000000e+00 : f32
      %broadcast_in_dim3A_2130 = vector.broadcast %broadcast_in_dim3A_2129 : f32 to vector<16xf32>
      %get3A_2131 = arith.constant 4 : i32
      %get3A_2132 = arith.index_cast %get3A_2131 : i32 to index
      %get3A_2133 = arith.constant 0 : index
      %get3A_2134 = tpu.vector_load %arg9[%get3A_2132, %get3A_2133] {strides = array<i32>} : memref<8x256xf32, #tpu.memory_space<vmem>>, vector<1x16xf32>,
      %get3A_2135 = vector.shape_cast %get3A_2134 : vector<1x16xf32> to vector<16xf32>
      %sub3A_2136 = arith.subf %get3A_2135, %max3A_2121 : vector<16xf32>
      %exp3A_2137 = math.exp %sub3A_2136 : vector<16xf32>
      %add3A_2138 = arith.addf %broadcast_in_dim3A_2128, %exp3A_2137 : vector<16xf32>
      %add3A_2139 = arith.constant 0 : i32
      %add3A_2140 = vector.broadcast %add3A_2139 : i32 to vector<16xi32>
      %add3A_2141 = arith.addi %iota3A, %add3A_2140 : vector<16xi32>
      %eq3A_2142 = arith.cmpi eq, %add3A_2141, %gather3A_2126 : vector<16xi32>
      %jit3A_2143 = arith.constant 0.000000e+00 : f32
      %broadcast_in_dim3A_2144 = vector.broadcast %jit3A_2143 : f32 to vector<16xf32>
      %select_n3A_2145 = arith.select %eq3A_2142, %get3A_2135, %broadcast_in_dim3A_2144 : vector<16xi1>, vector<16xf32>
      %add3A_2146 = arith.addf %broadcast_in_dim3A_2130, %select_n3A_2145 : vector<16xf32>
      %get3A_2147 = arith.constant 4 : i32
      %get3A_2148 = arith.index_cast %get3A_2147 : i32 to index
      %get3A_2149 = arith.constant 16 : index
      %get3A_2150 = tpu.vector_load %arg9[%get3A_2148, %get3A_2149] {strides = array<i32>} : memref<8x256xf32, #tpu.memory_space<vmem>>, vector<1x16xf32>,
      %get3A_2151 = vector.shape_cast %get3A_2150 : vector<1x16xf32> to vector<16xf32>
      %sub3A_2152 = arith.subf %get3A_2151, %max3A_2121 : vector<16xf32>
      %exp3A_2153 = math.exp %sub3A_2152 : vector<16xf32>
      %add3A_2154 = arith.addf %add3A_2138, %exp3A_2153 : vector<16xf32>
      %add3A_2155 = arith.constant 16 : i32
      %add3A_2156 = vector.broadcast %add3A_2155 : i32 to vector<16xi32>
      %add3A_2157 = arith.addi %iota3A, %add3A_2156 : vector<16xi32>
      %eq3A_2158 = arith.cmpi eq, %add3A_2157, %gather3A_2126 : vector<16xi32>
      %jit3A_2159 = arith.constant 0.000000e+00 : f32
      %broadcast_in_dim3A_2160 = vector.broadcast %jit3A_2159 : f32 to vector<16xf32>
      %select_n3A_2161 = arith.select %eq3A_2158, %get3A_2151, %broadcast_in_dim3A_2160 : vector<16xi1>, vector<16xf32>
      %add3A_2162 = arith.addf %add3A_2146, %select_n3A_2161 : vector<16xf32>
      %get3A_2163 = arith.constant 4 : i32
      %get3A_2164 = arith.index_cast %get3A_2163 : i32 to index
      %get3A_2165 = arith.constant 32 : index
      %get3A_2166 = tpu.vector_load %arg9[%get3A_2164, %get3A_2165] {strides = array<i32>} : memref<8x256xf32, #tpu.memory_space<vmem>>, vector<1x16xf32>,
      %get3A_2167 = vector.shape_cast %get3A_2166 : vector<1x16xf32> to vector<16xf32>
      %sub3A_2168 = arith.subf %get3A_2167, %max3A_2121 : vector<16xf32>
      %exp3A_2169 = math.exp %sub3A_2168 : vector<16xf32>
      %add3A_2170 = arith.addf %add3A_2154, %exp3A_2169 : vector<16xf32>
      %add3A_2171 = arith.constant 32 : i32
      %add3A_2172 = vector.broadcast %add3A_2171 : i32 to vector<16xi32>
      %add3A_2173 = arith.addi %iota3A, %add3A_2172 : vector<16xi32>
      %eq3A_2174 = arith.cmpi eq, %add3A_2173, %gather3A_2126 : vector<16xi32>
      %jit3A_2175 = arith.constant 0.000000e+00 : f32
      %broadcast_in_dim3A_2176 = vector.broadcast %jit3A_2175 : f32 to vector<16xf32>
      %select_n3A_2177 = arith.select %eq3A_2174, %get3A_2167, %broadcast_in_dim3A_2176 : vector<16xi1>, vector<16xf32>
      %add3A_2178 = arith.addf %add3A_2162, %select_n3A_2177 : vector<16xf32>
      %get3A_2179 = arith.constant 4 : i32
      %get3A_2180 = arith.index_cast %get3A_2179 : i32 to index
      %get3A_2181 = arith.constant 48 : index
      %get3A_2182 = tpu.vector_load %arg9[%get3A_2180, %get3A_2181] {strides = array<i32>} : memref<8x256xf32, #tpu.memory_space<vmem>>, vector<1x16xf32>,
      %get3A_2183 = vector.shape_cast %get3A_2182 : vector<1x16xf32> to vector<16xf32>
      %sub3A_2184 = arith.subf %get3A_2183, %max3A_2121 : vector<16xf32>
      %exp3A_2185 = math.exp %sub3A_2184 : vector<16xf32>
      %add3A_2186 = arith.addf %add3A_2170, %exp3A_2185 : vector<16xf32>
      %add3A_2187 = arith.constant 48 : i32
      %add3A_2188 = vector.broadcast %add3A_2187 : i32 to vector<16xi32>
      %add3A_2189 = arith.addi %iota3A, %add3A_2188 : vector<16xi32>
      %eq3A_2190 = arith.cmpi eq, %add3A_2189, %gather3A_2126 : vector<16xi32>
      %jit3A_2191 = arith.constant 0.000000e+00 : f32
      %broadcast_in_dim3A_2192 = vector.broadcast %jit3A_2191 : f32 to vector<16xf32>
      %select_n3A_2193 = arith.select %eq3A_2190, %get3A_2183, %broadcast_in_dim3A_2192 : vector<16xi1>, vector<16xf32>
      %add3A_2194 = arith.addf %add3A_2178, %select_n3A_2193 : vector<16xf32>
      %get3A_2195 = arith.constant 4 : i32
      %get3A_2196 = arith.index_cast %get3A_2195 : i32 to index
      %get3A_2197 = arith.constant 64 : index
      %get3A_2198 = tpu.vector_load %arg9[%get3A_2196, %get3A_2197] {strides = array<i32>} : memref<8x256xf32, #tpu.memory_space<vmem>>, vector<1x16xf32>,
      %get3A_2199 = vector.shape_cast %get3A_2198 : vector<1x16xf32> to vector<16xf32>
      %sub3A_2200 = arith.subf %get3A_2199, %max3A_2121 : vector<16xf32>
      %exp3A_2201 = math.exp %sub3A_2200 : vector<16xf32>
      %add3A_2202 = arith.addf %add3A_2186, %exp3A_2201 : vector<16xf32>
      %add3A_2203 = arith.constant 64 : i32
      %add3A_2204 = vector.broadcast %add3A_2203 : i32 to vector<16xi32>
      %add3A_2205 = arith.addi %iota3A, %add3A_2204 : vector<16xi32>
      %eq3A_2206 = arith.cmpi eq, %add3A_2205, %gather3A_2126 : vector<16xi32>
      %jit3A_2207 = arith.constant 0.000000e+00 : f32
      %broadcast_in_dim3A_2208 = vector.broadcast %jit3A_2207 : f32 to vector<16xf32>
      %select_n3A_2209 = arith.select %eq3A_2206, %get3A_2199, %broadcast_in_dim3A_2208 : vector<16xi1>, vector<16xf32>
      %add3A_2210 = arith.addf %add3A_2194, %select_n3A_2209 : vector<16xf32>
      %get3A_2211 = arith.constant 4 : i32
      %get3A_2212 = arith.index_cast %get3A_2211 : i32 to index
      %get3A_2213 = arith.constant 80 : index
      %get3A_2214 = tpu.vector_load %arg9[%get3A_2212, %get3A_2213] {strides = array<i32>} : memref<8x256xf32, #tpu.memory_space<vmem>>, vector<1x16xf32>,
      %get3A_2215 = vector.shape_cast %get3A_2214 : vector<1x16xf32> to vector<16xf32>
      %sub3A_2216 = arith.subf %get3A_2215, %max3A_2121 : vector<16xf32>
      %exp3A_2217 = math.exp %sub3A_2216 : vector<16xf32>
      %add3A_2218 = arith.addf %add3A_2202, %exp3A_2217 : vector<16xf32>
      %add3A_2219 = arith.constant 80 : i32
      %add3A_2220 = vector.broadcast %add3A_2219 : i32 to vector<16xi32>
      %add3A_2221 = arith.addi %iota3A, %add3A_2220 : vector<16xi32>
      %eq3A_2222 = arith.cmpi eq, %add3A_2221, %gather3A_2126 : vector<16xi32>
      %jit3A_2223 = arith.constant 0.000000e+00 : f32
      %broadcast_in_dim3A_2224 = vector.broadcast %jit3A_2223 : f32 to vector<16xf32>
      %select_n3A_2225 = arith.select %eq3A_2222, %get3A_2215, %broadcast_in_dim3A_2224 : vector<16xi1>, vector<16xf32>
      %add3A_2226 = arith.addf %add3A_2210, %select_n3A_2225 : vector<16xf32>
      %get3A_2227 = arith.constant 4 : i32
      %get3A_2228 = arith.index_cast %get3A_2227 : i32 to index
      %get3A_2229 = arith.constant 96 : index
      %get3A_2230 = tpu.vector_load %arg9[%get3A_2228, %get3A_2229] {strides = array<i32>} : memref<8x256xf32, #tpu.memory_space<vmem>>, vector<1x16xf32>,
      %get3A_2231 = vector.shape_cast %get3A_2230 : vector<1x16xf32> to vector<16xf32>
      %sub3A_2232 = arith.subf %get3A_2231, %max3A_2121 : vector<16xf32>
      %exp3A_2233 = math.exp %sub3A_2232 : vector<16xf32>
      %add3A_2234 = arith.addf %add3A_2218, %exp3A_2233 : vector<16xf32>
      %add3A_2235 = arith.constant 96 : i32
      %add3A_2236 = vector.broadcast %add3A_2235 : i32 to vector<16xi32>
      %add3A_2237 = arith.addi %iota3A, %add3A_2236 : vector<16xi32>
      %eq3A_2238 = arith.cmpi eq, %add3A_2237, %gather3A_2126 : vector<16xi32>
      %jit3A_2239 = arith.constant 0.000000e+00 : f32
      %broadcast_in_dim3A_2240 = vector.broadcast %jit3A_2239 : f32 to vector<16xf32>
      %select_n3A_2241 = arith.select %eq3A_2238, %get3A_2231, %broadcast_in_dim3A_2240 : vector<16xi1>, vector<16xf32>
      %add3A_2242 = arith.addf %add3A_2226, %select_n3A_2241 : vector<16xf32>
      %get3A_2243 = arith.constant 4 : i32
      %get3A_2244 = arith.index_cast %get3A_2243 : i32 to index
      %get3A_2245 = arith.constant 112 : index
      %get3A_2246 = tpu.vector_load %arg9[%get3A_2244, %get3A_2245] {strides = array<i32>} : memref<8x256xf32, #tpu.memory_space<vmem>>, vector<1x16xf32>,
      %get3A_2247 = vector.shape_cast %get3A_2246 : vector<1x16xf32> to vector<16xf32>
      %sub3A_2248 = arith.subf %get3A_2247, %max3A_2121 : vector<16xf32>
      %exp3A_2249 = math.exp %sub3A_2248 : vector<16xf32>
      %add3A_2250 = arith.addf %add3A_2234, %exp3A_2249 : vector<16xf32>
      %add3A_2251 = arith.constant 112 : i32
      %add3A_2252 = vector.broadcast %add3A_2251 : i32 to vector<16xi32>
      %add3A_2253 = arith.addi %iota3A, %add3A_2252 : vector<16xi32>
      %eq3A_2254 = arith.cmpi eq, %add3A_2253, %gather3A_2126 : vector<16xi32>
      %jit3A_2255 = arith.constant 0.000000e+00 : f32
      %broadcast_in_dim3A_2256 = vector.broadcast %jit3A_2255 : f32 to vector<16xf32>
      %select_n3A_2257 = arith.select %eq3A_2254, %get3A_2247, %broadcast_in_dim3A_2256 : vector<16xi1>, vector<16xf32>
      %add3A_2258 = arith.addf %add3A_2242, %select_n3A_2257 : vector<16xf32>
      %get3A_2259 = arith.constant 4 : i32
      %get3A_2260 = arith.index_cast %get3A_2259 : i32 to index
      %get3A_2261 = arith.constant 128 : index
      %get3A_2262 = tpu.vector_load %arg9[%get3A_2260, %get3A_2261] {strides = array<i32>} : memref<8x256xf32, #tpu.memory_space<vmem>>, vector<1x16xf32>,
      %get3A_2263 = vector.shape_cast %get3A_2262 : vector<1x16xf32> to vector<16xf32>
      %sub3A_2264 = arith.subf %get3A_2263, %max3A_2121 : vector<16xf32>
      %exp3A_2265 = math.exp %sub3A_2264 : vector<16xf32>
      %add3A_2266 = arith.addf %add3A_2250, %exp3A_2265 : vector<16xf32>
      %add3A_2267 = arith.constant 128 : i32
      %add3A_2268 = vector.broadcast %add3A_2267 : i32 to vector<16xi32>
      %add3A_2269 = arith.addi %iota3A, %add3A_2268 : vector<16xi32>
      %eq3A_2270 = arith.cmpi eq, %add3A_2269, %gather3A_2126 : vector<16xi32>
      %jit3A_2271 = arith.constant 0.000000e+00 : f32
      %broadcast_in_dim3A_2272 = vector.broadcast %jit3A_2271 : f32 to vector<16xf32>
      %select_n3A_2273 = arith.select %eq3A_2270, %get3A_2263, %broadcast_in_dim3A_2272 : vector<16xi1>, vector<16xf32>
      %add3A_2274 = arith.addf %add3A_2258, %select_n3A_2273 : vector<16xf32>
      %get3A_2275 = arith.constant 4 : i32
      %get3A_2276 = arith.index_cast %get3A_2275 : i32 to index
      %get3A_2277 = arith.constant 144 : index
      %get3A_2278 = tpu.vector_load %arg9[%get3A_2276, %get3A_2277] {strides = array<i32>} : memref<8x256xf32, #tpu.memory_space<vmem>>, vector<1x16xf32>,
      %get3A_2279 = vector.shape_cast %get3A_2278 : vector<1x16xf32> to vector<16xf32>
      %sub3A_2280 = arith.subf %get3A_2279, %max3A_2121 : vector<16xf32>
      %exp3A_2281 = math.exp %sub3A_2280 : vector<16xf32>
      %add3A_2282 = arith.addf %add3A_2266, %exp3A_2281 : vector<16xf32>
      %add3A_2283 = arith.constant 144 : i32
      %add3A_2284 = vector.broadcast %add3A_2283 : i32 to vector<16xi32>
      %add3A_2285 = arith.addi %iota3A, %add3A_2284 : vector<16xi32>
      %eq3A_2286 = arith.cmpi eq, %add3A_2285, %gather3A_2126 : vector<16xi32>
      %jit3A_2287 = arith.constant 0.000000e+00 : f32
      %broadcast_in_dim3A_2288 = vector.broadcast %jit3A_2287 : f32 to vector<16xf32>
      %select_n3A_2289 = arith.select %eq3A_2286, %get3A_2279, %broadcast_in_dim3A_2288 : vector<16xi1>, vector<16xf32>
      %add3A_2290 = arith.addf %add3A_2274, %select_n3A_2289 : vector<16xf32>
      %get3A_2291 = arith.constant 4 : i32
      %get3A_2292 = arith.index_cast %get3A_2291 : i32 to index
      %get3A_2293 = arith.constant 160 : index
      %get3A_2294 = tpu.vector_load %arg9[%get3A_2292, %get3A_2293] {strides = array<i32>} : memref<8x256xf32, #tpu.memory_space<vmem>>, vector<1x16xf32>,
      %get3A_2295 = vector.shape_cast %get3A_2294 : vector<1x16xf32> to vector<16xf32>
      %sub3A_2296 = arith.subf %get3A_2295, %max3A_2121 : vector<16xf32>
      %exp3A_2297 = math.exp %sub3A_2296 : vector<16xf32>
      %add3A_2298 = arith.addf %add3A_2282, %exp3A_2297 : vector<16xf32>
      %add3A_2299 = arith.constant 160 : i32
      %add3A_2300 = vector.broadcast %add3A_2299 : i32 to vector<16xi32>
      %add3A_2301 = arith.addi %iota3A, %add3A_2300 : vector<16xi32>
      %eq3A_2302 = arith.cmpi eq, %add3A_2301, %gather3A_2126 : vector<16xi32>
      %jit3A_2303 = arith.constant 0.000000e+00 : f32
      %broadcast_in_dim3A_2304 = vector.broadcast %jit3A_2303 : f32 to vector<16xf32>
      %select_n3A_2305 = arith.select %eq3A_2302, %get3A_2295, %broadcast_in_dim3A_2304 : vector<16xi1>, vector<16xf32>
      %add3A_2306 = arith.addf %add3A_2290, %select_n3A_2305 : vector<16xf32>
      %get3A_2307 = arith.constant 4 : i32
      %get3A_2308 = arith.index_cast %get3A_2307 : i32 to index
      %get3A_2309 = arith.constant 176 : index
      %get3A_2310 = tpu.vector_load %arg9[%get3A_2308, %get3A_2309] {strides = array<i32>} : memref<8x256xf32, #tpu.memory_space<vmem>>, vector<1x16xf32>,
      %get3A_2311 = vector.shape_cast %get3A_2310 : vector<1x16xf32> to vector<16xf32>
      %sub3A_2312 = arith.subf %get3A_2311, %max3A_2121 : vector<16xf32>
      %exp3A_2313 = math.exp %sub3A_2312 : vector<16xf32>
      %add3A_2314 = arith.addf %add3A_2298, %exp3A_2313 : vector<16xf32>
      %add3A_2315 = arith.constant 176 : i32
      %add3A_2316 = vector.broadcast %add3A_2315 : i32 to vector<16xi32>
      %add3A_2317 = arith.addi %iota3A, %add3A_2316 : vector<16xi32>
      %eq3A_2318 = arith.cmpi eq, %add3A_2317, %gather3A_2126 : vector<16xi32>
      %jit3A_2319 = arith.constant 0.000000e+00 : f32
      %broadcast_in_dim3A_2320 = vector.broadcast %jit3A_2319 : f32 to vector<16xf32>
      %select_n3A_2321 = arith.select %eq3A_2318, %get3A_2311, %broadcast_in_dim3A_2320 : vector<16xi1>, vector<16xf32>
      %add3A_2322 = arith.addf %add3A_2306, %select_n3A_2321 : vector<16xf32>
      %get3A_2323 = arith.constant 4 : i32
      %get3A_2324 = arith.index_cast %get3A_2323 : i32 to index
      %get3A_2325 = arith.constant 192 : index
      %get3A_2326 = tpu.vector_load %arg9[%get3A_2324, %get3A_2325] {strides = array<i32>} : memref<8x256xf32, #tpu.memory_space<vmem>>, vector<1x16xf32>,
      %get3A_2327 = vector.shape_cast %get3A_2326 : vector<1x16xf32> to vector<16xf32>
      %sub3A_2328 = arith.subf %get3A_2327, %max3A_2121 : vector<16xf32>
      %exp3A_2329 = math.exp %sub3A_2328 : vector<16xf32>
      %add3A_2330 = arith.addf %add3A_2314, %exp3A_2329 : vector<16xf32>
      %add3A_2331 = arith.constant 192 : i32
      %add3A_2332 = vector.broadcast %add3A_2331 : i32 to vector<16xi32>
      %add3A_2333 = arith.addi %iota3A, %add3A_2332 : vector<16xi32>
      %eq3A_2334 = arith.cmpi eq, %add3A_2333, %gather3A_2126 : vector<16xi32>
      %jit3A_2335 = arith.constant 0.000000e+00 : f32
      %broadcast_in_dim3A_2336 = vector.broadcast %jit3A_2335 : f32 to vector<16xf32>
      %select_n3A_2337 = arith.select %eq3A_2334, %get3A_2327, %broadcast_in_dim3A_2336 : vector<16xi1>, vector<16xf32>
      %add3A_2338 = arith.addf %add3A_2322, %select_n3A_2337 : vector<16xf32>
      %get3A_2339 = arith.constant 4 : i32
      %get3A_2340 = arith.index_cast %get3A_2339 : i32 to index
      %get3A_2341 = arith.constant 208 : index
      %get3A_2342 = tpu.vector_load %arg9[%get3A_2340, %get3A_2341] {strides = array<i32>} : memref<8x256xf32, #tpu.memory_space<vmem>>, vector<1x16xf32>,
      %get3A_2343 = vector.shape_cast %get3A_2342 : vector<1x16xf32> to vector<16xf32>
      %sub3A_2344 = arith.subf %get3A_2343, %max3A_2121 : vector<16xf32>
      %exp3A_2345 = math.exp %sub3A_2344 : vector<16xf32>
      %add3A_2346 = arith.addf %add3A_2330, %exp3A_2345 : vector<16xf32>
      %add3A_2347 = arith.constant 208 : i32
      %add3A_2348 = vector.broadcast %add3A_2347 : i32 to vector<16xi32>
      %add3A_2349 = arith.addi %iota3A, %add3A_2348 : vector<16xi32>
      %eq3A_2350 = arith.cmpi eq, %add3A_2349, %gather3A_2126 : vector<16xi32>
      %jit3A_2351 = arith.constant 0.000000e+00 : f32
      %broadcast_in_dim3A_2352 = vector.broadcast %jit3A_2351 : f32 to vector<16xf32>
      %select_n3A_2353 = arith.select %eq3A_2350, %get3A_2343, %broadcast_in_dim3A_2352 : vector<16xi1>, vector<16xf32>
      %add3A_2354 = arith.addf %add3A_2338, %select_n3A_2353 : vector<16xf32>
      %get3A_2355 = arith.constant 4 : i32
      %get3A_2356 = arith.index_cast %get3A_2355 : i32 to index
      %get3A_2357 = arith.constant 224 : index
      %get3A_2358 = tpu.vector_load %arg9[%get3A_2356, %get3A_2357] {strides = array<i32>} : memref<8x256xf32, #tpu.memory_space<vmem>>, vector<1x16xf32>,
      %get3A_2359 = vector.shape_cast %get3A_2358 : vector<1x16xf32> to vector<16xf32>
      %sub3A_2360 = arith.subf %get3A_2359, %max3A_2121 : vector<16xf32>
      %exp3A_2361 = math.exp %sub3A_2360 : vector<16xf32>
      %add3A_2362 = arith.addf %add3A_2346, %exp3A_2361 : vector<16xf32>
      %add3A_2363 = arith.constant 224 : i32
      %add3A_2364 = vector.broadcast %add3A_2363 : i32 to vector<16xi32>
      %add3A_2365 = arith.addi %iota3A, %add3A_2364 : vector<16xi32>
      %eq3A_2366 = arith.cmpi eq, %add3A_2365, %gather3A_2126 : vector<16xi32>
      %jit3A_2367 = arith.constant 0.000000e+00 : f32
      %broadcast_in_dim3A_2368 = vector.broadcast %jit3A_2367 : f32 to vector<16xf32>
      %select_n3A_2369 = arith.select %eq3A_2366, %get3A_2359, %broadcast_in_dim3A_2368 : vector<16xi1>, vector<16xf32>
      %add3A_2370 = arith.addf %add3A_2354, %select_n3A_2369 : vector<16xf32>
      %get3A_2371 = arith.constant 4 : i32
      %get3A_2372 = arith.index_cast %get3A_2371 : i32 to index
      %get3A_2373 = arith.constant 240 : index
      %get3A_2374 = tpu.vector_load %arg9[%get3A_2372, %get3A_2373] {strides = array<i32>} : memref<8x256xf32, #tpu.memory_space<vmem>>, vector<1x16xf32>,
      %get3A_2375 = vector.shape_cast %get3A_2374 : vector<1x16xf32> to vector<16xf32>
      %sub3A_2376 = arith.subf %get3A_2375, %max3A_2121 : vector<16xf32>
      %exp3A_2377 = math.exp %sub3A_2376 : vector<16xf32>
      %add3A_2378 = arith.addf %add3A_2362, %exp3A_2377 : vector<16xf32>
      %add3A_2379 = arith.constant 240 : i32
      %add3A_2380 = vector.broadcast %add3A_2379 : i32 to vector<16xi32>
      %add3A_2381 = arith.addi %iota3A, %add3A_2380 : vector<16xi32>
      %eq3A_2382 = arith.cmpi eq, %add3A_2381, %gather3A_2126 : vector<16xi32>
      %jit3A_2383 = arith.constant 0.000000e+00 : f32
      %broadcast_in_dim3A_2384 = vector.broadcast %jit3A_2383 : f32 to vector<16xf32>
      %select_n3A_2385 = arith.select %eq3A_2382, %get3A_2375, %broadcast_in_dim3A_2384 : vector<16xi1>, vector<16xf32>
      %add3A_2386 = arith.addf %add3A_2370, %select_n3A_2385 : vector<16xf32>
      %iota3A_2387 = tpu.iota {dimensions = array<i32: 0>} : vector<16xi32>
      %xor3A_2388 = arith.constant 8 : i32
      %xor3A_2389 = vector.broadcast %xor3A_2388 : i32 to vector<16xi32>
      %xor3A_2390 = arith.xori %iota3A_2387, %xor3A_2389 : vector<16xi32>
      %broadcast_in_dim3A_2391 = vector.shape_cast %xor3A_2390 : vector<16xi32> to vector<16x1xi32>
      %gather3A_2392 = vector.shape_cast %broadcast_in_dim3A_2391 : vector<16x1xi32> to vector<16xi32>
      %gather3A_2393 = tpu.dynamic_gather %add3A_2378[%gather3A_2392] in [0] : vector<16xf32>, vector<16xi32> -> vector<16xf32>
      %add3A_2394 = arith.addf %add3A_2378, %gather3A_2393 : vector<16xf32>
      %xor3A_2395 = arith.constant 4 : i32
      %xor3A_2396 = vector.broadcast %xor3A_2395 : i32 to vector<16xi32>
      %xor3A_2397 = arith.xori %iota3A_2387, %xor3A_2396 : vector<16xi32>
      %broadcast_in_dim3A_2398 = vector.shape_cast %xor3A_2397 : vector<16xi32> to vector<16x1xi32>
      %gather3A_2399 = vector.shape_cast %broadcast_in_dim3A_2398 : vector<16x1xi32> to vector<16xi32>
      %gather3A_2400 = tpu.dynamic_gather %add3A_2394[%gather3A_2399] in [0] : vector<16xf32>, vector<16xi32> -> vector<16xf32>
      %add3A_2401 = arith.addf %add3A_2394, %gather3A_2400 : vector<16xf32>
      %xor3A_2402 = arith.constant 2 : i32
      %xor3A_2403 = vector.broadcast %xor3A_2402 : i32 to vector<16xi32>
      %xor3A_2404 = arith.xori %iota3A_2387, %xor3A_2403 : vector<16xi32>
      %broadcast_in_dim3A_2405 = vector.shape_cast %xor3A_2404 : vector<16xi32> to vector<16x1xi32>
      %gather3A_2406 = vector.shape_cast %broadcast_in_dim3A_2405 : vector<16x1xi32> to vector<16xi32>
      %gather3A_2407 = tpu.dynamic_gather %add3A_2401[%gather3A_2406] in [0] : vector<16xf32>, vector<16xi32> -> vector<16xf32>
      %add3A_2408 = arith.addf %add3A_2401, %gather3A_2407 : vector<16xf32>
      %xor3A_2409 = arith.constant 1 : i32
      %xor3A_2410 = vector.broadcast %xor3A_2409 : i32 to vector<16xi32>
      %xor3A_2411 = arith.xori %iota3A_2387, %xor3A_2410 : vector<16xi32>
      %broadcast_in_dim3A_2412 = vector.shape_cast %xor3A_2411 : vector<16xi32> to vector<16x1xi32>
      %gather3A_2413 = vector.shape_cast %broadcast_in_dim3A_2412 : vector<16x1xi32> to vector<16xi32>
      %gather3A_2414 = tpu.dynamic_gather %add3A_2408[%gather3A_2413] in [0] : vector<16xf32>, vector<16xi32> -> vector<16xf32>
      %add3A_2415 = arith.addf %add3A_2408, %gather3A_2414 : vector<16xf32>
      %iota3A_2416 = tpu.iota {dimensions = array<i32: 0>} : vector<16xi32>
      %xor3A_2417 = arith.constant 8 : i32
      %xor3A_2418 = vector.broadcast %xor3A_2417 : i32 to vector<16xi32>
      %xor3A_2419 = arith.xori %iota3A_2416, %xor3A_2418 : vector<16xi32>
      %broadcast_in_dim3A_2420 = vector.shape_cast %xor3A_2419 : vector<16xi32> to vector<16x1xi32>
      %gather3A_2421 = vector.shape_cast %broadcast_in_dim3A_2420 : vector<16x1xi32> to vector<16xi32>
      %gather3A_2422 = tpu.dynamic_gather %add3A_2386[%gather3A_2421] in [0] : vector<16xf32>, vector<16xi32> -> vector<16xf32>
      %add3A_2423 = arith.addf %add3A_2386, %gather3A_2422 : vector<16xf32>
      %xor3A_2424 = arith.constant 4 : i32
      %xor3A_2425 = vector.broadcast %xor3A_2424 : i32 to vector<16xi32>
      %xor3A_2426 = arith.xori %iota3A_2416, %xor3A_2425 : vector<16xi32>
      %broadcast_in_dim3A_2427 = vector.shape_cast %xor3A_2426 : vector<16xi32> to vector<16x1xi32>
      %gather3A_2428 = vector.shape_cast %broadcast_in_dim3A_2427 : vector<16x1xi32> to vector<16xi32>
      %gather3A_2429 = tpu.dynamic_gather %add3A_2423[%gather3A_2428] in [0] : vector<16xf32>, vector<16xi32> -> vector<16xf32>
      %add3A_2430 = arith.addf %add3A_2423, %gather3A_2429 : vector<16xf32>
      %xor3A_2431 = arith.constant 2 : i32
      %xor3A_2432 = vector.broadcast %xor3A_2431 : i32 to vector<16xi32>
      %xor3A_2433 = arith.xori %iota3A_2416, %xor3A_2432 : vector<16xi32>
      %broadcast_in_dim3A_2434 = vector.shape_cast %xor3A_2433 : vector<16xi32> to vector<16x1xi32>
      %gather3A_2435 = vector.shape_cast %broadcast_in_dim3A_2434 : vector<16x1xi32> to vector<16xi32>
      %gather3A_2436 = tpu.dynamic_gather %add3A_2430[%gather3A_2435] in [0] : vector<16xf32>, vector<16xi32> -> vector<16xf32>
      %add3A_2437 = arith.addf %add3A_2430, %gather3A_2436 : vector<16xf32>
      %xor3A_2438 = arith.constant 1 : i32
      %xor3A_2439 = vector.broadcast %xor3A_2438 : i32 to vector<16xi32>
      %xor3A_2440 = arith.xori %iota3A_2416, %xor3A_2439 : vector<16xi32>
      %broadcast_in_dim3A_2441 = vector.shape_cast %xor3A_2440 : vector<16xi32> to vector<16x1xi32>
      %gather3A_2442 = vector.shape_cast %broadcast_in_dim3A_2441 : vector<16x1xi32> to vector<16xi32>
      %gather3A_2443 = tpu.dynamic_gather %add3A_2437[%gather3A_2442] in [0] : vector<16xf32>, vector<16xi32> -> vector<16xf32>
      %add3A_2444 = arith.addf %add3A_2437, %gather3A_2443 : vector<16xf32>
      %add3A_2445 = arith.addf %sub3A_1997, %add3A_2444 : vector<16xf32>
      %sub3A_2446 = arith.subf %add3A_2445, %max3A_2121 : vector<16xf32>
      %bitcast_convert_type3A_2447 = tpu.bitcast %add3A_2415 : vector<16xf32> -> vector<16xi32>
      %shift_right_arithmetic3A_2448 = arith.constant 23 : i32
      %shift_right_arithmetic3A_2449 = vector.broadcast %shift_right_arithmetic3A_2448 : i32 to vector<16xi32>
      %shift_right_arithmetic3A_2450 = arith.shrsi %bitcast_convert_type3A_2447, %shift_right_arithmetic3A_2449 : vector<16xi32>
      %and3A_2451 = arith.constant 255 : i32
      %and3A_2452 = vector.broadcast %and3A_2451 : i32 to vector<16xi32>
      %and3A_2453 = arith.andi %shift_right_arithmetic3A_2450, %and3A_2452 : vector<16xi32>
      %sub3A_2454 = arith.constant 127 : i32
      %sub3A_2455 = vector.broadcast %sub3A_2454 : i32 to vector<16xi32>
      %sub3A_2456 = arith.subi %and3A_2453, %sub3A_2455 : vector<16xi32>
      %and3A_2457 = arith.constant 8388607 : i32
      %and3A_2458 = vector.broadcast %and3A_2457 : i32 to vector<16xi32>
      %and3A_2459 = arith.andi %bitcast_convert_type3A_2447, %and3A_2458 : vector<16xi32>
      %convert_element_type3A_2460 = arith.sitofp %and3A_2459 : vector<16xi32> to vector<16xf32>
      %mul3A_2461 = arith.constant 1.1920929E-7 : f32
      %mul3A_2462 = vector.broadcast %mul3A_2461 : f32 to vector<16xf32>
      %mul3A_2463 = arith.mulf %convert_element_type3A_2460, %mul3A_2462 : vector<16xf32>
      %convert_element_type3A_2464 = arith.sitofp %sub3A_2456 : vector<16xi32> to vector<16xf32>
      %add3A_2465 = arith.addf %convert_element_type3A_2464, %mul3A_2463 : vector<16xf32>
      %mul3A_2466 = arith.constant 0.693147182 : f32
      %mul3A_2467 = vector.broadcast %mul3A_2466 : f32 to vector<16xf32>
      %mul3A_2468 = arith.mulf %add3A_2465, %mul3A_2467 : vector<16xf32>
      %neg3A_2469 = arith.constant 0.000000e+00 : f32
      %neg3A_2470 = vector.broadcast %neg3A_2469 : f32 to vector<16xf32>
      %neg3A_2471 = arith.subf %neg3A_2470, %mul3A_2468 : vector<16xf32>
      %exp3A_2472 = math.exp %neg3A_2471 : vector<16xf32>
      %mul3A_2473 = arith.mulf %add3A_2415, %exp3A_2472 : vector<16xf32>
      %add3A_2474 = arith.addf %mul3A_2468, %mul3A_2473 : vector<16xf32>
      %sub3A_2475 = arith.constant 1.000000e+00 : f32
      %sub3A_2476 = vector.broadcast %sub3A_2475 : f32 to vector<16xf32>
      %sub3A_2477 = arith.subf %add3A_2474, %sub3A_2476 : vector<16xf32>
      %neg3A_2478 = arith.constant 0.000000e+00 : f32
      %neg3A_2479 = vector.broadcast %neg3A_2478 : f32 to vector<16xf32>
      %neg3A_2480 = arith.subf %neg3A_2479, %sub3A_2477 : vector<16xf32>
      %exp3A_2481 = math.exp %neg3A_2480 : vector<16xf32>
      %mul3A_2482 = arith.mulf %add3A_2415, %exp3A_2481 : vector<16xf32>
      %add3A_2483 = arith.addf %sub3A_2477, %mul3A_2482 : vector<16xf32>
      %sub3A_2484 = arith.constant 1.000000e+00 : f32
      %sub3A_2485 = vector.broadcast %sub3A_2484 : f32 to vector<16xf32>
      %sub3A_2486 = arith.subf %add3A_2483, %sub3A_2485 : vector<16xf32>
      %neg3A_2487 = arith.constant 0.000000e+00 : f32
      %neg3A_2488 = vector.broadcast %neg3A_2487 : f32 to vector<16xf32>
      %neg3A_2489 = arith.subf %neg3A_2488, %sub3A_2486 : vector<16xf32>
      %exp3A_2490 = math.exp %neg3A_2489 : vector<16xf32>
      %mul3A_2491 = arith.mulf %add3A_2415, %exp3A_2490 : vector<16xf32>
      %add3A_2492 = arith.addf %sub3A_2486, %mul3A_2491 : vector<16xf32>
      %sub3A_2493 = arith.constant 1.000000e+00 : f32
      %sub3A_2494 = vector.broadcast %sub3A_2493 : f32 to vector<16xf32>
      %sub3A_2495 = arith.subf %add3A_2492, %sub3A_2494 : vector<16xf32>
      %sub3A_2496 = arith.subf %sub3A_2446, %sub3A_2495 : vector<16xf32>
      %get3A_2497 = arith.constant 5 : i32
      %get3A_2498 = arith.index_cast %get3A_2497 : i32 to index
      %get3A_2499 = arith.constant 0 : index
      %get3A_2500 = tpu.vector_load %arg9[%get3A_2498, %get3A_2499] {strides = array<i32>} : memref<8x256xf32, #tpu.memory_space<vmem>>, vector<1x16xf32>,
      %get3A_2501 = vector.shape_cast %get3A_2500 : vector<1x16xf32> to vector<16xf32>
      %get3A_2502 = arith.constant 5 : i32
      %get3A_2503 = arith.index_cast %get3A_2502 : i32 to index
      %get3A_2504 = arith.constant 16 : index
      %get3A_2505 = tpu.vector_load %arg9[%get3A_2503, %get3A_2504] {strides = array<i32>} : memref<8x256xf32, #tpu.memory_space<vmem>>, vector<1x16xf32>,
      %get3A_2506 = vector.shape_cast %get3A_2505 : vector<1x16xf32> to vector<16xf32>
      %max3A_2507 = arith.maximumf %get3A_2501, %get3A_2506 : vector<16xf32>
      %get3A_2508 = arith.constant 5 : i32
      %get3A_2509 = arith.index_cast %get3A_2508 : i32 to index
      %get3A_2510 = arith.constant 32 : index
      %get3A_2511 = tpu.vector_load %arg9[%get3A_2509, %get3A_2510] {strides = array<i32>} : memref<8x256xf32, #tpu.memory_space<vmem>>, vector<1x16xf32>,
      %get3A_2512 = vector.shape_cast %get3A_2511 : vector<1x16xf32> to vector<16xf32>
      %max3A_2513 = arith.maximumf %max3A_2507, %get3A_2512 : vector<16xf32>
      %get3A_2514 = arith.constant 5 : i32
      %get3A_2515 = arith.index_cast %get3A_2514 : i32 to index
      %get3A_2516 = arith.constant 48 : index
      %get3A_2517 = tpu.vector_load %arg9[%get3A_2515, %get3A_2516] {strides = array<i32>} : memref<8x256xf32, #tpu.memory_space<vmem>>, vector<1x16xf32>,
      %get3A_2518 = vector.shape_cast %get3A_2517 : vector<1x16xf32> to vector<16xf32>
      %max3A_2519 = arith.maximumf %max3A_2513, %get3A_2518 : vector<16xf32>
      %get3A_2520 = arith.constant 5 : i32
      %get3A_2521 = arith.index_cast %get3A_2520 : i32 to index
      %get3A_2522 = arith.constant 64 : index
      %get3A_2523 = tpu.vector_load %arg9[%get3A_2521, %get3A_2522] {strides = array<i32>} : memref<8x256xf32, #tpu.memory_space<vmem>>, vector<1x16xf32>,
      %get3A_2524 = vector.shape_cast %get3A_2523 : vector<1x16xf32> to vector<16xf32>
      %max3A_2525 = arith.maximumf %max3A_2519, %get3A_2524 : vector<16xf32>
      %get3A_2526 = arith.constant 5 : i32
      %get3A_2527 = arith.index_cast %get3A_2526 : i32 to index
      %get3A_2528 = arith.constant 80 : index
      %get3A_2529 = tpu.vector_load %arg9[%get3A_2527, %get3A_2528] {strides = array<i32>} : memref<8x256xf32, #tpu.memory_space<vmem>>, vector<1x16xf32>,
      %get3A_2530 = vector.shape_cast %get3A_2529 : vector<1x16xf32> to vector<16xf32>
      %max3A_2531 = arith.maximumf %max3A_2525, %get3A_2530 : vector<16xf32>
      %get3A_2532 = arith.constant 5 : i32
      %get3A_2533 = arith.index_cast %get3A_2532 : i32 to index
      %get3A_2534 = arith.constant 96 : index
      %get3A_2535 = tpu.vector_load %arg9[%get3A_2533, %get3A_2534] {strides = array<i32>} : memref<8x256xf32, #tpu.memory_space<vmem>>, vector<1x16xf32>,
      %get3A_2536 = vector.shape_cast %get3A_2535 : vector<1x16xf32> to vector<16xf32>
      %max3A_2537 = arith.maximumf %max3A_2531, %get3A_2536 : vector<16xf32>
      %get3A_2538 = arith.constant 5 : i32
      %get3A_2539 = arith.index_cast %get3A_2538 : i32 to index
      %get3A_2540 = arith.constant 112 : index
      %get3A_2541 = tpu.vector_load %arg9[%get3A_2539, %get3A_2540] {strides = array<i32>} : memref<8x256xf32, #tpu.memory_space<vmem>>, vector<1x16xf32>,
      %get3A_2542 = vector.shape_cast %get3A_2541 : vector<1x16xf32> to vector<16xf32>
      %max3A_2543 = arith.maximumf %max3A_2537, %get3A_2542 : vector<16xf32>
      %get3A_2544 = arith.constant 5 : i32
      %get3A_2545 = arith.index_cast %get3A_2544 : i32 to index
      %get3A_2546 = arith.constant 128 : index
      %get3A_2547 = tpu.vector_load %arg9[%get3A_2545, %get3A_2546] {strides = array<i32>} : memref<8x256xf32, #tpu.memory_space<vmem>>, vector<1x16xf32>,
      %get3A_2548 = vector.shape_cast %get3A_2547 : vector<1x16xf32> to vector<16xf32>
      %max3A_2549 = arith.maximumf %max3A_2543, %get3A_2548 : vector<16xf32>
      %get3A_2550 = arith.constant 5 : i32
      %get3A_2551 = arith.index_cast %get3A_2550 : i32 to index
      %get3A_2552 = arith.constant 144 : index
      %get3A_2553 = tpu.vector_load %arg9[%get3A_2551, %get3A_2552] {strides = array<i32>} : memref<8x256xf32, #tpu.memory_space<vmem>>, vector<1x16xf32>,
      %get3A_2554 = vector.shape_cast %get3A_2553 : vector<1x16xf32> to vector<16xf32>
      %max3A_2555 = arith.maximumf %max3A_2549, %get3A_2554 : vector<16xf32>
      %get3A_2556 = arith.constant 5 : i32
      %get3A_2557 = arith.index_cast %get3A_2556 : i32 to index
      %get3A_2558 = arith.constant 160 : index
      %get3A_2559 = tpu.vector_load %arg9[%get3A_2557, %get3A_2558] {strides = array<i32>} : memref<8x256xf32, #tpu.memory_space<vmem>>, vector<1x16xf32>,
      %get3A_2560 = vector.shape_cast %get3A_2559 : vector<1x16xf32> to vector<16xf32>
      %max3A_2561 = arith.maximumf %max3A_2555, %get3A_2560 : vector<16xf32>
      %get3A_2562 = arith.constant 5 : i32
      %get3A_2563 = arith.index_cast %get3A_2562 : i32 to index
      %get3A_2564 = arith.constant 176 : index
      %get3A_2565 = tpu.vector_load %arg9[%get3A_2563, %get3A_2564] {strides = array<i32>} : memref<8x256xf32, #tpu.memory_space<vmem>>, vector<1x16xf32>,
      %get3A_2566 = vector.shape_cast %get3A_2565 : vector<1x16xf32> to vector<16xf32>
      %max3A_2567 = arith.maximumf %max3A_2561, %get3A_2566 : vector<16xf32>
      %get3A_2568 = arith.constant 5 : i32
      %get3A_2569 = arith.index_cast %get3A_2568 : i32 to index
      %get3A_2570 = arith.constant 192 : index
      %get3A_2571 = tpu.vector_load %arg9[%get3A_2569, %get3A_2570] {strides = array<i32>} : memref<8x256xf32, #tpu.memory_space<vmem>>, vector<1x16xf32>,
      %get3A_2572 = vector.shape_cast %get3A_2571 : vector<1x16xf32> to vector<16xf32>
      %max3A_2573 = arith.maximumf %max3A_2567, %get3A_2572 : vector<16xf32>
      %get3A_2574 = arith.constant 5 : i32
      %get3A_2575 = arith.index_cast %get3A_2574 : i32 to index
      %get3A_2576 = arith.constant 208 : index
      %get3A_2577 = tpu.vector_load %arg9[%get3A_2575, %get3A_2576] {strides = array<i32>} : memref<8x256xf32, #tpu.memory_space<vmem>>, vector<1x16xf32>,
      %get3A_2578 = vector.shape_cast %get3A_2577 : vector<1x16xf32> to vector<16xf32>
      %max3A_2579 = arith.maximumf %max3A_2573, %get3A_2578 : vector<16xf32>
      %get3A_2580 = arith.constant 5 : i32
      %get3A_2581 = arith.index_cast %get3A_2580 : i32 to index
      %get3A_2582 = arith.constant 224 : index
      %get3A_2583 = tpu.vector_load %arg9[%get3A_2581, %get3A_2582] {strides = array<i32>} : memref<8x256xf32, #tpu.memory_space<vmem>>, vector<1x16xf32>,
      %get3A_2584 = vector.shape_cast %get3A_2583 : vector<1x16xf32> to vector<16xf32>
      %max3A_2585 = arith.maximumf %max3A_2579, %get3A_2584 : vector<16xf32>
      %get3A_2586 = arith.constant 5 : i32
      %get3A_2587 = arith.index_cast %get3A_2586 : i32 to index
      %get3A_2588 = arith.constant 240 : index
      %get3A_2589 = tpu.vector_load %arg9[%get3A_2587, %get3A_2588] {strides = array<i32>} : memref<8x256xf32, #tpu.memory_space<vmem>>, vector<1x16xf32>,
      %get3A_2590 = vector.shape_cast %get3A_2589 : vector<1x16xf32> to vector<16xf32>
      %max3A_2591 = arith.maximumf %max3A_2585, %get3A_2590 : vector<16xf32>
      %iota3A_2592 = tpu.iota {dimensions = array<i32: 0>} : vector<16xi32>
      %xor3A_2593 = arith.constant 8 : i32
      %xor3A_2594 = vector.broadcast %xor3A_2593 : i32 to vector<16xi32>
      %xor3A_2595 = arith.xori %iota3A_2592, %xor3A_2594 : vector<16xi32>
      %broadcast_in_dim3A_2596 = vector.shape_cast %xor3A_2595 : vector<16xi32> to vector<16x1xi32>
      %gather3A_2597 = vector.shape_cast %broadcast_in_dim3A_2596 : vector<16x1xi32> to vector<16xi32>
      %gather3A_2598 = tpu.dynamic_gather %max3A_2591[%gather3A_2597] in [0] : vector<16xf32>, vector<16xi32> -> vector<16xf32>
      %max3A_2599 = arith.maximumf %max3A_2591, %gather3A_2598 : vector<16xf32>
      %xor3A_2600 = arith.constant 4 : i32
      %xor3A_2601 = vector.broadcast %xor3A_2600 : i32 to vector<16xi32>
      %xor3A_2602 = arith.xori %iota3A_2592, %xor3A_2601 : vector<16xi32>
      %broadcast_in_dim3A_2603 = vector.shape_cast %xor3A_2602 : vector<16xi32> to vector<16x1xi32>
      %gather3A_2604 = vector.shape_cast %broadcast_in_dim3A_2603 : vector<16x1xi32> to vector<16xi32>
      %gather3A_2605 = tpu.dynamic_gather %max3A_2599[%gather3A_2604] in [0] : vector<16xf32>, vector<16xi32> -> vector<16xf32>
      %max3A_2606 = arith.maximumf %max3A_2599, %gather3A_2605 : vector<16xf32>
      %xor3A_2607 = arith.constant 2 : i32
      %xor3A_2608 = vector.broadcast %xor3A_2607 : i32 to vector<16xi32>
      %xor3A_2609 = arith.xori %iota3A_2592, %xor3A_2608 : vector<16xi32>
      %broadcast_in_dim3A_2610 = vector.shape_cast %xor3A_2609 : vector<16xi32> to vector<16x1xi32>
      %gather3A_2611 = vector.shape_cast %broadcast_in_dim3A_2610 : vector<16x1xi32> to vector<16xi32>
      %gather3A_2612 = tpu.dynamic_gather %max3A_2606[%gather3A_2611] in [0] : vector<16xf32>, vector<16xi32> -> vector<16xf32>
      %max3A_2613 = arith.maximumf %max3A_2606, %gather3A_2612 : vector<16xf32>
      %xor3A_2614 = arith.constant 1 : i32
      %xor3A_2615 = vector.broadcast %xor3A_2614 : i32 to vector<16xi32>
      %xor3A_2616 = arith.xori %iota3A_2592, %xor3A_2615 : vector<16xi32>
      %broadcast_in_dim3A_2617 = vector.shape_cast %xor3A_2616 : vector<16xi32> to vector<16x1xi32>
      %gather3A_2618 = vector.shape_cast %broadcast_in_dim3A_2617 : vector<16x1xi32> to vector<16xi32>
      %gather3A_2619 = tpu.dynamic_gather %max3A_2613[%gather3A_2618] in [0] : vector<16xf32>, vector<16xi32> -> vector<16xf32>
      %max3A_2620 = arith.maximumf %max3A_2613, %gather3A_2619 : vector<16xf32>
      %broadcast_in_dim3A_2621 = arith.constant 5 : i32
      %broadcast_in_dim3A_2622 = vector.broadcast %broadcast_in_dim3A_2621 : i32 to vector<16xi32>
      %broadcast_in_dim3A_2623 = vector.shape_cast %broadcast_in_dim3A_2622 : vector<16xi32> to vector<16x1xi32>
      %gather3A_2624 = vector.shape_cast %broadcast_in_dim3A_2623 : vector<16x1xi32> to vector<16xi32>
      %gather3A_2625 = tpu.dynamic_gather %get3A_12[%gather3A_2624] in [0] : vector<16xi32>, vector<16xi32> -> vector<16xi32>
      %broadcast_in_dim3A_2626 = arith.constant 0.000000e+00 : f32
      %broadcast_in_dim3A_2627 = vector.broadcast %broadcast_in_dim3A_2626 : f32 to vector<16xf32>
      %broadcast_in_dim3A_2628 = arith.constant 0.000000e+00 : f32
      %broadcast_in_dim3A_2629 = vector.broadcast %broadcast_in_dim3A_2628 : f32 to vector<16xf32>
      %get3A_2630 = arith.constant 5 : i32
      %get3A_2631 = arith.index_cast %get3A_2630 : i32 to index
      %get3A_2632 = arith.constant 0 : index
      %get3A_2633 = tpu.vector_load %arg9[%get3A_2631, %get3A_2632] {strides = array<i32>} : memref<8x256xf32, #tpu.memory_space<vmem>>, vector<1x16xf32>,
      %get3A_2634 = vector.shape_cast %get3A_2633 : vector<1x16xf32> to vector<16xf32>
      %sub3A_2635 = arith.subf %get3A_2634, %max3A_2620 : vector<16xf32>
      %exp3A_2636 = math.exp %sub3A_2635 : vector<16xf32>
      %add3A_2637 = arith.addf %broadcast_in_dim3A_2627, %exp3A_2636 : vector<16xf32>
      %add3A_2638 = arith.constant 0 : i32
      %add3A_2639 = vector.broadcast %add3A_2638 : i32 to vector<16xi32>
      %add3A_2640 = arith.addi %iota3A, %add3A_2639 : vector<16xi32>
      %eq3A_2641 = arith.cmpi eq, %add3A_2640, %gather3A_2625 : vector<16xi32>
      %jit3A_2642 = arith.constant 0.000000e+00 : f32
      %broadcast_in_dim3A_2643 = vector.broadcast %jit3A_2642 : f32 to vector<16xf32>
      %select_n3A_2644 = arith.select %eq3A_2641, %get3A_2634, %broadcast_in_dim3A_2643 : vector<16xi1>, vector<16xf32>
      %add3A_2645 = arith.addf %broadcast_in_dim3A_2629, %select_n3A_2644 : vector<16xf32>
      %get3A_2646 = arith.constant 5 : i32
      %get3A_2647 = arith.index_cast %get3A_2646 : i32 to index
      %get3A_2648 = arith.constant 16 : index
      %get3A_2649 = tpu.vector_load %arg9[%get3A_2647, %get3A_2648] {strides = array<i32>} : memref<8x256xf32, #tpu.memory_space<vmem>>, vector<1x16xf32>,
      %get3A_2650 = vector.shape_cast %get3A_2649 : vector<1x16xf32> to vector<16xf32>
      %sub3A_2651 = arith.subf %get3A_2650, %max3A_2620 : vector<16xf32>
      %exp3A_2652 = math.exp %sub3A_2651 : vector<16xf32>
      %add3A_2653 = arith.addf %add3A_2637, %exp3A_2652 : vector<16xf32>
      %add3A_2654 = arith.constant 16 : i32
      %add3A_2655 = vector.broadcast %add3A_2654 : i32 to vector<16xi32>
      %add3A_2656 = arith.addi %iota3A, %add3A_2655 : vector<16xi32>
      %eq3A_2657 = arith.cmpi eq, %add3A_2656, %gather3A_2625 : vector<16xi32>
      %jit3A_2658 = arith.constant 0.000000e+00 : f32
      %broadcast_in_dim3A_2659 = vector.broadcast %jit3A_2658 : f32 to vector<16xf32>
      %select_n3A_2660 = arith.select %eq3A_2657, %get3A_2650, %broadcast_in_dim3A_2659 : vector<16xi1>, vector<16xf32>
      %add3A_2661 = arith.addf %add3A_2645, %select_n3A_2660 : vector<16xf32>
      %get3A_2662 = arith.constant 5 : i32
      %get3A_2663 = arith.index_cast %get3A_2662 : i32 to index
      %get3A_2664 = arith.constant 32 : index
      %get3A_2665 = tpu.vector_load %arg9[%get3A_2663, %get3A_2664] {strides = array<i32>} : memref<8x256xf32, #tpu.memory_space<vmem>>, vector<1x16xf32>,
      %get3A_2666 = vector.shape_cast %get3A_2665 : vector<1x16xf32> to vector<16xf32>
      %sub3A_2667 = arith.subf %get3A_2666, %max3A_2620 : vector<16xf32>
      %exp3A_2668 = math.exp %sub3A_2667 : vector<16xf32>
      %add3A_2669 = arith.addf %add3A_2653, %exp3A_2668 : vector<16xf32>
      %add3A_2670 = arith.constant 32 : i32
      %add3A_2671 = vector.broadcast %add3A_2670 : i32 to vector<16xi32>
      %add3A_2672 = arith.addi %iota3A, %add3A_2671 : vector<16xi32>
      %eq3A_2673 = arith.cmpi eq, %add3A_2672, %gather3A_2625 : vector<16xi32>
      %jit3A_2674 = arith.constant 0.000000e+00 : f32
      %broadcast_in_dim3A_2675 = vector.broadcast %jit3A_2674 : f32 to vector<16xf32>
      %select_n3A_2676 = arith.select %eq3A_2673, %get3A_2666, %broadcast_in_dim3A_2675 : vector<16xi1>, vector<16xf32>
      %add3A_2677 = arith.addf %add3A_2661, %select_n3A_2676 : vector<16xf32>
      %get3A_2678 = arith.constant 5 : i32
      %get3A_2679 = arith.index_cast %get3A_2678 : i32 to index
      %get3A_2680 = arith.constant 48 : index
      %get3A_2681 = tpu.vector_load %arg9[%get3A_2679, %get3A_2680] {strides = array<i32>} : memref<8x256xf32, #tpu.memory_space<vmem>>, vector<1x16xf32>,
      %get3A_2682 = vector.shape_cast %get3A_2681 : vector<1x16xf32> to vector<16xf32>
      %sub3A_2683 = arith.subf %get3A_2682, %max3A_2620 : vector<16xf32>
      %exp3A_2684 = math.exp %sub3A_2683 : vector<16xf32>
      %add3A_2685 = arith.addf %add3A_2669, %exp3A_2684 : vector<16xf32>
      %add3A_2686 = arith.constant 48 : i32
      %add3A_2687 = vector.broadcast %add3A_2686 : i32 to vector<16xi32>
      %add3A_2688 = arith.addi %iota3A, %add3A_2687 : vector<16xi32>
      %eq3A_2689 = arith.cmpi eq, %add3A_2688, %gather3A_2625 : vector<16xi32>
      %jit3A_2690 = arith.constant 0.000000e+00 : f32
      %broadcast_in_dim3A_2691 = vector.broadcast %jit3A_2690 : f32 to vector<16xf32>
      %select_n3A_2692 = arith.select %eq3A_2689, %get3A_2682, %broadcast_in_dim3A_2691 : vector<16xi1>, vector<16xf32>
      %add3A_2693 = arith.addf %add3A_2677, %select_n3A_2692 : vector<16xf32>
      %get3A_2694 = arith.constant 5 : i32
      %get3A_2695 = arith.index_cast %get3A_2694 : i32 to index
      %get3A_2696 = arith.constant 64 : index
      %get3A_2697 = tpu.vector_load %arg9[%get3A_2695, %get3A_2696] {strides = array<i32>} : memref<8x256xf32, #tpu.memory_space<vmem>>, vector<1x16xf32>,
      %get3A_2698 = vector.shape_cast %get3A_2697 : vector<1x16xf32> to vector<16xf32>
      %sub3A_2699 = arith.subf %get3A_2698, %max3A_2620 : vector<16xf32>
      %exp3A_2700 = math.exp %sub3A_2699 : vector<16xf32>
      %add3A_2701 = arith.addf %add3A_2685, %exp3A_2700 : vector<16xf32>
      %add3A_2702 = arith.constant 64 : i32
      %add3A_2703 = vector.broadcast %add3A_2702 : i32 to vector<16xi32>
      %add3A_2704 = arith.addi %iota3A, %add3A_2703 : vector<16xi32>
      %eq3A_2705 = arith.cmpi eq, %add3A_2704, %gather3A_2625 : vector<16xi32>
      %jit3A_2706 = arith.constant 0.000000e+00 : f32
      %broadcast_in_dim3A_2707 = vector.broadcast %jit3A_2706 : f32 to vector<16xf32>
      %select_n3A_2708 = arith.select %eq3A_2705, %get3A_2698, %broadcast_in_dim3A_2707 : vector<16xi1>, vector<16xf32>
      %add3A_2709 = arith.addf %add3A_2693, %select_n3A_2708 : vector<16xf32>
      %get3A_2710 = arith.constant 5 : i32
      %get3A_2711 = arith.index_cast %get3A_2710 : i32 to index
      %get3A_2712 = arith.constant 80 : index
      %get3A_2713 = tpu.vector_load %arg9[%get3A_2711, %get3A_2712] {strides = array<i32>} : memref<8x256xf32, #tpu.memory_space<vmem>>, vector<1x16xf32>,
      %get3A_2714 = vector.shape_cast %get3A_2713 : vector<1x16xf32> to vector<16xf32>
      %sub3A_2715 = arith.subf %get3A_2714, %max3A_2620 : vector<16xf32>
      %exp3A_2716 = math.exp %sub3A_2715 : vector<16xf32>
      %add3A_2717 = arith.addf %add3A_2701, %exp3A_2716 : vector<16xf32>
      %add3A_2718 = arith.constant 80 : i32
      %add3A_2719 = vector.broadcast %add3A_2718 : i32 to vector<16xi32>
      %add3A_2720 = arith.addi %iota3A, %add3A_2719 : vector<16xi32>
      %eq3A_2721 = arith.cmpi eq, %add3A_2720, %gather3A_2625 : vector<16xi32>
      %jit3A_2722 = arith.constant 0.000000e+00 : f32
      %broadcast_in_dim3A_2723 = vector.broadcast %jit3A_2722 : f32 to vector<16xf32>
      %select_n3A_2724 = arith.select %eq3A_2721, %get3A_2714, %broadcast_in_dim3A_2723 : vector<16xi1>, vector<16xf32>
      %add3A_2725 = arith.addf %add3A_2709, %select_n3A_2724 : vector<16xf32>
      %get3A_2726 = arith.constant 5 : i32
      %get3A_2727 = arith.index_cast %get3A_2726 : i32 to index
      %get3A_2728 = arith.constant 96 : index
      %get3A_2729 = tpu.vector_load %arg9[%get3A_2727, %get3A_2728] {strides = array<i32>} : memref<8x256xf32, #tpu.memory_space<vmem>>, vector<1x16xf32>,
      %get3A_2730 = vector.shape_cast %get3A_2729 : vector<1x16xf32> to vector<16xf32>
      %sub3A_2731 = arith.subf %get3A_2730, %max3A_2620 : vector<16xf32>
      %exp3A_2732 = math.exp %sub3A_2731 : vector<16xf32>
      %add3A_2733 = arith.addf %add3A_2717, %exp3A_2732 : vector<16xf32>
      %add3A_2734 = arith.constant 96 : i32
      %add3A_2735 = vector.broadcast %add3A_2734 : i32 to vector<16xi32>
      %add3A_2736 = arith.addi %iota3A, %add3A_2735 : vector<16xi32>
      %eq3A_2737 = arith.cmpi eq, %add3A_2736, %gather3A_2625 : vector<16xi32>
      %jit3A_2738 = arith.constant 0.000000e+00 : f32
      %broadcast_in_dim3A_2739 = vector.broadcast %jit3A_2738 : f32 to vector<16xf32>
      %select_n3A_2740 = arith.select %eq3A_2737, %get3A_2730, %broadcast_in_dim3A_2739 : vector<16xi1>, vector<16xf32>
      %add3A_2741 = arith.addf %add3A_2725, %select_n3A_2740 : vector<16xf32>
      %get3A_2742 = arith.constant 5 : i32
      %get3A_2743 = arith.index_cast %get3A_2742 : i32 to index
      %get3A_2744 = arith.constant 112 : index
      %get3A_2745 = tpu.vector_load %arg9[%get3A_2743, %get3A_2744] {strides = array<i32>} : memref<8x256xf32, #tpu.memory_space<vmem>>, vector<1x16xf32>,
      %get3A_2746 = vector.shape_cast %get3A_2745 : vector<1x16xf32> to vector<16xf32>
      %sub3A_2747 = arith.subf %get3A_2746, %max3A_2620 : vector<16xf32>
      %exp3A_2748 = math.exp %sub3A_2747 : vector<16xf32>
      %add3A_2749 = arith.addf %add3A_2733, %exp3A_2748 : vector<16xf32>
      %add3A_2750 = arith.constant 112 : i32
      %add3A_2751 = vector.broadcast %add3A_2750 : i32 to vector<16xi32>
      %add3A_2752 = arith.addi %iota3A, %add3A_2751 : vector<16xi32>
      %eq3A_2753 = arith.cmpi eq, %add3A_2752, %gather3A_2625 : vector<16xi32>
      %jit3A_2754 = arith.constant 0.000000e+00 : f32
      %broadcast_in_dim3A_2755 = vector.broadcast %jit3A_2754 : f32 to vector<16xf32>
      %select_n3A_2756 = arith.select %eq3A_2753, %get3A_2746, %broadcast_in_dim3A_2755 : vector<16xi1>, vector<16xf32>
      %add3A_2757 = arith.addf %add3A_2741, %select_n3A_2756 : vector<16xf32>
      %get3A_2758 = arith.constant 5 : i32
      %get3A_2759 = arith.index_cast %get3A_2758 : i32 to index
      %get3A_2760 = arith.constant 128 : index
      %get3A_2761 = tpu.vector_load %arg9[%get3A_2759, %get3A_2760] {strides = array<i32>} : memref<8x256xf32, #tpu.memory_space<vmem>>, vector<1x16xf32>,
      %get3A_2762 = vector.shape_cast %get3A_2761 : vector<1x16xf32> to vector<16xf32>
      %sub3A_2763 = arith.subf %get3A_2762, %max3A_2620 : vector<16xf32>
      %exp3A_2764 = math.exp %sub3A_2763 : vector<16xf32>
      %add3A_2765 = arith.addf %add3A_2749, %exp3A_2764 : vector<16xf32>
      %add3A_2766 = arith.constant 128 : i32
      %add3A_2767 = vector.broadcast %add3A_2766 : i32 to vector<16xi32>
      %add3A_2768 = arith.addi %iota3A, %add3A_2767 : vector<16xi32>
      %eq3A_2769 = arith.cmpi eq, %add3A_2768, %gather3A_2625 : vector<16xi32>
      %jit3A_2770 = arith.constant 0.000000e+00 : f32
      %broadcast_in_dim3A_2771 = vector.broadcast %jit3A_2770 : f32 to vector<16xf32>
      %select_n3A_2772 = arith.select %eq3A_2769, %get3A_2762, %broadcast_in_dim3A_2771 : vector<16xi1>, vector<16xf32>
      %add3A_2773 = arith.addf %add3A_2757, %select_n3A_2772 : vector<16xf32>
      %get3A_2774 = arith.constant 5 : i32
      %get3A_2775 = arith.index_cast %get3A_2774 : i32 to index
      %get3A_2776 = arith.constant 144 : index
      %get3A_2777 = tpu.vector_load %arg9[%get3A_2775, %get3A_2776] {strides = array<i32>} : memref<8x256xf32, #tpu.memory_space<vmem>>, vector<1x16xf32>,
      %get3A_2778 = vector.shape_cast %get3A_2777 : vector<1x16xf32> to vector<16xf32>
      %sub3A_2779 = arith.subf %get3A_2778, %max3A_2620 : vector<16xf32>
      %exp3A_2780 = math.exp %sub3A_2779 : vector<16xf32>
      %add3A_2781 = arith.addf %add3A_2765, %exp3A_2780 : vector<16xf32>
      %add3A_2782 = arith.constant 144 : i32
      %add3A_2783 = vector.broadcast %add3A_2782 : i32 to vector<16xi32>
      %add3A_2784 = arith.addi %iota3A, %add3A_2783 : vector<16xi32>
      %eq3A_2785 = arith.cmpi eq, %add3A_2784, %gather3A_2625 : vector<16xi32>
      %jit3A_2786 = arith.constant 0.000000e+00 : f32
      %broadcast_in_dim3A_2787 = vector.broadcast %jit3A_2786 : f32 to vector<16xf32>
      %select_n3A_2788 = arith.select %eq3A_2785, %get3A_2778, %broadcast_in_dim3A_2787 : vector<16xi1>, vector<16xf32>
      %add3A_2789 = arith.addf %add3A_2773, %select_n3A_2788 : vector<16xf32>
      %get3A_2790 = arith.constant 5 : i32
      %get3A_2791 = arith.index_cast %get3A_2790 : i32 to index
      %get3A_2792 = arith.constant 160 : index
      %get3A_2793 = tpu.vector_load %arg9[%get3A_2791, %get3A_2792] {strides = array<i32>} : memref<8x256xf32, #tpu.memory_space<vmem>>, vector<1x16xf32>,
      %get3A_2794 = vector.shape_cast %get3A_2793 : vector<1x16xf32> to vector<16xf32>
      %sub3A_2795 = arith.subf %get3A_2794, %max3A_2620 : vector<16xf32>
      %exp3A_2796 = math.exp %sub3A_2795 : vector<16xf32>
      %add3A_2797 = arith.addf %add3A_2781, %exp3A_2796 : vector<16xf32>
      %add3A_2798 = arith.constant 160 : i32
      %add3A_2799 = vector.broadcast %add3A_2798 : i32 to vector<16xi32>
      %add3A_2800 = arith.addi %iota3A, %add3A_2799 : vector<16xi32>
      %eq3A_2801 = arith.cmpi eq, %add3A_2800, %gather3A_2625 : vector<16xi32>
      %jit3A_2802 = arith.constant 0.000000e+00 : f32
      %broadcast_in_dim3A_2803 = vector.broadcast %jit3A_2802 : f32 to vector<16xf32>
      %select_n3A_2804 = arith.select %eq3A_2801, %get3A_2794, %broadcast_in_dim3A_2803 : vector<16xi1>, vector<16xf32>
      %add3A_2805 = arith.addf %add3A_2789, %select_n3A_2804 : vector<16xf32>
      %get3A_2806 = arith.constant 5 : i32
      %get3A_2807 = arith.index_cast %get3A_2806 : i32 to index
      %get3A_2808 = arith.constant 176 : index
      %get3A_2809 = tpu.vector_load %arg9[%get3A_2807, %get3A_2808] {strides = array<i32>} : memref<8x256xf32, #tpu.memory_space<vmem>>, vector<1x16xf32>,
      %get3A_2810 = vector.shape_cast %get3A_2809 : vector<1x16xf32> to vector<16xf32>
      %sub3A_2811 = arith.subf %get3A_2810, %max3A_2620 : vector<16xf32>
      %exp3A_2812 = math.exp %sub3A_2811 : vector<16xf32>
      %add3A_2813 = arith.addf %add3A_2797, %exp3A_2812 : vector<16xf32>
      %add3A_2814 = arith.constant 176 : i32
      %add3A_2815 = vector.broadcast %add3A_2814 : i32 to vector<16xi32>
      %add3A_2816 = arith.addi %iota3A, %add3A_2815 : vector<16xi32>
      %eq3A_2817 = arith.cmpi eq, %add3A_2816, %gather3A_2625 : vector<16xi32>
      %jit3A_2818 = arith.constant 0.000000e+00 : f32
      %broadcast_in_dim3A_2819 = vector.broadcast %jit3A_2818 : f32 to vector<16xf32>
      %select_n3A_2820 = arith.select %eq3A_2817, %get3A_2810, %broadcast_in_dim3A_2819 : vector<16xi1>, vector<16xf32>
      %add3A_2821 = arith.addf %add3A_2805, %select_n3A_2820 : vector<16xf32>
      %get3A_2822 = arith.constant 5 : i32
      %get3A_2823 = arith.index_cast %get3A_2822 : i32 to index
      %get3A_2824 = arith.constant 192 : index
      %get3A_2825 = tpu.vector_load %arg9[%get3A_2823, %get3A_2824] {strides = array<i32>} : memref<8x256xf32, #tpu.memory_space<vmem>>, vector<1x16xf32>,
      %get3A_2826 = vector.shape_cast %get3A_2825 : vector<1x16xf32> to vector<16xf32>
      %sub3A_2827 = arith.subf %get3A_2826, %max3A_2620 : vector<16xf32>
      %exp3A_2828 = math.exp %sub3A_2827 : vector<16xf32>
      %add3A_2829 = arith.addf %add3A_2813, %exp3A_2828 : vector<16xf32>
      %add3A_2830 = arith.constant 192 : i32
      %add3A_2831 = vector.broadcast %add3A_2830 : i32 to vector<16xi32>
      %add3A_2832 = arith.addi %iota3A, %add3A_2831 : vector<16xi32>
      %eq3A_2833 = arith.cmpi eq, %add3A_2832, %gather3A_2625 : vector<16xi32>
      %jit3A_2834 = arith.constant 0.000000e+00 : f32
      %broadcast_in_dim3A_2835 = vector.broadcast %jit3A_2834 : f32 to vector<16xf32>
      %select_n3A_2836 = arith.select %eq3A_2833, %get3A_2826, %broadcast_in_dim3A_2835 : vector<16xi1>, vector<16xf32>
      %add3A_2837 = arith.addf %add3A_2821, %select_n3A_2836 : vector<16xf32>
      %get3A_2838 = arith.constant 5 : i32
      %get3A_2839 = arith.index_cast %get3A_2838 : i32 to index
      %get3A_2840 = arith.constant 208 : index
      %get3A_2841 = tpu.vector_load %arg9[%get3A_2839, %get3A_2840] {strides = array<i32>} : memref<8x256xf32, #tpu.memory_space<vmem>>, vector<1x16xf32>,
      %get3A_2842 = vector.shape_cast %get3A_2841 : vector<1x16xf32> to vector<16xf32>
      %sub3A_2843 = arith.subf %get3A_2842, %max3A_2620 : vector<16xf32>
      %exp3A_2844 = math.exp %sub3A_2843 : vector<16xf32>
      %add3A_2845 = arith.addf %add3A_2829, %exp3A_2844 : vector<16xf32>
      %add3A_2846 = arith.constant 208 : i32
      %add3A_2847 = vector.broadcast %add3A_2846 : i32 to vector<16xi32>
      %add3A_2848 = arith.addi %iota3A, %add3A_2847 : vector<16xi32>
      %eq3A_2849 = arith.cmpi eq, %add3A_2848, %gather3A_2625 : vector<16xi32>
      %jit3A_2850 = arith.constant 0.000000e+00 : f32
      %broadcast_in_dim3A_2851 = vector.broadcast %jit3A_2850 : f32 to vector<16xf32>
      %select_n3A_2852 = arith.select %eq3A_2849, %get3A_2842, %broadcast_in_dim3A_2851 : vector<16xi1>, vector<16xf32>
      %add3A_2853 = arith.addf %add3A_2837, %select_n3A_2852 : vector<16xf32>
      %get3A_2854 = arith.constant 5 : i32
      %get3A_2855 = arith.index_cast %get3A_2854 : i32 to index
      %get3A_2856 = arith.constant 224 : index
      %get3A_2857 = tpu.vector_load %arg9[%get3A_2855, %get3A_2856] {strides = array<i32>} : memref<8x256xf32, #tpu.memory_space<vmem>>, vector<1x16xf32>,
      %get3A_2858 = vector.shape_cast %get3A_2857 : vector<1x16xf32> to vector<16xf32>
      %sub3A_2859 = arith.subf %get3A_2858, %max3A_2620 : vector<16xf32>
      %exp3A_2860 = math.exp %sub3A_2859 : vector<16xf32>
      %add3A_2861 = arith.addf %add3A_2845, %exp3A_2860 : vector<16xf32>
      %add3A_2862 = arith.constant 224 : i32
      %add3A_2863 = vector.broadcast %add3A_2862 : i32 to vector<16xi32>
      %add3A_2864 = arith.addi %iota3A, %add3A_2863 : vector<16xi32>
      %eq3A_2865 = arith.cmpi eq, %add3A_2864, %gather3A_2625 : vector<16xi32>
      %jit3A_2866 = arith.constant 0.000000e+00 : f32
      %broadcast_in_dim3A_2867 = vector.broadcast %jit3A_2866 : f32 to vector<16xf32>
      %select_n3A_2868 = arith.select %eq3A_2865, %get3A_2858, %broadcast_in_dim3A_2867 : vector<16xi1>, vector<16xf32>
      %add3A_2869 = arith.addf %add3A_2853, %select_n3A_2868 : vector<16xf32>
      %get3A_2870 = arith.constant 5 : i32
      %get3A_2871 = arith.index_cast %get3A_2870 : i32 to index
      %get3A_2872 = arith.constant 240 : index
      %get3A_2873 = tpu.vector_load %arg9[%get3A_2871, %get3A_2872] {strides = array<i32>} : memref<8x256xf32, #tpu.memory_space<vmem>>, vector<1x16xf32>,
      %get3A_2874 = vector.shape_cast %get3A_2873 : vector<1x16xf32> to vector<16xf32>
      %sub3A_2875 = arith.subf %get3A_2874, %max3A_2620 : vector<16xf32>
      %exp3A_2876 = math.exp %sub3A_2875 : vector<16xf32>
      %add3A_2877 = arith.addf %add3A_2861, %exp3A_2876 : vector<16xf32>
      %add3A_2878 = arith.constant 240 : i32
      %add3A_2879 = vector.broadcast %add3A_2878 : i32 to vector<16xi32>
      %add3A_2880 = arith.addi %iota3A, %add3A_2879 : vector<16xi32>
      %eq3A_2881 = arith.cmpi eq, %add3A_2880, %gather3A_2625 : vector<16xi32>
      %jit3A_2882 = arith.constant 0.000000e+00 : f32
      %broadcast_in_dim3A_2883 = vector.broadcast %jit3A_2882 : f32 to vector<16xf32>
      %select_n3A_2884 = arith.select %eq3A_2881, %get3A_2874, %broadcast_in_dim3A_2883 : vector<16xi1>, vector<16xf32>
      %add3A_2885 = arith.addf %add3A_2869, %select_n3A_2884 : vector<16xf32>
      %iota3A_2886 = tpu.iota {dimensions = array<i32: 0>} : vector<16xi32>
      %xor3A_2887 = arith.constant 8 : i32
      %xor3A_2888 = vector.broadcast %xor3A_2887 : i32 to vector<16xi32>
      %xor3A_2889 = arith.xori %iota3A_2886, %xor3A_2888 : vector<16xi32>
      %broadcast_in_dim3A_2890 = vector.shape_cast %xor3A_2889 : vector<16xi32> to vector<16x1xi32>
      %gather3A_2891 = vector.shape_cast %broadcast_in_dim3A_2890 : vector<16x1xi32> to vector<16xi32>
      %gather3A_2892 = tpu.dynamic_gather %add3A_2877[%gather3A_2891] in [0] : vector<16xf32>, vector<16xi32> -> vector<16xf32>
      %add3A_2893 = arith.addf %add3A_2877, %gather3A_2892 : vector<16xf32>
      %xor3A_2894 = arith.constant 4 : i32
      %xor3A_2895 = vector.broadcast %xor3A_2894 : i32 to vector<16xi32>
      %xor3A_2896 = arith.xori %iota3A_2886, %xor3A_2895 : vector<16xi32>
      %broadcast_in_dim3A_2897 = vector.shape_cast %xor3A_2896 : vector<16xi32> to vector<16x1xi32>
      %gather3A_2898 = vector.shape_cast %broadcast_in_dim3A_2897 : vector<16x1xi32> to vector<16xi32>
      %gather3A_2899 = tpu.dynamic_gather %add3A_2893[%gather3A_2898] in [0] : vector<16xf32>, vector<16xi32> -> vector<16xf32>
      %add3A_2900 = arith.addf %add3A_2893, %gather3A_2899 : vector<16xf32>
      %xor3A_2901 = arith.constant 2 : i32
      %xor3A_2902 = vector.broadcast %xor3A_2901 : i32 to vector<16xi32>
      %xor3A_2903 = arith.xori %iota3A_2886, %xor3A_2902 : vector<16xi32>
      %broadcast_in_dim3A_2904 = vector.shape_cast %xor3A_2903 : vector<16xi32> to vector<16x1xi32>
      %gather3A_2905 = vector.shape_cast %broadcast_in_dim3A_2904 : vector<16x1xi32> to vector<16xi32>
      %gather3A_2906 = tpu.dynamic_gather %add3A_2900[%gather3A_2905] in [0] : vector<16xf32>, vector<16xi32> -> vector<16xf32>
      %add3A_2907 = arith.addf %add3A_2900, %gather3A_2906 : vector<16xf32>
      %xor3A_2908 = arith.constant 1 : i32
      %xor3A_2909 = vector.broadcast %xor3A_2908 : i32 to vector<16xi32>
      %xor3A_2910 = arith.xori %iota3A_2886, %xor3A_2909 : vector<16xi32>
      %broadcast_in_dim3A_2911 = vector.shape_cast %xor3A_2910 : vector<16xi32> to vector<16x1xi32>
      %gather3A_2912 = vector.shape_cast %broadcast_in_dim3A_2911 : vector<16x1xi32> to vector<16xi32>
      %gather3A_2913 = tpu.dynamic_gather %add3A_2907[%gather3A_2912] in [0] : vector<16xf32>, vector<16xi32> -> vector<16xf32>
      %add3A_2914 = arith.addf %add3A_2907, %gather3A_2913 : vector<16xf32>
      %iota3A_2915 = tpu.iota {dimensions = array<i32: 0>} : vector<16xi32>
      %xor3A_2916 = arith.constant 8 : i32
      %xor3A_2917 = vector.broadcast %xor3A_2916 : i32 to vector<16xi32>
      %xor3A_2918 = arith.xori %iota3A_2915, %xor3A_2917 : vector<16xi32>
      %broadcast_in_dim3A_2919 = vector.shape_cast %xor3A_2918 : vector<16xi32> to vector<16x1xi32>
      %gather3A_2920 = vector.shape_cast %broadcast_in_dim3A_2919 : vector<16x1xi32> to vector<16xi32>
      %gather3A_2921 = tpu.dynamic_gather %add3A_2885[%gather3A_2920] in [0] : vector<16xf32>, vector<16xi32> -> vector<16xf32>
      %add3A_2922 = arith.addf %add3A_2885, %gather3A_2921 : vector<16xf32>
      %xor3A_2923 = arith.constant 4 : i32
      %xor3A_2924 = vector.broadcast %xor3A_2923 : i32 to vector<16xi32>
      %xor3A_2925 = arith.xori %iota3A_2915, %xor3A_2924 : vector<16xi32>
      %broadcast_in_dim3A_2926 = vector.shape_cast %xor3A_2925 : vector<16xi32> to vector<16x1xi32>
      %gather3A_2927 = vector.shape_cast %broadcast_in_dim3A_2926 : vector<16x1xi32> to vector<16xi32>
      %gather3A_2928 = tpu.dynamic_gather %add3A_2922[%gather3A_2927] in [0] : vector<16xf32>, vector<16xi32> -> vector<16xf32>
      %add3A_2929 = arith.addf %add3A_2922, %gather3A_2928 : vector<16xf32>
      %xor3A_2930 = arith.constant 2 : i32
      %xor3A_2931 = vector.broadcast %xor3A_2930 : i32 to vector<16xi32>
      %xor3A_2932 = arith.xori %iota3A_2915, %xor3A_2931 : vector<16xi32>
      %broadcast_in_dim3A_2933 = vector.shape_cast %xor3A_2932 : vector<16xi32> to vector<16x1xi32>
      %gather3A_2934 = vector.shape_cast %broadcast_in_dim3A_2933 : vector<16x1xi32> to vector<16xi32>
      %gather3A_2935 = tpu.dynamic_gather %add3A_2929[%gather3A_2934] in [0] : vector<16xf32>, vector<16xi32> -> vector<16xf32>
      %add3A_2936 = arith.addf %add3A_2929, %gather3A_2935 : vector<16xf32>
      %xor3A_2937 = arith.constant 1 : i32
      %xor3A_2938 = vector.broadcast %xor3A_2937 : i32 to vector<16xi32>
      %xor3A_2939 = arith.xori %iota3A_2915, %xor3A_2938 : vector<16xi32>
      %broadcast_in_dim3A_2940 = vector.shape_cast %xor3A_2939 : vector<16xi32> to vector<16x1xi32>
      %gather3A_2941 = vector.shape_cast %broadcast_in_dim3A_2940 : vector<16x1xi32> to vector<16xi32>
      %gather3A_2942 = tpu.dynamic_gather %add3A_2936[%gather3A_2941] in [0] : vector<16xf32>, vector<16xi32> -> vector<16xf32>
      %add3A_2943 = arith.addf %add3A_2936, %gather3A_2942 : vector<16xf32>
      %add3A_2944 = arith.addf %sub3A_2496, %add3A_2943 : vector<16xf32>
      %sub3A_2945 = arith.subf %add3A_2944, %max3A_2620 : vector<16xf32>
      %bitcast_convert_type3A_2946 = tpu.bitcast %add3A_2914 : vector<16xf32> -> vector<16xi32>
      %shift_right_arithmetic3A_2947 = arith.constant 23 : i32
      %shift_right_arithmetic3A_2948 = vector.broadcast %shift_right_arithmetic3A_2947 : i32 to vector<16xi32>
      %shift_right_arithmetic3A_2949 = arith.shrsi %bitcast_convert_type3A_2946, %shift_right_arithmetic3A_2948 : vector<16xi32>
      %and3A_2950 = arith.constant 255 : i32
      %and3A_2951 = vector.broadcast %and3A_2950 : i32 to vector<16xi32>
      %and3A_2952 = arith.andi %shift_right_arithmetic3A_2949, %and3A_2951 : vector<16xi32>
      %sub3A_2953 = arith.constant 127 : i32
      %sub3A_2954 = vector.broadcast %sub3A_2953 : i32 to vector<16xi32>
      %sub3A_2955 = arith.subi %and3A_2952, %sub3A_2954 : vector<16xi32>
      %and3A_2956 = arith.constant 8388607 : i32
      %and3A_2957 = vector.broadcast %and3A_2956 : i32 to vector<16xi32>
      %and3A_2958 = arith.andi %bitcast_convert_type3A_2946, %and3A_2957 : vector<16xi32>
      %convert_element_type3A_2959 = arith.sitofp %and3A_2958 : vector<16xi32> to vector<16xf32>
      %mul3A_2960 = arith.constant 1.1920929E-7 : f32
      %mul3A_2961 = vector.broadcast %mul3A_2960 : f32 to vector<16xf32>
      %mul3A_2962 = arith.mulf %convert_element_type3A_2959, %mul3A_2961 : vector<16xf32>
      %convert_element_type3A_2963 = arith.sitofp %sub3A_2955 : vector<16xi32> to vector<16xf32>
      %add3A_2964 = arith.addf %convert_element_type3A_2963, %mul3A_2962 : vector<16xf32>
      %mul3A_2965 = arith.constant 0.693147182 : f32
      %mul3A_2966 = vector.broadcast %mul3A_2965 : f32 to vector<16xf32>
      %mul3A_2967 = arith.mulf %add3A_2964, %mul3A_2966 : vector<16xf32>
      %neg3A_2968 = arith.constant 0.000000e+00 : f32
      %neg3A_2969 = vector.broadcast %neg3A_2968 : f32 to vector<16xf32>
      %neg3A_2970 = arith.subf %neg3A_2969, %mul3A_2967 : vector<16xf32>
      %exp3A_2971 = math.exp %neg3A_2970 : vector<16xf32>
      %mul3A_2972 = arith.mulf %add3A_2914, %exp3A_2971 : vector<16xf32>
      %add3A_2973 = arith.addf %mul3A_2967, %mul3A_2972 : vector<16xf32>
      %sub3A_2974 = arith.constant 1.000000e+00 : f32
      %sub3A_2975 = vector.broadcast %sub3A_2974 : f32 to vector<16xf32>
      %sub3A_2976 = arith.subf %add3A_2973, %sub3A_2975 : vector<16xf32>
      %neg3A_2977 = arith.constant 0.000000e+00 : f32
      %neg3A_2978 = vector.broadcast %neg3A_2977 : f32 to vector<16xf32>
      %neg3A_2979 = arith.subf %neg3A_2978, %sub3A_2976 : vector<16xf32>
      %exp3A_2980 = math.exp %neg3A_2979 : vector<16xf32>
      %mul3A_2981 = arith.mulf %add3A_2914, %exp3A_2980 : vector<16xf32>
      %add3A_2982 = arith.addf %sub3A_2976, %mul3A_2981 : vector<16xf32>
      %sub3A_2983 = arith.constant 1.000000e+00 : f32
      %sub3A_2984 = vector.broadcast %sub3A_2983 : f32 to vector<16xf32>
      %sub3A_2985 = arith.subf %add3A_2982, %sub3A_2984 : vector<16xf32>
      %neg3A_2986 = arith.constant 0.000000e+00 : f32
      %neg3A_2987 = vector.broadcast %neg3A_2986 : f32 to vector<16xf32>
      %neg3A_2988 = arith.subf %neg3A_2987, %sub3A_2985 : vector<16xf32>
      %exp3A_2989 = math.exp %neg3A_2988 : vector<16xf32>
      %mul3A_2990 = arith.mulf %add3A_2914, %exp3A_2989 : vector<16xf32>
      %add3A_2991 = arith.addf %sub3A_2985, %mul3A_2990 : vector<16xf32>
      %sub3A_2992 = arith.constant 1.000000e+00 : f32
      %sub3A_2993 = vector.broadcast %sub3A_2992 : f32 to vector<16xf32>
      %sub3A_2994 = arith.subf %add3A_2991, %sub3A_2993 : vector<16xf32>
      %sub3A_2995 = arith.subf %sub3A_2945, %sub3A_2994 : vector<16xf32>
      %get3A_2996 = arith.constant 6 : i32
      %get3A_2997 = arith.index_cast %get3A_2996 : i32 to index
      %get3A_2998 = arith.constant 0 : index
      %get3A_2999 = tpu.vector_load %arg9[%get3A_2997, %get3A_2998] {strides = array<i32>} : memref<8x256xf32, #tpu.memory_space<vmem>>, vector<1x16xf32>,
      %get3A_3000 = vector.shape_cast %get3A_2999 : vector<1x16xf32> to vector<16xf32>
      %get3A_3001 = arith.constant 6 : i32
      %get3A_3002 = arith.index_cast %get3A_3001 : i32 to index
      %get3A_3003 = arith.constant 16 : index
      %get3A_3004 = tpu.vector_load %arg9[%get3A_3002, %get3A_3003] {strides = array<i32>} : memref<8x256xf32, #tpu.memory_space<vmem>>, vector<1x16xf32>,
      %get3A_3005 = vector.shape_cast %get3A_3004 : vector<1x16xf32> to vector<16xf32>
      %max3A_3006 = arith.maximumf %get3A_3000, %get3A_3005 : vector<16xf32>
      %get3A_3007 = arith.constant 6 : i32
      %get3A_3008 = arith.index_cast %get3A_3007 : i32 to index
      %get3A_3009 = arith.constant 32 : index
      %get3A_3010 = tpu.vector_load %arg9[%get3A_3008, %get3A_3009] {strides = array<i32>} : memref<8x256xf32, #tpu.memory_space<vmem>>, vector<1x16xf32>,
      %get3A_3011 = vector.shape_cast %get3A_3010 : vector<1x16xf32> to vector<16xf32>
      %max3A_3012 = arith.maximumf %max3A_3006, %get3A_3011 : vector<16xf32>
      %get3A_3013 = arith.constant 6 : i32
      %get3A_3014 = arith.index_cast %get3A_3013 : i32 to index
      %get3A_3015 = arith.constant 48 : index
      %get3A_3016 = tpu.vector_load %arg9[%get3A_3014, %get3A_3015] {strides = array<i32>} : memref<8x256xf32, #tpu.memory_space<vmem>>, vector<1x16xf32>,
      %get3A_3017 = vector.shape_cast %get3A_3016 : vector<1x16xf32> to vector<16xf32>
      %max3A_3018 = arith.maximumf %max3A_3012, %get3A_3017 : vector<16xf32>
      %get3A_3019 = arith.constant 6 : i32
      %get3A_3020 = arith.index_cast %get3A_3019 : i32 to index
      %get3A_3021 = arith.constant 64 : index
      %get3A_3022 = tpu.vector_load %arg9[%get3A_3020, %get3A_3021] {strides = array<i32>} : memref<8x256xf32, #tpu.memory_space<vmem>>, vector<1x16xf32>,
      %get3A_3023 = vector.shape_cast %get3A_3022 : vector<1x16xf32> to vector<16xf32>
      %max3A_3024 = arith.maximumf %max3A_3018, %get3A_3023 : vector<16xf32>
      %get3A_3025 = arith.constant 6 : i32
      %get3A_3026 = arith.index_cast %get3A_3025 : i32 to index
      %get3A_3027 = arith.constant 80 : index
      %get3A_3028 = tpu.vector_load %arg9[%get3A_3026, %get3A_3027] {strides = array<i32>} : memref<8x256xf32, #tpu.memory_space<vmem>>, vector<1x16xf32>,
      %get3A_3029 = vector.shape_cast %get3A_3028 : vector<1x16xf32> to vector<16xf32>
      %max3A_3030 = arith.maximumf %max3A_3024, %get3A_3029 : vector<16xf32>
      %get3A_3031 = arith.constant 6 : i32
      %get3A_3032 = arith.index_cast %get3A_3031 : i32 to index
      %get3A_3033 = arith.constant 96 : index
      %get3A_3034 = tpu.vector_load %arg9[%get3A_3032, %get3A_3033] {strides = array<i32>} : memref<8x256xf32, #tpu.memory_space<vmem>>, vector<1x16xf32>,
      %get3A_3035 = vector.shape_cast %get3A_3034 : vector<1x16xf32> to vector<16xf32>
      %max3A_3036 = arith.maximumf %max3A_3030, %get3A_3035 : vector<16xf32>
      %get3A_3037 = arith.constant 6 : i32
      %get3A_3038 = arith.index_cast %get3A_3037 : i32 to index
      %get3A_3039 = arith.constant 112 : index
      %get3A_3040 = tpu.vector_load %arg9[%get3A_3038, %get3A_3039] {strides = array<i32>} : memref<8x256xf32, #tpu.memory_space<vmem>>, vector<1x16xf32>,
      %get3A_3041 = vector.shape_cast %get3A_3040 : vector<1x16xf32> to vector<16xf32>
      %max3A_3042 = arith.maximumf %max3A_3036, %get3A_3041 : vector<16xf32>
      %get3A_3043 = arith.constant 6 : i32
      %get3A_3044 = arith.index_cast %get3A_3043 : i32 to index
      %get3A_3045 = arith.constant 128 : index
      %get3A_3046 = tpu.vector_load %arg9[%get3A_3044, %get3A_3045] {strides = array<i32>} : memref<8x256xf32, #tpu.memory_space<vmem>>, vector<1x16xf32>,
      %get3A_3047 = vector.shape_cast %get3A_3046 : vector<1x16xf32> to vector<16xf32>
      %max3A_3048 = arith.maximumf %max3A_3042, %get3A_3047 : vector<16xf32>
      %get3A_3049 = arith.constant 6 : i32
      %get3A_3050 = arith.index_cast %get3A_3049 : i32 to index
      %get3A_3051 = arith.constant 144 : index
      %get3A_3052 = tpu.vector_load %arg9[%get3A_3050, %get3A_3051] {strides = array<i32>} : memref<8x256xf32, #tpu.memory_space<vmem>>, vector<1x16xf32>,
      %get3A_3053 = vector.shape_cast %get3A_3052 : vector<1x16xf32> to vector<16xf32>
      %max3A_3054 = arith.maximumf %max3A_3048, %get3A_3053 : vector<16xf32>
      %get3A_3055 = arith.constant 6 : i32
      %get3A_3056 = arith.index_cast %get3A_3055 : i32 to index
      %get3A_3057 = arith.constant 160 : index
      %get3A_3058 = tpu.vector_load %arg9[%get3A_3056, %get3A_3057] {strides = array<i32>} : memref<8x256xf32, #tpu.memory_space<vmem>>, vector<1x16xf32>,
      %get3A_3059 = vector.shape_cast %get3A_3058 : vector<1x16xf32> to vector<16xf32>
      %max3A_3060 = arith.maximumf %max3A_3054, %get3A_3059 : vector<16xf32>
      %get3A_3061 = arith.constant 6 : i32
      %get3A_3062 = arith.index_cast %get3A_3061 : i32 to index
      %get3A_3063 = arith.constant 176 : index
      %get3A_3064 = tpu.vector_load %arg9[%get3A_3062, %get3A_3063] {strides = array<i32>} : memref<8x256xf32, #tpu.memory_space<vmem>>, vector<1x16xf32>,
      %get3A_3065 = vector.shape_cast %get3A_3064 : vector<1x16xf32> to vector<16xf32>
      %max3A_3066 = arith.maximumf %max3A_3060, %get3A_3065 : vector<16xf32>
      %get3A_3067 = arith.constant 6 : i32
      %get3A_3068 = arith.index_cast %get3A_3067 : i32 to index
      %get3A_3069 = arith.constant 192 : index
      %get3A_3070 = tpu.vector_load %arg9[%get3A_3068, %get3A_3069] {strides = array<i32>} : memref<8x256xf32, #tpu.memory_space<vmem>>, vector<1x16xf32>,
      %get3A_3071 = vector.shape_cast %get3A_3070 : vector<1x16xf32> to vector<16xf32>
      %max3A_3072 = arith.maximumf %max3A_3066, %get3A_3071 : vector<16xf32>
      %get3A_3073 = arith.constant 6 : i32
      %get3A_3074 = arith.index_cast %get3A_3073 : i32 to index
      %get3A_3075 = arith.constant 208 : index
      %get3A_3076 = tpu.vector_load %arg9[%get3A_3074, %get3A_3075] {strides = array<i32>} : memref<8x256xf32, #tpu.memory_space<vmem>>, vector<1x16xf32>,
      %get3A_3077 = vector.shape_cast %get3A_3076 : vector<1x16xf32> to vector<16xf32>
      %max3A_3078 = arith.maximumf %max3A_3072, %get3A_3077 : vector<16xf32>
      %get3A_3079 = arith.constant 6 : i32
      %get3A_3080 = arith.index_cast %get3A_3079 : i32 to index
      %get3A_3081 = arith.constant 224 : index
      %get3A_3082 = tpu.vector_load %arg9[%get3A_3080, %get3A_3081] {strides = array<i32>} : memref<8x256xf32, #tpu.memory_space<vmem>>, vector<1x16xf32>,
      %get3A_3083 = vector.shape_cast %get3A_3082 : vector<1x16xf32> to vector<16xf32>
      %max3A_3084 = arith.maximumf %max3A_3078, %get3A_3083 : vector<16xf32>
      %get3A_3085 = arith.constant 6 : i32
      %get3A_3086 = arith.index_cast %get3A_3085 : i32 to index
      %get3A_3087 = arith.constant 240 : index
      %get3A_3088 = tpu.vector_load %arg9[%get3A_3086, %get3A_3087] {strides = array<i32>} : memref<8x256xf32, #tpu.memory_space<vmem>>, vector<1x16xf32>,
      %get3A_3089 = vector.shape_cast %get3A_3088 : vector<1x16xf32> to vector<16xf32>
      %max3A_3090 = arith.maximumf %max3A_3084, %get3A_3089 : vector<16xf32>
      %iota3A_3091 = tpu.iota {dimensions = array<i32: 0>} : vector<16xi32>
      %xor3A_3092 = arith.constant 8 : i32
      %xor3A_3093 = vector.broadcast %xor3A_3092 : i32 to vector<16xi32>
      %xor3A_3094 = arith.xori %iota3A_3091, %xor3A_3093 : vector<16xi32>
      %broadcast_in_dim3A_3095 = vector.shape_cast %xor3A_3094 : vector<16xi32> to vector<16x1xi32>
      %gather3A_3096 = vector.shape_cast %broadcast_in_dim3A_3095 : vector<16x1xi32> to vector<16xi32>
      %gather3A_3097 = tpu.dynamic_gather %max3A_3090[%gather3A_3096] in [0] : vector<16xf32>, vector<16xi32> -> vector<16xf32>
      %max3A_3098 = arith.maximumf %max3A_3090, %gather3A_3097 : vector<16xf32>
      %xor3A_3099 = arith.constant 4 : i32
      %xor3A_3100 = vector.broadcast %xor3A_3099 : i32 to vector<16xi32>
      %xor3A_3101 = arith.xori %iota3A_3091, %xor3A_3100 : vector<16xi32>
      %broadcast_in_dim3A_3102 = vector.shape_cast %xor3A_3101 : vector<16xi32> to vector<16x1xi32>
      %gather3A_3103 = vector.shape_cast %broadcast_in_dim3A_3102 : vector<16x1xi32> to vector<16xi32>
      %gather3A_3104 = tpu.dynamic_gather %max3A_3098[%gather3A_3103] in [0] : vector<16xf32>, vector<16xi32> -> vector<16xf32>
      %max3A_3105 = arith.maximumf %max3A_3098, %gather3A_3104 : vector<16xf32>
      %xor3A_3106 = arith.constant 2 : i32
      %xor3A_3107 = vector.broadcast %xor3A_3106 : i32 to vector<16xi32>
      %xor3A_3108 = arith.xori %iota3A_3091, %xor3A_3107 : vector<16xi32>
      %broadcast_in_dim3A_3109 = vector.shape_cast %xor3A_3108 : vector<16xi32> to vector<16x1xi32>
      %gather3A_3110 = vector.shape_cast %broadcast_in_dim3A_3109 : vector<16x1xi32> to vector<16xi32>
      %gather3A_3111 = tpu.dynamic_gather %max3A_3105[%gather3A_3110] in [0] : vector<16xf32>, vector<16xi32> -> vector<16xf32>
      %max3A_3112 = arith.maximumf %max3A_3105, %gather3A_3111 : vector<16xf32>
      %xor3A_3113 = arith.constant 1 : i32
      %xor3A_3114 = vector.broadcast %xor3A_3113 : i32 to vector<16xi32>
      %xor3A_3115 = arith.xori %iota3A_3091, %xor3A_3114 : vector<16xi32>
      %broadcast_in_dim3A_3116 = vector.shape_cast %xor3A_3115 : vector<16xi32> to vector<16x1xi32>
      %gather3A_3117 = vector.shape_cast %broadcast_in_dim3A_3116 : vector<16x1xi32> to vector<16xi32>
      %gather3A_3118 = tpu.dynamic_gather %max3A_3112[%gather3A_3117] in [0] : vector<16xf32>, vector<16xi32> -> vector<16xf32>
      %max3A_3119 = arith.maximumf %max3A_3112, %gather3A_3118 : vector<16xf32>
      %broadcast_in_dim3A_3120 = arith.constant 6 : i32
      %broadcast_in_dim3A_3121 = vector.broadcast %broadcast_in_dim3A_3120 : i32 to vector<16xi32>
      %broadcast_in_dim3A_3122 = vector.shape_cast %broadcast_in_dim3A_3121 : vector<16xi32> to vector<16x1xi32>
      %gather3A_3123 = vector.shape_cast %broadcast_in_dim3A_3122 : vector<16x1xi32> to vector<16xi32>
      %gather3A_3124 = tpu.dynamic_gather %get3A_12[%gather3A_3123] in [0] : vector<16xi32>, vector<16xi32> -> vector<16xi32>
      %broadcast_in_dim3A_3125 = arith.constant 0.000000e+00 : f32
      %broadcast_in_dim3A_3126 = vector.broadcast %broadcast_in_dim3A_3125 : f32 to vector<16xf32>
      %broadcast_in_dim3A_3127 = arith.constant 0.000000e+00 : f32
      %broadcast_in_dim3A_3128 = vector.broadcast %broadcast_in_dim3A_3127 : f32 to vector<16xf32>
      %get3A_3129 = arith.constant 6 : i32
      %get3A_3130 = arith.index_cast %get3A_3129 : i32 to index
      %get3A_3131 = arith.constant 0 : index
      %get3A_3132 = tpu.vector_load %arg9[%get3A_3130, %get3A_3131] {strides = array<i32>} : memref<8x256xf32, #tpu.memory_space<vmem>>, vector<1x16xf32>,
      %get3A_3133 = vector.shape_cast %get3A_3132 : vector<1x16xf32> to vector<16xf32>
      %sub3A_3134 = arith.subf %get3A_3133, %max3A_3119 : vector<16xf32>
      %exp3A_3135 = math.exp %sub3A_3134 : vector<16xf32>
      %add3A_3136 = arith.addf %broadcast_in_dim3A_3126, %exp3A_3135 : vector<16xf32>
      %add3A_3137 = arith.constant 0 : i32
      %add3A_3138 = vector.broadcast %add3A_3137 : i32 to vector<16xi32>
      %add3A_3139 = arith.addi %iota3A, %add3A_3138 : vector<16xi32>
      %eq3A_3140 = arith.cmpi eq, %add3A_3139, %gather3A_3124 : vector<16xi32>
      %jit3A_3141 = arith.constant 0.000000e+00 : f32
      %broadcast_in_dim3A_3142 = vector.broadcast %jit3A_3141 : f32 to vector<16xf32>
      %select_n3A_3143 = arith.select %eq3A_3140, %get3A_3133, %broadcast_in_dim3A_3142 : vector<16xi1>, vector<16xf32>
      %add3A_3144 = arith.addf %broadcast_in_dim3A_3128, %select_n3A_3143 : vector<16xf32>
      %get3A_3145 = arith.constant 6 : i32
      %get3A_3146 = arith.index_cast %get3A_3145 : i32 to index
      %get3A_3147 = arith.constant 16 : index
      %get3A_3148 = tpu.vector_load %arg9[%get3A_3146, %get3A_3147] {strides = array<i32>} : memref<8x256xf32, #tpu.memory_space<vmem>>, vector<1x16xf32>,
      %get3A_3149 = vector.shape_cast %get3A_3148 : vector<1x16xf32> to vector<16xf32>
      %sub3A_3150 = arith.subf %get3A_3149, %max3A_3119 : vector<16xf32>
      %exp3A_3151 = math.exp %sub3A_3150 : vector<16xf32>
      %add3A_3152 = arith.addf %add3A_3136, %exp3A_3151 : vector<16xf32>
      %add3A_3153 = arith.constant 16 : i32
      %add3A_3154 = vector.broadcast %add3A_3153 : i32 to vector<16xi32>
      %add3A_3155 = arith.addi %iota3A, %add3A_3154 : vector<16xi32>
      %eq3A_3156 = arith.cmpi eq, %add3A_3155, %gather3A_3124 : vector<16xi32>
      %jit3A_3157 = arith.constant 0.000000e+00 : f32
      %broadcast_in_dim3A_3158 = vector.broadcast %jit3A_3157 : f32 to vector<16xf32>
      %select_n3A_3159 = arith.select %eq3A_3156, %get3A_3149, %broadcast_in_dim3A_3158 : vector<16xi1>, vector<16xf32>
      %add3A_3160 = arith.addf %add3A_3144, %select_n3A_3159 : vector<16xf32>
      %get3A_3161 = arith.constant 6 : i32
      %get3A_3162 = arith.index_cast %get3A_3161 : i32 to index
      %get3A_3163 = arith.constant 32 : index
      %get3A_3164 = tpu.vector_load %arg9[%get3A_3162, %get3A_3163] {strides = array<i32>} : memref<8x256xf32, #tpu.memory_space<vmem>>, vector<1x16xf32>,
      %get3A_3165 = vector.shape_cast %get3A_3164 : vector<1x16xf32> to vector<16xf32>
      %sub3A_3166 = arith.subf %get3A_3165, %max3A_3119 : vector<16xf32>
      %exp3A_3167 = math.exp %sub3A_3166 : vector<16xf32>
      %add3A_3168 = arith.addf %add3A_3152, %exp3A_3167 : vector<16xf32>
      %add3A_3169 = arith.constant 32 : i32
      %add3A_3170 = vector.broadcast %add3A_3169 : i32 to vector<16xi32>
      %add3A_3171 = arith.addi %iota3A, %add3A_3170 : vector<16xi32>
      %eq3A_3172 = arith.cmpi eq, %add3A_3171, %gather3A_3124 : vector<16xi32>
      %jit3A_3173 = arith.constant 0.000000e+00 : f32
      %broadcast_in_dim3A_3174 = vector.broadcast %jit3A_3173 : f32 to vector<16xf32>
      %select_n3A_3175 = arith.select %eq3A_3172, %get3A_3165, %broadcast_in_dim3A_3174 : vector<16xi1>, vector<16xf32>
      %add3A_3176 = arith.addf %add3A_3160, %select_n3A_3175 : vector<16xf32>
      %get3A_3177 = arith.constant 6 : i32
      %get3A_3178 = arith.index_cast %get3A_3177 : i32 to index
      %get3A_3179 = arith.constant 48 : index
      %get3A_3180 = tpu.vector_load %arg9[%get3A_3178, %get3A_3179] {strides = array<i32>} : memref<8x256xf32, #tpu.memory_space<vmem>>, vector<1x16xf32>,
      %get3A_3181 = vector.shape_cast %get3A_3180 : vector<1x16xf32> to vector<16xf32>
      %sub3A_3182 = arith.subf %get3A_3181, %max3A_3119 : vector<16xf32>
      %exp3A_3183 = math.exp %sub3A_3182 : vector<16xf32>
      %add3A_3184 = arith.addf %add3A_3168, %exp3A_3183 : vector<16xf32>
      %add3A_3185 = arith.constant 48 : i32
      %add3A_3186 = vector.broadcast %add3A_3185 : i32 to vector<16xi32>
      %add3A_3187 = arith.addi %iota3A, %add3A_3186 : vector<16xi32>
      %eq3A_3188 = arith.cmpi eq, %add3A_3187, %gather3A_3124 : vector<16xi32>
      %jit3A_3189 = arith.constant 0.000000e+00 : f32
      %broadcast_in_dim3A_3190 = vector.broadcast %jit3A_3189 : f32 to vector<16xf32>
      %select_n3A_3191 = arith.select %eq3A_3188, %get3A_3181, %broadcast_in_dim3A_3190 : vector<16xi1>, vector<16xf32>
      %add3A_3192 = arith.addf %add3A_3176, %select_n3A_3191 : vector<16xf32>
      %get3A_3193 = arith.constant 6 : i32
      %get3A_3194 = arith.index_cast %get3A_3193 : i32 to index
      %get3A_3195 = arith.constant 64 : index
      %get3A_3196 = tpu.vector_load %arg9[%get3A_3194, %get3A_3195] {strides = array<i32>} : memref<8x256xf32, #tpu.memory_space<vmem>>, vector<1x16xf32>,
      %get3A_3197 = vector.shape_cast %get3A_3196 : vector<1x16xf32> to vector<16xf32>
      %sub3A_3198 = arith.subf %get3A_3197, %max3A_3119 : vector<16xf32>
      %exp3A_3199 = math.exp %sub3A_3198 : vector<16xf32>
      %add3A_3200 = arith.addf %add3A_3184, %exp3A_3199 : vector<16xf32>
      %add3A_3201 = arith.constant 64 : i32
      %add3A_3202 = vector.broadcast %add3A_3201 : i32 to vector<16xi32>
      %add3A_3203 = arith.addi %iota3A, %add3A_3202 : vector<16xi32>
      %eq3A_3204 = arith.cmpi eq, %add3A_3203, %gather3A_3124 : vector<16xi32>
      %jit3A_3205 = arith.constant 0.000000e+00 : f32
      %broadcast_in_dim3A_3206 = vector.broadcast %jit3A_3205 : f32 to vector<16xf32>
      %select_n3A_3207 = arith.select %eq3A_3204, %get3A_3197, %broadcast_in_dim3A_3206 : vector<16xi1>, vector<16xf32>
      %add3A_3208 = arith.addf %add3A_3192, %select_n3A_3207 : vector<16xf32>
      %get3A_3209 = arith.constant 6 : i32
      %get3A_3210 = arith.index_cast %get3A_3209 : i32 to index
      %get3A_3211 = arith.constant 80 : index
      %get3A_3212 = tpu.vector_load %arg9[%get3A_3210, %get3A_3211] {strides = array<i32>} : memref<8x256xf32, #tpu.memory_space<vmem>>, vector<1x16xf32>,
      %get3A_3213 = vector.shape_cast %get3A_3212 : vector<1x16xf32> to vector<16xf32>
      %sub3A_3214 = arith.subf %get3A_3213, %max3A_3119 : vector<16xf32>
      %exp3A_3215 = math.exp %sub3A_3214 : vector<16xf32>
      %add3A_3216 = arith.addf %add3A_3200, %exp3A_3215 : vector<16xf32>
      %add3A_3217 = arith.constant 80 : i32
      %add3A_3218 = vector.broadcast %add3A_3217 : i32 to vector<16xi32>
      %add3A_3219 = arith.addi %iota3A, %add3A_3218 : vector<16xi32>
      %eq3A_3220 = arith.cmpi eq, %add3A_3219, %gather3A_3124 : vector<16xi32>
      %jit3A_3221 = arith.constant 0.000000e+00 : f32
      %broadcast_in_dim3A_3222 = vector.broadcast %jit3A_3221 : f32 to vector<16xf32>
      %select_n3A_3223 = arith.select %eq3A_3220, %get3A_3213, %broadcast_in_dim3A_3222 : vector<16xi1>, vector<16xf32>
      %add3A_3224 = arith.addf %add3A_3208, %select_n3A_3223 : vector<16xf32>
      %get3A_3225 = arith.constant 6 : i32
      %get3A_3226 = arith.index_cast %get3A_3225 : i32 to index
      %get3A_3227 = arith.constant 96 : index
      %get3A_3228 = tpu.vector_load %arg9[%get3A_3226, %get3A_3227] {strides = array<i32>} : memref<8x256xf32, #tpu.memory_space<vmem>>, vector<1x16xf32>,
      %get3A_3229 = vector.shape_cast %get3A_3228 : vector<1x16xf32> to vector<16xf32>
      %sub3A_3230 = arith.subf %get3A_3229, %max3A_3119 : vector<16xf32>
      %exp3A_3231 = math.exp %sub3A_3230 : vector<16xf32>
      %add3A_3232 = arith.addf %add3A_3216, %exp3A_3231 : vector<16xf32>
      %add3A_3233 = arith.constant 96 : i32
      %add3A_3234 = vector.broadcast %add3A_3233 : i32 to vector<16xi32>
      %add3A_3235 = arith.addi %iota3A, %add3A_3234 : vector<16xi32>
      %eq3A_3236 = arith.cmpi eq, %add3A_3235, %gather3A_3124 : vector<16xi32>
      %jit3A_3237 = arith.constant 0.000000e+00 : f32
      %broadcast_in_dim3A_3238 = vector.broadcast %jit3A_3237 : f32 to vector<16xf32>
      %select_n3A_3239 = arith.select %eq3A_3236, %get3A_3229, %broadcast_in_dim3A_3238 : vector<16xi1>, vector<16xf32>
      %add3A_3240 = arith.addf %add3A_3224, %select_n3A_3239 : vector<16xf32>
      %get3A_3241 = arith.constant 6 : i32
      %get3A_3242 = arith.index_cast %get3A_3241 : i32 to index
      %get3A_3243 = arith.constant 112 : index
      %get3A_3244 = tpu.vector_load %arg9[%get3A_3242, %get3A_3243] {strides = array<i32>} : memref<8x256xf32, #tpu.memory_space<vmem>>, vector<1x16xf32>,
      %get3A_3245 = vector.shape_cast %get3A_3244 : vector<1x16xf32> to vector<16xf32>
      %sub3A_3246 = arith.subf %get3A_3245, %max3A_3119 : vector<16xf32>
      %exp3A_3247 = math.exp %sub3A_3246 : vector<16xf32>
      %add3A_3248 = arith.addf %add3A_3232, %exp3A_3247 : vector<16xf32>
      %add3A_3249 = arith.constant 112 : i32
      %add3A_3250 = vector.broadcast %add3A_3249 : i32 to vector<16xi32>
      %add3A_3251 = arith.addi %iota3A, %add3A_3250 : vector<16xi32>
      %eq3A_3252 = arith.cmpi eq, %add3A_3251, %gather3A_3124 : vector<16xi32>
      %jit3A_3253 = arith.constant 0.000000e+00 : f32
      %broadcast_in_dim3A_3254 = vector.broadcast %jit3A_3253 : f32 to vector<16xf32>
      %select_n3A_3255 = arith.select %eq3A_3252, %get3A_3245, %broadcast_in_dim3A_3254 : vector<16xi1>, vector<16xf32>
      %add3A_3256 = arith.addf %add3A_3240, %select_n3A_3255 : vector<16xf32>
      %get3A_3257 = arith.constant 6 : i32
      %get3A_3258 = arith.index_cast %get3A_3257 : i32 to index
      %get3A_3259 = arith.constant 128 : index
      %get3A_3260 = tpu.vector_load %arg9[%get3A_3258, %get3A_3259] {strides = array<i32>} : memref<8x256xf32, #tpu.memory_space<vmem>>, vector<1x16xf32>,
      %get3A_3261 = vector.shape_cast %get3A_3260 : vector<1x16xf32> to vector<16xf32>
      %sub3A_3262 = arith.subf %get3A_3261, %max3A_3119 : vector<16xf32>
      %exp3A_3263 = math.exp %sub3A_3262 : vector<16xf32>
      %add3A_3264 = arith.addf %add3A_3248, %exp3A_3263 : vector<16xf32>
      %add3A_3265 = arith.constant 128 : i32
      %add3A_3266 = vector.broadcast %add3A_3265 : i32 to vector<16xi32>
      %add3A_3267 = arith.addi %iota3A, %add3A_3266 : vector<16xi32>
      %eq3A_3268 = arith.cmpi eq, %add3A_3267, %gather3A_3124 : vector<16xi32>
      %jit3A_3269 = arith.constant 0.000000e+00 : f32
      %broadcast_in_dim3A_3270 = vector.broadcast %jit3A_3269 : f32 to vector<16xf32>
      %select_n3A_3271 = arith.select %eq3A_3268, %get3A_3261, %broadcast_in_dim3A_3270 : vector<16xi1>, vector<16xf32>
      %add3A_3272 = arith.addf %add3A_3256, %select_n3A_3271 : vector<16xf32>
      %get3A_3273 = arith.constant 6 : i32
      %get3A_3274 = arith.index_cast %get3A_3273 : i32 to index
      %get3A_3275 = arith.constant 144 : index
      %get3A_3276 = tpu.vector_load %arg9[%get3A_3274, %get3A_3275] {strides = array<i32>} : memref<8x256xf32, #tpu.memory_space<vmem>>, vector<1x16xf32>,
      %get3A_3277 = vector.shape_cast %get3A_3276 : vector<1x16xf32> to vector<16xf32>
      %sub3A_3278 = arith.subf %get3A_3277, %max3A_3119 : vector<16xf32>
      %exp3A_3279 = math.exp %sub3A_3278 : vector<16xf32>
      %add3A_3280 = arith.addf %add3A_3264, %exp3A_3279 : vector<16xf32>
      %add3A_3281 = arith.constant 144 : i32
      %add3A_3282 = vector.broadcast %add3A_3281 : i32 to vector<16xi32>
      %add3A_3283 = arith.addi %iota3A, %add3A_3282 : vector<16xi32>
      %eq3A_3284 = arith.cmpi eq, %add3A_3283, %gather3A_3124 : vector<16xi32>
      %jit3A_3285 = arith.constant 0.000000e+00 : f32
      %broadcast_in_dim3A_3286 = vector.broadcast %jit3A_3285 : f32 to vector<16xf32>
      %select_n3A_3287 = arith.select %eq3A_3284, %get3A_3277, %broadcast_in_dim3A_3286 : vector<16xi1>, vector<16xf32>
      %add3A_3288 = arith.addf %add3A_3272, %select_n3A_3287 : vector<16xf32>
      %get3A_3289 = arith.constant 6 : i32
      %get3A_3290 = arith.index_cast %get3A_3289 : i32 to index
      %get3A_3291 = arith.constant 160 : index
      %get3A_3292 = tpu.vector_load %arg9[%get3A_3290, %get3A_3291] {strides = array<i32>} : memref<8x256xf32, #tpu.memory_space<vmem>>, vector<1x16xf32>,
      %get3A_3293 = vector.shape_cast %get3A_3292 : vector<1x16xf32> to vector<16xf32>
      %sub3A_3294 = arith.subf %get3A_3293, %max3A_3119 : vector<16xf32>
      %exp3A_3295 = math.exp %sub3A_3294 : vector<16xf32>
      %add3A_3296 = arith.addf %add3A_3280, %exp3A_3295 : vector<16xf32>
      %add3A_3297 = arith.constant 160 : i32
      %add3A_3298 = vector.broadcast %add3A_3297 : i32 to vector<16xi32>
      %add3A_3299 = arith.addi %iota3A, %add3A_3298 : vector<16xi32>
      %eq3A_3300 = arith.cmpi eq, %add3A_3299, %gather3A_3124 : vector<16xi32>
      %jit3A_3301 = arith.constant 0.000000e+00 : f32
      %broadcast_in_dim3A_3302 = vector.broadcast %jit3A_3301 : f32 to vector<16xf32>
      %select_n3A_3303 = arith.select %eq3A_3300, %get3A_3293, %broadcast_in_dim3A_3302 : vector<16xi1>, vector<16xf32>
      %add3A_3304 = arith.addf %add3A_3288, %select_n3A_3303 : vector<16xf32>
      %get3A_3305 = arith.constant 6 : i32
      %get3A_3306 = arith.index_cast %get3A_3305 : i32 to index
      %get3A_3307 = arith.constant 176 : index
      %get3A_3308 = tpu.vector_load %arg9[%get3A_3306, %get3A_3307] {strides = array<i32>} : memref<8x256xf32, #tpu.memory_space<vmem>>, vector<1x16xf32>,
      %get3A_3309 = vector.shape_cast %get3A_3308 : vector<1x16xf32> to vector<16xf32>
      %sub3A_3310 = arith.subf %get3A_3309, %max3A_3119 : vector<16xf32>
      %exp3A_3311 = math.exp %sub3A_3310 : vector<16xf32>
      %add3A_3312 = arith.addf %add3A_3296, %exp3A_3311 : vector<16xf32>
      %add3A_3313 = arith.constant 176 : i32
      %add3A_3314 = vector.broadcast %add3A_3313 : i32 to vector<16xi32>
      %add3A_3315 = arith.addi %iota3A, %add3A_3314 : vector<16xi32>
      %eq3A_3316 = arith.cmpi eq, %add3A_3315, %gather3A_3124 : vector<16xi32>
      %jit3A_3317 = arith.constant 0.000000e+00 : f32
      %broadcast_in_dim3A_3318 = vector.broadcast %jit3A_3317 : f32 to vector<16xf32>
      %select_n3A_3319 = arith.select %eq3A_3316, %get3A_3309, %broadcast_in_dim3A_3318 : vector<16xi1>, vector<16xf32>
      %add3A_3320 = arith.addf %add3A_3304, %select_n3A_3319 : vector<16xf32>
      %get3A_3321 = arith.constant 6 : i32
      %get3A_3322 = arith.index_cast %get3A_3321 : i32 to index
      %get3A_3323 = arith.constant 192 : index
      %get3A_3324 = tpu.vector_load %arg9[%get3A_3322, %get3A_3323] {strides = array<i32>} : memref<8x256xf32, #tpu.memory_space<vmem>>, vector<1x16xf32>,
      %get3A_3325 = vector.shape_cast %get3A_3324 : vector<1x16xf32> to vector<16xf32>
      %sub3A_3326 = arith.subf %get3A_3325, %max3A_3119 : vector<16xf32>
      %exp3A_3327 = math.exp %sub3A_3326 : vector<16xf32>
      %add3A_3328 = arith.addf %add3A_3312, %exp3A_3327 : vector<16xf32>
      %add3A_3329 = arith.constant 192 : i32
      %add3A_3330 = vector.broadcast %add3A_3329 : i32 to vector<16xi32>
      %add3A_3331 = arith.addi %iota3A, %add3A_3330 : vector<16xi32>
      %eq3A_3332 = arith.cmpi eq, %add3A_3331, %gather3A_3124 : vector<16xi32>
      %jit3A_3333 = arith.constant 0.000000e+00 : f32
      %broadcast_in_dim3A_3334 = vector.broadcast %jit3A_3333 : f32 to vector<16xf32>
      %select_n3A_3335 = arith.select %eq3A_3332, %get3A_3325, %broadcast_in_dim3A_3334 : vector<16xi1>, vector<16xf32>
      %add3A_3336 = arith.addf %add3A_3320, %select_n3A_3335 : vector<16xf32>
      %get3A_3337 = arith.constant 6 : i32
      %get3A_3338 = arith.index_cast %get3A_3337 : i32 to index
      %get3A_3339 = arith.constant 208 : index
      %get3A_3340 = tpu.vector_load %arg9[%get3A_3338, %get3A_3339] {strides = array<i32>} : memref<8x256xf32, #tpu.memory_space<vmem>>, vector<1x16xf32>,
      %get3A_3341 = vector.shape_cast %get3A_3340 : vector<1x16xf32> to vector<16xf32>
      %sub3A_3342 = arith.subf %get3A_3341, %max3A_3119 : vector<16xf32>
      %exp3A_3343 = math.exp %sub3A_3342 : vector<16xf32>
      %add3A_3344 = arith.addf %add3A_3328, %exp3A_3343 : vector<16xf32>
      %add3A_3345 = arith.constant 208 : i32
      %add3A_3346 = vector.broadcast %add3A_3345 : i32 to vector<16xi32>
      %add3A_3347 = arith.addi %iota3A, %add3A_3346 : vector<16xi32>
      %eq3A_3348 = arith.cmpi eq, %add3A_3347, %gather3A_3124 : vector<16xi32>
      %jit3A_3349 = arith.constant 0.000000e+00 : f32
      %broadcast_in_dim3A_3350 = vector.broadcast %jit3A_3349 : f32 to vector<16xf32>
      %select_n3A_3351 = arith.select %eq3A_3348, %get3A_3341, %broadcast_in_dim3A_3350 : vector<16xi1>, vector<16xf32>
      %add3A_3352 = arith.addf %add3A_3336, %select_n3A_3351 : vector<16xf32>
      %get3A_3353 = arith.constant 6 : i32
      %get3A_3354 = arith.index_cast %get3A_3353 : i32 to index
      %get3A_3355 = arith.constant 224 : index
      %get3A_3356 = tpu.vector_load %arg9[%get3A_3354, %get3A_3355] {strides = array<i32>} : memref<8x256xf32, #tpu.memory_space<vmem>>, vector<1x16xf32>,
      %get3A_3357 = vector.shape_cast %get3A_3356 : vector<1x16xf32> to vector<16xf32>
      %sub3A_3358 = arith.subf %get3A_3357, %max3A_3119 : vector<16xf32>
      %exp3A_3359 = math.exp %sub3A_3358 : vector<16xf32>
      %add3A_3360 = arith.addf %add3A_3344, %exp3A_3359 : vector<16xf32>
      %add3A_3361 = arith.constant 224 : i32
      %add3A_3362 = vector.broadcast %add3A_3361 : i32 to vector<16xi32>
      %add3A_3363 = arith.addi %iota3A, %add3A_3362 : vector<16xi32>
      %eq3A_3364 = arith.cmpi eq, %add3A_3363, %gather3A_3124 : vector<16xi32>
      %jit3A_3365 = arith.constant 0.000000e+00 : f32
      %broadcast_in_dim3A_3366 = vector.broadcast %jit3A_3365 : f32 to vector<16xf32>
      %select_n3A_3367 = arith.select %eq3A_3364, %get3A_3357, %broadcast_in_dim3A_3366 : vector<16xi1>, vector<16xf32>
      %add3A_3368 = arith.addf %add3A_3352, %select_n3A_3367 : vector<16xf32>
      %get3A_3369 = arith.constant 6 : i32
      %get3A_3370 = arith.index_cast %get3A_3369 : i32 to index
      %get3A_3371 = arith.constant 240 : index
      %get3A_3372 = tpu.vector_load %arg9[%get3A_3370, %get3A_3371] {strides = array<i32>} : memref<8x256xf32, #tpu.memory_space<vmem>>, vector<1x16xf32>,
      %get3A_3373 = vector.shape_cast %get3A_3372 : vector<1x16xf32> to vector<16xf32>
      %sub3A_3374 = arith.subf %get3A_3373, %max3A_3119 : vector<16xf32>
      %exp3A_3375 = math.exp %sub3A_3374 : vector<16xf32>
      %add3A_3376 = arith.addf %add3A_3360, %exp3A_3375 : vector<16xf32>
      %add3A_3377 = arith.constant 240 : i32
      %add3A_3378 = vector.broadcast %add3A_3377 : i32 to vector<16xi32>
      %add3A_3379 = arith.addi %iota3A, %add3A_3378 : vector<16xi32>
      %eq3A_3380 = arith.cmpi eq, %add3A_3379, %gather3A_3124 : vector<16xi32>
      %jit3A_3381 = arith.constant 0.000000e+00 : f32
      %broadcast_in_dim3A_3382 = vector.broadcast %jit3A_3381 : f32 to vector<16xf32>
      %select_n3A_3383 = arith.select %eq3A_3380, %get3A_3373, %broadcast_in_dim3A_3382 : vector<16xi1>, vector<16xf32>
      %add3A_3384 = arith.addf %add3A_3368, %select_n3A_3383 : vector<16xf32>
      %iota3A_3385 = tpu.iota {dimensions = array<i32: 0>} : vector<16xi32>
      %xor3A_3386 = arith.constant 8 : i32
      %xor3A_3387 = vector.broadcast %xor3A_3386 : i32 to vector<16xi32>
      %xor3A_3388 = arith.xori %iota3A_3385, %xor3A_3387 : vector<16xi32>
      %broadcast_in_dim3A_3389 = vector.shape_cast %xor3A_3388 : vector<16xi32> to vector<16x1xi32>
      %gather3A_3390 = vector.shape_cast %broadcast_in_dim3A_3389 : vector<16x1xi32> to vector<16xi32>
      %gather3A_3391 = tpu.dynamic_gather %add3A_3376[%gather3A_3390] in [0] : vector<16xf32>, vector<16xi32> -> vector<16xf32>
      %add3A_3392 = arith.addf %add3A_3376, %gather3A_3391 : vector<16xf32>
      %xor3A_3393 = arith.constant 4 : i32
      %xor3A_3394 = vector.broadcast %xor3A_3393 : i32 to vector<16xi32>
      %xor3A_3395 = arith.xori %iota3A_3385, %xor3A_3394 : vector<16xi32>
      %broadcast_in_dim3A_3396 = vector.shape_cast %xor3A_3395 : vector<16xi32> to vector<16x1xi32>
      %gather3A_3397 = vector.shape_cast %broadcast_in_dim3A_3396 : vector<16x1xi32> to vector<16xi32>
      %gather3A_3398 = tpu.dynamic_gather %add3A_3392[%gather3A_3397] in [0] : vector<16xf32>, vector<16xi32> -> vector<16xf32>
      %add3A_3399 = arith.addf %add3A_3392, %gather3A_3398 : vector<16xf32>
      %xor3A_3400 = arith.constant 2 : i32
      %xor3A_3401 = vector.broadcast %xor3A_3400 : i32 to vector<16xi32>
      %xor3A_3402 = arith.xori %iota3A_3385, %xor3A_3401 : vector<16xi32>
      %broadcast_in_dim3A_3403 = vector.shape_cast %xor3A_3402 : vector<16xi32> to vector<16x1xi32>
      %gather3A_3404 = vector.shape_cast %broadcast_in_dim3A_3403 : vector<16x1xi32> to vector<16xi32>
      %gather3A_3405 = tpu.dynamic_gather %add3A_3399[%gather3A_3404] in [0] : vector<16xf32>, vector<16xi32> -> vector<16xf32>
      %add3A_3406 = arith.addf %add3A_3399, %gather3A_3405 : vector<16xf32>
      %xor3A_3407 = arith.constant 1 : i32
      %xor3A_3408 = vector.broadcast %xor3A_3407 : i32 to vector<16xi32>
      %xor3A_3409 = arith.xori %iota3A_3385, %xor3A_3408 : vector<16xi32>
      %broadcast_in_dim3A_3410 = vector.shape_cast %xor3A_3409 : vector<16xi32> to vector<16x1xi32>
      %gather3A_3411 = vector.shape_cast %broadcast_in_dim3A_3410 : vector<16x1xi32> to vector<16xi32>
      %gather3A_3412 = tpu.dynamic_gather %add3A_3406[%gather3A_3411] in [0] : vector<16xf32>, vector<16xi32> -> vector<16xf32>
      %add3A_3413 = arith.addf %add3A_3406, %gather3A_3412 : vector<16xf32>
      %iota3A_3414 = tpu.iota {dimensions = array<i32: 0>} : vector<16xi32>
      %xor3A_3415 = arith.constant 8 : i32
      %xor3A_3416 = vector.broadcast %xor3A_3415 : i32 to vector<16xi32>
      %xor3A_3417 = arith.xori %iota3A_3414, %xor3A_3416 : vector<16xi32>
      %broadcast_in_dim3A_3418 = vector.shape_cast %xor3A_3417 : vector<16xi32> to vector<16x1xi32>
      %gather3A_3419 = vector.shape_cast %broadcast_in_dim3A_3418 : vector<16x1xi32> to vector<16xi32>
      %gather3A_3420 = tpu.dynamic_gather %add3A_3384[%gather3A_3419] in [0] : vector<16xf32>, vector<16xi32> -> vector<16xf32>
      %add3A_3421 = arith.addf %add3A_3384, %gather3A_3420 : vector<16xf32>
      %xor3A_3422 = arith.constant 4 : i32
      %xor3A_3423 = vector.broadcast %xor3A_3422 : i32 to vector<16xi32>
      %xor3A_3424 = arith.xori %iota3A_3414, %xor3A_3423 : vector<16xi32>
      %broadcast_in_dim3A_3425 = vector.shape_cast %xor3A_3424 : vector<16xi32> to vector<16x1xi32>
      %gather3A_3426 = vector.shape_cast %broadcast_in_dim3A_3425 : vector<16x1xi32> to vector<16xi32>
      %gather3A_3427 = tpu.dynamic_gather %add3A_3421[%gather3A_3426] in [0] : vector<16xf32>, vector<16xi32> -> vector<16xf32>
      %add3A_3428 = arith.addf %add3A_3421, %gather3A_3427 : vector<16xf32>
      %xor3A_3429 = arith.constant 2 : i32
      %xor3A_3430 = vector.broadcast %xor3A_3429 : i32 to vector<16xi32>
      %xor3A_3431 = arith.xori %iota3A_3414, %xor3A_3430 : vector<16xi32>
      %broadcast_in_dim3A_3432 = vector.shape_cast %xor3A_3431 : vector<16xi32> to vector<16x1xi32>
      %gather3A_3433 = vector.shape_cast %broadcast_in_dim3A_3432 : vector<16x1xi32> to vector<16xi32>
      %gather3A_3434 = tpu.dynamic_gather %add3A_3428[%gather3A_3433] in [0] : vector<16xf32>, vector<16xi32> -> vector<16xf32>
      %add3A_3435 = arith.addf %add3A_3428, %gather3A_3434 : vector<16xf32>
      %xor3A_3436 = arith.constant 1 : i32
      %xor3A_3437 = vector.broadcast %xor3A_3436 : i32 to vector<16xi32>
      %xor3A_3438 = arith.xori %iota3A_3414, %xor3A_3437 : vector<16xi32>
      %broadcast_in_dim3A_3439 = vector.shape_cast %xor3A_3438 : vector<16xi32> to vector<16x1xi32>
      %gather3A_3440 = vector.shape_cast %broadcast_in_dim3A_3439 : vector<16x1xi32> to vector<16xi32>
      %gather3A_3441 = tpu.dynamic_gather %add3A_3435[%gather3A_3440] in [0] : vector<16xf32>, vector<16xi32> -> vector<16xf32>
      %add3A_3442 = arith.addf %add3A_3435, %gather3A_3441 : vector<16xf32>
      %add3A_3443 = arith.addf %sub3A_2995, %add3A_3442 : vector<16xf32>
      %sub3A_3444 = arith.subf %add3A_3443, %max3A_3119 : vector<16xf32>
      %bitcast_convert_type3A_3445 = tpu.bitcast %add3A_3413 : vector<16xf32> -> vector<16xi32>
      %shift_right_arithmetic3A_3446 = arith.constant 23 : i32
      %shift_right_arithmetic3A_3447 = vector.broadcast %shift_right_arithmetic3A_3446 : i32 to vector<16xi32>
      %shift_right_arithmetic3A_3448 = arith.shrsi %bitcast_convert_type3A_3445, %shift_right_arithmetic3A_3447 : vector<16xi32>
      %and3A_3449 = arith.constant 255 : i32
      %and3A_3450 = vector.broadcast %and3A_3449 : i32 to vector<16xi32>
      %and3A_3451 = arith.andi %shift_right_arithmetic3A_3448, %and3A_3450 : vector<16xi32>
      %sub3A_3452 = arith.constant 127 : i32
      %sub3A_3453 = vector.broadcast %sub3A_3452 : i32 to vector<16xi32>
      %sub3A_3454 = arith.subi %and3A_3451, %sub3A_3453 : vector<16xi32>
      %and3A_3455 = arith.constant 8388607 : i32
      %and3A_3456 = vector.broadcast %and3A_3455 : i32 to vector<16xi32>
      %and3A_3457 = arith.andi %bitcast_convert_type3A_3445, %and3A_3456 : vector<16xi32>
      %convert_element_type3A_3458 = arith.sitofp %and3A_3457 : vector<16xi32> to vector<16xf32>
      %mul3A_3459 = arith.constant 1.1920929E-7 : f32
      %mul3A_3460 = vector.broadcast %mul3A_3459 : f32 to vector<16xf32>
      %mul3A_3461 = arith.mulf %convert_element_type3A_3458, %mul3A_3460 : vector<16xf32>
      %convert_element_type3A_3462 = arith.sitofp %sub3A_3454 : vector<16xi32> to vector<16xf32>
      %add3A_3463 = arith.addf %convert_element_type3A_3462, %mul3A_3461 : vector<16xf32>
      %mul3A_3464 = arith.constant 0.693147182 : f32
      %mul3A_3465 = vector.broadcast %mul3A_3464 : f32 to vector<16xf32>
      %mul3A_3466 = arith.mulf %add3A_3463, %mul3A_3465 : vector<16xf32>
      %neg3A_3467 = arith.constant 0.000000e+00 : f32
      %neg3A_3468 = vector.broadcast %neg3A_3467 : f32 to vector<16xf32>
      %neg3A_3469 = arith.subf %neg3A_3468, %mul3A_3466 : vector<16xf32>
      %exp3A_3470 = math.exp %neg3A_3469 : vector<16xf32>
      %mul3A_3471 = arith.mulf %add3A_3413, %exp3A_3470 : vector<16xf32>
      %add3A_3472 = arith.addf %mul3A_3466, %mul3A_3471 : vector<16xf32>
      %sub3A_3473 = arith.constant 1.000000e+00 : f32
      %sub3A_3474 = vector.broadcast %sub3A_3473 : f32 to vector<16xf32>
      %sub3A_3475 = arith.subf %add3A_3472, %sub3A_3474 : vector<16xf32>
      %neg3A_3476 = arith.constant 0.000000e+00 : f32
      %neg3A_3477 = vector.broadcast %neg3A_3476 : f32 to vector<16xf32>
      %neg3A_3478 = arith.subf %neg3A_3477, %sub3A_3475 : vector<16xf32>
      %exp3A_3479 = math.exp %neg3A_3478 : vector<16xf32>
      %mul3A_3480 = arith.mulf %add3A_3413, %exp3A_3479 : vector<16xf32>
      %add3A_3481 = arith.addf %sub3A_3475, %mul3A_3480 : vector<16xf32>
      %sub3A_3482 = arith.constant 1.000000e+00 : f32
      %sub3A_3483 = vector.broadcast %sub3A_3482 : f32 to vector<16xf32>
      %sub3A_3484 = arith.subf %add3A_3481, %sub3A_3483 : vector<16xf32>
      %neg3A_3485 = arith.constant 0.000000e+00 : f32
      %neg3A_3486 = vector.broadcast %neg3A_3485 : f32 to vector<16xf32>
      %neg3A_3487 = arith.subf %neg3A_3486, %sub3A_3484 : vector<16xf32>
      %exp3A_3488 = math.exp %neg3A_3487 : vector<16xf32>
      %mul3A_3489 = arith.mulf %add3A_3413, %exp3A_3488 : vector<16xf32>
      %add3A_3490 = arith.addf %sub3A_3484, %mul3A_3489 : vector<16xf32>
      %sub3A_3491 = arith.constant 1.000000e+00 : f32
      %sub3A_3492 = vector.broadcast %sub3A_3491 : f32 to vector<16xf32>
      %sub3A_3493 = arith.subf %add3A_3490, %sub3A_3492 : vector<16xf32>
      %sub3A_3494 = arith.subf %sub3A_3444, %sub3A_3493 : vector<16xf32>
      %get3A_3495 = arith.constant 7 : i32
      %get3A_3496 = arith.index_cast %get3A_3495 : i32 to index
      %get3A_3497 = arith.constant 0 : index
      %get3A_3498 = tpu.vector_load %arg9[%get3A_3496, %get3A_3497] {strides = array<i32>} : memref<8x256xf32, #tpu.memory_space<vmem>>, vector<1x16xf32>,
      %get3A_3499 = vector.shape_cast %get3A_3498 : vector<1x16xf32> to vector<16xf32>
      %get3A_3500 = arith.constant 7 : i32
      %get3A_3501 = arith.index_cast %get3A_3500 : i32 to index
      %get3A_3502 = arith.constant 16 : index
      %get3A_3503 = tpu.vector_load %arg9[%get3A_3501, %get3A_3502] {strides = array<i32>} : memref<8x256xf32, #tpu.memory_space<vmem>>, vector<1x16xf32>,
      %get3A_3504 = vector.shape_cast %get3A_3503 : vector<1x16xf32> to vector<16xf32>
      %max3A_3505 = arith.maximumf %get3A_3499, %get3A_3504 : vector<16xf32>
      %get3A_3506 = arith.constant 7 : i32
      %get3A_3507 = arith.index_cast %get3A_3506 : i32 to index
      %get3A_3508 = arith.constant 32 : index
      %get3A_3509 = tpu.vector_load %arg9[%get3A_3507, %get3A_3508] {strides = array<i32>} : memref<8x256xf32, #tpu.memory_space<vmem>>, vector<1x16xf32>,
      %get3A_3510 = vector.shape_cast %get3A_3509 : vector<1x16xf32> to vector<16xf32>
      %max3A_3511 = arith.maximumf %max3A_3505, %get3A_3510 : vector<16xf32>
      %get3A_3512 = arith.constant 7 : i32
      %get3A_3513 = arith.index_cast %get3A_3512 : i32 to index
      %get3A_3514 = arith.constant 48 : index
      %get3A_3515 = tpu.vector_load %arg9[%get3A_3513, %get3A_3514] {strides = array<i32>} : memref<8x256xf32, #tpu.memory_space<vmem>>, vector<1x16xf32>,
      %get3A_3516 = vector.shape_cast %get3A_3515 : vector<1x16xf32> to vector<16xf32>
      %max3A_3517 = arith.maximumf %max3A_3511, %get3A_3516 : vector<16xf32>
      %get3A_3518 = arith.constant 7 : i32
      %get3A_3519 = arith.index_cast %get3A_3518 : i32 to index
      %get3A_3520 = arith.constant 64 : index
      %get3A_3521 = tpu.vector_load %arg9[%get3A_3519, %get3A_3520] {strides = array<i32>} : memref<8x256xf32, #tpu.memory_space<vmem>>, vector<1x16xf32>,
      %get3A_3522 = vector.shape_cast %get3A_3521 : vector<1x16xf32> to vector<16xf32>
      %max3A_3523 = arith.maximumf %max3A_3517, %get3A_3522 : vector<16xf32>
      %get3A_3524 = arith.constant 7 : i32
      %get3A_3525 = arith.index_cast %get3A_3524 : i32 to index
      %get3A_3526 = arith.constant 80 : index
      %get3A_3527 = tpu.vector_load %arg9[%get3A_3525, %get3A_3526] {strides = array<i32>} : memref<8x256xf32, #tpu.memory_space<vmem>>, vector<1x16xf32>,
      %get3A_3528 = vector.shape_cast %get3A_3527 : vector<1x16xf32> to vector<16xf32>
      %max3A_3529 = arith.maximumf %max3A_3523, %get3A_3528 : vector<16xf32>
      %get3A_3530 = arith.constant 7 : i32
      %get3A_3531 = arith.index_cast %get3A_3530 : i32 to index
      %get3A_3532 = arith.constant 96 : index
      %get3A_3533 = tpu.vector_load %arg9[%get3A_3531, %get3A_3532] {strides = array<i32>} : memref<8x256xf32, #tpu.memory_space<vmem>>, vector<1x16xf32>,
      %get3A_3534 = vector.shape_cast %get3A_3533 : vector<1x16xf32> to vector<16xf32>
      %max3A_3535 = arith.maximumf %max3A_3529, %get3A_3534 : vector<16xf32>
      %get3A_3536 = arith.constant 7 : i32
      %get3A_3537 = arith.index_cast %get3A_3536 : i32 to index
      %get3A_3538 = arith.constant 112 : index
      %get3A_3539 = tpu.vector_load %arg9[%get3A_3537, %get3A_3538] {strides = array<i32>} : memref<8x256xf32, #tpu.memory_space<vmem>>, vector<1x16xf32>,
      %get3A_3540 = vector.shape_cast %get3A_3539 : vector<1x16xf32> to vector<16xf32>
      %max3A_3541 = arith.maximumf %max3A_3535, %get3A_3540 : vector<16xf32>
      %get3A_3542 = arith.constant 7 : i32
      %get3A_3543 = arith.index_cast %get3A_3542 : i32 to index
      %get3A_3544 = arith.constant 128 : index
      %get3A_3545 = tpu.vector_load %arg9[%get3A_3543, %get3A_3544] {strides = array<i32>} : memref<8x256xf32, #tpu.memory_space<vmem>>, vector<1x16xf32>,
      %get3A_3546 = vector.shape_cast %get3A_3545 : vector<1x16xf32> to vector<16xf32>
      %max3A_3547 = arith.maximumf %max3A_3541, %get3A_3546 : vector<16xf32>
      %get3A_3548 = arith.constant 7 : i32
      %get3A_3549 = arith.index_cast %get3A_3548 : i32 to index
      %get3A_3550 = arith.constant 144 : index
      %get3A_3551 = tpu.vector_load %arg9[%get3A_3549, %get3A_3550] {strides = array<i32>} : memref<8x256xf32, #tpu.memory_space<vmem>>, vector<1x16xf32>,
      %get3A_3552 = vector.shape_cast %get3A_3551 : vector<1x16xf32> to vector<16xf32>
      %max3A_3553 = arith.maximumf %max3A_3547, %get3A_3552 : vector<16xf32>
      %get3A_3554 = arith.constant 7 : i32
      %get3A_3555 = arith.index_cast %get3A_3554 : i32 to index
      %get3A_3556 = arith.constant 160 : index
      %get3A_3557 = tpu.vector_load %arg9[%get3A_3555, %get3A_3556] {strides = array<i32>} : memref<8x256xf32, #tpu.memory_space<vmem>>, vector<1x16xf32>,
      %get3A_3558 = vector.shape_cast %get3A_3557 : vector<1x16xf32> to vector<16xf32>
      %max3A_3559 = arith.maximumf %max3A_3553, %get3A_3558 : vector<16xf32>
      %get3A_3560 = arith.constant 7 : i32
      %get3A_3561 = arith.index_cast %get3A_3560 : i32 to index
      %get3A_3562 = arith.constant 176 : index
      %get3A_3563 = tpu.vector_load %arg9[%get3A_3561, %get3A_3562] {strides = array<i32>} : memref<8x256xf32, #tpu.memory_space<vmem>>, vector<1x16xf32>,
      %get3A_3564 = vector.shape_cast %get3A_3563 : vector<1x16xf32> to vector<16xf32>
      %max3A_3565 = arith.maximumf %max3A_3559, %get3A_3564 : vector<16xf32>
      %get3A_3566 = arith.constant 7 : i32
      %get3A_3567 = arith.index_cast %get3A_3566 : i32 to index
      %get3A_3568 = arith.constant 192 : index
      %get3A_3569 = tpu.vector_load %arg9[%get3A_3567, %get3A_3568] {strides = array<i32>} : memref<8x256xf32, #tpu.memory_space<vmem>>, vector<1x16xf32>,
      %get3A_3570 = vector.shape_cast %get3A_3569 : vector<1x16xf32> to vector<16xf32>
      %max3A_3571 = arith.maximumf %max3A_3565, %get3A_3570 : vector<16xf32>
      %get3A_3572 = arith.constant 7 : i32
      %get3A_3573 = arith.index_cast %get3A_3572 : i32 to index
      %get3A_3574 = arith.constant 208 : index
      %get3A_3575 = tpu.vector_load %arg9[%get3A_3573, %get3A_3574] {strides = array<i32>} : memref<8x256xf32, #tpu.memory_space<vmem>>, vector<1x16xf32>,
      %get3A_3576 = vector.shape_cast %get3A_3575 : vector<1x16xf32> to vector<16xf32>
      %max3A_3577 = arith.maximumf %max3A_3571, %get3A_3576 : vector<16xf32>
      %get3A_3578 = arith.constant 7 : i32
      %get3A_3579 = arith.index_cast %get3A_3578 : i32 to index
      %get3A_3580 = arith.constant 224 : index
      %get3A_3581 = tpu.vector_load %arg9[%get3A_3579, %get3A_3580] {strides = array<i32>} : memref<8x256xf32, #tpu.memory_space<vmem>>, vector<1x16xf32>,
      %get3A_3582 = vector.shape_cast %get3A_3581 : vector<1x16xf32> to vector<16xf32>
      %max3A_3583 = arith.maximumf %max3A_3577, %get3A_3582 : vector<16xf32>
      %get3A_3584 = arith.constant 7 : i32
      %get3A_3585 = arith.index_cast %get3A_3584 : i32 to index
      %get3A_3586 = arith.constant 240 : index
      %get3A_3587 = tpu.vector_load %arg9[%get3A_3585, %get3A_3586] {strides = array<i32>} : memref<8x256xf32, #tpu.memory_space<vmem>>, vector<1x16xf32>,
      %get3A_3588 = vector.shape_cast %get3A_3587 : vector<1x16xf32> to vector<16xf32>
      %max3A_3589 = arith.maximumf %max3A_3583, %get3A_3588 : vector<16xf32>
      %iota3A_3590 = tpu.iota {dimensions = array<i32: 0>} : vector<16xi32>
      %xor3A_3591 = arith.constant 8 : i32
      %xor3A_3592 = vector.broadcast %xor3A_3591 : i32 to vector<16xi32>
      %xor3A_3593 = arith.xori %iota3A_3590, %xor3A_3592 : vector<16xi32>
      %broadcast_in_dim3A_3594 = vector.shape_cast %xor3A_3593 : vector<16xi32> to vector<16x1xi32>
      %gather3A_3595 = vector.shape_cast %broadcast_in_dim3A_3594 : vector<16x1xi32> to vector<16xi32>
      %gather3A_3596 = tpu.dynamic_gather %max3A_3589[%gather3A_3595] in [0] : vector<16xf32>, vector<16xi32> -> vector<16xf32>
      %max3A_3597 = arith.maximumf %max3A_3589, %gather3A_3596 : vector<16xf32>
      %xor3A_3598 = arith.constant 4 : i32
      %xor3A_3599 = vector.broadcast %xor3A_3598 : i32 to vector<16xi32>
      %xor3A_3600 = arith.xori %iota3A_3590, %xor3A_3599 : vector<16xi32>
      %broadcast_in_dim3A_3601 = vector.shape_cast %xor3A_3600 : vector<16xi32> to vector<16x1xi32>
      %gather3A_3602 = vector.shape_cast %broadcast_in_dim3A_3601 : vector<16x1xi32> to vector<16xi32>
      %gather3A_3603 = tpu.dynamic_gather %max3A_3597[%gather3A_3602] in [0] : vector<16xf32>, vector<16xi32> -> vector<16xf32>
      %max3A_3604 = arith.maximumf %max3A_3597, %gather3A_3603 : vector<16xf32>
      %xor3A_3605 = arith.constant 2 : i32
      %xor3A_3606 = vector.broadcast %xor3A_3605 : i32 to vector<16xi32>
      %xor3A_3607 = arith.xori %iota3A_3590, %xor3A_3606 : vector<16xi32>
      %broadcast_in_dim3A_3608 = vector.shape_cast %xor3A_3607 : vector<16xi32> to vector<16x1xi32>
      %gather3A_3609 = vector.shape_cast %broadcast_in_dim3A_3608 : vector<16x1xi32> to vector<16xi32>
      %gather3A_3610 = tpu.dynamic_gather %max3A_3604[%gather3A_3609] in [0] : vector<16xf32>, vector<16xi32> -> vector<16xf32>
      %max3A_3611 = arith.maximumf %max3A_3604, %gather3A_3610 : vector<16xf32>
      %xor3A_3612 = arith.constant 1 : i32
      %xor3A_3613 = vector.broadcast %xor3A_3612 : i32 to vector<16xi32>
      %xor3A_3614 = arith.xori %iota3A_3590, %xor3A_3613 : vector<16xi32>
      %broadcast_in_dim3A_3615 = vector.shape_cast %xor3A_3614 : vector<16xi32> to vector<16x1xi32>
      %gather3A_3616 = vector.shape_cast %broadcast_in_dim3A_3615 : vector<16x1xi32> to vector<16xi32>
      %gather3A_3617 = tpu.dynamic_gather %max3A_3611[%gather3A_3616] in [0] : vector<16xf32>, vector<16xi32> -> vector<16xf32>
      %max3A_3618 = arith.maximumf %max3A_3611, %gather3A_3617 : vector<16xf32>
      %broadcast_in_dim3A_3619 = arith.constant 7 : i32
      %broadcast_in_dim3A_3620 = vector.broadcast %broadcast_in_dim3A_3619 : i32 to vector<16xi32>
      %broadcast_in_dim3A_3621 = vector.shape_cast %broadcast_in_dim3A_3620 : vector<16xi32> to vector<16x1xi32>
      %gather3A_3622 = vector.shape_cast %broadcast_in_dim3A_3621 : vector<16x1xi32> to vector<16xi32>
      %gather3A_3623 = tpu.dynamic_gather %get3A_12[%gather3A_3622] in [0] : vector<16xi32>, vector<16xi32> -> vector<16xi32>
      %broadcast_in_dim3A_3624 = arith.constant 0.000000e+00 : f32
      %broadcast_in_dim3A_3625 = vector.broadcast %broadcast_in_dim3A_3624 : f32 to vector<16xf32>
      %broadcast_in_dim3A_3626 = arith.constant 0.000000e+00 : f32
      %broadcast_in_dim3A_3627 = vector.broadcast %broadcast_in_dim3A_3626 : f32 to vector<16xf32>
      %get3A_3628 = arith.constant 7 : i32
      %get3A_3629 = arith.index_cast %get3A_3628 : i32 to index
      %get3A_3630 = arith.constant 0 : index
      %get3A_3631 = tpu.vector_load %arg9[%get3A_3629, %get3A_3630] {strides = array<i32>} : memref<8x256xf32, #tpu.memory_space<vmem>>, vector<1x16xf32>,
      %get3A_3632 = vector.shape_cast %get3A_3631 : vector<1x16xf32> to vector<16xf32>
      %sub3A_3633 = arith.subf %get3A_3632, %max3A_3618 : vector<16xf32>
      %exp3A_3634 = math.exp %sub3A_3633 : vector<16xf32>
      %add3A_3635 = arith.addf %broadcast_in_dim3A_3625, %exp3A_3634 : vector<16xf32>
      %add3A_3636 = arith.constant 0 : i32
      %add3A_3637 = vector.broadcast %add3A_3636 : i32 to vector<16xi32>
      %add3A_3638 = arith.addi %iota3A, %add3A_3637 : vector<16xi32>
      %eq3A_3639 = arith.cmpi eq, %add3A_3638, %gather3A_3623 : vector<16xi32>
      %jit3A_3640 = arith.constant 0.000000e+00 : f32
      %broadcast_in_dim3A_3641 = vector.broadcast %jit3A_3640 : f32 to vector<16xf32>
      %select_n3A_3642 = arith.select %eq3A_3639, %get3A_3632, %broadcast_in_dim3A_3641 : vector<16xi1>, vector<16xf32>
      %add3A_3643 = arith.addf %broadcast_in_dim3A_3627, %select_n3A_3642 : vector<16xf32>
      %get3A_3644 = arith.constant 7 : i32
      %get3A_3645 = arith.index_cast %get3A_3644 : i32 to index
      %get3A_3646 = arith.constant 16 : index
      %get3A_3647 = tpu.vector_load %arg9[%get3A_3645, %get3A_3646] {strides = array<i32>} : memref<8x256xf32, #tpu.memory_space<vmem>>, vector<1x16xf32>,
      %get3A_3648 = vector.shape_cast %get3A_3647 : vector<1x16xf32> to vector<16xf32>
      %sub3A_3649 = arith.subf %get3A_3648, %max3A_3618 : vector<16xf32>
      %exp3A_3650 = math.exp %sub3A_3649 : vector<16xf32>
      %add3A_3651 = arith.addf %add3A_3635, %exp3A_3650 : vector<16xf32>
      %add3A_3652 = arith.constant 16 : i32
      %add3A_3653 = vector.broadcast %add3A_3652 : i32 to vector<16xi32>
      %add3A_3654 = arith.addi %iota3A, %add3A_3653 : vector<16xi32>
      %eq3A_3655 = arith.cmpi eq, %add3A_3654, %gather3A_3623 : vector<16xi32>
      %jit3A_3656 = arith.constant 0.000000e+00 : f32
      %broadcast_in_dim3A_3657 = vector.broadcast %jit3A_3656 : f32 to vector<16xf32>
      %select_n3A_3658 = arith.select %eq3A_3655, %get3A_3648, %broadcast_in_dim3A_3657 : vector<16xi1>, vector<16xf32>
      %add3A_3659 = arith.addf %add3A_3643, %select_n3A_3658 : vector<16xf32>
      %get3A_3660 = arith.constant 7 : i32
      %get3A_3661 = arith.index_cast %get3A_3660 : i32 to index
      %get3A_3662 = arith.constant 32 : index
      %get3A_3663 = tpu.vector_load %arg9[%get3A_3661, %get3A_3662] {strides = array<i32>} : memref<8x256xf32, #tpu.memory_space<vmem>>, vector<1x16xf32>,
      %get3A_3664 = vector.shape_cast %get3A_3663 : vector<1x16xf32> to vector<16xf32>
      %sub3A_3665 = arith.subf %get3A_3664, %max3A_3618 : vector<16xf32>
      %exp3A_3666 = math.exp %sub3A_3665 : vector<16xf32>
      %add3A_3667 = arith.addf %add3A_3651, %exp3A_3666 : vector<16xf32>
      %add3A_3668 = arith.constant 32 : i32
      %add3A_3669 = vector.broadcast %add3A_3668 : i32 to vector<16xi32>
      %add3A_3670 = arith.addi %iota3A, %add3A_3669 : vector<16xi32>
      %eq3A_3671 = arith.cmpi eq, %add3A_3670, %gather3A_3623 : vector<16xi32>
      %jit3A_3672 = arith.constant 0.000000e+00 : f32
      %broadcast_in_dim3A_3673 = vector.broadcast %jit3A_3672 : f32 to vector<16xf32>
      %select_n3A_3674 = arith.select %eq3A_3671, %get3A_3664, %broadcast_in_dim3A_3673 : vector<16xi1>, vector<16xf32>
      %add3A_3675 = arith.addf %add3A_3659, %select_n3A_3674 : vector<16xf32>
      %get3A_3676 = arith.constant 7 : i32
      %get3A_3677 = arith.index_cast %get3A_3676 : i32 to index
      %get3A_3678 = arith.constant 48 : index
      %get3A_3679 = tpu.vector_load %arg9[%get3A_3677, %get3A_3678] {strides = array<i32>} : memref<8x256xf32, #tpu.memory_space<vmem>>, vector<1x16xf32>,
      %get3A_3680 = vector.shape_cast %get3A_3679 : vector<1x16xf32> to vector<16xf32>
      %sub3A_3681 = arith.subf %get3A_3680, %max3A_3618 : vector<16xf32>
      %exp3A_3682 = math.exp %sub3A_3681 : vector<16xf32>
      %add3A_3683 = arith.addf %add3A_3667, %exp3A_3682 : vector<16xf32>
      %add3A_3684 = arith.constant 48 : i32
      %add3A_3685 = vector.broadcast %add3A_3684 : i32 to vector<16xi32>
      %add3A_3686 = arith.addi %iota3A, %add3A_3685 : vector<16xi32>
      %eq3A_3687 = arith.cmpi eq, %add3A_3686, %gather3A_3623 : vector<16xi32>
      %jit3A_3688 = arith.constant 0.000000e+00 : f32
      %broadcast_in_dim3A_3689 = vector.broadcast %jit3A_3688 : f32 to vector<16xf32>
      %select_n3A_3690 = arith.select %eq3A_3687, %get3A_3680, %broadcast_in_dim3A_3689 : vector<16xi1>, vector<16xf32>
      %add3A_3691 = arith.addf %add3A_3675, %select_n3A_3690 : vector<16xf32>
      %get3A_3692 = arith.constant 7 : i32
      %get3A_3693 = arith.index_cast %get3A_3692 : i32 to index
      %get3A_3694 = arith.constant 64 : index
      %get3A_3695 = tpu.vector_load %arg9[%get3A_3693, %get3A_3694] {strides = array<i32>} : memref<8x256xf32, #tpu.memory_space<vmem>>, vector<1x16xf32>,
      %get3A_3696 = vector.shape_cast %get3A_3695 : vector<1x16xf32> to vector<16xf32>
      %sub3A_3697 = arith.subf %get3A_3696, %max3A_3618 : vector<16xf32>
      %exp3A_3698 = math.exp %sub3A_3697 : vector<16xf32>
      %add3A_3699 = arith.addf %add3A_3683, %exp3A_3698 : vector<16xf32>
      %add3A_3700 = arith.constant 64 : i32
      %add3A_3701 = vector.broadcast %add3A_3700 : i32 to vector<16xi32>
      %add3A_3702 = arith.addi %iota3A, %add3A_3701 : vector<16xi32>
      %eq3A_3703 = arith.cmpi eq, %add3A_3702, %gather3A_3623 : vector<16xi32>
      %jit3A_3704 = arith.constant 0.000000e+00 : f32
      %broadcast_in_dim3A_3705 = vector.broadcast %jit3A_3704 : f32 to vector<16xf32>
      %select_n3A_3706 = arith.select %eq3A_3703, %get3A_3696, %broadcast_in_dim3A_3705 : vector<16xi1>, vector<16xf32>
      %add3A_3707 = arith.addf %add3A_3691, %select_n3A_3706 : vector<16xf32>
      %get3A_3708 = arith.constant 7 : i32
      %get3A_3709 = arith.index_cast %get3A_3708 : i32 to index
      %get3A_3710 = arith.constant 80 : index
      %get3A_3711 = tpu.vector_load %arg9[%get3A_3709, %get3A_3710] {strides = array<i32>} : memref<8x256xf32, #tpu.memory_space<vmem>>, vector<1x16xf32>,
      %get3A_3712 = vector.shape_cast %get3A_3711 : vector<1x16xf32> to vector<16xf32>
      %sub3A_3713 = arith.subf %get3A_3712, %max3A_3618 : vector<16xf32>
      %exp3A_3714 = math.exp %sub3A_3713 : vector<16xf32>
      %add3A_3715 = arith.addf %add3A_3699, %exp3A_3714 : vector<16xf32>
      %add3A_3716 = arith.constant 80 : i32
      %add3A_3717 = vector.broadcast %add3A_3716 : i32 to vector<16xi32>
      %add3A_3718 = arith.addi %iota3A, %add3A_3717 : vector<16xi32>
      %eq3A_3719 = arith.cmpi eq, %add3A_3718, %gather3A_3623 : vector<16xi32>
      %jit3A_3720 = arith.constant 0.000000e+00 : f32
      %broadcast_in_dim3A_3721 = vector.broadcast %jit3A_3720 : f32 to vector<16xf32>
      %select_n3A_3722 = arith.select %eq3A_3719, %get3A_3712, %broadcast_in_dim3A_3721 : vector<16xi1>, vector<16xf32>
      %add3A_3723 = arith.addf %add3A_3707, %select_n3A_3722 : vector<16xf32>
      %get3A_3724 = arith.constant 7 : i32
      %get3A_3725 = arith.index_cast %get3A_3724 : i32 to index
      %get3A_3726 = arith.constant 96 : index
      %get3A_3727 = tpu.vector_load %arg9[%get3A_3725, %get3A_3726] {strides = array<i32>} : memref<8x256xf32, #tpu.memory_space<vmem>>, vector<1x16xf32>,
      %get3A_3728 = vector.shape_cast %get3A_3727 : vector<1x16xf32> to vector<16xf32>
      %sub3A_3729 = arith.subf %get3A_3728, %max3A_3618 : vector<16xf32>
      %exp3A_3730 = math.exp %sub3A_3729 : vector<16xf32>
      %add3A_3731 = arith.addf %add3A_3715, %exp3A_3730 : vector<16xf32>
      %add3A_3732 = arith.constant 96 : i32
      %add3A_3733 = vector.broadcast %add3A_3732 : i32 to vector<16xi32>
      %add3A_3734 = arith.addi %iota3A, %add3A_3733 : vector<16xi32>
      %eq3A_3735 = arith.cmpi eq, %add3A_3734, %gather3A_3623 : vector<16xi32>
      %jit3A_3736 = arith.constant 0.000000e+00 : f32
      %broadcast_in_dim3A_3737 = vector.broadcast %jit3A_3736 : f32 to vector<16xf32>
      %select_n3A_3738 = arith.select %eq3A_3735, %get3A_3728, %broadcast_in_dim3A_3737 : vector<16xi1>, vector<16xf32>
      %add3A_3739 = arith.addf %add3A_3723, %select_n3A_3738 : vector<16xf32>
      %get3A_3740 = arith.constant 7 : i32
      %get3A_3741 = arith.index_cast %get3A_3740 : i32 to index
      %get3A_3742 = arith.constant 112 : index
      %get3A_3743 = tpu.vector_load %arg9[%get3A_3741, %get3A_3742] {strides = array<i32>} : memref<8x256xf32, #tpu.memory_space<vmem>>, vector<1x16xf32>,
      %get3A_3744 = vector.shape_cast %get3A_3743 : vector<1x16xf32> to vector<16xf32>
      %sub3A_3745 = arith.subf %get3A_3744, %max3A_3618 : vector<16xf32>
      %exp3A_3746 = math.exp %sub3A_3745 : vector<16xf32>
      %add3A_3747 = arith.addf %add3A_3731, %exp3A_3746 : vector<16xf32>
      %add3A_3748 = arith.constant 112 : i32
      %add3A_3749 = vector.broadcast %add3A_3748 : i32 to vector<16xi32>
      %add3A_3750 = arith.addi %iota3A, %add3A_3749 : vector<16xi32>
      %eq3A_3751 = arith.cmpi eq, %add3A_3750, %gather3A_3623 : vector<16xi32>
      %jit3A_3752 = arith.constant 0.000000e+00 : f32
      %broadcast_in_dim3A_3753 = vector.broadcast %jit3A_3752 : f32 to vector<16xf32>
      %select_n3A_3754 = arith.select %eq3A_3751, %get3A_3744, %broadcast_in_dim3A_3753 : vector<16xi1>, vector<16xf32>
      %add3A_3755 = arith.addf %add3A_3739, %select_n3A_3754 : vector<16xf32>
      %get3A_3756 = arith.constant 7 : i32
      %get3A_3757 = arith.index_cast %get3A_3756 : i32 to index
      %get3A_3758 = arith.constant 128 : index
      %get3A_3759 = tpu.vector_load %arg9[%get3A_3757, %get3A_3758] {strides = array<i32>} : memref<8x256xf32, #tpu.memory_space<vmem>>, vector<1x16xf32>,
      %get3A_3760 = vector.shape_cast %get3A_3759 : vector<1x16xf32> to vector<16xf32>
      %sub3A_3761 = arith.subf %get3A_3760, %max3A_3618 : vector<16xf32>
      %exp3A_3762 = math.exp %sub3A_3761 : vector<16xf32>
      %add3A_3763 = arith.addf %add3A_3747, %exp3A_3762 : vector<16xf32>
      %add3A_3764 = arith.constant 128 : i32
      %add3A_3765 = vector.broadcast %add3A_3764 : i32 to vector<16xi32>
      %add3A_3766 = arith.addi %iota3A, %add3A_3765 : vector<16xi32>
      %eq3A_3767 = arith.cmpi eq, %add3A_3766, %gather3A_3623 : vector<16xi32>
      %jit3A_3768 = arith.constant 0.000000e+00 : f32
      %broadcast_in_dim3A_3769 = vector.broadcast %jit3A_3768 : f32 to vector<16xf32>
      %select_n3A_3770 = arith.select %eq3A_3767, %get3A_3760, %broadcast_in_dim3A_3769 : vector<16xi1>, vector<16xf32>
      %add3A_3771 = arith.addf %add3A_3755, %select_n3A_3770 : vector<16xf32>
      %get3A_3772 = arith.constant 7 : i32
      %get3A_3773 = arith.index_cast %get3A_3772 : i32 to index
      %get3A_3774 = arith.constant 144 : index
      %get3A_3775 = tpu.vector_load %arg9[%get3A_3773, %get3A_3774] {strides = array<i32>} : memref<8x256xf32, #tpu.memory_space<vmem>>, vector<1x16xf32>,
      %get3A_3776 = vector.shape_cast %get3A_3775 : vector<1x16xf32> to vector<16xf32>
      %sub3A_3777 = arith.subf %get3A_3776, %max3A_3618 : vector<16xf32>
      %exp3A_3778 = math.exp %sub3A_3777 : vector<16xf32>
      %add3A_3779 = arith.addf %add3A_3763, %exp3A_3778 : vector<16xf32>
      %add3A_3780 = arith.constant 144 : i32
      %add3A_3781 = vector.broadcast %add3A_3780 : i32 to vector<16xi32>
      %add3A_3782 = arith.addi %iota3A, %add3A_3781 : vector<16xi32>
      %eq3A_3783 = arith.cmpi eq, %add3A_3782, %gather3A_3623 : vector<16xi32>
      %jit3A_3784 = arith.constant 0.000000e+00 : f32
      %broadcast_in_dim3A_3785 = vector.broadcast %jit3A_3784 : f32 to vector<16xf32>
      %select_n3A_3786 = arith.select %eq3A_3783, %get3A_3776, %broadcast_in_dim3A_3785 : vector<16xi1>, vector<16xf32>
      %add3A_3787 = arith.addf %add3A_3771, %select_n3A_3786 : vector<16xf32>
      %get3A_3788 = arith.constant 7 : i32
      %get3A_3789 = arith.index_cast %get3A_3788 : i32 to index
      %get3A_3790 = arith.constant 160 : index
      %get3A_3791 = tpu.vector_load %arg9[%get3A_3789, %get3A_3790] {strides = array<i32>} : memref<8x256xf32, #tpu.memory_space<vmem>>, vector<1x16xf32>,
      %get3A_3792 = vector.shape_cast %get3A_3791 : vector<1x16xf32> to vector<16xf32>
      %sub3A_3793 = arith.subf %get3A_3792, %max3A_3618 : vector<16xf32>
      %exp3A_3794 = math.exp %sub3A_3793 : vector<16xf32>
      %add3A_3795 = arith.addf %add3A_3779, %exp3A_3794 : vector<16xf32>
      %add3A_3796 = arith.constant 160 : i32
      %add3A_3797 = vector.broadcast %add3A_3796 : i32 to vector<16xi32>
      %add3A_3798 = arith.addi %iota3A, %add3A_3797 : vector<16xi32>
      %eq3A_3799 = arith.cmpi eq, %add3A_3798, %gather3A_3623 : vector<16xi32>
      %jit3A_3800 = arith.constant 0.000000e+00 : f32
      %broadcast_in_dim3A_3801 = vector.broadcast %jit3A_3800 : f32 to vector<16xf32>
      %select_n3A_3802 = arith.select %eq3A_3799, %get3A_3792, %broadcast_in_dim3A_3801 : vector<16xi1>, vector<16xf32>
      %add3A_3803 = arith.addf %add3A_3787, %select_n3A_3802 : vector<16xf32>
      %get3A_3804 = arith.constant 7 : i32
      %get3A_3805 = arith.index_cast %get3A_3804 : i32 to index
      %get3A_3806 = arith.constant 176 : index
      %get3A_3807 = tpu.vector_load %arg9[%get3A_3805, %get3A_3806] {strides = array<i32>} : memref<8x256xf32, #tpu.memory_space<vmem>>, vector<1x16xf32>,
      %get3A_3808 = vector.shape_cast %get3A_3807 : vector<1x16xf32> to vector<16xf32>
      %sub3A_3809 = arith.subf %get3A_3808, %max3A_3618 : vector<16xf32>
      %exp3A_3810 = math.exp %sub3A_3809 : vector<16xf32>
      %add3A_3811 = arith.addf %add3A_3795, %exp3A_3810 : vector<16xf32>
      %add3A_3812 = arith.constant 176 : i32
      %add3A_3813 = vector.broadcast %add3A_3812 : i32 to vector<16xi32>
      %add3A_3814 = arith.addi %iota3A, %add3A_3813 : vector<16xi32>
      %eq3A_3815 = arith.cmpi eq, %add3A_3814, %gather3A_3623 : vector<16xi32>
      %jit3A_3816 = arith.constant 0.000000e+00 : f32
      %broadcast_in_dim3A_3817 = vector.broadcast %jit3A_3816 : f32 to vector<16xf32>
      %select_n3A_3818 = arith.select %eq3A_3815, %get3A_3808, %broadcast_in_dim3A_3817 : vector<16xi1>, vector<16xf32>
      %add3A_3819 = arith.addf %add3A_3803, %select_n3A_3818 : vector<16xf32>
      %get3A_3820 = arith.constant 7 : i32
      %get3A_3821 = arith.index_cast %get3A_3820 : i32 to index
      %get3A_3822 = arith.constant 192 : index
      %get3A_3823 = tpu.vector_load %arg9[%get3A_3821, %get3A_3822] {strides = array<i32>} : memref<8x256xf32, #tpu.memory_space<vmem>>, vector<1x16xf32>,
      %get3A_3824 = vector.shape_cast %get3A_3823 : vector<1x16xf32> to vector<16xf32>
      %sub3A_3825 = arith.subf %get3A_3824, %max3A_3618 : vector<16xf32>
      %exp3A_3826 = math.exp %sub3A_3825 : vector<16xf32>
      %add3A_3827 = arith.addf %add3A_3811, %exp3A_3826 : vector<16xf32>
      %add3A_3828 = arith.constant 192 : i32
      %add3A_3829 = vector.broadcast %add3A_3828 : i32 to vector<16xi32>
      %add3A_3830 = arith.addi %iota3A, %add3A_3829 : vector<16xi32>
      %eq3A_3831 = arith.cmpi eq, %add3A_3830, %gather3A_3623 : vector<16xi32>
      %jit3A_3832 = arith.constant 0.000000e+00 : f32
      %broadcast_in_dim3A_3833 = vector.broadcast %jit3A_3832 : f32 to vector<16xf32>
      %select_n3A_3834 = arith.select %eq3A_3831, %get3A_3824, %broadcast_in_dim3A_3833 : vector<16xi1>, vector<16xf32>
      %add3A_3835 = arith.addf %add3A_3819, %select_n3A_3834 : vector<16xf32>
      %get3A_3836 = arith.constant 7 : i32
      %get3A_3837 = arith.index_cast %get3A_3836 : i32 to index
      %get3A_3838 = arith.constant 208 : index
      %get3A_3839 = tpu.vector_load %arg9[%get3A_3837, %get3A_3838] {strides = array<i32>} : memref<8x256xf32, #tpu.memory_space<vmem>>, vector<1x16xf32>,
      %get3A_3840 = vector.shape_cast %get3A_3839 : vector<1x16xf32> to vector<16xf32>
      %sub3A_3841 = arith.subf %get3A_3840, %max3A_3618 : vector<16xf32>
      %exp3A_3842 = math.exp %sub3A_3841 : vector<16xf32>
      %add3A_3843 = arith.addf %add3A_3827, %exp3A_3842 : vector<16xf32>
      %add3A_3844 = arith.constant 208 : i32
      %add3A_3845 = vector.broadcast %add3A_3844 : i32 to vector<16xi32>
      %add3A_3846 = arith.addi %iota3A, %add3A_3845 : vector<16xi32>
      %eq3A_3847 = arith.cmpi eq, %add3A_3846, %gather3A_3623 : vector<16xi32>
      %jit3A_3848 = arith.constant 0.000000e+00 : f32
      %broadcast_in_dim3A_3849 = vector.broadcast %jit3A_3848 : f32 to vector<16xf32>
      %select_n3A_3850 = arith.select %eq3A_3847, %get3A_3840, %broadcast_in_dim3A_3849 : vector<16xi1>, vector<16xf32>
      %add3A_3851 = arith.addf %add3A_3835, %select_n3A_3850 : vector<16xf32>
      %get3A_3852 = arith.constant 7 : i32
      %get3A_3853 = arith.index_cast %get3A_3852 : i32 to index
      %get3A_3854 = arith.constant 224 : index
      %get3A_3855 = tpu.vector_load %arg9[%get3A_3853, %get3A_3854] {strides = array<i32>} : memref<8x256xf32, #tpu.memory_space<vmem>>, vector<1x16xf32>,
      %get3A_3856 = vector.shape_cast %get3A_3855 : vector<1x16xf32> to vector<16xf32>
      %sub3A_3857 = arith.subf %get3A_3856, %max3A_3618 : vector<16xf32>
      %exp3A_3858 = math.exp %sub3A_3857 : vector<16xf32>
      %add3A_3859 = arith.addf %add3A_3843, %exp3A_3858 : vector<16xf32>
      %add3A_3860 = arith.constant 224 : i32
      %add3A_3861 = vector.broadcast %add3A_3860 : i32 to vector<16xi32>
      %add3A_3862 = arith.addi %iota3A, %add3A_3861 : vector<16xi32>
      %eq3A_3863 = arith.cmpi eq, %add3A_3862, %gather3A_3623 : vector<16xi32>
      %jit3A_3864 = arith.constant 0.000000e+00 : f32
      %broadcast_in_dim3A_3865 = vector.broadcast %jit3A_3864 : f32 to vector<16xf32>
      %select_n3A_3866 = arith.select %eq3A_3863, %get3A_3856, %broadcast_in_dim3A_3865 : vector<16xi1>, vector<16xf32>
      %add3A_3867 = arith.addf %add3A_3851, %select_n3A_3866 : vector<16xf32>
      %get3A_3868 = arith.constant 7 : i32
      %get3A_3869 = arith.index_cast %get3A_3868 : i32 to index
      %get3A_3870 = arith.constant 240 : index
      %get3A_3871 = tpu.vector_load %arg9[%get3A_3869, %get3A_3870] {strides = array<i32>} : memref<8x256xf32, #tpu.memory_space<vmem>>, vector<1x16xf32>,
      %get3A_3872 = vector.shape_cast %get3A_3871 : vector<1x16xf32> to vector<16xf32>
      %sub3A_3873 = arith.subf %get3A_3872, %max3A_3618 : vector<16xf32>
      %exp3A_3874 = math.exp %sub3A_3873 : vector<16xf32>
      %add3A_3875 = arith.addf %add3A_3859, %exp3A_3874 : vector<16xf32>
      %add3A_3876 = arith.constant 240 : i32
      %add3A_3877 = vector.broadcast %add3A_3876 : i32 to vector<16xi32>
      %add3A_3878 = arith.addi %iota3A, %add3A_3877 : vector<16xi32>
      %eq3A_3879 = arith.cmpi eq, %add3A_3878, %gather3A_3623 : vector<16xi32>
      %jit3A_3880 = arith.constant 0.000000e+00 : f32
      %broadcast_in_dim3A_3881 = vector.broadcast %jit3A_3880 : f32 to vector<16xf32>
      %select_n3A_3882 = arith.select %eq3A_3879, %get3A_3872, %broadcast_in_dim3A_3881 : vector<16xi1>, vector<16xf32>
      %add3A_3883 = arith.addf %add3A_3867, %select_n3A_3882 : vector<16xf32>
      %iota3A_3884 = tpu.iota {dimensions = array<i32: 0>} : vector<16xi32>
      %xor3A_3885 = arith.constant 8 : i32
      %xor3A_3886 = vector.broadcast %xor3A_3885 : i32 to vector<16xi32>
      %xor3A_3887 = arith.xori %iota3A_3884, %xor3A_3886 : vector<16xi32>
      %broadcast_in_dim3A_3888 = vector.shape_cast %xor3A_3887 : vector<16xi32> to vector<16x1xi32>
      %gather3A_3889 = vector.shape_cast %broadcast_in_dim3A_3888 : vector<16x1xi32> to vector<16xi32>
      %gather3A_3890 = tpu.dynamic_gather %add3A_3875[%gather3A_3889] in [0] : vector<16xf32>, vector<16xi32> -> vector<16xf32>
      %add3A_3891 = arith.addf %add3A_3875, %gather3A_3890 : vector<16xf32>
      %xor3A_3892 = arith.constant 4 : i32
      %xor3A_3893 = vector.broadcast %xor3A_3892 : i32 to vector<16xi32>
      %xor3A_3894 = arith.xori %iota3A_3884, %xor3A_3893 : vector<16xi32>
      %broadcast_in_dim3A_3895 = vector.shape_cast %xor3A_3894 : vector<16xi32> to vector<16x1xi32>
      %gather3A_3896 = vector.shape_cast %broadcast_in_dim3A_3895 : vector<16x1xi32> to vector<16xi32>
      %gather3A_3897 = tpu.dynamic_gather %add3A_3891[%gather3A_3896] in [0] : vector<16xf32>, vector<16xi32> -> vector<16xf32>
      %add3A_3898 = arith.addf %add3A_3891, %gather3A_3897 : vector<16xf32>
      %xor3A_3899 = arith.constant 2 : i32
      %xor3A_3900 = vector.broadcast %xor3A_3899 : i32 to vector<16xi32>
      %xor3A_3901 = arith.xori %iota3A_3884, %xor3A_3900 : vector<16xi32>
      %broadcast_in_dim3A_3902 = vector.shape_cast %xor3A_3901 : vector<16xi32> to vector<16x1xi32>
      %gather3A_3903 = vector.shape_cast %broadcast_in_dim3A_3902 : vector<16x1xi32> to vector<16xi32>
      %gather3A_3904 = tpu.dynamic_gather %add3A_3898[%gather3A_3903] in [0] : vector<16xf32>, vector<16xi32> -> vector<16xf32>
      %add3A_3905 = arith.addf %add3A_3898, %gather3A_3904 : vector<16xf32>
      %xor3A_3906 = arith.constant 1 : i32
      %xor3A_3907 = vector.broadcast %xor3A_3906 : i32 to vector<16xi32>
      %xor3A_3908 = arith.xori %iota3A_3884, %xor3A_3907 : vector<16xi32>
      %broadcast_in_dim3A_3909 = vector.shape_cast %xor3A_3908 : vector<16xi32> to vector<16x1xi32>
      %gather3A_3910 = vector.shape_cast %broadcast_in_dim3A_3909 : vector<16x1xi32> to vector<16xi32>
      %gather3A_3911 = tpu.dynamic_gather %add3A_3905[%gather3A_3910] in [0] : vector<16xf32>, vector<16xi32> -> vector<16xf32>
      %add3A_3912 = arith.addf %add3A_3905, %gather3A_3911 : vector<16xf32>
      %iota3A_3913 = tpu.iota {dimensions = array<i32: 0>} : vector<16xi32>
      %xor3A_3914 = arith.constant 8 : i32
      %xor3A_3915 = vector.broadcast %xor3A_3914 : i32 to vector<16xi32>
      %xor3A_3916 = arith.xori %iota3A_3913, %xor3A_3915 : vector<16xi32>
      %broadcast_in_dim3A_3917 = vector.shape_cast %xor3A_3916 : vector<16xi32> to vector<16x1xi32>
      %gather3A_3918 = vector.shape_cast %broadcast_in_dim3A_3917 : vector<16x1xi32> to vector<16xi32>
      %gather3A_3919 = tpu.dynamic_gather %add3A_3883[%gather3A_3918] in [0] : vector<16xf32>, vector<16xi32> -> vector<16xf32>
      %add3A_3920 = arith.addf %add3A_3883, %gather3A_3919 : vector<16xf32>
      %xor3A_3921 = arith.constant 4 : i32
      %xor3A_3922 = vector.broadcast %xor3A_3921 : i32 to vector<16xi32>
      %xor3A_3923 = arith.xori %iota3A_3913, %xor3A_3922 : vector<16xi32>
      %broadcast_in_dim3A_3924 = vector.shape_cast %xor3A_3923 : vector<16xi32> to vector<16x1xi32>
      %gather3A_3925 = vector.shape_cast %broadcast_in_dim3A_3924 : vector<16x1xi32> to vector<16xi32>
      %gather3A_3926 = tpu.dynamic_gather %add3A_3920[%gather3A_3925] in [0] : vector<16xf32>, vector<16xi32> -> vector<16xf32>
      %add3A_3927 = arith.addf %add3A_3920, %gather3A_3926 : vector<16xf32>
      %xor3A_3928 = arith.constant 2 : i32
      %xor3A_3929 = vector.broadcast %xor3A_3928 : i32 to vector<16xi32>
      %xor3A_3930 = arith.xori %iota3A_3913, %xor3A_3929 : vector<16xi32>
      %broadcast_in_dim3A_3931 = vector.shape_cast %xor3A_3930 : vector<16xi32> to vector<16x1xi32>
      %gather3A_3932 = vector.shape_cast %broadcast_in_dim3A_3931 : vector<16x1xi32> to vector<16xi32>
      %gather3A_3933 = tpu.dynamic_gather %add3A_3927[%gather3A_3932] in [0] : vector<16xf32>, vector<16xi32> -> vector<16xf32>
      %add3A_3934 = arith.addf %add3A_3927, %gather3A_3933 : vector<16xf32>
      %xor3A_3935 = arith.constant 1 : i32
      %xor3A_3936 = vector.broadcast %xor3A_3935 : i32 to vector<16xi32>
      %xor3A_3937 = arith.xori %iota3A_3913, %xor3A_3936 : vector<16xi32>
      %broadcast_in_dim3A_3938 = vector.shape_cast %xor3A_3937 : vector<16xi32> to vector<16x1xi32>
      %gather3A_3939 = vector.shape_cast %broadcast_in_dim3A_3938 : vector<16x1xi32> to vector<16xi32>
      %gather3A_3940 = tpu.dynamic_gather %add3A_3934[%gather3A_3939] in [0] : vector<16xf32>, vector<16xi32> -> vector<16xf32>
      %add3A_3941 = arith.addf %add3A_3934, %gather3A_3940 : vector<16xf32>
      %add3A_3942 = arith.addf %sub3A_3494, %add3A_3941 : vector<16xf32>
      %sub3A_3943 = arith.subf %add3A_3942, %max3A_3618 : vector<16xf32>
      %bitcast_convert_type3A_3944 = tpu.bitcast %add3A_3912 : vector<16xf32> -> vector<16xi32>
      %shift_right_arithmetic3A_3945 = arith.constant 23 : i32
      %shift_right_arithmetic3A_3946 = vector.broadcast %shift_right_arithmetic3A_3945 : i32 to vector<16xi32>
      %shift_right_arithmetic3A_3947 = arith.shrsi %bitcast_convert_type3A_3944, %shift_right_arithmetic3A_3946 : vector<16xi32>
      %and3A_3948 = arith.constant 255 : i32
      %and3A_3949 = vector.broadcast %and3A_3948 : i32 to vector<16xi32>
      %and3A_3950 = arith.andi %shift_right_arithmetic3A_3947, %and3A_3949 : vector<16xi32>
      %sub3A_3951 = arith.constant 127 : i32
      %sub3A_3952 = vector.broadcast %sub3A_3951 : i32 to vector<16xi32>
      %sub3A_3953 = arith.subi %and3A_3950, %sub3A_3952 : vector<16xi32>
      %and3A_3954 = arith.constant 8388607 : i32
      %and3A_3955 = vector.broadcast %and3A_3954 : i32 to vector<16xi32>
      %and3A_3956 = arith.andi %bitcast_convert_type3A_3944, %and3A_3955 : vector<16xi32>
      %convert_element_type3A_3957 = arith.sitofp %and3A_3956 : vector<16xi32> to vector<16xf32>
      %mul3A_3958 = arith.constant 1.1920929E-7 : f32
      %mul3A_3959 = vector.broadcast %mul3A_3958 : f32 to vector<16xf32>
      %mul3A_3960 = arith.mulf %convert_element_type3A_3957, %mul3A_3959 : vector<16xf32>
      %convert_element_type3A_3961 = arith.sitofp %sub3A_3953 : vector<16xi32> to vector<16xf32>
      %add3A_3962 = arith.addf %convert_element_type3A_3961, %mul3A_3960 : vector<16xf32>
      %mul3A_3963 = arith.constant 0.693147182 : f32
      %mul3A_3964 = vector.broadcast %mul3A_3963 : f32 to vector<16xf32>
      %mul3A_3965 = arith.mulf %add3A_3962, %mul3A_3964 : vector<16xf32>
      %neg3A_3966 = arith.constant 0.000000e+00 : f32
      %neg3A_3967 = vector.broadcast %neg3A_3966 : f32 to vector<16xf32>
      %neg3A_3968 = arith.subf %neg3A_3967, %mul3A_3965 : vector<16xf32>
      %exp3A_3969 = math.exp %neg3A_3968 : vector<16xf32>
      %mul3A_3970 = arith.mulf %add3A_3912, %exp3A_3969 : vector<16xf32>
      %add3A_3971 = arith.addf %mul3A_3965, %mul3A_3970 : vector<16xf32>
      %sub3A_3972 = arith.constant 1.000000e+00 : f32
      %sub3A_3973 = vector.broadcast %sub3A_3972 : f32 to vector<16xf32>
      %sub3A_3974 = arith.subf %add3A_3971, %sub3A_3973 : vector<16xf32>
      %neg3A_3975 = arith.constant 0.000000e+00 : f32
      %neg3A_3976 = vector.broadcast %neg3A_3975 : f32 to vector<16xf32>
      %neg3A_3977 = arith.subf %neg3A_3976, %sub3A_3974 : vector<16xf32>
      %exp3A_3978 = math.exp %neg3A_3977 : vector<16xf32>
      %mul3A_3979 = arith.mulf %add3A_3912, %exp3A_3978 : vector<16xf32>
      %add3A_3980 = arith.addf %sub3A_3974, %mul3A_3979 : vector<16xf32>
      %sub3A_3981 = arith.constant 1.000000e+00 : f32
      %sub3A_3982 = vector.broadcast %sub3A_3981 : f32 to vector<16xf32>
      %sub3A_3983 = arith.subf %add3A_3980, %sub3A_3982 : vector<16xf32>
      %neg3A_3984 = arith.constant 0.000000e+00 : f32
      %neg3A_3985 = vector.broadcast %neg3A_3984 : f32 to vector<16xf32>
      %neg3A_3986 = arith.subf %neg3A_3985, %sub3A_3983 : vector<16xf32>
      %exp3A_3987 = math.exp %neg3A_3986 : vector<16xf32>
      %mul3A_3988 = arith.mulf %add3A_3912, %exp3A_3987 : vector<16xf32>
      %add3A_3989 = arith.addf %sub3A_3983, %mul3A_3988 : vector<16xf32>
      %sub3A_3990 = arith.constant 1.000000e+00 : f32
      %sub3A_3991 = vector.broadcast %sub3A_3990 : f32 to vector<16xf32>
      %sub3A_3992 = arith.subf %add3A_3989, %sub3A_3991 : vector<16xf32>
      %sub3A_3993 = arith.subf %sub3A_3943, %sub3A_3992 : vector<16xf32>
      %swap3A = arith.constant 0 : index
      %swap3A_3994 = tpu.vector_load %arg10[%swap3A] {strides = array<i32>} : memref<16xf32, #tpu.memory_space<vmem>>, vector<16xf32>,
      %swap3A_3995 = vector.shape_cast %swap3A_3994 : vector<16xf32> to vector<16xf32>
      %swap3A_3996 = vector.shape_cast %sub3A_3993 : vector<16xf32> to vector<16xf32>
      tpu.vector_store %arg10[%swap3A], %swap3A_3996 {strides = array<i32>} : memref<16xf32, #tpu.memory_space<vmem>>, vector<16xf32>,
      "tpu.region"() ({
        %run_scoped3A = tpu.sem_alloc : memref<!tpu.dma_semaphore, #tpu.memory_space<semaphore_mem>>
        %dma_start3A_3997 = arith.constant 0 : i32
        %dma_start3A_3998 = tpu.memref_slice %arg5[%arg1, %dma_start3A_3997] : memref<8x16xf32, #tpu.memory_space<hbm>> -> memref<1x16xf32, #tpu.memory_space<hbm>>
        %dma_start3A_3999 = tpu.memref_squeeze %dma_start3A_3998 : memref<1x16xf32, #tpu.memory_space<hbm>> -> memref<16xf32, #tpu.memory_space<hbm>>
        %dma_start3A_4000 = arith.constant 0 : i32
        %dma_start3A_4001 = tpu.memref_slice %arg5[%arg1, %dma_start3A_4000] : memref<8x16xf32, #tpu.memory_space<hbm>> -> memref<1x16xf32, #tpu.memory_space<hbm>>
        %dma_start3A_4002 = tpu.memref_squeeze %dma_start3A_4001 : memref<1x16xf32, #tpu.memory_space<hbm>> -> memref<16xf32, #tpu.memory_space<hbm>>
        tpu.enqueue_dma source(%arg10 : memref<16xf32, #tpu.memory_space<vmem>>) target(%dma_start3A_4002 : memref<16xf32, #tpu.memory_space<hbm>>) target_semaphore(%run_scoped3A : memref<!tpu.dma_semaphore, #tpu.memory_space<semaphore_mem>>)
        %dma_wait3A_4003 = arith.constant 0 : i32
        %dma_wait3A_4004 = tpu.memref_slice %arg5[%arg1, %dma_wait3A_4003] : memref<8x16xf32, #tpu.memory_space<hbm>> -> memref<1x16xf32, #tpu.memory_space<hbm>>
        %dma_wait3A_4005 = tpu.memref_squeeze %dma_wait3A_4004 : memref<1x16xf32, #tpu.memory_space<hbm>> -> memref<16xf32, #tpu.memory_space<hbm>>
        %dma_wait3A_4006 = arith.constant 0 : i32
        %dma_wait3A_4007 = tpu.memref_slice %arg5[%arg1, %dma_wait3A_4006] : memref<8x16xf32, #tpu.memory_space<hbm>> -> memref<1x16xf32, #tpu.memory_space<hbm>>
        %dma_wait3A_4008 = tpu.memref_squeeze %dma_wait3A_4007 : memref<1x16xf32, #tpu.memory_space<hbm>> -> memref<16xf32, #tpu.memory_space<hbm>>
        tpu.wait_dma2 semaphore(%run_scoped3A : memref<!tpu.dma_semaphore, #tpu.memory_space<semaphore_mem>>) src(%arg10 : memref<16xf32, #tpu.memory_space<vmem>>) dst(%dma_wait3A_4008 : memref<16xf32, #tpu.memory_space<hbm>>)
        tpu.yield
      }) : () -> ()
    } else {
    }
    %barrier3A = arith.constant 0 : index
    tpu.barrier barrier_id(%barrier3A)
    %eq3A = arith.constant 0 : i32
    %eq3A_2 = arith.cmpi eq, %arg1, %eq3A : i32
    %convert_element_type3A_3 = arith.extui %eq3A_2 : i1 to i32
    %cond3A_4 = arith.constant 0 : i32
    %cond3A_5 = arith.cmpi ne, %convert_element_type3A_3, %cond3A_4 : i32
    scf.if %cond3A_5 {
      "tpu.region"() ({
        %run_scoped3A = tpu.sem_alloc : memref<!tpu.dma_semaphore, #tpu.memory_space<semaphore_mem>>
        tpu.enqueue_dma source(%arg5 : memref<8x16xf32, #tpu.memory_space<hbm>>) target(%arg12 : memref<8x16xf32, #tpu.memory_space<vmem>>) target_semaphore(%run_scoped3A : memref<!tpu.dma_semaphore, #tpu.memory_space<semaphore_mem>>)
        tpu.wait_dma2 semaphore(%run_scoped3A : memref<!tpu.dma_semaphore, #tpu.memory_space<semaphore_mem>>) src(%arg5 : memref<8x16xf32, #tpu.memory_space<hbm>>) dst(%arg12 : memref<8x16xf32, #tpu.memory_space<vmem>>)
        tpu.yield
      }) : () -> ()
      %get3A = arith.constant 0 : i32
      %get3A_6 = arith.index_cast %get3A : i32 to index
      %get3A_7 = arith.constant 0 : index
      %get3A_8 = tpu.vector_load %arg12[%get3A_6, %get3A_7] {strides = array<i32>} : memref<8x16xf32, #tpu.memory_space<vmem>>, vector<1x16xf32>,
      %get3A_9 = vector.shape_cast %get3A_8 : vector<1x16xf32> to vector<16xf32>
      %get3A_10 = arith.constant 1 : i32
      %get3A_11 = arith.index_cast %get3A_10 : i32 to index
      %get3A_12 = arith.constant 0 : index
      %get3A_13 = tpu.vector_load %arg12[%get3A_11, %get3A_12] {strides = array<i32>} : memref<8x16xf32, #tpu.memory_space<vmem>>, vector<1x16xf32>,
      %get3A_14 = vector.shape_cast %get3A_13 : vector<1x16xf32> to vector<16xf32>
      %add3A = arith.addf %get3A_9, %get3A_14 : vector<16xf32>
      %get3A_15 = arith.constant 2 : i32
      %get3A_16 = arith.index_cast %get3A_15 : i32 to index
      %get3A_17 = arith.constant 0 : index
      %get3A_18 = tpu.vector_load %arg12[%get3A_16, %get3A_17] {strides = array<i32>} : memref<8x16xf32, #tpu.memory_space<vmem>>, vector<1x16xf32>,
      %get3A_19 = vector.shape_cast %get3A_18 : vector<1x16xf32> to vector<16xf32>
      %add3A_20 = arith.addf %add3A, %get3A_19 : vector<16xf32>
      %get3A_21 = arith.constant 3 : i32
      %get3A_22 = arith.index_cast %get3A_21 : i32 to index
      %get3A_23 = arith.constant 0 : index
      %get3A_24 = tpu.vector_load %arg12[%get3A_22, %get3A_23] {strides = array<i32>} : memref<8x16xf32, #tpu.memory_space<vmem>>, vector<1x16xf32>,
      %get3A_25 = vector.shape_cast %get3A_24 : vector<1x16xf32> to vector<16xf32>
      %add3A_26 = arith.addf %add3A_20, %get3A_25 : vector<16xf32>
      %get3A_27 = arith.constant 4 : i32
      %get3A_28 = arith.index_cast %get3A_27 : i32 to index
      %get3A_29 = arith.constant 0 : index
      %get3A_30 = tpu.vector_load %arg12[%get3A_28, %get3A_29] {strides = array<i32>} : memref<8x16xf32, #tpu.memory_space<vmem>>, vector<1x16xf32>,
      %get3A_31 = vector.shape_cast %get3A_30 : vector<1x16xf32> to vector<16xf32>
      %add3A_32 = arith.addf %add3A_26, %get3A_31 : vector<16xf32>
      %get3A_33 = arith.constant 5 : i32
      %get3A_34 = arith.index_cast %get3A_33 : i32 to index
      %get3A_35 = arith.constant 0 : index
      %get3A_36 = tpu.vector_load %arg12[%get3A_34, %get3A_35] {strides = array<i32>} : memref<8x16xf32, #tpu.memory_space<vmem>>, vector<1x16xf32>,
      %get3A_37 = vector.shape_cast %get3A_36 : vector<1x16xf32> to vector<16xf32>
      %add3A_38 = arith.addf %add3A_32, %get3A_37 : vector<16xf32>
      %get3A_39 = arith.constant 6 : i32
      %get3A_40 = arith.index_cast %get3A_39 : i32 to index
      %get3A_41 = arith.constant 0 : index
      %get3A_42 = tpu.vector_load %arg12[%get3A_40, %get3A_41] {strides = array<i32>} : memref<8x16xf32, #tpu.memory_space<vmem>>, vector<1x16xf32>,
      %get3A_43 = vector.shape_cast %get3A_42 : vector<1x16xf32> to vector<16xf32>
      %add3A_44 = arith.addf %add3A_38, %get3A_43 : vector<16xf32>
      %get3A_45 = arith.constant 7 : i32
      %get3A_46 = arith.index_cast %get3A_45 : i32 to index
      %get3A_47 = arith.constant 0 : index
      %get3A_48 = tpu.vector_load %arg12[%get3A_46, %get3A_47] {strides = array<i32>} : memref<8x16xf32, #tpu.memory_space<vmem>>, vector<1x16xf32>,
      %get3A_49 = vector.shape_cast %get3A_48 : vector<1x16xf32> to vector<16xf32>
      %add3A_50 = arith.addf %add3A_44, %get3A_49 : vector<16xf32>
      %mul3A = arith.constant 1.562500e-02 : f32
      %mul3A_51 = vector.broadcast %mul3A : f32 to vector<16xf32>
      %mul3A_52 = arith.mulf %add3A_50, %mul3A_51 : vector<16xf32>
      %swap3A = arith.constant 0 : index
      %swap3A_53 = tpu.vector_load %arg11[%swap3A] {strides = array<i32>} : memref<16xf32, #tpu.memory_space<vmem>>, vector<16xf32>,
      %swap3A_54 = vector.shape_cast %swap3A_53 : vector<16xf32> to vector<16xf32>
      %swap3A_55 = vector.shape_cast %mul3A_52 : vector<16xf32> to vector<16xf32>
      tpu.vector_store %arg11[%swap3A], %swap3A_55 {strides = array<i32>} : memref<16xf32, #tpu.memory_space<vmem>>, vector<16xf32>,
      "tpu.region"() ({
        %run_scoped3A = tpu.sem_alloc : memref<!tpu.dma_semaphore, #tpu.memory_space<semaphore_mem>>
        tpu.enqueue_dma source(%arg11 : memref<16xf32, #tpu.memory_space<vmem>>) target(%arg6 : memref<16xf32, #tpu.memory_space<hbm>>) target_semaphore(%run_scoped3A : memref<!tpu.dma_semaphore, #tpu.memory_space<semaphore_mem>>)
        tpu.wait_dma2 semaphore(%run_scoped3A : memref<!tpu.dma_semaphore, #tpu.memory_space<semaphore_mem>>) src(%arg11 : memref<16xf32, #tpu.memory_space<vmem>>) dst(%arg6 : memref<16xf32, #tpu.memory_space<hbm>>)
        tpu.yield
      }) : () -> ()
    } else {
    }
    return
  }
}

module attributes {stable_mosaic.version = 14 : i64} {
  func.func @_select_body(%arg0: memref<64x3072xi32, #tpu.memory_space<vmem>>, %arg1: memref<64x1xf32, #tpu.memory_space<vmem>>, %arg2: memref<64x3072xi32, #tpu.memory_space<vmem>>, %arg3: memref<64x1xi32, #tpu.memory_space<vmem>>, %arg4: memref<64x1xi32, #tpu.memory_space<vmem>>) attributes {dimension_semantics = [], scalar_prefetch = 0 : i64, scratch_operands = 0 : i64, tpu.core_type = #tpu.core_type<tc>} {
    %get3A = arith.constant 0 : index
    %get3A_0 = arith.constant 0 : index
    %get3A_1 = vector.load %arg0[%get3A, %get3A_0] : memref<64x3072xi32, #tpu.memory_space<vmem>>, vector<64x3072xi32>
    %get3A_2 = arith.constant 0 : index
    %get3A_3 = arith.constant 0 : index
    %get3A_4 = vector.load %arg1[%get3A_2, %get3A_3] : memref<64x1xf32, #tpu.memory_space<vmem>>, vector<64x1xf32>
    %mul3A = arith.constant 3.072000e+03 : f32
    %mul3A_5 = vector.broadcast %mul3A : f32 to vector<64x1xf32>
    %mul3A_6 = arith.mulf %get3A_4, %mul3A_5 : vector<64x1xf32>
    %floor3A = math.floor %mul3A_6 : vector<64x1xf32>
    %convert_element_type3A = arith.fptosi %floor3A : vector<64x1xf32> to vector<64x1xi32>
    %jit3A = arith.constant 0 : i32
    %jit3A_7 = arith.constant 3071 : i32
    %max3A = vector.broadcast %jit3A : i32 to vector<64x1xi32>
    %max3A_8 = arith.maxsi %max3A, %convert_element_type3A : vector<64x1xi32>
    %min3A = vector.broadcast %jit3A_7 : i32 to vector<64x1xi32>
    %min3A_9 = arith.minsi %min3A, %max3A_8 : vector<64x1xi32>
    %broadcast_in_dim3A = arith.constant 0 : i32
    %broadcast_in_dim3A_10 = vector.broadcast %broadcast_in_dim3A : i32 to vector<64x1xi32>
    %broadcast_in_dim3A_11 = arith.constant 3071 : i32
    %broadcast_in_dim3A_12 = vector.broadcast %broadcast_in_dim3A_11 : i32 to vector<64x1xi32>
    %broadcast_in_dim3A_13 = arith.constant 0 : i32
    %broadcast_in_dim3A_14 = vector.broadcast %broadcast_in_dim3A_13 : i32 to vector<64x1xi32>
    %add3A = arith.addi %broadcast_in_dim3A_10, %broadcast_in_dim3A_12 : vector<64x1xi32>
    %add3A_15 = arith.constant 1 : i32
    %add3A_16 = vector.broadcast %add3A_15 : i32 to vector<64x1xi32>
    %add3A_17 = arith.addi %add3A, %add3A_16 : vector<64x1xi32>
    %shift_right_arithmetic3A = arith.constant 1 : i32
    %shift_right_arithmetic3A_18 = vector.broadcast %shift_right_arithmetic3A : i32 to vector<64x1xi32>
    %shift_right_arithmetic3A_19 = arith.shrsi %add3A_17, %shift_right_arithmetic3A_18 : vector<64x1xi32>
    %ge3A = vector.broadcast %shift_right_arithmetic3A_19 : vector<64x1xi32> to vector<64x3072xi32>
    %ge3A_20 = arith.cmpi sge, %get3A_1, %ge3A : vector<64x3072xi32>
    %convert_element_type3A_21 = arith.extui %ge3A_20 : vector<64x3072xi1> to vector<64x3072xi32>
    %reduce_sum3A = arith.constant dense<0> : vector<64xi32>
    %reduce_sum3A_22 = vector.multi_reduction <add>, %convert_element_type3A_21, %reduce_sum3A [1] : vector<64x3072xi32> to vector<64xi32>
    %broadcast_in_dim3A_23 = vector.shape_cast %reduce_sum3A_22 : vector<64xi32> to vector<64x1xi32>
    %add3A_24 = arith.constant 1 : i32
    %add3A_25 = vector.broadcast %add3A_24 : i32 to vector<64x1xi32>
    %add3A_26 = arith.addi %min3A_9, %add3A_25 : vector<64x1xi32>
    %ge3A_27 = arith.cmpi sge, %broadcast_in_dim3A_23, %add3A_26 : vector<64x1xi32>
    %select_n3A = arith.select %ge3A_27, %shift_right_arithmetic3A_19, %broadcast_in_dim3A_10 : vector<64x1xi1>, vector<64x1xi32>
    %sub3A = arith.constant 1 : i32
    %sub3A_28 = vector.broadcast %sub3A : i32 to vector<64x1xi32>
    %sub3A_29 = arith.subi %shift_right_arithmetic3A_19, %sub3A_28 : vector<64x1xi32>
    %select_n3A_30 = arith.select %ge3A_27, %broadcast_in_dim3A_12, %sub3A_29 : vector<64x1xi1>, vector<64x1xi32>
    %select_n3A_31 = arith.select %ge3A_27, %broadcast_in_dim3A_14, %broadcast_in_dim3A_23 : vector<64x1xi1>, vector<64x1xi32>
    %add3A_32 = arith.addi %select_n3A, %select_n3A_30 : vector<64x1xi32>
    %add3A_33 = arith.constant 1 : i32
    %add3A_34 = vector.broadcast %add3A_33 : i32 to vector<64x1xi32>
    %add3A_35 = arith.addi %add3A_32, %add3A_34 : vector<64x1xi32>
    %shift_right_arithmetic3A_36 = arith.constant 1 : i32
    %shift_right_arithmetic3A_37 = vector.broadcast %shift_right_arithmetic3A_36 : i32 to vector<64x1xi32>
    %shift_right_arithmetic3A_38 = arith.shrsi %add3A_35, %shift_right_arithmetic3A_37 : vector<64x1xi32>
    %ge3A_39 = vector.broadcast %shift_right_arithmetic3A_38 : vector<64x1xi32> to vector<64x3072xi32>
    %ge3A_40 = arith.cmpi sge, %get3A_1, %ge3A_39 : vector<64x3072xi32>
    %convert_element_type3A_41 = arith.extui %ge3A_40 : vector<64x3072xi1> to vector<64x3072xi32>
    %reduce_sum3A_42 = arith.constant dense<0> : vector<64xi32>
    %reduce_sum3A_43 = vector.multi_reduction <add>, %convert_element_type3A_41, %reduce_sum3A_42 [1] : vector<64x3072xi32> to vector<64xi32>
    %broadcast_in_dim3A_44 = vector.shape_cast %reduce_sum3A_43 : vector<64xi32> to vector<64x1xi32>
    %add3A_45 = arith.constant 1 : i32
    %add3A_46 = vector.broadcast %add3A_45 : i32 to vector<64x1xi32>
    %add3A_47 = arith.addi %min3A_9, %add3A_46 : vector<64x1xi32>
    %ge3A_48 = arith.cmpi sge, %broadcast_in_dim3A_44, %add3A_47 : vector<64x1xi32>
    %select_n3A_49 = arith.select %ge3A_48, %shift_right_arithmetic3A_38, %select_n3A : vector<64x1xi1>, vector<64x1xi32>
    %sub3A_50 = arith.constant 1 : i32
    %sub3A_51 = vector.broadcast %sub3A_50 : i32 to vector<64x1xi32>
    %sub3A_52 = arith.subi %shift_right_arithmetic3A_38, %sub3A_51 : vector<64x1xi32>
    %select_n3A_53 = arith.select %ge3A_48, %select_n3A_30, %sub3A_52 : vector<64x1xi1>, vector<64x1xi32>
    %select_n3A_54 = arith.select %ge3A_48, %select_n3A_31, %broadcast_in_dim3A_44 : vector<64x1xi1>, vector<64x1xi32>
    %add3A_55 = arith.addi %select_n3A_49, %select_n3A_53 : vector<64x1xi32>
    %add3A_56 = arith.constant 1 : i32
    %add3A_57 = vector.broadcast %add3A_56 : i32 to vector<64x1xi32>
    %add3A_58 = arith.addi %add3A_55, %add3A_57 : vector<64x1xi32>
    %shift_right_arithmetic3A_59 = arith.constant 1 : i32
    %shift_right_arithmetic3A_60 = vector.broadcast %shift_right_arithmetic3A_59 : i32 to vector<64x1xi32>
    %shift_right_arithmetic3A_61 = arith.shrsi %add3A_58, %shift_right_arithmetic3A_60 : vector<64x1xi32>
    %ge3A_62 = vector.broadcast %shift_right_arithmetic3A_61 : vector<64x1xi32> to vector<64x3072xi32>
    %ge3A_63 = arith.cmpi sge, %get3A_1, %ge3A_62 : vector<64x3072xi32>
    %convert_element_type3A_64 = arith.extui %ge3A_63 : vector<64x3072xi1> to vector<64x3072xi32>
    %reduce_sum3A_65 = arith.constant dense<0> : vector<64xi32>
    %reduce_sum3A_66 = vector.multi_reduction <add>, %convert_element_type3A_64, %reduce_sum3A_65 [1] : vector<64x3072xi32> to vector<64xi32>
    %broadcast_in_dim3A_67 = vector.shape_cast %reduce_sum3A_66 : vector<64xi32> to vector<64x1xi32>
    %add3A_68 = arith.constant 1 : i32
    %add3A_69 = vector.broadcast %add3A_68 : i32 to vector<64x1xi32>
    %add3A_70 = arith.addi %min3A_9, %add3A_69 : vector<64x1xi32>
    %ge3A_71 = arith.cmpi sge, %broadcast_in_dim3A_67, %add3A_70 : vector<64x1xi32>
    %select_n3A_72 = arith.select %ge3A_71, %shift_right_arithmetic3A_61, %select_n3A_49 : vector<64x1xi1>, vector<64x1xi32>
    %sub3A_73 = arith.constant 1 : i32
    %sub3A_74 = vector.broadcast %sub3A_73 : i32 to vector<64x1xi32>
    %sub3A_75 = arith.subi %shift_right_arithmetic3A_61, %sub3A_74 : vector<64x1xi32>
    %select_n3A_76 = arith.select %ge3A_71, %select_n3A_53, %sub3A_75 : vector<64x1xi1>, vector<64x1xi32>
    %select_n3A_77 = arith.select %ge3A_71, %select_n3A_54, %broadcast_in_dim3A_67 : vector<64x1xi1>, vector<64x1xi32>
    %add3A_78 = arith.addi %select_n3A_72, %select_n3A_76 : vector<64x1xi32>
    %add3A_79 = arith.constant 1 : i32
    %add3A_80 = vector.broadcast %add3A_79 : i32 to vector<64x1xi32>
    %add3A_81 = arith.addi %add3A_78, %add3A_80 : vector<64x1xi32>
    %shift_right_arithmetic3A_82 = arith.constant 1 : i32
    %shift_right_arithmetic3A_83 = vector.broadcast %shift_right_arithmetic3A_82 : i32 to vector<64x1xi32>
    %shift_right_arithmetic3A_84 = arith.shrsi %add3A_81, %shift_right_arithmetic3A_83 : vector<64x1xi32>
    %ge3A_85 = vector.broadcast %shift_right_arithmetic3A_84 : vector<64x1xi32> to vector<64x3072xi32>
    %ge3A_86 = arith.cmpi sge, %get3A_1, %ge3A_85 : vector<64x3072xi32>
    %convert_element_type3A_87 = arith.extui %ge3A_86 : vector<64x3072xi1> to vector<64x3072xi32>
    %reduce_sum3A_88 = arith.constant dense<0> : vector<64xi32>
    %reduce_sum3A_89 = vector.multi_reduction <add>, %convert_element_type3A_87, %reduce_sum3A_88 [1] : vector<64x3072xi32> to vector<64xi32>
    %broadcast_in_dim3A_90 = vector.shape_cast %reduce_sum3A_89 : vector<64xi32> to vector<64x1xi32>
    %add3A_91 = arith.constant 1 : i32
    %add3A_92 = vector.broadcast %add3A_91 : i32 to vector<64x1xi32>
    %add3A_93 = arith.addi %min3A_9, %add3A_92 : vector<64x1xi32>
    %ge3A_94 = arith.cmpi sge, %broadcast_in_dim3A_90, %add3A_93 : vector<64x1xi32>
    %select_n3A_95 = arith.select %ge3A_94, %shift_right_arithmetic3A_84, %select_n3A_72 : vector<64x1xi1>, vector<64x1xi32>
    %sub3A_96 = arith.constant 1 : i32
    %sub3A_97 = vector.broadcast %sub3A_96 : i32 to vector<64x1xi32>
    %sub3A_98 = arith.subi %shift_right_arithmetic3A_84, %sub3A_97 : vector<64x1xi32>
    %select_n3A_99 = arith.select %ge3A_94, %select_n3A_76, %sub3A_98 : vector<64x1xi1>, vector<64x1xi32>
    %select_n3A_100 = arith.select %ge3A_94, %select_n3A_77, %broadcast_in_dim3A_90 : vector<64x1xi1>, vector<64x1xi32>
    %add3A_101 = arith.addi %select_n3A_95, %select_n3A_99 : vector<64x1xi32>
    %add3A_102 = arith.constant 1 : i32
    %add3A_103 = vector.broadcast %add3A_102 : i32 to vector<64x1xi32>
    %add3A_104 = arith.addi %add3A_101, %add3A_103 : vector<64x1xi32>
    %shift_right_arithmetic3A_105 = arith.constant 1 : i32
    %shift_right_arithmetic3A_106 = vector.broadcast %shift_right_arithmetic3A_105 : i32 to vector<64x1xi32>
    %shift_right_arithmetic3A_107 = arith.shrsi %add3A_104, %shift_right_arithmetic3A_106 : vector<64x1xi32>
    %ge3A_108 = vector.broadcast %shift_right_arithmetic3A_107 : vector<64x1xi32> to vector<64x3072xi32>
    %ge3A_109 = arith.cmpi sge, %get3A_1, %ge3A_108 : vector<64x3072xi32>
    %convert_element_type3A_110 = arith.extui %ge3A_109 : vector<64x3072xi1> to vector<64x3072xi32>
    %reduce_sum3A_111 = arith.constant dense<0> : vector<64xi32>
    %reduce_sum3A_112 = vector.multi_reduction <add>, %convert_element_type3A_110, %reduce_sum3A_111 [1] : vector<64x3072xi32> to vector<64xi32>
    %broadcast_in_dim3A_113 = vector.shape_cast %reduce_sum3A_112 : vector<64xi32> to vector<64x1xi32>
    %add3A_114 = arith.constant 1 : i32
    %add3A_115 = vector.broadcast %add3A_114 : i32 to vector<64x1xi32>
    %add3A_116 = arith.addi %min3A_9, %add3A_115 : vector<64x1xi32>
    %ge3A_117 = arith.cmpi sge, %broadcast_in_dim3A_113, %add3A_116 : vector<64x1xi32>
    %select_n3A_118 = arith.select %ge3A_117, %shift_right_arithmetic3A_107, %select_n3A_95 : vector<64x1xi1>, vector<64x1xi32>
    %sub3A_119 = arith.constant 1 : i32
    %sub3A_120 = vector.broadcast %sub3A_119 : i32 to vector<64x1xi32>
    %sub3A_121 = arith.subi %shift_right_arithmetic3A_107, %sub3A_120 : vector<64x1xi32>
    %select_n3A_122 = arith.select %ge3A_117, %select_n3A_99, %sub3A_121 : vector<64x1xi1>, vector<64x1xi32>
    %select_n3A_123 = arith.select %ge3A_117, %select_n3A_100, %broadcast_in_dim3A_113 : vector<64x1xi1>, vector<64x1xi32>
    %add3A_124 = arith.addi %select_n3A_118, %select_n3A_122 : vector<64x1xi32>
    %add3A_125 = arith.constant 1 : i32
    %add3A_126 = vector.broadcast %add3A_125 : i32 to vector<64x1xi32>
    %add3A_127 = arith.addi %add3A_124, %add3A_126 : vector<64x1xi32>
    %shift_right_arithmetic3A_128 = arith.constant 1 : i32
    %shift_right_arithmetic3A_129 = vector.broadcast %shift_right_arithmetic3A_128 : i32 to vector<64x1xi32>
    %shift_right_arithmetic3A_130 = arith.shrsi %add3A_127, %shift_right_arithmetic3A_129 : vector<64x1xi32>
    %ge3A_131 = vector.broadcast %shift_right_arithmetic3A_130 : vector<64x1xi32> to vector<64x3072xi32>
    %ge3A_132 = arith.cmpi sge, %get3A_1, %ge3A_131 : vector<64x3072xi32>
    %convert_element_type3A_133 = arith.extui %ge3A_132 : vector<64x3072xi1> to vector<64x3072xi32>
    %reduce_sum3A_134 = arith.constant dense<0> : vector<64xi32>
    %reduce_sum3A_135 = vector.multi_reduction <add>, %convert_element_type3A_133, %reduce_sum3A_134 [1] : vector<64x3072xi32> to vector<64xi32>
    %broadcast_in_dim3A_136 = vector.shape_cast %reduce_sum3A_135 : vector<64xi32> to vector<64x1xi32>
    %add3A_137 = arith.constant 1 : i32
    %add3A_138 = vector.broadcast %add3A_137 : i32 to vector<64x1xi32>
    %add3A_139 = arith.addi %min3A_9, %add3A_138 : vector<64x1xi32>
    %ge3A_140 = arith.cmpi sge, %broadcast_in_dim3A_136, %add3A_139 : vector<64x1xi32>
    %select_n3A_141 = arith.select %ge3A_140, %shift_right_arithmetic3A_130, %select_n3A_118 : vector<64x1xi1>, vector<64x1xi32>
    %sub3A_142 = arith.constant 1 : i32
    %sub3A_143 = vector.broadcast %sub3A_142 : i32 to vector<64x1xi32>
    %sub3A_144 = arith.subi %shift_right_arithmetic3A_130, %sub3A_143 : vector<64x1xi32>
    %select_n3A_145 = arith.select %ge3A_140, %select_n3A_122, %sub3A_144 : vector<64x1xi1>, vector<64x1xi32>
    %select_n3A_146 = arith.select %ge3A_140, %select_n3A_123, %broadcast_in_dim3A_136 : vector<64x1xi1>, vector<64x1xi32>
    %add3A_147 = arith.addi %select_n3A_141, %select_n3A_145 : vector<64x1xi32>
    %add3A_148 = arith.constant 1 : i32
    %add3A_149 = vector.broadcast %add3A_148 : i32 to vector<64x1xi32>
    %add3A_150 = arith.addi %add3A_147, %add3A_149 : vector<64x1xi32>
    %shift_right_arithmetic3A_151 = arith.constant 1 : i32
    %shift_right_arithmetic3A_152 = vector.broadcast %shift_right_arithmetic3A_151 : i32 to vector<64x1xi32>
    %shift_right_arithmetic3A_153 = arith.shrsi %add3A_150, %shift_right_arithmetic3A_152 : vector<64x1xi32>
    %ge3A_154 = vector.broadcast %shift_right_arithmetic3A_153 : vector<64x1xi32> to vector<64x3072xi32>
    %ge3A_155 = arith.cmpi sge, %get3A_1, %ge3A_154 : vector<64x3072xi32>
    %convert_element_type3A_156 = arith.extui %ge3A_155 : vector<64x3072xi1> to vector<64x3072xi32>
    %reduce_sum3A_157 = arith.constant dense<0> : vector<64xi32>
    %reduce_sum3A_158 = vector.multi_reduction <add>, %convert_element_type3A_156, %reduce_sum3A_157 [1] : vector<64x3072xi32> to vector<64xi32>
    %broadcast_in_dim3A_159 = vector.shape_cast %reduce_sum3A_158 : vector<64xi32> to vector<64x1xi32>
    %add3A_160 = arith.constant 1 : i32
    %add3A_161 = vector.broadcast %add3A_160 : i32 to vector<64x1xi32>
    %add3A_162 = arith.addi %min3A_9, %add3A_161 : vector<64x1xi32>
    %ge3A_163 = arith.cmpi sge, %broadcast_in_dim3A_159, %add3A_162 : vector<64x1xi32>
    %select_n3A_164 = arith.select %ge3A_163, %shift_right_arithmetic3A_153, %select_n3A_141 : vector<64x1xi1>, vector<64x1xi32>
    %sub3A_165 = arith.constant 1 : i32
    %sub3A_166 = vector.broadcast %sub3A_165 : i32 to vector<64x1xi32>
    %sub3A_167 = arith.subi %shift_right_arithmetic3A_153, %sub3A_166 : vector<64x1xi32>
    %select_n3A_168 = arith.select %ge3A_163, %select_n3A_145, %sub3A_167 : vector<64x1xi1>, vector<64x1xi32>
    %select_n3A_169 = arith.select %ge3A_163, %select_n3A_146, %broadcast_in_dim3A_159 : vector<64x1xi1>, vector<64x1xi32>
    %add3A_170 = arith.addi %select_n3A_164, %select_n3A_168 : vector<64x1xi32>
    %add3A_171 = arith.constant 1 : i32
    %add3A_172 = vector.broadcast %add3A_171 : i32 to vector<64x1xi32>
    %add3A_173 = arith.addi %add3A_170, %add3A_172 : vector<64x1xi32>
    %shift_right_arithmetic3A_174 = arith.constant 1 : i32
    %shift_right_arithmetic3A_175 = vector.broadcast %shift_right_arithmetic3A_174 : i32 to vector<64x1xi32>
    %shift_right_arithmetic3A_176 = arith.shrsi %add3A_173, %shift_right_arithmetic3A_175 : vector<64x1xi32>
    %ge3A_177 = vector.broadcast %shift_right_arithmetic3A_176 : vector<64x1xi32> to vector<64x3072xi32>
    %ge3A_178 = arith.cmpi sge, %get3A_1, %ge3A_177 : vector<64x3072xi32>
    %convert_element_type3A_179 = arith.extui %ge3A_178 : vector<64x3072xi1> to vector<64x3072xi32>
    %reduce_sum3A_180 = arith.constant dense<0> : vector<64xi32>
    %reduce_sum3A_181 = vector.multi_reduction <add>, %convert_element_type3A_179, %reduce_sum3A_180 [1] : vector<64x3072xi32> to vector<64xi32>
    %broadcast_in_dim3A_182 = vector.shape_cast %reduce_sum3A_181 : vector<64xi32> to vector<64x1xi32>
    %add3A_183 = arith.constant 1 : i32
    %add3A_184 = vector.broadcast %add3A_183 : i32 to vector<64x1xi32>
    %add3A_185 = arith.addi %min3A_9, %add3A_184 : vector<64x1xi32>
    %ge3A_186 = arith.cmpi sge, %broadcast_in_dim3A_182, %add3A_185 : vector<64x1xi32>
    %select_n3A_187 = arith.select %ge3A_186, %shift_right_arithmetic3A_176, %select_n3A_164 : vector<64x1xi1>, vector<64x1xi32>
    %sub3A_188 = arith.constant 1 : i32
    %sub3A_189 = vector.broadcast %sub3A_188 : i32 to vector<64x1xi32>
    %sub3A_190 = arith.subi %shift_right_arithmetic3A_176, %sub3A_189 : vector<64x1xi32>
    %select_n3A_191 = arith.select %ge3A_186, %select_n3A_168, %sub3A_190 : vector<64x1xi1>, vector<64x1xi32>
    %select_n3A_192 = arith.select %ge3A_186, %select_n3A_169, %broadcast_in_dim3A_182 : vector<64x1xi1>, vector<64x1xi32>
    %add3A_193 = arith.addi %select_n3A_187, %select_n3A_191 : vector<64x1xi32>
    %add3A_194 = arith.constant 1 : i32
    %add3A_195 = vector.broadcast %add3A_194 : i32 to vector<64x1xi32>
    %add3A_196 = arith.addi %add3A_193, %add3A_195 : vector<64x1xi32>
    %shift_right_arithmetic3A_197 = arith.constant 1 : i32
    %shift_right_arithmetic3A_198 = vector.broadcast %shift_right_arithmetic3A_197 : i32 to vector<64x1xi32>
    %shift_right_arithmetic3A_199 = arith.shrsi %add3A_196, %shift_right_arithmetic3A_198 : vector<64x1xi32>
    %ge3A_200 = vector.broadcast %shift_right_arithmetic3A_199 : vector<64x1xi32> to vector<64x3072xi32>
    %ge3A_201 = arith.cmpi sge, %get3A_1, %ge3A_200 : vector<64x3072xi32>
    %convert_element_type3A_202 = arith.extui %ge3A_201 : vector<64x3072xi1> to vector<64x3072xi32>
    %reduce_sum3A_203 = arith.constant dense<0> : vector<64xi32>
    %reduce_sum3A_204 = vector.multi_reduction <add>, %convert_element_type3A_202, %reduce_sum3A_203 [1] : vector<64x3072xi32> to vector<64xi32>
    %broadcast_in_dim3A_205 = vector.shape_cast %reduce_sum3A_204 : vector<64xi32> to vector<64x1xi32>
    %add3A_206 = arith.constant 1 : i32
    %add3A_207 = vector.broadcast %add3A_206 : i32 to vector<64x1xi32>
    %add3A_208 = arith.addi %min3A_9, %add3A_207 : vector<64x1xi32>
    %ge3A_209 = arith.cmpi sge, %broadcast_in_dim3A_205, %add3A_208 : vector<64x1xi32>
    %select_n3A_210 = arith.select %ge3A_209, %shift_right_arithmetic3A_199, %select_n3A_187 : vector<64x1xi1>, vector<64x1xi32>
    %sub3A_211 = arith.constant 1 : i32
    %sub3A_212 = vector.broadcast %sub3A_211 : i32 to vector<64x1xi32>
    %sub3A_213 = arith.subi %shift_right_arithmetic3A_199, %sub3A_212 : vector<64x1xi32>
    %select_n3A_214 = arith.select %ge3A_209, %select_n3A_191, %sub3A_213 : vector<64x1xi1>, vector<64x1xi32>
    %select_n3A_215 = arith.select %ge3A_209, %select_n3A_192, %broadcast_in_dim3A_205 : vector<64x1xi1>, vector<64x1xi32>
    %add3A_216 = arith.addi %select_n3A_210, %select_n3A_214 : vector<64x1xi32>
    %add3A_217 = arith.constant 1 : i32
    %add3A_218 = vector.broadcast %add3A_217 : i32 to vector<64x1xi32>
    %add3A_219 = arith.addi %add3A_216, %add3A_218 : vector<64x1xi32>
    %shift_right_arithmetic3A_220 = arith.constant 1 : i32
    %shift_right_arithmetic3A_221 = vector.broadcast %shift_right_arithmetic3A_220 : i32 to vector<64x1xi32>
    %shift_right_arithmetic3A_222 = arith.shrsi %add3A_219, %shift_right_arithmetic3A_221 : vector<64x1xi32>
    %ge3A_223 = vector.broadcast %shift_right_arithmetic3A_222 : vector<64x1xi32> to vector<64x3072xi32>
    %ge3A_224 = arith.cmpi sge, %get3A_1, %ge3A_223 : vector<64x3072xi32>
    %convert_element_type3A_225 = arith.extui %ge3A_224 : vector<64x3072xi1> to vector<64x3072xi32>
    %reduce_sum3A_226 = arith.constant dense<0> : vector<64xi32>
    %reduce_sum3A_227 = vector.multi_reduction <add>, %convert_element_type3A_225, %reduce_sum3A_226 [1] : vector<64x3072xi32> to vector<64xi32>
    %broadcast_in_dim3A_228 = vector.shape_cast %reduce_sum3A_227 : vector<64xi32> to vector<64x1xi32>
    %add3A_229 = arith.constant 1 : i32
    %add3A_230 = vector.broadcast %add3A_229 : i32 to vector<64x1xi32>
    %add3A_231 = arith.addi %min3A_9, %add3A_230 : vector<64x1xi32>
    %ge3A_232 = arith.cmpi sge, %broadcast_in_dim3A_228, %add3A_231 : vector<64x1xi32>
    %select_n3A_233 = arith.select %ge3A_232, %shift_right_arithmetic3A_222, %select_n3A_210 : vector<64x1xi1>, vector<64x1xi32>
    %sub3A_234 = arith.constant 1 : i32
    %sub3A_235 = vector.broadcast %sub3A_234 : i32 to vector<64x1xi32>
    %sub3A_236 = arith.subi %shift_right_arithmetic3A_222, %sub3A_235 : vector<64x1xi32>
    %select_n3A_237 = arith.select %ge3A_232, %select_n3A_214, %sub3A_236 : vector<64x1xi1>, vector<64x1xi32>
    %select_n3A_238 = arith.select %ge3A_232, %select_n3A_215, %broadcast_in_dim3A_228 : vector<64x1xi1>, vector<64x1xi32>
    %add3A_239 = arith.addi %select_n3A_233, %select_n3A_237 : vector<64x1xi32>
    %add3A_240 = arith.constant 1 : i32
    %add3A_241 = vector.broadcast %add3A_240 : i32 to vector<64x1xi32>
    %add3A_242 = arith.addi %add3A_239, %add3A_241 : vector<64x1xi32>
    %shift_right_arithmetic3A_243 = arith.constant 1 : i32
    %shift_right_arithmetic3A_244 = vector.broadcast %shift_right_arithmetic3A_243 : i32 to vector<64x1xi32>
    %shift_right_arithmetic3A_245 = arith.shrsi %add3A_242, %shift_right_arithmetic3A_244 : vector<64x1xi32>
    %ge3A_246 = vector.broadcast %shift_right_arithmetic3A_245 : vector<64x1xi32> to vector<64x3072xi32>
    %ge3A_247 = arith.cmpi sge, %get3A_1, %ge3A_246 : vector<64x3072xi32>
    %convert_element_type3A_248 = arith.extui %ge3A_247 : vector<64x3072xi1> to vector<64x3072xi32>
    %reduce_sum3A_249 = arith.constant dense<0> : vector<64xi32>
    %reduce_sum3A_250 = vector.multi_reduction <add>, %convert_element_type3A_248, %reduce_sum3A_249 [1] : vector<64x3072xi32> to vector<64xi32>
    %broadcast_in_dim3A_251 = vector.shape_cast %reduce_sum3A_250 : vector<64xi32> to vector<64x1xi32>
    %add3A_252 = arith.constant 1 : i32
    %add3A_253 = vector.broadcast %add3A_252 : i32 to vector<64x1xi32>
    %add3A_254 = arith.addi %min3A_9, %add3A_253 : vector<64x1xi32>
    %ge3A_255 = arith.cmpi sge, %broadcast_in_dim3A_251, %add3A_254 : vector<64x1xi32>
    %select_n3A_256 = arith.select %ge3A_255, %shift_right_arithmetic3A_245, %select_n3A_233 : vector<64x1xi1>, vector<64x1xi32>
    %sub3A_257 = arith.constant 1 : i32
    %sub3A_258 = vector.broadcast %sub3A_257 : i32 to vector<64x1xi32>
    %sub3A_259 = arith.subi %shift_right_arithmetic3A_245, %sub3A_258 : vector<64x1xi32>
    %select_n3A_260 = arith.select %ge3A_255, %select_n3A_237, %sub3A_259 : vector<64x1xi1>, vector<64x1xi32>
    %select_n3A_261 = arith.select %ge3A_255, %select_n3A_238, %broadcast_in_dim3A_251 : vector<64x1xi1>, vector<64x1xi32>
    %add3A_262 = arith.addi %select_n3A_256, %select_n3A_260 : vector<64x1xi32>
    %add3A_263 = arith.constant 1 : i32
    %add3A_264 = vector.broadcast %add3A_263 : i32 to vector<64x1xi32>
    %add3A_265 = arith.addi %add3A_262, %add3A_264 : vector<64x1xi32>
    %shift_right_arithmetic3A_266 = arith.constant 1 : i32
    %shift_right_arithmetic3A_267 = vector.broadcast %shift_right_arithmetic3A_266 : i32 to vector<64x1xi32>
    %shift_right_arithmetic3A_268 = arith.shrsi %add3A_265, %shift_right_arithmetic3A_267 : vector<64x1xi32>
    %ge3A_269 = vector.broadcast %shift_right_arithmetic3A_268 : vector<64x1xi32> to vector<64x3072xi32>
    %ge3A_270 = arith.cmpi sge, %get3A_1, %ge3A_269 : vector<64x3072xi32>
    %convert_element_type3A_271 = arith.extui %ge3A_270 : vector<64x3072xi1> to vector<64x3072xi32>
    %reduce_sum3A_272 = arith.constant dense<0> : vector<64xi32>
    %reduce_sum3A_273 = vector.multi_reduction <add>, %convert_element_type3A_271, %reduce_sum3A_272 [1] : vector<64x3072xi32> to vector<64xi32>
    %broadcast_in_dim3A_274 = vector.shape_cast %reduce_sum3A_273 : vector<64xi32> to vector<64x1xi32>
    %add3A_275 = arith.constant 1 : i32
    %add3A_276 = vector.broadcast %add3A_275 : i32 to vector<64x1xi32>
    %add3A_277 = arith.addi %min3A_9, %add3A_276 : vector<64x1xi32>
    %ge3A_278 = arith.cmpi sge, %broadcast_in_dim3A_274, %add3A_277 : vector<64x1xi32>
    %select_n3A_279 = arith.select %ge3A_278, %shift_right_arithmetic3A_268, %select_n3A_256 : vector<64x1xi1>, vector<64x1xi32>
    %select_n3A_280 = arith.select %ge3A_278, %select_n3A_261, %broadcast_in_dim3A_274 : vector<64x1xi1>, vector<64x1xi32>
    %sub3A_281 = arith.subi %min3A_9, %select_n3A_280 : vector<64x1xi32>
    %iota3A = tpu.iota {dimensions = array<i32: 1>} : vector<64x3072xi32>
    %eq3A = vector.broadcast %select_n3A_279 : vector<64x1xi32> to vector<64x3072xi32>
    %eq3A_282 = arith.cmpi eq, %get3A_1, %eq3A : vector<64x3072xi32>
    %jit3A_283 = arith.constant 3072 : i32
    %broadcast_in_dim3A_284 = vector.broadcast %jit3A_283 : i32 to vector<64x3072xi32>
    %select_n3A_285 = arith.select %eq3A_282, %iota3A, %broadcast_in_dim3A_284 : vector<64x3072xi1>, vector<64x3072xi32>
    %broadcast_in_dim3A_286 = arith.constant 0 : i32
    %broadcast_in_dim3A_287 = vector.broadcast %broadcast_in_dim3A_286 : i32 to vector<64x1xi32>
    %broadcast_in_dim3A_288 = arith.constant 3071 : i32
    %broadcast_in_dim3A_289 = vector.broadcast %broadcast_in_dim3A_288 : i32 to vector<64x1xi32>
    %add3A_290 = arith.addi %broadcast_in_dim3A_287, %broadcast_in_dim3A_289 : vector<64x1xi32>
    %shift_right_arithmetic3A_291 = arith.constant 1 : i32
    %shift_right_arithmetic3A_292 = vector.broadcast %shift_right_arithmetic3A_291 : i32 to vector<64x1xi32>
    %shift_right_arithmetic3A_293 = arith.shrsi %add3A_290, %shift_right_arithmetic3A_292 : vector<64x1xi32>
    %le3A = vector.broadcast %shift_right_arithmetic3A_293 : vector<64x1xi32> to vector<64x3072xi32>
    %le3A_294 = arith.cmpi sle, %select_n3A_285, %le3A : vector<64x3072xi32>
    %convert_element_type3A_295 = arith.extui %le3A_294 : vector<64x3072xi1> to vector<64x3072xi32>
    %reduce_sum3A_296 = arith.constant dense<0> : vector<64xi32>
    %reduce_sum3A_297 = vector.multi_reduction <add>, %convert_element_type3A_295, %reduce_sum3A_296 [1] : vector<64x3072xi32> to vector<64xi32>
    %broadcast_in_dim3A_298 = vector.shape_cast %reduce_sum3A_297 : vector<64xi32> to vector<64x1xi32>
    %add3A_299 = arith.constant 1 : i32
    %add3A_300 = vector.broadcast %add3A_299 : i32 to vector<64x1xi32>
    %add3A_301 = arith.addi %sub3A_281, %add3A_300 : vector<64x1xi32>
    %ge3A_302 = arith.cmpi sge, %broadcast_in_dim3A_298, %add3A_301 : vector<64x1xi32>
    %add3A_303 = arith.constant 1 : i32
    %add3A_304 = vector.broadcast %add3A_303 : i32 to vector<64x1xi32>
    %add3A_305 = arith.addi %shift_right_arithmetic3A_293, %add3A_304 : vector<64x1xi32>
    %select_n3A_306 = arith.select %ge3A_302, %broadcast_in_dim3A_287, %add3A_305 : vector<64x1xi1>, vector<64x1xi32>
    %select_n3A_307 = arith.select %ge3A_302, %shift_right_arithmetic3A_293, %broadcast_in_dim3A_289 : vector<64x1xi1>, vector<64x1xi32>
    %add3A_308 = arith.addi %select_n3A_306, %select_n3A_307 : vector<64x1xi32>
    %shift_right_arithmetic3A_309 = arith.constant 1 : i32
    %shift_right_arithmetic3A_310 = vector.broadcast %shift_right_arithmetic3A_309 : i32 to vector<64x1xi32>
    %shift_right_arithmetic3A_311 = arith.shrsi %add3A_308, %shift_right_arithmetic3A_310 : vector<64x1xi32>
    %le3A_312 = vector.broadcast %shift_right_arithmetic3A_311 : vector<64x1xi32> to vector<64x3072xi32>
    %le3A_313 = arith.cmpi sle, %select_n3A_285, %le3A_312 : vector<64x3072xi32>
    %convert_element_type3A_314 = arith.extui %le3A_313 : vector<64x3072xi1> to vector<64x3072xi32>
    %reduce_sum3A_315 = arith.constant dense<0> : vector<64xi32>
    %reduce_sum3A_316 = vector.multi_reduction <add>, %convert_element_type3A_314, %reduce_sum3A_315 [1] : vector<64x3072xi32> to vector<64xi32>
    %broadcast_in_dim3A_317 = vector.shape_cast %reduce_sum3A_316 : vector<64xi32> to vector<64x1xi32>
    %add3A_318 = arith.constant 1 : i32
    %add3A_319 = vector.broadcast %add3A_318 : i32 to vector<64x1xi32>
    %add3A_320 = arith.addi %sub3A_281, %add3A_319 : vector<64x1xi32>
    %ge3A_321 = arith.cmpi sge, %broadcast_in_dim3A_317, %add3A_320 : vector<64x1xi32>
    %add3A_322 = arith.constant 1 : i32
    %add3A_323 = vector.broadcast %add3A_322 : i32 to vector<64x1xi32>
    %add3A_324 = arith.addi %shift_right_arithmetic3A_311, %add3A_323 : vector<64x1xi32>
    %select_n3A_325 = arith.select %ge3A_321, %select_n3A_306, %add3A_324 : vector<64x1xi1>, vector<64x1xi32>
    %select_n3A_326 = arith.select %ge3A_321, %shift_right_arithmetic3A_311, %select_n3A_307 : vector<64x1xi1>, vector<64x1xi32>
    %add3A_327 = arith.addi %select_n3A_325, %select_n3A_326 : vector<64x1xi32>
    %shift_right_arithmetic3A_328 = arith.constant 1 : i32
    %shift_right_arithmetic3A_329 = vector.broadcast %shift_right_arithmetic3A_328 : i32 to vector<64x1xi32>
    %shift_right_arithmetic3A_330 = arith.shrsi %add3A_327, %shift_right_arithmetic3A_329 : vector<64x1xi32>
    %le3A_331 = vector.broadcast %shift_right_arithmetic3A_330 : vector<64x1xi32> to vector<64x3072xi32>
    %le3A_332 = arith.cmpi sle, %select_n3A_285, %le3A_331 : vector<64x3072xi32>
    %convert_element_type3A_333 = arith.extui %le3A_332 : vector<64x3072xi1> to vector<64x3072xi32>
    %reduce_sum3A_334 = arith.constant dense<0> : vector<64xi32>
    %reduce_sum3A_335 = vector.multi_reduction <add>, %convert_element_type3A_333, %reduce_sum3A_334 [1] : vector<64x3072xi32> to vector<64xi32>
    %broadcast_in_dim3A_336 = vector.shape_cast %reduce_sum3A_335 : vector<64xi32> to vector<64x1xi32>
    %add3A_337 = arith.constant 1 : i32
    %add3A_338 = vector.broadcast %add3A_337 : i32 to vector<64x1xi32>
    %add3A_339 = arith.addi %sub3A_281, %add3A_338 : vector<64x1xi32>
    %ge3A_340 = arith.cmpi sge, %broadcast_in_dim3A_336, %add3A_339 : vector<64x1xi32>
    %add3A_341 = arith.constant 1 : i32
    %add3A_342 = vector.broadcast %add3A_341 : i32 to vector<64x1xi32>
    %add3A_343 = arith.addi %shift_right_arithmetic3A_330, %add3A_342 : vector<64x1xi32>
    %select_n3A_344 = arith.select %ge3A_340, %select_n3A_325, %add3A_343 : vector<64x1xi1>, vector<64x1xi32>
    %select_n3A_345 = arith.select %ge3A_340, %shift_right_arithmetic3A_330, %select_n3A_326 : vector<64x1xi1>, vector<64x1xi32>
    %add3A_346 = arith.addi %select_n3A_344, %select_n3A_345 : vector<64x1xi32>
    %shift_right_arithmetic3A_347 = arith.constant 1 : i32
    %shift_right_arithmetic3A_348 = vector.broadcast %shift_right_arithmetic3A_347 : i32 to vector<64x1xi32>
    %shift_right_arithmetic3A_349 = arith.shrsi %add3A_346, %shift_right_arithmetic3A_348 : vector<64x1xi32>
    %le3A_350 = vector.broadcast %shift_right_arithmetic3A_349 : vector<64x1xi32> to vector<64x3072xi32>
    %le3A_351 = arith.cmpi sle, %select_n3A_285, %le3A_350 : vector<64x3072xi32>
    %convert_element_type3A_352 = arith.extui %le3A_351 : vector<64x3072xi1> to vector<64x3072xi32>
    %reduce_sum3A_353 = arith.constant dense<0> : vector<64xi32>
    %reduce_sum3A_354 = vector.multi_reduction <add>, %convert_element_type3A_352, %reduce_sum3A_353 [1] : vector<64x3072xi32> to vector<64xi32>
    %broadcast_in_dim3A_355 = vector.shape_cast %reduce_sum3A_354 : vector<64xi32> to vector<64x1xi32>
    %add3A_356 = arith.constant 1 : i32
    %add3A_357 = vector.broadcast %add3A_356 : i32 to vector<64x1xi32>
    %add3A_358 = arith.addi %sub3A_281, %add3A_357 : vector<64x1xi32>
    %ge3A_359 = arith.cmpi sge, %broadcast_in_dim3A_355, %add3A_358 : vector<64x1xi32>
    %add3A_360 = arith.constant 1 : i32
    %add3A_361 = vector.broadcast %add3A_360 : i32 to vector<64x1xi32>
    %add3A_362 = arith.addi %shift_right_arithmetic3A_349, %add3A_361 : vector<64x1xi32>
    %select_n3A_363 = arith.select %ge3A_359, %select_n3A_344, %add3A_362 : vector<64x1xi1>, vector<64x1xi32>
    %select_n3A_364 = arith.select %ge3A_359, %shift_right_arithmetic3A_349, %select_n3A_345 : vector<64x1xi1>, vector<64x1xi32>
    %add3A_365 = arith.addi %select_n3A_363, %select_n3A_364 : vector<64x1xi32>
    %shift_right_arithmetic3A_366 = arith.constant 1 : i32
    %shift_right_arithmetic3A_367 = vector.broadcast %shift_right_arithmetic3A_366 : i32 to vector<64x1xi32>
    %shift_right_arithmetic3A_368 = arith.shrsi %add3A_365, %shift_right_arithmetic3A_367 : vector<64x1xi32>
    %le3A_369 = vector.broadcast %shift_right_arithmetic3A_368 : vector<64x1xi32> to vector<64x3072xi32>
    %le3A_370 = arith.cmpi sle, %select_n3A_285, %le3A_369 : vector<64x3072xi32>
    %convert_element_type3A_371 = arith.extui %le3A_370 : vector<64x3072xi1> to vector<64x3072xi32>
    %reduce_sum3A_372 = arith.constant dense<0> : vector<64xi32>
    %reduce_sum3A_373 = vector.multi_reduction <add>, %convert_element_type3A_371, %reduce_sum3A_372 [1] : vector<64x3072xi32> to vector<64xi32>
    %broadcast_in_dim3A_374 = vector.shape_cast %reduce_sum3A_373 : vector<64xi32> to vector<64x1xi32>
    %add3A_375 = arith.constant 1 : i32
    %add3A_376 = vector.broadcast %add3A_375 : i32 to vector<64x1xi32>
    %add3A_377 = arith.addi %sub3A_281, %add3A_376 : vector<64x1xi32>
    %ge3A_378 = arith.cmpi sge, %broadcast_in_dim3A_374, %add3A_377 : vector<64x1xi32>
    %add3A_379 = arith.constant 1 : i32
    %add3A_380 = vector.broadcast %add3A_379 : i32 to vector<64x1xi32>
    %add3A_381 = arith.addi %shift_right_arithmetic3A_368, %add3A_380 : vector<64x1xi32>
    %select_n3A_382 = arith.select %ge3A_378, %select_n3A_363, %add3A_381 : vector<64x1xi1>, vector<64x1xi32>
    %select_n3A_383 = arith.select %ge3A_378, %shift_right_arithmetic3A_368, %select_n3A_364 : vector<64x1xi1>, vector<64x1xi32>
    %add3A_384 = arith.addi %select_n3A_382, %select_n3A_383 : vector<64x1xi32>
    %shift_right_arithmetic3A_385 = arith.constant 1 : i32
    %shift_right_arithmetic3A_386 = vector.broadcast %shift_right_arithmetic3A_385 : i32 to vector<64x1xi32>
    %shift_right_arithmetic3A_387 = arith.shrsi %add3A_384, %shift_right_arithmetic3A_386 : vector<64x1xi32>
    %le3A_388 = vector.broadcast %shift_right_arithmetic3A_387 : vector<64x1xi32> to vector<64x3072xi32>
    %le3A_389 = arith.cmpi sle, %select_n3A_285, %le3A_388 : vector<64x3072xi32>
    %convert_element_type3A_390 = arith.extui %le3A_389 : vector<64x3072xi1> to vector<64x3072xi32>
    %reduce_sum3A_391 = arith.constant dense<0> : vector<64xi32>
    %reduce_sum3A_392 = vector.multi_reduction <add>, %convert_element_type3A_390, %reduce_sum3A_391 [1] : vector<64x3072xi32> to vector<64xi32>
    %broadcast_in_dim3A_393 = vector.shape_cast %reduce_sum3A_392 : vector<64xi32> to vector<64x1xi32>
    %add3A_394 = arith.constant 1 : i32
    %add3A_395 = vector.broadcast %add3A_394 : i32 to vector<64x1xi32>
    %add3A_396 = arith.addi %sub3A_281, %add3A_395 : vector<64x1xi32>
    %ge3A_397 = arith.cmpi sge, %broadcast_in_dim3A_393, %add3A_396 : vector<64x1xi32>
    %add3A_398 = arith.constant 1 : i32
    %add3A_399 = vector.broadcast %add3A_398 : i32 to vector<64x1xi32>
    %add3A_400 = arith.addi %shift_right_arithmetic3A_387, %add3A_399 : vector<64x1xi32>
    %select_n3A_401 = arith.select %ge3A_397, %select_n3A_382, %add3A_400 : vector<64x1xi1>, vector<64x1xi32>
    %select_n3A_402 = arith.select %ge3A_397, %shift_right_arithmetic3A_387, %select_n3A_383 : vector<64x1xi1>, vector<64x1xi32>
    %add3A_403 = arith.addi %select_n3A_401, %select_n3A_402 : vector<64x1xi32>
    %shift_right_arithmetic3A_404 = arith.constant 1 : i32
    %shift_right_arithmetic3A_405 = vector.broadcast %shift_right_arithmetic3A_404 : i32 to vector<64x1xi32>
    %shift_right_arithmetic3A_406 = arith.shrsi %add3A_403, %shift_right_arithmetic3A_405 : vector<64x1xi32>
    %le3A_407 = vector.broadcast %shift_right_arithmetic3A_406 : vector<64x1xi32> to vector<64x3072xi32>
    %le3A_408 = arith.cmpi sle, %select_n3A_285, %le3A_407 : vector<64x3072xi32>
    %convert_element_type3A_409 = arith.extui %le3A_408 : vector<64x3072xi1> to vector<64x3072xi32>
    %reduce_sum3A_410 = arith.constant dense<0> : vector<64xi32>
    %reduce_sum3A_411 = vector.multi_reduction <add>, %convert_element_type3A_409, %reduce_sum3A_410 [1] : vector<64x3072xi32> to vector<64xi32>
    %broadcast_in_dim3A_412 = vector.shape_cast %reduce_sum3A_411 : vector<64xi32> to vector<64x1xi32>
    %add3A_413 = arith.constant 1 : i32
    %add3A_414 = vector.broadcast %add3A_413 : i32 to vector<64x1xi32>
    %add3A_415 = arith.addi %sub3A_281, %add3A_414 : vector<64x1xi32>
    %ge3A_416 = arith.cmpi sge, %broadcast_in_dim3A_412, %add3A_415 : vector<64x1xi32>
    %add3A_417 = arith.constant 1 : i32
    %add3A_418 = vector.broadcast %add3A_417 : i32 to vector<64x1xi32>
    %add3A_419 = arith.addi %shift_right_arithmetic3A_406, %add3A_418 : vector<64x1xi32>
    %select_n3A_420 = arith.select %ge3A_416, %select_n3A_401, %add3A_419 : vector<64x1xi1>, vector<64x1xi32>
    %select_n3A_421 = arith.select %ge3A_416, %shift_right_arithmetic3A_406, %select_n3A_402 : vector<64x1xi1>, vector<64x1xi32>
    %add3A_422 = arith.addi %select_n3A_420, %select_n3A_421 : vector<64x1xi32>
    %shift_right_arithmetic3A_423 = arith.constant 1 : i32
    %shift_right_arithmetic3A_424 = vector.broadcast %shift_right_arithmetic3A_423 : i32 to vector<64x1xi32>
    %shift_right_arithmetic3A_425 = arith.shrsi %add3A_422, %shift_right_arithmetic3A_424 : vector<64x1xi32>
    %le3A_426 = vector.broadcast %shift_right_arithmetic3A_425 : vector<64x1xi32> to vector<64x3072xi32>
    %le3A_427 = arith.cmpi sle, %select_n3A_285, %le3A_426 : vector<64x3072xi32>
    %convert_element_type3A_428 = arith.extui %le3A_427 : vector<64x3072xi1> to vector<64x3072xi32>
    %reduce_sum3A_429 = arith.constant dense<0> : vector<64xi32>
    %reduce_sum3A_430 = vector.multi_reduction <add>, %convert_element_type3A_428, %reduce_sum3A_429 [1] : vector<64x3072xi32> to vector<64xi32>
    %broadcast_in_dim3A_431 = vector.shape_cast %reduce_sum3A_430 : vector<64xi32> to vector<64x1xi32>
    %add3A_432 = arith.constant 1 : i32
    %add3A_433 = vector.broadcast %add3A_432 : i32 to vector<64x1xi32>
    %add3A_434 = arith.addi %sub3A_281, %add3A_433 : vector<64x1xi32>
    %ge3A_435 = arith.cmpi sge, %broadcast_in_dim3A_431, %add3A_434 : vector<64x1xi32>
    %add3A_436 = arith.constant 1 : i32
    %add3A_437 = vector.broadcast %add3A_436 : i32 to vector<64x1xi32>
    %add3A_438 = arith.addi %shift_right_arithmetic3A_425, %add3A_437 : vector<64x1xi32>
    %select_n3A_439 = arith.select %ge3A_435, %select_n3A_420, %add3A_438 : vector<64x1xi1>, vector<64x1xi32>
    %select_n3A_440 = arith.select %ge3A_435, %shift_right_arithmetic3A_425, %select_n3A_421 : vector<64x1xi1>, vector<64x1xi32>
    %add3A_441 = arith.addi %select_n3A_439, %select_n3A_440 : vector<64x1xi32>
    %shift_right_arithmetic3A_442 = arith.constant 1 : i32
    %shift_right_arithmetic3A_443 = vector.broadcast %shift_right_arithmetic3A_442 : i32 to vector<64x1xi32>
    %shift_right_arithmetic3A_444 = arith.shrsi %add3A_441, %shift_right_arithmetic3A_443 : vector<64x1xi32>
    %le3A_445 = vector.broadcast %shift_right_arithmetic3A_444 : vector<64x1xi32> to vector<64x3072xi32>
    %le3A_446 = arith.cmpi sle, %select_n3A_285, %le3A_445 : vector<64x3072xi32>
    %convert_element_type3A_447 = arith.extui %le3A_446 : vector<64x3072xi1> to vector<64x3072xi32>
    %reduce_sum3A_448 = arith.constant dense<0> : vector<64xi32>
    %reduce_sum3A_449 = vector.multi_reduction <add>, %convert_element_type3A_447, %reduce_sum3A_448 [1] : vector<64x3072xi32> to vector<64xi32>
    %broadcast_in_dim3A_450 = vector.shape_cast %reduce_sum3A_449 : vector<64xi32> to vector<64x1xi32>
    %add3A_451 = arith.constant 1 : i32
    %add3A_452 = vector.broadcast %add3A_451 : i32 to vector<64x1xi32>
    %add3A_453 = arith.addi %sub3A_281, %add3A_452 : vector<64x1xi32>
    %ge3A_454 = arith.cmpi sge, %broadcast_in_dim3A_450, %add3A_453 : vector<64x1xi32>
    %add3A_455 = arith.constant 1 : i32
    %add3A_456 = vector.broadcast %add3A_455 : i32 to vector<64x1xi32>
    %add3A_457 = arith.addi %shift_right_arithmetic3A_444, %add3A_456 : vector<64x1xi32>
    %select_n3A_458 = arith.select %ge3A_454, %select_n3A_439, %add3A_457 : vector<64x1xi1>, vector<64x1xi32>
    %select_n3A_459 = arith.select %ge3A_454, %shift_right_arithmetic3A_444, %select_n3A_440 : vector<64x1xi1>, vector<64x1xi32>
    %add3A_460 = arith.addi %select_n3A_458, %select_n3A_459 : vector<64x1xi32>
    %shift_right_arithmetic3A_461 = arith.constant 1 : i32
    %shift_right_arithmetic3A_462 = vector.broadcast %shift_right_arithmetic3A_461 : i32 to vector<64x1xi32>
    %shift_right_arithmetic3A_463 = arith.shrsi %add3A_460, %shift_right_arithmetic3A_462 : vector<64x1xi32>
    %le3A_464 = vector.broadcast %shift_right_arithmetic3A_463 : vector<64x1xi32> to vector<64x3072xi32>
    %le3A_465 = arith.cmpi sle, %select_n3A_285, %le3A_464 : vector<64x3072xi32>
    %convert_element_type3A_466 = arith.extui %le3A_465 : vector<64x3072xi1> to vector<64x3072xi32>
    %reduce_sum3A_467 = arith.constant dense<0> : vector<64xi32>
    %reduce_sum3A_468 = vector.multi_reduction <add>, %convert_element_type3A_466, %reduce_sum3A_467 [1] : vector<64x3072xi32> to vector<64xi32>
    %broadcast_in_dim3A_469 = vector.shape_cast %reduce_sum3A_468 : vector<64xi32> to vector<64x1xi32>
    %add3A_470 = arith.constant 1 : i32
    %add3A_471 = vector.broadcast %add3A_470 : i32 to vector<64x1xi32>
    %add3A_472 = arith.addi %sub3A_281, %add3A_471 : vector<64x1xi32>
    %ge3A_473 = arith.cmpi sge, %broadcast_in_dim3A_469, %add3A_472 : vector<64x1xi32>
    %add3A_474 = arith.constant 1 : i32
    %add3A_475 = vector.broadcast %add3A_474 : i32 to vector<64x1xi32>
    %add3A_476 = arith.addi %shift_right_arithmetic3A_463, %add3A_475 : vector<64x1xi32>
    %select_n3A_477 = arith.select %ge3A_473, %select_n3A_458, %add3A_476 : vector<64x1xi1>, vector<64x1xi32>
    %select_n3A_478 = arith.select %ge3A_473, %shift_right_arithmetic3A_463, %select_n3A_459 : vector<64x1xi1>, vector<64x1xi32>
    %add3A_479 = arith.addi %select_n3A_477, %select_n3A_478 : vector<64x1xi32>
    %shift_right_arithmetic3A_480 = arith.constant 1 : i32
    %shift_right_arithmetic3A_481 = vector.broadcast %shift_right_arithmetic3A_480 : i32 to vector<64x1xi32>
    %shift_right_arithmetic3A_482 = arith.shrsi %add3A_479, %shift_right_arithmetic3A_481 : vector<64x1xi32>
    %le3A_483 = vector.broadcast %shift_right_arithmetic3A_482 : vector<64x1xi32> to vector<64x3072xi32>
    %le3A_484 = arith.cmpi sle, %select_n3A_285, %le3A_483 : vector<64x3072xi32>
    %convert_element_type3A_485 = arith.extui %le3A_484 : vector<64x3072xi1> to vector<64x3072xi32>
    %reduce_sum3A_486 = arith.constant dense<0> : vector<64xi32>
    %reduce_sum3A_487 = vector.multi_reduction <add>, %convert_element_type3A_485, %reduce_sum3A_486 [1] : vector<64x3072xi32> to vector<64xi32>
    %broadcast_in_dim3A_488 = vector.shape_cast %reduce_sum3A_487 : vector<64xi32> to vector<64x1xi32>
    %add3A_489 = arith.constant 1 : i32
    %add3A_490 = vector.broadcast %add3A_489 : i32 to vector<64x1xi32>
    %add3A_491 = arith.addi %sub3A_281, %add3A_490 : vector<64x1xi32>
    %ge3A_492 = arith.cmpi sge, %broadcast_in_dim3A_488, %add3A_491 : vector<64x1xi32>
    %add3A_493 = arith.constant 1 : i32
    %add3A_494 = vector.broadcast %add3A_493 : i32 to vector<64x1xi32>
    %add3A_495 = arith.addi %shift_right_arithmetic3A_482, %add3A_494 : vector<64x1xi32>
    %select_n3A_496 = arith.select %ge3A_492, %select_n3A_477, %add3A_495 : vector<64x1xi1>, vector<64x1xi32>
    %select_n3A_497 = arith.select %ge3A_492, %shift_right_arithmetic3A_482, %select_n3A_478 : vector<64x1xi1>, vector<64x1xi32>
    %add3A_498 = arith.addi %select_n3A_496, %select_n3A_497 : vector<64x1xi32>
    %shift_right_arithmetic3A_499 = arith.constant 1 : i32
    %shift_right_arithmetic3A_500 = vector.broadcast %shift_right_arithmetic3A_499 : i32 to vector<64x1xi32>
    %shift_right_arithmetic3A_501 = arith.shrsi %add3A_498, %shift_right_arithmetic3A_500 : vector<64x1xi32>
    %le3A_502 = vector.broadcast %shift_right_arithmetic3A_501 : vector<64x1xi32> to vector<64x3072xi32>
    %le3A_503 = arith.cmpi sle, %select_n3A_285, %le3A_502 : vector<64x3072xi32>
    %convert_element_type3A_504 = arith.extui %le3A_503 : vector<64x3072xi1> to vector<64x3072xi32>
    %reduce_sum3A_505 = arith.constant dense<0> : vector<64xi32>
    %reduce_sum3A_506 = vector.multi_reduction <add>, %convert_element_type3A_504, %reduce_sum3A_505 [1] : vector<64x3072xi32> to vector<64xi32>
    %broadcast_in_dim3A_507 = vector.shape_cast %reduce_sum3A_506 : vector<64xi32> to vector<64x1xi32>
    %add3A_508 = arith.constant 1 : i32
    %add3A_509 = vector.broadcast %add3A_508 : i32 to vector<64x1xi32>
    %add3A_510 = arith.addi %sub3A_281, %add3A_509 : vector<64x1xi32>
    %ge3A_511 = arith.cmpi sge, %broadcast_in_dim3A_507, %add3A_510 : vector<64x1xi32>
    %add3A_512 = arith.constant 1 : i32
    %add3A_513 = vector.broadcast %add3A_512 : i32 to vector<64x1xi32>
    %add3A_514 = arith.addi %shift_right_arithmetic3A_501, %add3A_513 : vector<64x1xi32>
    %select_n3A_515 = arith.select %ge3A_511, %select_n3A_496, %add3A_514 : vector<64x1xi1>, vector<64x1xi32>
    %iota3A_516 = tpu.iota {dimensions = array<i32: 0>} : vector<64x1xi32>
    %mul3A_517 = arith.constant 3072 : i32
    %mul3A_518 = vector.broadcast %mul3A_517 : i32 to vector<64x1xi32>
    %mul3A_519 = arith.muli %iota3A_516, %mul3A_518 : vector<64x1xi32>
    %add3A_520 = arith.addi %mul3A_519, %select_n3A_515 : vector<64x1xi32>
    %swap3A = arith.constant 0 : index
    %swap3A_521 = arith.constant 0 : index
    %swap3A_522 = vector.load %arg3[%swap3A, %swap3A_521] : memref<64x1xi32, #tpu.memory_space<vmem>>, vector<64x1xi32>
    tpu.vector_store %arg3[%swap3A, %swap3A_521], %add3A_520 {strides = array<i32>} : memref<64x1xi32, #tpu.memory_space<vmem>>, vector<64x1xi32>,
    %eq3A_523 = vector.broadcast %select_n3A_515 : vector<64x1xi32> to vector<64x3072xi32>
    %eq3A_524 = arith.cmpi eq, %iota3A, %eq3A_523 : vector<64x3072xi32>
    %get3A_525 = arith.constant 0 : index
    %get3A_526 = arith.constant 0 : index
    %get3A_527 = vector.load %arg2[%get3A_525, %get3A_526] : memref<64x3072xi32, #tpu.memory_space<vmem>>, vector<64x3072xi32>
    %jit3A_528 = arith.constant 0 : i32
    %broadcast_in_dim3A_529 = vector.broadcast %jit3A_528 : i32 to vector<64x3072xi32>
    %select_n3A_530 = arith.select %eq3A_524, %get3A_527, %broadcast_in_dim3A_529 : vector<64x3072xi1>, vector<64x3072xi32>
    %reduce_sum3A_531 = arith.constant dense<0> : vector<64xi32>
    %reduce_sum3A_532 = vector.multi_reduction <add>, %select_n3A_530, %reduce_sum3A_531 [1] : vector<64x3072xi32> to vector<64xi32>
    %broadcast_in_dim3A_533 = vector.shape_cast %reduce_sum3A_532 : vector<64xi32> to vector<64x1xi32>
    %swap3A_534 = arith.constant 0 : index
    %swap3A_535 = arith.constant 0 : index
    %swap3A_536 = vector.load %arg4[%swap3A_534, %swap3A_535] : memref<64x1xi32, #tpu.memory_space<vmem>>, vector<64x1xi32>
    tpu.vector_store %arg4[%swap3A_534, %swap3A_535], %broadcast_in_dim3A_533 {strides = array<i32>} : memref<64x1xi32, #tpu.memory_space<vmem>>, vector<64x1xi32>,
    return
  }
}

</mosaic_0001>

<sc_bundles>
// kernel: kernel.4.cloned.1.call-start
scs
__scs_entry_jumppad:
0x0: {  	(pc) =	sbr.rel $0x88, $3  }
0x1: {  	(tag) =	ssettag $0x0;
	lr =	simm.s32 $0x1  }
0x2: {  	[smem:$0x3F9D] =	sst lr;
	_ =	strace $0xD0000000  }
0x3: {  	_ = 	snop  }
0x4: {  	_ = 	snop  }
0x5: {  	_ = 	snop  }
0x6: {  	_ = 	snop  }
0x7: {  	_ = 	snop  }
__scs_overlays_trampoline_lowered:
0x8: {  	[smem:$0x3FAC] =	sst s0  }
0x9: {  	[smem:$0x3FAD] =	sst s1  }
0xa: {  	[smem:$0x3FAE] =	sst s2  }
0xb: {  	[smem:$0x3FAF] =	sst s3  }
0xc: {  	[smem:$0x3FB0] =	sst s4  }
0xd: {  	[smem:$0x3FB1] =	sst s5  }
0xe: {  	[smem:$0x3FB2] =	sst s6  }
0xf: {  	[smem:$0x3FB3] =	sst s7  }
0x10: {  	[smem:$0x3FB4] =	sst s8  }
0x11: {  	[smem:$0x3FB5] =	sst s9;
	s0 =	simm.s32 @!p0 $0x0  }
0x12: {  	s1 =	sld [smem:$0x3F9B];
	s0 =	simm.s32 @p0 $0x1  }
0x13: {  	[smem:$0x3FB6] =	sst s0;
	s0 =	simm.s32 @!p1 $0x0  }
0x14: {  	s2 =	sld [smem:$0x3F9A];
	s0 =	simm.s32 @p1 $0x1  }
0x15: {  	[smem:$0x3FB7] =	sst s0;
	s0 =	simm.s32 @!p2 $0x0  }
0x16: {  	s3 =	sld [smem:$0x3FDB];
	s0 =	simm.s32 @p2 $0x1  }
0x17: {  	s4 =	simm.s32 $0x1BF5;
	[smem:$0x3FB9] =	sst s0  }
0x18: {  	s0 =	sld [smem:$0x3F9C];
	_ =	swait.ge [sflag:s4], $0x0  }
0x19: {  	s7 =	sld [smem:$0x3F9D]  }
0x1a: {  	s8 =	sadd.s32 $0xFFFFE003, lr  }
0x1b: {  	s9 =	sadd.s32 $0xFFFFFEF7, lr;
	s5 =	simm.s32 $0xFFFFFFFF;
	p2 =	slt.u32 s8, $0xFFFFF086  }
0x1c: {  	p1 =	slt.u32 s9, $0xF7A;
	s5 =	simm.s32 @!p2 $0x0  }
0x1d: {  	s5 =	simm.s32 @p1 $0x1;
	p0 =	seq.s32 s7, s2  }
0x1e: {  	s7 =	smul.u32 @!p0 $0xF7A, s2;
	p2 =	seq.s32 @!p0 s5, $0x0  }
0x1f: {  	s9 =	smul.u32 $0xF7A, s1;
	s8 =	simm.s32 @!p0 $0x1BF5;
	p2 =	por !p2, p0  }
0x20: {  	[sflag:s8] =	ssyncset.s32 @!p0 $0xFFFFF086;
	s6 =	sadd.s32 @!p0 s3, s7;
	s7 =	simm.s32 @!p0 $0x108  }
0x21: {  	s3 =	sadd.s32 s3, s9;
	s6 =	sadd.s32 @!p0 $0x88, s6;
	s7 =	simm.s32 @p2 $0x1082  }
0x22: {  	[simem:s7], [sflag:s8] =	dma.local @!p0 [hbm:s6], $0xF7A  }
0x23: {  	s9 =	sor.u32 $0xD0000000, s2;
	s6 =	simm.s32 $0x108;
	_ =	swait.ge @!p0 [sflag:s8], $0x0  }
0x24: {  	s3 =	sadd.s32 $0x88, s3;
	s6 =	simm.s32 @!p1 $0x1082;
	[sflag:s4] =	ssyncset.s32 $0xFFFFF086  }
0x25: {  	[simem:s6], [sflag:s4] =	dma.local [hbm:s3], $0xF7A  }
0x26: {  	[smem:$0x3F9D] =	sst s1;
	(tag) =	ssettag s2;
	_ =	strace s9  }
0x27: {  	s1 =	sld [smem:$0x3FAD]  }
0x28: {  	s2 =	sld [smem:$0x3FAE]  }
0x29: {  	s4 =	sld [smem:$0x3FB0]  }
0x2a: {  	p0 =	seq.s32 s5, $0x0;
	s5 =	sld [smem:$0x3FB1]  }
0x2b: {  	s6 =	sld [smem:$0x3FB2]  }
0x2c: {  	s7 =	sld [smem:$0x3FB3]  }
0x2d: {  	s3 =	simm.s32 $0x108;
	s8 =	sld [smem:$0x3FB4]  }
0x2e: {  	s3 =	simm.s32 @!p0 $0x1082;
	s9 =	sld [smem:$0x3FB5]  }
0x2f: {  	lr =	sadd.s32 s0, s3;
	s0 =	sld [smem:$0x3FAC]  }
0x30: {  	s3 =	sld [smem:$0x3FAF]  }
0x31: {  	[smem:$0x3FB8] =	sst s10  }
0x32: {  	s10 =	sld [smem:$0x3FB6];
	_ =	sdelay $0x3  }
0x33: {  	p0 =	seq.s32 s10, $0x1;
	s10 =	sld [smem:$0x3FB8];
	_ =	sdelay $0x3  }
0x34: {  	[smem:$0x3FB8] =	sst s10  }
0x35: {  	s10 =	sld [smem:$0x3FB7];
	_ =	sdelay $0x3  }
0x36: {  	p1 =	seq.s32 s10, $0x1;
	s10 =	sld [smem:$0x3FB8];
	_ =	sdelay $0x3  }
0x37: {  	[smem:$0x3FB8] =	sst s10  }
0x38: {  	s10 =	sld [smem:$0x3FB9]  }
0x39: {  	_ = 	snop;
	(pc) =	sbr.ind lr, $3  }
0x3a: {  	_ = 	snop  }
0x3b: {  	_ = 	snop  }
0x3c: {  	p2 =	seq.s32 s10, $0x1;
	s10 =	sld [smem:$0x3FB8]  }
0x3d: {  	_ =	shalt  }
0x3e: {  	_ =	shalt  }
0x3f: {  	_ =	shalt  }
0x40: {  	_ =	shalt  }
0x41: {  	_ =	shalt  }
0x42: {  	_ =	shalt  }
0x43: {  	_ =	shalt  }
0x44: {  	_ =	shalt  }
0x45: {  	_ =	shalt  }
0x46: {  	_ =	shalt  }
0x47: {  	_ =	shalt  }
0x48: {  	_ =	shalt  }
0x49: {  	_ =	shalt  }
0x4a: {  	_ =	shalt  }
0x4b: {  	_ =	shalt  }
0x4c: {  	_ =	shalt  }
0x4d: {  	_ =	shalt  }
0x4e: {  	_ =	shalt  }
0x4f: {  	_ =	shalt  }
0x50: {  	_ =	shalt  }
0x51: {  	_ =	shalt  }
0x52: {  	_ =	shalt  }
0x53: {  	_ =	shalt  }
0x54: {  	_ =	shalt  }
0x55: {  	_ =	shalt  }
0x56: {  	_ =	shalt  }
0x57: {  	_ =	shalt  }
0x58: {  	_ =	shalt  }
0x59: {  	_ =	shalt  }
0x5a: {  	_ =	shalt  }
0x5b: {  	_ =	shalt  }
0x5c: {  	_ =	shalt  }
0x5d: {  	_ =	shalt  }
0x5e: {  	_ =	shalt  }
0x5f: {  	_ =	shalt  }
0x60: {  	_ =	shalt  }
0x61: {  	_ =	shalt  }
0x62: {  	_ =	shalt  }
0x63: {  	_ =	shalt  }
0x64: {  	_ =	shalt  }
0x65: {  	_ =	shalt  }
0x66: {  	_ =	shalt  }
0x67: {  	_ =	shalt  }
0x68: {  	_ =	shalt  }
0x69: {  	_ =	shalt  }
0x6a: {  	_ =	shalt  }
0x6b: {  	_ =	shalt  }
0x6c: {  	_ =	shalt  }
0x6d: {  	_ =	shalt  }
0x6e: {  	_ =	shalt  }
0x6f: {  	_ =	shalt  }
0x70: {  	_ =	shalt  }
0x71: {  	_ =	shalt  }
0x72: {  	_ =	shalt  }
0x73: {  	_ =	shalt  }
0x74: {  	_ =	shalt  }
0x75: {  	_ =	shalt  }
0x76: {  	_ =	shalt  }
0x77: {  	_ =	shalt  }
0x78: {  	_ =	shalt  }
0x79: {  	_ =	shalt  }
0x7a: {  	_ =	shalt  }
0x7b: {  	_ =	shalt  }
0x7c: {  	_ =	shalt  }
0x7d: {  	_ =	shalt  }
0x7e: {  	_ =	shalt  }
0x7f: {  	_ =	shalt  }
0x80: {  	_ =	shalt  }
0x81: {  	_ =	shalt  }
0x82: {  	_ =	shalt  }
0x83: {  	_ =	shalt  }
0x84: {  	_ =	shalt  }
0x85: {  	_ =	shalt  }
0x86: {  	_ =	shalt  }
0x87: {  	_ =	shalt  }
.Lfunc_end0:
.L_simem_size_0:
called_computation_lowered:
.L_overlay_start_0:
0x88: {  	s0 =	sld [smem:$0x3FD9]  }
0x89: {  	s1 =	sld [smem:$0x3FFE];
	_ =	sdelay $0x3  }
0x8a: {  	s0 =	sadd.s32 s1, s0  }
0x8b: {  	[smem:$0x3FC4] =	sst s0  }
0x8c: {  	_ = 	snop  }
0x8d: {  	s0 =	sld [smem:$0x3FC9]  }
0x8e: {  	s16 =	sld [smem:$0x3FD0];
	(tm) =	ssettm $0x1  }
0x8f: {  	s2 =	sld [smem:$0x3FFB];
	_ =	sdelay $0x3  }
0x90: {  	_ =	strace s2  }
0x91: {  	s2 =	sld [smem:$0x3FFC];
	_ =	sdelay $0x3  }
0x92: {  	_ =	strace s2  }
0x93: {  	s2 =	sld [smem:$0x3FFD];
	_ =	sdelay $0x3  }
0x94: {  	_ =	strace s2  }
0x95: {  	_ =	strace $0x8FFFFFFF  }
0x96: {  	s17 =	sld [smem:$0x3FDB];
	_ =	sdelay $0x1  }
0x97: {  	s3 =	simm.s32 $_scs_section_size  }
0x98: {  	s4 =	simm.s32 $_size__tile_overlayer_lowered;
	s5 =	simm.s32 $_tile_overlayer_lowered  }
0x99: {  	s20 =	simm.s32 $0x1BFF;
	s19 =	sshll.u32 s5, $0x1;
	s2 =	sadd.s32 s3, s17  }
0x9a: {  	s6 =	simm.s32 $0x0;
	s18 =	sshll.u32 s4, $0x1;
	s4 =	sadd.s32 s19, s2  }
0x9b: {  	[timem:s6], [sflag:s20] =	dma.local [hbm:s4], s18  }
0x9c: {  	_ =	swait.ge [sflag:s20], s18  }
0x9d: {  	s3 =	ssub.s32 $0x0, s18;
	[sflag:s20] =	ssyncset.done $0x0  }
0x9e: {  	[sflag:s20] =	ssyncadd.s32 s3;
	_ =	sdelay $0x1  }
0x9f: {  	s21 =	simm.s32 $0x1B8B  }
0xa0: {  	_ =	swait.ge [sflag:s21], $0x1  }
0xa1: {  	[sflag:s21] =	ssyncset.done $0x0  }
0xa2: {  	s23 =	simm.s32 $0x1B8E;
	s22 =	sld [smem:$0x3FFE];
	[sflag:s21] =	ssyncadd.s32 $0xFFFFFFFF  }
0xa3: {  	s24 =	simm.s32 $execute0_lowered;
	[smem:$0x3FD2] =	sst s23  }
0xa4: {  	s4 =	sshll.u32 s24, $0x1;
	_ =	strace $0x80000046;
	[dreg:$0x1] =	wrdreg $0xFFFFFFFF  }
0xa5: {  	s25 =	simm.s32 $_size_execute0_lowered;
	s2 =	sadd.s32 s2, s4;
	[dreg:$0x0] =	wrdreg $0x0  }
0xa6: {  	s4 =	sshll.u32 s25, $0x1;
	[dreg:$0x2] =	wrdreg s2  }
0xa7: {  	[dreg:$0x3] =	wrdreg s4  }
0xa8: {  	[dreg:$0x4] =	wrdreg $0xC0  }
0xa9: {  	_ =	task [dreg:s6], $0x5FFFF  }
0xaa: {  	[dreg:$0x1] =	wrdreg $0xFFFFFFFF  }
0xab: {  	[dreg:$0x0] =	wrdreg $0x60  }
0xac: {  	[dreg:$0x2] =	wrdreg s0  }
0xad: {  	[dreg:$0x3] =	wrdreg s22  }
0xae: {  	[dreg:$0x4] =	wrdreg s16  }
0xaf: {  	[dreg:$0x5] =	wrdreg $0x9  }
0xb0: {  	_ =	task.clear_ibuf [dreg:s6], $0x6FFFF;
	_ =	strace $0x90000046  }
0xb1: {  	s26 =	simm.s32 $0x9;
	_ =	strace $0x80000048  }
0xb2: {  	_ =	swait.ge [sflag:s26], $0x1  }
0xb3: {  	[sflag:s26] =	ssyncadd.s32 $0xFFFFFFFF  }
0xb4: {  	_ =	strace $0x90000048  }
0xb5: {  	_ =	sfence  }
0xb6: {  	s28 =	sld [smem:$0x0];
	_ =	sdelay $0x1  }
0xb7: {  	s29 =	srdreg.scid  }
0xb8: {  	s30 =	sshll.u32 s29, $0xD;
	s31 =	sshrl.u32 s29, $0x2  }
0xb9: {  	s1 =	sand.u32 $0x1, s29;
	s2 =	sand.u32 $0x4000, s30;
	s0 =	sadd.s32 s31, s28  }
0xba: {  	s1 =	sor.u32 s2, s1;
	s0 =	sshll.u32 s0, $0x11  }
0xbb: {  	s0 =	sor.u32 s0, s1  }
0xbc: {  	s0 =	sadd.s32 $0x8F2B, s0  }
0xbd: {  	[sflag:s0] =	ssyncadd.remote.s32 $0x1  }
0xbe: {  	_ =	sfence.sel $0xFFFF  }
0xbf: {  	[dreg:$0x0] =	wrdreg $0xFFFFFFFF;
	(pc) =	sbr.abs _section_cstart, $3  }
0xc0: {  	[dreg:$0x1] =	wrdreg $0xFFFFFFFF  }
0xc1: {  	_ =	task.clear_ibuf [dreg:s6], $0x2FFFF;
	_ =	strace $0x9FFFFFFF  }
0xc2: {  	(tm) =	ssettm $0x7FFFFFFF  }
0xc3: {  	_ =	shalt  }
tec
execute0_lowered:
.L_overlay_start_1:
0x0: {  	(tag) =	ssettag $0x1  }
0x1: {  	s4 =	stileid.u32  }
0x2: {  	p1 =	slt.u32 s4, $0x8  }
.Ltmp0:
0x3: {  	s6 =	rddreg [dreg:$0x0];
	(pc) =	sbr.rel @!p1 .LBB2_1-.Ltmp0, $4  }
0x4: {  	s3 =	rddreg [dreg:$0x1]  }
0x5: {  	s1 =	rddreg [dreg:$0x2];
	s2 =	simm.s32 $0x0  }
0x6: {  	[smem:$0x7FF] =	sst s2  }
0x7: {  	s0 =	rddreg [dreg:$0x3];
	p0 =	sne.s32 s4, $0x0;
	_ =	strace $0x80000047  }
0x8: {  	s5 =	sadd.s32 $0x200, s3  }
0x9: {  	s26 =	simm.s32 $0x2;
	s5 =	sadd.s32 s5, s4  }
0xa: {  	[tilespmem:s2], [sflag:$0x2] =	stream.linear.gather [hbm4b:s5+s2], $0x8, $0x38;
	[tilespmem:$0xE00] =	vst v63  }
0xb: {  	_ =	swait.ge [sflag:s26], $0x8  }
0xc: {  	s7 =	sadd.s32 $0x400, s3;
	[sflag:s26] =	ssyncset.done $0x0  }
0xd: {  	s8 =	simm.s32 $0x80;
	s7 =	sadd.s32 s7, s4;
	[sflag:s26] =	ssyncadd.s32 $0xFFFFFFF8  }
0xe: {  	[tilespmem:s8], [sflag:$0x2] =	stream.linear.gather [hbm4b:s7+s2], $0x8, $0x38;
	[tilespmem:$0xE00] =	vst v63  }
0xf: {  	_ =	swait.ge [sflag:s26], $0x8  }
0x10: {  	[sflag:s26] =	ssyncset.done $0x0  }
0x11: {  	[sflag:s26] =	ssyncadd.s32 $0xFFFFFFF8  }
0x12: {  	v0 =	vld.msk [tilespmem:$0x0], $0xff;
	_ =	sdelay $0x4  }
0x13: {  	v1 =	vshll.u32 v0, $0x1  }
0x14: {  	v60 =	vlaneseq.u32;
	v0 =	vand.u32 $0x7, v0;
	v1 =	vand.u32 $0xFFFFFFF0, v1  }
0x15: {  	v45 =	vand.u32 $0x7, v60;
	v2 =	vshrl.u32 v60, $0x3;
	v0 =	vor.u32 v0, v1  }
0x16: {  	v46 =	vmul.u32 $0x8, v2;
	v0 =	vperm.xlane v0, v45;
	_ =	sdelay $0x1  }
0x17: {  	v0 =	vadd.s32 v46, v0;
	_ =	sdelay $0x3  }
0x18: {  	vm0 =	vmmov $0xffff;
	s28 =	simm.s32 $0x100;
	s29 =	simm.s32 $0x1  }
0x19: {  	[tilespmem:s28], [sflag:$0x1] =	stream.indirect_vreg.gather [hbm4b:s6+s2], $0x80, v0, vm0, $0xb8;
	[tilespmem:$0xE00] =	vst v63  }
0x1a: {  	_ =	swait.ge [sflag:s29], $0x800  }
0x1b: {  	[sflag:s29] =	ssyncset.done $0x0  }
0x1c: {  	[sflag:s29] =	ssyncadd.s32 $0xFFFFF800  }
0x1d: {  	v17 =	vld [tilespmem:$0x100]  }
0x1e: {  	v10 =	vld [tilespmem:$0x110]  }
0x1f: {  	v20 =	vld [tilespmem:$0x120]  }
0x20: {  	v11 =	vld [tilespmem:$0x130]  }
0x21: {  	v15 =	vld [tilespmem:$0x140]  }
0x22: {  	v9 =	vld [tilespmem:$0x150]  }
0x23: {  	v8 =	vld [tilespmem:$0x160];
	v47 =	vmax.f32 v17, v10  }
0x24: {  	v32 =	vld [tilespmem:$0x170];
	v0 =	vmax.f32 v47, v20  }
0x25: {  	v31 =	vld [tilespmem:$0x500];
	v0 =	vmax.f32 v0, v11  }
0x26: {  	v18 =	vld [tilespmem:$0x510];
	v0 =	vmax.f32 v0, v15  }
0x27: {  	v19 =	vld [tilespmem:$0x520];
	v0 =	vmax.f32 v0, v9  }
0x28: {  	v48 =	vimm.s32 $0xFEDCBA98;
	v30 =	vld [tilespmem:$0x530];
	v0 =	vmax.f32 v0, v8  }
0x29: {  	v49 =	vimm.s32 $0x76543210;
	v1 =	vunpack.c.l.s4.s8 v48;
	v27 =	vld [tilespmem:$0x540];
	v0 =	vmax.f32 v0, v32  }
0x2a: {  	v3 =	vimm.s32 $0xBA98FEDC;
	v2 =	vunpack.c.l.s4.s8 v49;
	v26 =	vld [tilespmem:$0x550];
	v0 =	vmax.f32 v0, v31  }
0x2b: {  	v51 =	vimm.s32 $0x32107654;
	v1 =	vunpack.c.0.s8.s32 v1;
	v29 =	vld [tilespmem:$0x560];
	v0 =	vmax.f32 v0, v18  }
0x2c: {  	v4 =	vimm.s32 $0xDCFE98BA;
	v2 =	vunpack.c.0.s8.s32 v2;
	v6 =	vld [tilespmem:$0x570];
	v0 =	vmax.f32 v0, v19  }
0x2d: {  	v50 =	vunpack.c.l.s4.s8 v3;
	v1 =	vand.u32 $0xF, v1;
	v0 =	vmax.f32 v0, v30  }
0x2e: {  	v59 =	vcombine.low v1, v2;
	v2 =	vunpack.c.l.s4.s8 v51;
	v0 =	vmax.f32 v0, v27  }
0x2f: {  	v5 =	vimm.s32 $0x54761032;
	v55 =	vimm.s32 $0xEFCDAB89;
	v0 =	vmax.f32 v0, v26  }
0x30: {  	v1 =	vunpack.c.0.s8.s32 v50;
	v2 =	vunpack.c.0.s8.s32 v2;
	v0 =	vmax.f32 v0, v29  }
0x31: {  	v4 =	vunpack.c.l.s4.s8 v4;
	v5 =	vunpack.c.l.s4.s8 v5;
	v0 =	vmax.f32 v0, v6  }
0x32: {  	v7 =	vimm.s32 $0x67452301;
	v1 =	vcombine.low v2, v1;
	v52 =	vperm.xlane v0, v59  }
0x33: {  	v56 =	vunpack.c.l.s4.s8 v55;
	v53 =	vunpack.c.0.s8.s32 v4;
	v54 =	vunpack.c.0.s8.s32 v5  }
0x34: {  	v57 =	vunpack.c.l.s4.s8 v7;
	v49 =	vand.u32 $0xF, v1;
	v0 =	vmax.f32 v0, v52  }
0x35: {  	v2 =	vcombine.low v54, v53;
	v58 =	vperm.xlane v0, v49  }
0x36: {  	v61 =	vunpack.c.0.s8.s32 v57;
	v1 =	vunpack.c.0.s8.s32 v56  }
0x37: {  	v52 =	vand.u32 $0xF, v2;
	v0 =	vmax.f32 v0, v58  }
0x38: {  	v1 =	vcombine.low v61, v1;
	v62 =	vperm.xlane v0, v52;
	_ =	sdelay $0x1  }
0x39: {  	v58 =	vand.u32 $0xF, v1;
	v0 =	vmax.f32 v0, v62  }
0x3a: {  	v1 =	vperm.xlane v0, v58;
	_ =	sdelay $0x1  }
0x3b: {  	v36 =	vmax.f32 v0, v1  }
0x3c: {  	v0 =	vsub.f32 v17, v36;
	_ =	sdelay $0x1  }
0x3d: {  	v1 =	vsub.f32 v10, v36;
	v0 =	vmul.f32 $1.442695020e+00, v0;
	_ =	sdelay $0x1  }
0x3e: {  	v63 =	vmul.f32 $1.442695020e+00, v1;
	(erf) = vpow2.f32 v0  }
0x3f: {  	v4 =	vsub.f32 v20, v36  }
0x40: {  	(erf) = vpow2.f32 v63  }
0x41: {  	v7 =	vsub.f32 v11, v36;
	v5 =	vmul.f32 $1.442695020e+00, v4;
	_ =	sdelay $0x1  }
0x42: {  	v13 =	vsub.f32 v15, v36;
	v12 =	vmul.f32 $1.442695020e+00, v7;
	(erf) = vpow2.f32 v5;
	_ =	sdelay $0x1  }
0x43: {  	v16 =	vsub.f32 v9, v36;
	v14 =	vmul.f32 $1.442695020e+00, v13;
	(erf) = vpow2.f32 v12;
	_ =	sdelay $0x1  }
0x44: {  	v23 =	vsub.f32 v8, v36;
	v22 =	vmul.f32 $1.442695020e+00, v16;
	v21 =	vpop (erf);
	(erf) = vpow2.f32 v14  }
0x45: {  	v28 =	vsub.f32 v32, v36  }
0x46: {  	v25 =	vmul.f32 $1.442695020e+00, v23;
	v7 =	vadd.f32 $0.0e+00, v21;
	v24 =	vpop (erf);
	(erf) = vpow2.f32 v22  }
0x47: {  	v34 =	vsub.f32 v31, v36;
	v33 =	vmul.f32 $1.442695020e+00, v28  }
0x48: {  	(erf) = vpow2.f32 v25;
	v7 =	vadd.f32 v7, v24  }
0x49: {  	v37 =	vmul.f32 $1.442695020e+00, v34;
	v35 =	vpop (erf);
	(erf) = vpow2.f32 v33  }
0x4a: {  	v39 =	vsub.f32 v18, v36;
	v7 =	vadd.f32 v7, v35  }
0x4b: {  	v38 =	vpop (erf);
	(erf) = vpow2.f32 v37  }
0x4c: {  	v42 =	vsub.f32 v19, v36;
	v41 =	vmul.f32 $1.442695020e+00, v39;
	v1 =	vadd.f32 v7, v38  }
0x4d: {  	v45 =	vsub.f32 v30, v36;
	v40 =	vpop (erf)  }
0x4e: {  	v44 =	vmul.f32 $1.442695020e+00, v42;
	(erf) = vpow2.f32 v41;
	v0 =	vadd.f32 v1, v40  }
0x4f: {  	v48 =	vsub.f32 v27, v36;
	v43 =	vpop (erf)  }
0x50: {  	v47 =	vmul.f32 $1.442695020e+00, v45;
	(erf) = vpow2.f32 v44;
	v0 =	vadd.f32 v0, v43  }
0x51: {  	v53 =	vsub.f32 v26, v36;
	v46 =	vpop (erf)  }
0x52: {  	v51 =	vmul.f32 $1.442695020e+00, v48;
	v50 =	vpop (erf);
	(erf) = vpow2.f32 v47;
	v0 =	vadd.f32 v0, v46  }
0x53: {  	v56 =	vsub.f32 v29, v36  }
0x54: {  	v55 =	vmul.f32 $1.442695020e+00, v53;
	v54 =	vpop (erf);
	(erf) = vpow2.f32 v51;
	v0 =	vadd.f32 v0, v50  }
0x55: {  	v61 =	vsub.f32 v6, v36  }
0x56: {  	v57 =	vmul.f32 $1.442695020e+00, v56;
	(erf) = vpow2.f32 v55;
	v0 =	vadd.f32 v0, v54  }
0x57: {  	v62 =	vpop (erf)  }
0x58: {  	v63 =	vmul.f32 $1.442695020e+00, v61;
	(erf) = vpow2.f32 v57;
	v0 =	vadd.f32 v0, v62  }
0x59: {  	v3 =	vpop (erf)  }
0x5a: {  	(erf) = vpow2.f32 v63;
	v0 =	vadd.f32 v0, v3  }
0x5b: {  	v7 =	vpop (erf)  }
0x5c: {  	v0 =	vadd.f32 v0, v7  }
0x5d: {  	[tilespmem:$0x1F9B0] =	vst v8;
	v8 =	vpop (erf)  }
0x5e: {  	v0 =	vadd.f32 v0, v8  }
0x5f: {  	[tilespmem:$0x1F9A0] =	vst v9;
	v9 =	vpop (erf)  }
0x60: {  	v0 =	vadd.f32 v0, v9  }
0x61: {  	v12 =	vpop (erf)  }
0x62: {  	v0 =	vadd.f32 v0, v12  }
0x63: {  	v13 =	vpop (erf)  }
0x64: {  	v0 =	vadd.f32 v0, v13;
	_ =	sdelay $0x1  }
0x65: {  	v1 =	vperm.xlane v0, v59;
	_ =	sdelay $0x1  }
0x66: {  	v0 =	vadd.f32 v0, v1;
	_ =	sdelay $0x1  }
0x67: {  	v1 =	vperm.xlane v0, v49;
	_ =	sdelay $0x1  }
0x68: {  	v0 =	vadd.f32 v0, v1;
	_ =	sdelay $0x1  }
0x69: {  	v1 =	vperm.xlane v0, v52;
	_ =	sdelay $0x1  }
0x6a: {  	v0 =	vadd.f32 v0, v1;
	_ =	sdelay $0x1  }
0x6b: {  	v1 =	vperm.xlane v0, v58;
	_ =	sdelay $0x1  }
0x6c: {  	v38 =	vadd.f32 v0, v1;
	_ =	sdelay $0x1  }
0x6d: {  	v0 =	vshrl.u32 v38, $0x17;
	v1 =	vand.u32 $0x7FFFFF, v38  }
0x6e: {  	v0 =	vand.u32 $0xFF, v0;
	v1 =	vcvt.s32.f32 v1  }
0x6f: {  	v0 =	vadd.s32 $0xFFFFFF81, v0  }
0x70: {  	v1 =	vmul.f32 $1.192092900e-07, v1;
	v0 =	vcvt.s32.f32 v0;
	_ =	sdelay $0x1  }
0x71: {  	v0 =	vadd.f32 v0, v1;
	_ =	sdelay $0x1  }
0x72: {  	v0 =	vmul.f32 $6.931471820e-01, v0;
	_ =	sdelay $0x1  }
0x73: {  	v14 =	vsub.f32 $0.0e+00, v0;
	_ =	sdelay $0x1  }
0x74: {  	v1 =	vmul.f32 $1.442695020e+00, v14;
	_ =	sdelay $0x1  }
0x75: {  	(erf) = vpow2.f32 v1;
	_ =	sdelay $0x3  }
0x76: {  	v22 =	vld [tilespmem:$0x190]  }
0x77: {  	v24 =	vld [tilespmem:$0x180]  }
0x78: {  	v16 =	vld [tilespmem:$0x1A0]  }
0x79: {  	v25 =	vld [tilespmem:$0x1B0]  }
0x7a: {  	v28 =	vld [tilespmem:$0x1C0]  }
0x7b: {  	v55 =	vld [tilespmem:$0x1D0];
	v1 =	vpop (erf)  }
0x7c: {  	v23 =	vld [tilespmem:$0x1E0];
	v47 =	vmax.f32 v24, v22;
	v1 =	vmul.f32 v1, v38  }
0x7d: {  	v5 =	vld [tilespmem:$0x1F0];
	v7 =	vmax.f32 v47, v16  }
0x7e: {  	v51 =	vld [tilespmem:$0x580];
	v48 =	vmax.f32 v7, v25;
	v0 =	vadd.f32 v1, v0  }
0x7f: {  	v45 =	vld [tilespmem:$0x590];
	v1 =	vmax.f32 v48, v28  }
0x80: {  	v41 =	vld [tilespmem:$0x5A0];
	v1 =	vmax.f32 v1, v55;
	v0 =	vadd.f32 $-1.000000000e+00, v0  }
0x81: {  	v39 =	vld [tilespmem:$0x5B0];
	v1 =	vmax.f32 v1, v23  }
0x82: {  	v13 =	vld [tilespmem:$0x5C0];
	v1 =	vmax.f32 v1, v5;
	v53 =	vsub.f32 $0.0e+00, v0  }
0x83: {  	v33 =	vld [tilespmem:$0x5D0];
	v1 =	vmax.f32 v1, v51  }
0x84: {  	v35 =	vld [tilespmem:$0x5E0];
	v1 =	vmax.f32 v1, v45;
	v7 =	vmul.f32 $1.442695020e+00, v53  }
0x85: {  	v2 =	vld [tilespmem:$0x5F0];
	v1 =	vmax.f32 v1, v41  }
0x86: {  	v1 =	vmax.f32 v1, v39;
	(erf) = vpow2.f32 v7  }
0x87: {  	v1 =	vmax.f32 v1, v13  }
0x88: {  	v1 =	vmax.f32 v1, v33  }
0x89: {  	v1 =	vmax.f32 v1, v35  }
0x8a: {  	v1 =	vmax.f32 v1, v2  }
0x8b: {  	v56 =	vperm.xlane v1, v59;
	_ =	sdelay $0x1  }
0x8c: {  	v1 =	vmax.f32 v1, v56  }
0x8d: {  	v7 =	vperm.xlane v1, v49  }
0x8e: {  	v57 =	vpop (erf)  }
0x8f: {  	v1 =	vmax.f32 v1, v7;
	v8 =	vmul.f32 v57, v38  }
0x90: {  	v7 =	vperm.xlane v1, v52  }
0x91: {  	v0 =	vadd.f32 v8, v0  }
0x92: {  	v1 =	vmax.f32 v1, v7  }
0x93: {  	v62 =	vperm.xlane v1, v58;
	v61 =	vadd.f32 $-1.000000000e+00, v0;
	_ =	sdelay $0x1  }
0x94: {  	v34 =	vmax.f32 v1, v62;
	v63 =	vsub.f32 $0.0e+00, v61  }
0x95: {  	v0 =	vsub.f32 v24, v34  }
0x96: {  	v4 =	vmul.f32 $1.442695020e+00, v63  }
0x97: {  	v14 =	vsub.f32 v22, v34;
	v0 =	vmul.f32 $1.442695020e+00, v0  }
0x98: {  	v12 =	vmov v16;
	(erf) = vpow2.f32 v4  }
0x99: {  	[tilespmem:$0x1F9F0] =	vst v16;
	v21 =	vsub.f32 v12, v34;
	v16 =	vmul.f32 $1.442695020e+00, v14;
	(erf) = vpow2.f32 v0  }
0x9a: {  	[tilespmem:$0x1F9E0] =	vst v22;
	v50 =	vmov v25  }
0x9b: {  	[tilespmem:$0x1F9D0] =	vst v24;
	v24 =	vsub.f32 v50, v34;
	v22 =	vmul.f32 $1.442695020e+00, v21;
	(erf) = vpow2.f32 v16  }
0x9c: {  	[tilespmem:$0x1FA10] =	vst v28  }
0x9d: {  	[tilespmem:$0x1FA00] =	vst v25;
	v28 =	vsub.f32 v28, v34;
	v25 =	vmul.f32 $1.442695020e+00, v24;
	(erf) = vpow2.f32 v22;
	_ =	sdelay $0x1  }
0x9e: {  	v40 =	vsub.f32 v55, v34;
	v37 =	vmul.f32 $1.442695020e+00, v28;
	(erf) = vpow2.f32 v25;
	_ =	sdelay $0x1  }
0x9f: {  	v46 =	vsub.f32 v23, v34;
	v44 =	vmul.f32 $1.442695020e+00, v40;
	v42 =	vpop (erf);
	(erf) = vpow2.f32 v37  }
0xa0: {  	v50 =	vsub.f32 v5, v34;
	v43 =	vpop (erf)  }
0xa1: {  	v54 =	vmovc v51;
	v48 =	vmul.f32 $1.442695020e+00, v46;
	(erf) = vpow2.f32 v44;
	v8 =	vadd.f32 $0.0e+00, v43  }
0xa2: {  	v53 =	vsub.f32 v54, v34;
	v47 =	vpop (erf)  }
0xa3: {  	[tilespmem:$0x1FA40] =	vst v51;
	v51 =	vmul.f32 $1.442695020e+00, v50;
	(erf) = vpow2.f32 v48;
	v8 =	vadd.f32 v8, v47  }
0xa4: {  	[tilespmem:$0x1FB80] =	vst v61;
	v61 =	vsub.f32 v45, v34;
	v54 =	vpop (erf)  }
0xa5: {  	v56 =	vmul.f32 $1.442695020e+00, v53;
	(erf) = vpow2.f32 v51;
	v8 =	vadd.f32 v8, v54  }
0xa6: {  	v63 =	vmul.f32 $1.442695020e+00, v61;
	v57 =	vpop (erf)  }
0xa7: {  	v4 =	vsub.f32 v41, v34;
	(erf) = vpow2.f32 v56;
	v1 =	vadd.f32 v8, v57  }
0xa8: {  	v14 =	vsub.f32 v39, v34;
	v62 =	vpop (erf)  }
0xa9: {  	v12 =	vmul.f32 $1.442695020e+00, v4;
	(erf) = vpow2.f32 v63;
	v0 =	vadd.f32 v1, v62  }
0xaa: {  	[tilespmem:$0x1FA30] =	vst v5;
	v21 =	vmul.f32 $1.442695020e+00, v14;
	v5 =	vpop (erf)  }
0xab: {  	v22 =	vsub.f32 v13, v34;
	(erf) = vpow2.f32 v12;
	v0 =	vadd.f32 v0, v5  }
0xac: {  	v25 =	vsub.f32 v33, v34;
	v16 =	vpop (erf)  }
0xad: {  	v24 =	vmul.f32 $1.442695020e+00, v22;
	(erf) = vpow2.f32 v21;
	v0 =	vadd.f32 v0, v16  }
0xae: {  	[tilespmem:$0x1FA20] =	vst v23;
	v40 =	vsub.f32 v35, v34;
	v23 =	vpop (erf)  }
0xaf: {  	v37 =	vmul.f32 $1.442695020e+00, v25;
	(erf) = vpow2.f32 v24;
	v0 =	vadd.f32 v0, v23  }
0xb0: {  	[tilespmem:$0x1FB60] =	vst v42;
	v42 =	vmul.f32 $1.442695020e+00, v40;
	v28 =	vpop (erf)  }
0xb1: {  	v43 =	vsub.f32 v2, v34;
	(erf) = vpow2.f32 v37;
	v0 =	vadd.f32 v0, v28  }
0xb2: {  	v44 =	vpop (erf)  }
0xb3: {  	v46 =	vmul.f32 $1.442695020e+00, v43;
	(erf) = vpow2.f32 v42;
	v0 =	vadd.f32 v0, v44  }
0xb4: {  	v47 =	vpop (erf)  }
0xb5: {  	(erf) = vpow2.f32 v46;
	v0 =	vadd.f32 v0, v47  }
0xb6: {  	v48 =	vpop (erf)  }
0xb7: {  	v0 =	vadd.f32 v0, v48  }
0xb8: {  	v50 =	vpop (erf)  }
0xb9: {  	v0 =	vadd.f32 v0, v50  }
0xba: {  	v51 =	vpop (erf)  }
0xbb: {  	v0 =	vadd.f32 v0, v51  }
0xbc: {  	v53 =	vpop (erf)  }
0xbd: {  	v0 =	vadd.f32 v0, v53  }
0xbe: {  	v54 =	vpop (erf)  }
0xbf: {  	v0 =	vadd.f32 v0, v54;
	_ =	sdelay $0x1  }
0xc0: {  	v1 =	vperm.xlane v0, v59;
	_ =	sdelay $0x1  }
0xc1: {  	v0 =	vadd.f32 v0, v1;
	_ =	sdelay $0x1  }
0xc2: {  	v1 =	vperm.xlane v0, v49;
	_ =	sdelay $0x1  }
0xc3: {  	v0 =	vadd.f32 v0, v1;
	_ =	sdelay $0x1  }
0xc4: {  	v1 =	vperm.xlane v0, v52;
	_ =	sdelay $0x1  }
0xc5: {  	v0 =	vadd.f32 v0, v1;
	_ =	sdelay $0x1  }
0xc6: {  	v1 =	vperm.xlane v0, v58;
	_ =	sdelay $0x1  }
0xc7: {  	v37 =	vadd.f32 v0, v1;
	_ =	sdelay $0x1  }
0xc8: {  	v0 =	vshrl.u32 v37, $0x17;
	v1 =	vand.u32 $0x7FFFFF, v37  }
0xc9: {  	v0 =	vand.u32 $0xFF, v0;
	v1 =	vcvt.s32.f32 v1  }
0xca: {  	v0 =	vadd.s32 $0xFFFFFF81, v0  }
0xcb: {  	v1 =	vmul.f32 $1.192092900e-07, v1;
	v0 =	vcvt.s32.f32 v0;
	_ =	sdelay $0x1  }
0xcc: {  	v0 =	vadd.f32 v0, v1;
	_ =	sdelay $0x1  }
0xcd: {  	v0 =	vmul.f32 $6.931471820e-01, v0;
	_ =	sdelay $0x1  }
0xce: {  	v56 =	vsub.f32 $0.0e+00, v0;
	_ =	sdelay $0x1  }
0xcf: {  	v1 =	vmul.f32 $1.442695020e+00, v56;
	_ =	sdelay $0x1  }
0xd0: {  	(erf) = vpow2.f32 v1;
	_ =	sdelay $0x3  }
0xd1: {  	v54 =	vld [tilespmem:$0x210]  }
0xd2: {  	v56 =	vld [tilespmem:$0x200]  }
0xd3: {  	v53 =	vld [tilespmem:$0x220]  }
0xd4: {  	v48 =	vld [tilespmem:$0x230]  }
0xd5: {  	v47 =	vld [tilespmem:$0x240]  }
0xd6: {  	v46 =	vld [tilespmem:$0x250];
	v1 =	vpop (erf)  }
0xd7: {  	v44 =	vld [tilespmem:$0x260];
	v57 =	vmax.f32 v56, v54;
	v1 =	vmul.f32 v1, v37  }
0xd8: {  	v43 =	vld [tilespmem:$0x270];
	v8 =	vmax.f32 v57, v53  }
0xd9: {  	v42 =	vld [tilespmem:$0x600];
	v61 =	vmax.f32 v8, v48;
	v0 =	vadd.f32 v1, v0  }
0xda: {  	v40 =	vld [tilespmem:$0x610];
	v1 =	vmax.f32 v61, v47  }
0xdb: {  	v25 =	vld [tilespmem:$0x620];
	v1 =	vmax.f32 v1, v46;
	v0 =	vadd.f32 $-1.000000000e+00, v0  }
0xdc: {  	v24 =	vld [tilespmem:$0x630];
	v1 =	vmax.f32 v1, v44  }
0xdd: {  	v63 =	vld [tilespmem:$0x640];
	v1 =	vmax.f32 v1, v43;
	v62 =	vsub.f32 $0.0e+00, v0  }
0xde: {  	v16 =	vld [tilespmem:$0x650];
	v1 =	vmax.f32 v1, v42  }
0xdf: {  	v4 =	vld [tilespmem:$0x660];
	v1 =	vmax.f32 v1, v40;
	v8 =	vmul.f32 $1.442695020e+00, v62  }
0xe0: {  	v3 =	vld [tilespmem:$0x670];
	v1 =	vmax.f32 v1, v25  }
0xe1: {  	v1 =	vmax.f32 v1, v24;
	(erf) = vpow2.f32 v8  }
0xe2: {  	v1 =	vmax.f32 v1, v63  }
0xe3: {  	v1 =	vmax.f32 v1, v16  }
0xe4: {  	[tilespmem:$0x1F9C0] =	vst v6;
	v1 =	vmax.f32 v1, v4  }
0xe5: {  	[tilespmem:$0x1FAE0] =	vst v2;
	v1 =	vmax.f32 v1, v3  }
0xe6: {  	[tilespmem:$0x1FB70] =	vst v3;
	v28 =	vperm.xlane v1, v59  }
0xe7: {  	[tilespmem:$0x1FA90] =	vst v13  }
0xe8: {  	[tilespmem:$0x1FB50] =	vst v4;
	v1 =	vmax.f32 v1, v28  }
0xe9: {  	[tilespmem:$0x1FB10] =	vst v25;
	v8 =	vperm.xlane v1, v49  }
0xea: {  	[tilespmem:$0x1FB00] =	vst v40;
	v50 =	vpop (erf)  }
0xeb: {  	[tilespmem:$0x1FAD0] =	vst v43;
	v1 =	vmax.f32 v1, v8;
	v9 =	vmul.f32 v50, v37  }
0xec: {  	[tilespmem:$0x1FB30] =	vst v63;
	v8 =	vperm.xlane v1, v52  }
0xed: {  	[tilespmem:$0x1FB20] =	vst v24;
	v0 =	vadd.f32 v9, v0  }
0xee: {  	[tilespmem:$0x1FB40] =	vst v16;
	v1 =	vmax.f32 v1, v8  }
0xef: {  	[tilespmem:$0x1FAF0] =	vst v42;
	v57 =	vperm.xlane v1, v58;
	v51 =	vadd.f32 $-1.000000000e+00, v0  }
0xf0: {  	[tilespmem:$0x1FAB0] =	vst v46  }
0xf1: {  	[tilespmem:$0x1FAC0] =	vst v44;
	v28 =	vmax.f32 v1, v57;
	v8 =	vsub.f32 $0.0e+00, v51  }
0xf2: {  	[tilespmem:$0x1FAA0] =	vst v47;
	v0 =	vsub.f32 v56, v28  }
0xf3: {  	[tilespmem:$0x1FA80] =	vst v48;
	v61 =	vmul.f32 $1.442695020e+00, v8  }
0xf4: {  	[tilespmem:$0x1FA70] =	vst v53;
	v62 =	vsub.f32 v54, v28;
	v0 =	vmul.f32 $1.442695020e+00, v0  }
0xf5: {  	[tilespmem:$0x1FA60] =	vst v54;
	(erf) = vpow2.f32 v61  }
0xf6: {  	v22 =	vmovc v63;
	[tilespmem:$0x1FA50] =	vst v56;
	v5 =	vsub.f32 v53, v28;
	v63 =	vmul.f32 $1.442695020e+00, v62;
	(erf) = vpow2.f32 v0  }
0xf7: {  	[tilespmem:$0x1FBA0] =	vst v51  }
0xf8: {  	v7 =	vsub.f32 v48, v28;
	v6 =	vmul.f32 $1.442695020e+00, v5;
	(erf) = vpow2.f32 v63;
	_ =	sdelay $0x1  }
0xf9: {  	v9 =	vsub.f32 v47, v28;
	v8 =	vmul.f32 $1.442695020e+00, v7;
	(erf) = vpow2.f32 v6;
	_ =	sdelay $0x1  }
0xfa: {  	v14 =	vsub.f32 v46, v28;
	v13 =	vmul.f32 $1.442695020e+00, v9;
	(erf) = vpow2.f32 v8  }
0xfb: {  	v12 =	vmov v16  }
0xfc: {  	v23 =	vsub.f32 v44, v28;
	v1 =	vmul.f32 $1.442695020e+00, v14;
	v16 =	vpop (erf);
	(erf) = vpow2.f32 v13  }
0xfd: {  	v47 =	vsub.f32 v43, v28;
	v21 =	vpop (erf)  }
0xfe: {  	v44 =	vmul.f32 $1.442695020e+00, v23;
	(erf) = vpow2.f32 v1;
	v0 =	vadd.f32 $0.0e+00, v21  }
0xff: {  	v50 =	vsub.f32 v42, v28;
	v46 =	vpop (erf)  }
0x100: {  	v48 =	vmul.f32 $1.442695020e+00, v47;
	(erf) = vpow2.f32 v44;
	v0 =	vadd.f32 v0, v46  }
0x101: {  	v56 =	vsub.f32 v40, v28;
	v51 =	vpop (erf)  }
0x102: {  	v53 =	vmul.f32 $1.442695020e+00, v50;
	(erf) = vpow2.f32 v48;
	v0 =	vadd.f32 v0, v51  }
0x103: {  	v57 =	vmul.f32 $1.442695020e+00, v56;
	v54 =	vpop (erf)  }
0x104: {  	v62 =	vsub.f32 v25, v28;
	(erf) = vpow2.f32 v53;
	v0 =	vadd.f32 v0, v54  }
0x105: {  	v13 =	vsub.f32 v24, v28;
	v61 =	vpop (erf)  }
0x106: {  	v63 =	vmul.f32 $1.442695020e+00, v62;
	(erf) = vpow2.f32 v57;
	v0 =	vadd.f32 v0, v61  }
0x107: {  	v14 =	vmul.f32 $1.442695020e+00, v13;
	v5 =	vpop (erf)  }
0x108: {  	v21 =	vsub.f32 v22, v28;
	(erf) = vpow2.f32 v63;
	v0 =	vadd.f32 v0, v5  }
0x109: {  	v24 =	vsub.f32 v12, v28;
	[tilespmem:$0x1FB90] =	vst v16;
	v16 =	vpop (erf)  }
0x10a: {  	v22 =	vmul.f32 $1.442695020e+00, v21;
	(erf) = vpow2.f32 v14;
	v0 =	vadd.f32 v0, v16  }
0x10b: {  	v42 =	vsub.f32 v4, v28;
	v23 =	vpop (erf)  }
0x10c: {  	v25 =	vmul.f32 $1.442695020e+00, v24;
	(erf) = vpow2.f32 v22;
	v0 =	vadd.f32 v0, v23  }
0x10d: {  	v43 =	vmul.f32 $1.442695020e+00, v42;
	v40 =	vpop (erf)  }
0x10e: {  	v44 =	vsub.f32 v3, v28;
	(erf) = vpow2.f32 v25;
	v0 =	vadd.f32 v0, v40  }
0x10f: {  	v46 =	vpop (erf)  }
0x110: {  	v47 =	vmul.f32 $1.442695020e+00, v44;
	(erf) = vpow2.f32 v43;
	v0 =	vadd.f32 v0, v46  }
0x111: {  	v48 =	vpop (erf)  }
0x112: {  	(erf) = vpow2.f32 v47;
	v0 =	vadd.f32 v0, v48  }
0x113: {  	v50 =	vpop (erf)  }
0x114: {  	v0 =	vadd.f32 v0, v50  }
0x115: {  	v51 =	vpop (erf)  }
0x116: {  	v0 =	vadd.f32 v0, v51  }
0x117: {  	v53 =	vpop (erf)  }
0x118: {  	v0 =	vadd.f32 v0, v53  }
0x119: {  	v54 =	vpop (erf)  }
0x11a: {  	v0 =	vadd.f32 v0, v54  }
0x11b: {  	v56 =	vpop (erf)  }
0x11c: {  	v0 =	vadd.f32 v0, v56;
	_ =	sdelay $0x1  }
0x11d: {  	v1 =	vperm.xlane v0, v59;
	_ =	sdelay $0x1  }
0x11e: {  	v0 =	vadd.f32 v0, v1;
	_ =	sdelay $0x1  }
0x11f: {  	v1 =	vperm.xlane v0, v49;
	_ =	sdelay $0x1  }
0x120: {  	v0 =	vadd.f32 v0, v1;
	_ =	sdelay $0x1  }
0x121: {  	v1 =	vperm.xlane v0, v52;
	_ =	sdelay $0x1  }
0x122: {  	v0 =	vadd.f32 v0, v1;
	_ =	sdelay $0x1  }
0x123: {  	v1 =	vperm.xlane v0, v58;
	_ =	sdelay $0x1  }
0x124: {  	v53 =	vadd.f32 v0, v1;
	_ =	sdelay $0x1  }
0x125: {  	v0 =	vshrl.u32 v53, $0x17;
	v1 =	vand.u32 $0x7FFFFF, v53  }
0x126: {  	v0 =	vand.u32 $0xFF, v0;
	v1 =	vcvt.s32.f32 v1  }
0x127: {  	v0 =	vadd.s32 $0xFFFFFF81, v0  }
0x128: {  	v1 =	vmul.f32 $1.192092900e-07, v1;
	v0 =	vcvt.s32.f32 v0;
	_ =	sdelay $0x1  }
0x129: {  	v0 =	vadd.f32 v0, v1;
	_ =	sdelay $0x1  }
0x12a: {  	v0 =	vmul.f32 $6.931471820e-01, v0;
	_ =	sdelay $0x1  }
0x12b: {  	v57 =	vsub.f32 $0.0e+00, v0;
	_ =	sdelay $0x1  }
0x12c: {  	v1 =	vmul.f32 $1.442695020e+00, v57;
	_ =	sdelay $0x1  }
0x12d: {  	(erf) = vpow2.f32 v1;
	_ =	sdelay $0x3  }
0x12e: {  	v3 =	vld [tilespmem:$0x280]  }
0x12f: {  	v57 =	vld [tilespmem:$0x290]  }
0x130: {  	v56 =	vld [tilespmem:$0x2A0]  }
0x131: {  	v4 =	vld [tilespmem:$0x2B0]  }
0x132: {  	v54 =	vld [tilespmem:$0x2C0]  }
0x133: {  	v6 =	vld [tilespmem:$0x2D0];
	v1 =	vpop (erf)  }
0x134: {  	v48 =	vld [tilespmem:$0x2E0];
	v61 =	vmax.f32 v3, v57;
	v1 =	vmul.f32 v1, v53  }
0x135: {  	v47 =	vld [tilespmem:$0x2F0];
	v8 =	vmax.f32 v61, v56  }
0x136: {  	v46 =	vld [tilespmem:$0x680];
	v62 =	vmax.f32 v8, v4;
	v0 =	vadd.f32 v1, v0  }
0x137: {  	v44 =	vld [tilespmem:$0x690];
	v1 =	vmax.f32 v62, v54  }
0x138: {  	v43 =	vld [tilespmem:$0x6A0];
	v1 =	vmax.f32 v1, v6;
	v0 =	vadd.f32 $-1.000000000e+00, v0  }
0x139: {  	v42 =	vld [tilespmem:$0x6B0];
	v1 =	vmax.f32 v1, v48  }
0x13a: {  	v40 =	vld [tilespmem:$0x6C0];
	v1 =	vmax.f32 v1, v47;
	v63 =	vsub.f32 $0.0e+00, v0  }
0x13b: {  	v5 =	vld [tilespmem:$0x6D0];
	v1 =	vmax.f32 v1, v46  }
0x13c: {  	v12 =	vld [tilespmem:$0x6E0];
	v1 =	vmax.f32 v1, v44;
	v8 =	vmul.f32 $1.442695020e+00, v63  }
0x13d: {  	v16 =	vld [tilespmem:$0x6F0];
	v1 =	vmax.f32 v1, v43  }
0x13e: {  	v1 =	vmax.f32 v1, v42;
	(erf) = vpow2.f32 v8  }
0x13f: {  	v1 =	vmax.f32 v1, v40  }
0x140: {  	v1 =	vmax.f32 v1, v5  }
0x141: {  	v1 =	vmax.f32 v1, v12  }
0x142: {  	v1 =	vmax.f32 v1, v16  }
0x143: {  	v24 =	vperm.xlane v1, v59;
	_ =	sdelay $0x1  }
0x144: {  	v1 =	vmax.f32 v1, v24  }
0x145: {  	v8 =	vperm.xlane v1, v49  }
0x146: {  	v50 =	vpop (erf)  }
0x147: {  	v1 =	vmax.f32 v1, v8;
	v51 =	vmul.f32 v50, v53  }
0x148: {  	v61 =	vperm.xlane v1, v52  }
0x149: {  	v0 =	vadd.f32 v51, v0  }
0x14a: {  	v1 =	vmax.f32 v1, v61  }
0x14b: {  	v62 =	vperm.xlane v1, v58;
	v8 =	vadd.f32 $-1.000000000e+00, v0;
	_ =	sdelay $0x1  }
0x14c: {  	v21 =	vmax.f32 v1, v62;
	v63 =	vsub.f32 $0.0e+00, v8  }
0x14d: {  	v1 =	vsub.f32 v3, v21  }
0x14e: {  	v0 =	vmul.f32 $1.442695020e+00, v63  }
0x14f: {  	[tilespmem:$0x1FBB0] =	vst v3;
	v3 =	vsub.f32 v57, v21;
	v1 =	vmul.f32 $1.442695020e+00, v1  }
0x150: {  	(erf) = vpow2.f32 v0  }
0x151: {  	v25 =	vmovc v5;
	[tilespmem:$0x1FCC0] =	vst v5;
	v7 =	vsub.f32 v56, v21;
	v5 =	vmul.f32 $1.442695020e+00, v3;
	(erf) = vpow2.f32 v1;
	_ =	sdelay $0x1  }
0x152: {  	[tilespmem:$0x1FC70] =	vst v8;
	v9 =	vsub.f32 v4, v21;
	v8 =	vmul.f32 $1.442695020e+00, v7;
	(erf) = vpow2.f32 v5;
	_ =	sdelay $0x1  }
0x153: {  	v14 =	vsub.f32 v54, v21;
	v13 =	vmul.f32 $1.442695020e+00, v9;
	(erf) = vpow2.f32 v8;
	_ =	sdelay $0x1  }
0x154: {  	v22 =	vmovc v16;
	[tilespmem:$0x1FD10] =	vst v16;
	v23 =	vsub.f32 v6, v21;
	v16 =	vmul.f32 $1.442695020e+00, v14;
	(erf) = vpow2.f32 v13;
	_ =	sdelay $0x1  }
0x155: {  	[tilespmem:$0x1FBF0] =	vst v54;
	v54 =	vsub.f32 v48, v21;
	v50 =	vmul.f32 $1.442695020e+00, v23;
	v24 =	vpop (erf);
	(erf) = vpow2.f32 v16  }
0x156: {  	v61 =	vsub.f32 v47, v21;
	v51 =	vpop (erf)  }
0x157: {  	[tilespmem:$0x1FBD0] =	vst v56;
	v56 =	vmul.f32 $1.442695020e+00, v54;
	(erf) = vpow2.f32 v50;
	v1 =	vadd.f32 $0.0e+00, v51  }
0x158: {  	[tilespmem:$0x1FBC0] =	vst v57;
	v62 =	vmul.f32 $1.442695020e+00, v61;
	v57 =	vpop (erf)  }
0x159: {  	v63 =	vsub.f32 v46, v21;
	(erf) = vpow2.f32 v56;
	v1 =	vadd.f32 v1, v57  }
0x15a: {  	v7 =	vsub.f32 v44, v21;
	v3 =	vpop (erf)  }
0x15b: {  	[tilespmem:$0x1FBE0] =	vst v4;
	v4 =	vmul.f32 $1.442695020e+00, v63;
	(erf) = vpow2.f32 v62;
	v1 =	vadd.f32 v1, v3  }
0x15c: {  	v13 =	vmul.f32 $1.442695020e+00, v7;
	v5 =	vpop (erf)  }
0x15d: {  	[tilespmem:$0x1FC80] =	vst v42;
	v16 =	vsub.f32 v43, v21;
	(erf) = vpow2.f32 v4;
	v1 =	vadd.f32 v1, v5  }
0x15e: {  	[tilespmem:$0x1FC40] =	vst v44;
	v42 =	vsub.f32 v42, v21;
	v14 =	vpop (erf)  }
0x15f: {  	[tilespmem:$0x1FC30] =	vst v46;
	v23 =	vmul.f32 $1.442695020e+00, v16;
	(erf) = vpow2.f32 v13;
	v1 =	vadd.f32 v1, v14  }
0x160: {  	v46 =	vsub.f32 v40, v21;
	[tilespmem:$0x1FC60] =	vst v24;
	v24 =	vpop (erf)  }
0x161: {  	[tilespmem:$0x1FC50] =	vst v43;
	v43 =	vmul.f32 $1.442695020e+00, v42;
	(erf) = vpow2.f32 v23;
	v1 =	vadd.f32 v1, v24  }
0x162: {  	[tilespmem:$0x1FC20] =	vst v47;
	v47 =	vmul.f32 $1.442695020e+00, v46;
	v44 =	vpop (erf)  }
0x163: {  	v50 =	vsub.f32 v25, v21;
	(erf) = vpow2.f32 v43;
	v1 =	vadd.f32 v1, v44  }
0x164: {  	[tilespmem:$0x1FC10] =	vst v48;
	v56 =	vsub.f32 v12, v21;
	v48 =	vpop (erf)  }
0x165: {  	v51 =	vmul.f32 $1.442695020e+00, v50;
	(erf) = vpow2.f32 v47;
	v1 =	vadd.f32 v1, v48  }
0x166: {  	v61 =	vsub.f32 v22, v21;
	v54 =	vpop (erf)  }
0x167: {  	v57 =	vmul.f32 $1.442695020e+00, v56;
	(erf) = vpow2.f32 v51;
	v1 =	vadd.f32 v1, v54  }
0x168: {  	v62 =	vpop (erf)  }
0x169: {  	v63 =	vmul.f32 $1.442695020e+00, v61;
	(erf) = vpow2.f32 v57;
	v1 =	vadd.f32 v1, v62  }
0x16a: {  	v4 =	vpop (erf)  }
0x16b: {  	(erf) = vpow2.f32 v63;
	v1 =	vadd.f32 v1, v4  }
0x16c: {  	v5 =	vpop (erf)  }
0x16d: {  	v0 =	vadd.f32 v1, v5  }
0x16e: {  	[tilespmem:$0x1FC00] =	vst v6;
	v6 =	vpop (erf)  }
0x16f: {  	v0 =	vadd.f32 v0, v6  }
0x170: {  	v7 =	vpop (erf)  }
0x171: {  	v0 =	vadd.f32 v0, v7  }
0x172: {  	v8 =	vpop (erf)  }
0x173: {  	v0 =	vadd.f32 v0, v8  }
0x174: {  	v9 =	vpop (erf)  }
0x175: {  	v0 =	vadd.f32 v0, v9;
	_ =	sdelay $0x1  }
0x176: {  	v1 =	vperm.xlane v0, v59;
	_ =	sdelay $0x1  }
0x177: {  	v0 =	vadd.f32 v0, v1;
	_ =	sdelay $0x1  }
0x178: {  	v1 =	vperm.xlane v0, v49;
	_ =	sdelay $0x1  }
0x179: {  	v0 =	vadd.f32 v0, v1;
	_ =	sdelay $0x1  }
0x17a: {  	v1 =	vperm.xlane v0, v52;
	_ =	sdelay $0x1  }
0x17b: {  	v0 =	vadd.f32 v0, v1;
	_ =	sdelay $0x1  }
0x17c: {  	v1 =	vperm.xlane v0, v58;
	_ =	sdelay $0x1  }
0x17d: {  	[tilespmem:$0x1FCE0] =	vst v12;
	v12 =	vadd.f32 v0, v1;
	_ =	sdelay $0x1  }
0x17e: {  	v0 =	vshrl.u32 v12, $0x17;
	v1 =	vand.u32 $0x7FFFFF, v12  }
0x17f: {  	v0 =	vand.u32 $0xFF, v0;
	v1 =	vcvt.s32.f32 v1  }
0x180: {  	v0 =	vadd.s32 $0xFFFFFF81, v0  }
0x181: {  	v1 =	vmul.f32 $1.192092900e-07, v1;
	v0 =	vcvt.s32.f32 v0;
	_ =	sdelay $0x1  }
0x182: {  	v0 =	vadd.f32 v0, v1;
	_ =	sdelay $0x1  }
0x183: {  	v0 =	vmul.f32 $6.931471820e-01, v0;
	_ =	sdelay $0x1  }
0x184: {  	v13 =	vsub.f32 $0.0e+00, v0;
	_ =	sdelay $0x1  }
0x185: {  	v1 =	vmul.f32 $1.442695020e+00, v13;
	_ =	sdelay $0x1  }
0x186: {  	(erf) = vpow2.f32 v1;
	_ =	sdelay $0x3  }
0x187: {  	v50 =	vld [tilespmem:$0x300]  }
0x188: {  	v14 =	vld [tilespmem:$0x310]  }
0x189: {  	v16 =	vld [tilespmem:$0x320]  }
0x18a: {  	v3 =	vld [tilespmem:$0x330]  }
0x18b: {  	[tilespmem:$0x1FC90] =	vst v40;
	v40 =	vld [tilespmem:$0x340]  }
0x18c: {  	v6 =	vld [tilespmem:$0x350];
	v1 =	vpop (erf)  }
0x18d: {  	v42 =	vmax.f32 v50, v14;
	v54 =	vld [tilespmem:$0x360];
	v1 =	vmul.f32 v1, v12  }
0x18e: {  	v47 =	vld [tilespmem:$0x370];
	v8 =	vmax.f32 v42, v16  }
0x18f: {  	v46 =	vld [tilespmem:$0x700];
	v43 =	vmax.f32 v8, v3;
	v0 =	vadd.f32 v1, v0  }
0x190: {  	v44 =	vld [tilespmem:$0x710];
	v1 =	vmax.f32 v43, v40  }
0x191: {  	v43 =	vld [tilespmem:$0x720];
	v1 =	vmax.f32 v1, v6;
	v0 =	vadd.f32 $-1.000000000e+00, v0  }
0x192: {  	v42 =	vld [tilespmem:$0x730];
	v1 =	vmax.f32 v1, v54  }
0x193: {  	v51 =	vld [tilespmem:$0x740];
	v1 =	vmax.f32 v1, v47;
	v48 =	vsub.f32 $0.0e+00, v0  }
0x194: {  	v56 =	vld [tilespmem:$0x750];
	v1 =	vmax.f32 v1, v46  }
0x195: {  	v57 =	vld [tilespmem:$0x760];
	v1 =	vmax.f32 v1, v44;
	v8 =	vmul.f32 $1.442695020e+00, v48  }
0x196: {  	v61 =	vld [tilespmem:$0x770];
	v1 =	vmax.f32 v1, v43  }
0x197: {  	v1 =	vmax.f32 v1, v42;
	(erf) = vpow2.f32 v8  }
0x198: {  	v1 =	vmax.f32 v1, v51  }
0x199: {  	v1 =	vmax.f32 v1, v56  }
0x19a: {  	v1 =	vmax.f32 v1, v57  }
0x19b: {  	v1 =	vmax.f32 v1, v61  }
0x19c: {  	v62 =	vperm.xlane v1, v59;
	_ =	sdelay $0x1  }
0x19d: {  	v1 =	vmax.f32 v1, v62  }
0x19e: {  	v8 =	vperm.xlane v1, v49  }
0x19f: {  	v63 =	vpop (erf)  }
0x1a0: {  	v1 =	vmax.f32 v1, v8;
	v4 =	vmul.f32 v63, v12  }
0x1a1: {  	v7 =	vperm.xlane v1, v52  }
0x1a2: {  	v0 =	vadd.f32 v4, v0  }
0x1a3: {  	v1 =	vmax.f32 v1, v7  }
0x1a4: {  	v9 =	vperm.xlane v1, v58;
	v8 =	vadd.f32 $-1.000000000e+00, v0;
	_ =	sdelay $0x1  }
0x1a5: {  	[tilespmem:$0x1FE30] =	vst v12;
	v48 =	vmax.f32 v1, v9;
	v12 =	vsub.f32 $0.0e+00, v8  }
0x1a6: {  	v1 =	vsub.f32 v50, v48  }
0x1a7: {  	v0 =	vmul.f32 $1.442695020e+00, v12  }
0x1a8: {  	v13 =	vsub.f32 v14, v48;
	v1 =	vmul.f32 $1.442695020e+00, v1  }
0x1a9: {  	[tilespmem:$0x1FCD0] =	vst v16;
	(erf) = vpow2.f32 v0  }
0x1aa: {  	[tilespmem:$0x1FCB0] =	vst v14;
	v16 =	vsub.f32 v16, v48;
	v14 =	vmul.f32 $1.442695020e+00, v13;
	(erf) = vpow2.f32 v1  }
0x1ab: {  	[tilespmem:$0x1FD00] =	vst v40  }
0x1ac: {  	[tilespmem:$0x1FCA0] =	vst v50;
	v50 =	vsub.f32 v3, v48;
	v23 =	vmul.f32 $1.442695020e+00, v16;
	(erf) = vpow2.f32 v14  }
0x1ad: {  	v2 =	vmov v40;
	[tilespmem:$0x1FDA0] =	vst v56  }
0x1ae: {  	v25 =	vmovc v56;
	[tilespmem:$0x1FD90] =	vst v51;
	v40 =	vmovc v51;
	v56 =	vsub.f32 v2, v48;
	v51 =	vmul.f32 $1.442695020e+00, v50;
	(erf) = vpow2.f32 v23  }
0x1af: {  	[tilespmem:$0x1FDC0] =	vst v61  }
0x1b0: {  	v22 =	vmovc v61;
	v24 =	vmovc v57;
	[tilespmem:$0x1FDB0] =	vst v57;
	v61 =	vsub.f32 v6, v48;
	v57 =	vmul.f32 $1.442695020e+00, v56;
	(erf) = vpow2.f32 v51  }
0x1b1: {  	v5 =	vsub.f32 v54, v48  }
0x1b2: {  	v63 =	vmul.f32 $1.442695020e+00, v61;
	v62 =	vpop (erf);
	(erf) = vpow2.f32 v57  }
0x1b3: {  	v12 =	vmul.f32 $1.442695020e+00, v5;
	v4 =	vpop (erf)  }
0x1b4: {  	v14 =	vsub.f32 v47, v48;
	(erf) = vpow2.f32 v63;
	v1 =	vadd.f32 $0.0e+00, v4  }
0x1b5: {  	v23 =	vsub.f32 v46, v48;
	v13 =	vpop (erf)  }
0x1b6: {  	v16 =	vmul.f32 $1.442695020e+00, v14;
	(erf) = vpow2.f32 v12;
	v1 =	vadd.f32 v1, v13  }
0x1b7: {  	[tilespmem:$0x1FD50] =	vst v46;
	v51 =	vsub.f32 v44, v48;
	v46 =	vpop (erf)  }
0x1b8: {  	[tilespmem:$0x1FD40] =	vst v47;
	v47 =	vmul.f32 $1.442695020e+00, v23;
	(erf) = vpow2.f32 v16;
	v1 =	vadd.f32 v1, v46  }
0x1b9: {  	[tilespmem:$0x1FD30] =	vst v54;
	v54 =	vmul.f32 $1.442695020e+00, v51;
	v50 =	vpop (erf)  }
0x1ba: {  	v57 =	vsub.f32 v43, v48;
	(erf) = vpow2.f32 v47;
	v1 =	vadd.f32 v1, v50  }
0x1bb: {  	v63 =	vsub.f32 v42, v48;
	v56 =	vpop (erf)  }
0x1bc: {  	v61 =	vmul.f32 $1.442695020e+00, v57;
	(erf) = vpow2.f32 v54;
	v1 =	vadd.f32 v1, v56  }
0x1bd: {  	[tilespmem:$0x1FE20] =	vst v62;
	v12 =	vsub.f32 v40, v48;
	v62 =	vpop (erf)  }
0x1be: {  	v4 =	vmul.f32 $1.442695020e+00, v63;
	(erf) = vpow2.f32 v61;
	v1 =	vadd.f32 v1, v62  }
0x1bf: {  	v16 =	vsub.f32 v25, v48;
	v5 =	vpop (erf)  }
0x1c0: {  	v13 =	vmul.f32 $1.442695020e+00, v12;
	(erf) = vpow2.f32 v4;
	v1 =	vadd.f32 v1, v5  }
0x1c1: {  	v40 =	vsub.f32 v24, v48;
	v14 =	vpop (erf)  }
0x1c2: {  	v23 =	vmul.f32 $1.442695020e+00, v16;
	(erf) = vpow2.f32 v13;
	v1 =	vadd.f32 v1, v14  }
0x1c3: {  	[tilespmem:$0x1FD70] =	vst v43;
	v43 =	vsub.f32 v22, v48;
	v25 =	vpop (erf)  }
0x1c4: {  	[tilespmem:$0x1FD80] =	vst v42;
	v42 =	vmul.f32 $1.442695020e+00, v40;
	(erf) = vpow2.f32 v23;
	v1 =	vadd.f32 v1, v25  }
0x1c5: {  	[tilespmem:$0x1FD60] =	vst v44;
	v44 =	vpop (erf)  }
0x1c6: {  	v46 =	vmul.f32 $1.442695020e+00, v43;
	(erf) = vpow2.f32 v42;
	v1 =	vadd.f32 v1, v44  }
0x1c7: {  	v47 =	vpop (erf)  }
0x1c8: {  	(erf) = vpow2.f32 v46;
	v1 =	vadd.f32 v1, v47  }
0x1c9: {  	v50 =	vpop (erf)  }
0x1ca: {  	v0 =	vadd.f32 v1, v50  }
0x1cb: {  	v51 =	vpop (erf)  }
0x1cc: {  	v0 =	vadd.f32 v0, v51  }
0x1cd: {  	v54 =	vpop (erf)  }
0x1ce: {  	v0 =	vadd.f32 v0, v54  }
0x1cf: {  	v56 =	vpop (erf)  }
0x1d0: {  	v0 =	vadd.f32 v0, v56  }
0x1d1: {  	v57 =	vpop (erf)  }
0x1d2: {  	v0 =	vadd.f32 v0, v57;
	_ =	sdelay $0x1  }
0x1d3: {  	v1 =	vperm.xlane v0, v59;
	_ =	sdelay $0x1  }
0x1d4: {  	v0 =	vadd.f32 v0, v1;
	_ =	sdelay $0x1  }
0x1d5: {  	v1 =	vperm.xlane v0, v49;
	_ =	sdelay $0x1  }
0x1d6: {  	v0 =	vadd.f32 v0, v1;
	_ =	sdelay $0x1  }
0x1d7: {  	v1 =	vperm.xlane v0, v52;
	_ =	sdelay $0x1  }
0x1d8: {  	v0 =	vadd.f32 v0, v1;
	_ =	sdelay $0x1  }
0x1d9: {  	v1 =	vperm.xlane v0, v58;
	_ =	sdelay $0x1  }
0x1da: {  	v62 =	vadd.f32 v0, v1;
	_ =	sdelay $0x1  }
0x1db: {  	v0 =	vshrl.u32 v62, $0x17;
	v1 =	vand.u32 $0x7FFFFF, v62  }
0x1dc: {  	v0 =	vand.u32 $0xFF, v0;
	v1 =	vcvt.s32.f32 v1  }
0x1dd: {  	v0 =	vadd.s32 $0xFFFFFF81, v0  }
0x1de: {  	v1 =	vmul.f32 $1.192092900e-07, v1;
	v0 =	vcvt.s32.f32 v0;
	_ =	sdelay $0x1  }
0x1df: {  	v0 =	vadd.f32 v0, v1;
	_ =	sdelay $0x1  }
0x1e0: {  	v0 =	vmul.f32 $6.931471820e-01, v0;
	_ =	sdelay $0x1  }
0x1e1: {  	v61 =	vsub.f32 $0.0e+00, v0;
	_ =	sdelay $0x1  }
0x1e2: {  	v1 =	vmul.f32 $1.442695020e+00, v61;
	_ =	sdelay $0x1  }
0x1e3: {  	(erf) = vpow2.f32 v1;
	_ =	sdelay $0x3  }
0x1e4: {  	v63 =	vld [tilespmem:$0x380]  }
0x1e5: {  	v51 =	vld [tilespmem:$0x390]  }
0x1e6: {  	v5 =	vld [tilespmem:$0x3A0]  }
0x1e7: {  	v54 =	vld [tilespmem:$0x3B0]  }
0x1e8: {  	v50 =	vld [tilespmem:$0x3C0]  }
0x1e9: {  	v47 =	vld [tilespmem:$0x3D0];
	v1 =	vpop (erf)  }
0x1ea: {  	v46 =	vld [tilespmem:$0x3E0];
	v4 =	vmax.f32 v63, v51;
	v1 =	vmul.f32 v1, v62  }
0x1eb: {  	[tilespmem:$0x1FE50] =	vst v8;
	v23 =	vld [tilespmem:$0x3F0];
	v8 =	vmax.f32 v4, v5  }
0x1ec: {  	[tilespmem:$0x1FCF0] =	vst v3;
	v3 =	vld [tilespmem:$0x780];
	v9 =	vmax.f32 v8, v54;
	v0 =	vadd.f32 v1, v0  }
0x1ed: {  	v43 =	vld [tilespmem:$0x790];
	v1 =	vmax.f32 v9, v50  }
0x1ee: {  	v4 =	vld [tilespmem:$0x7A0];
	v1 =	vmax.f32 v1, v47;
	v0 =	vadd.f32 $-1.000000000e+00, v0  }
0x1ef: {  	v40 =	vld [tilespmem:$0x7B0];
	v1 =	vmax.f32 v1, v46  }
0x1f0: {  	v25 =	vld [tilespmem:$0x7C0];
	v1 =	vmax.f32 v1, v23;
	v12 =	vsub.f32 $0.0e+00, v0  }
0x1f1: {  	v24 =	vld [tilespmem:$0x7D0];
	v1 =	vmax.f32 v1, v3  }
0x1f2: {  	v22 =	vld [tilespmem:$0x7E0];
	v1 =	vmax.f32 v1, v43;
	v8 =	vmul.f32 $1.442695020e+00, v12  }
0x1f3: {  	v2 =	vld [tilespmem:$0x7F0];
	v1 =	vmax.f32 v1, v4  }
0x1f4: {  	v1 =	vmax.f32 v1, v40;
	(erf) = vpow2.f32 v8  }
0x1f5: {  	v1 =	vmax.f32 v1, v25  }
0x1f6: {  	v1 =	vmax.f32 v1, v24  }
0x1f7: {  	v1 =	vmax.f32 v1, v22  }
0x1f8: {  	v1 =	vmax.f32 v1, v2  }
0x1f9: {  	v13 =	vperm.xlane v1, v59;
	_ =	sdelay $0x1  }
0x1fa: {  	v1 =	vmax.f32 v1, v13  }
0x1fb: {  	v8 =	vperm.xlane v1, v49  }
0x1fc: {  	v14 =	vpop (erf)  }
0x1fd: {  	v1 =	vmax.f32 v1, v8;
	v16 =	vmul.f32 v14, v62  }
0x1fe: {  	v44 =	vperm.xlane v1, v52  }
0x1ff: {  	v0 =	vadd.f32 v16, v0  }
0x200: {  	v1 =	vmax.f32 v1, v44  }
0x201: {  	v56 =	vperm.xlane v1, v58;
	v8 =	vadd.f32 $-1.000000000e+00, v0;
	_ =	sdelay $0x1  }
0x202: {  	v44 =	vmax.f32 v1, v56;
	v57 =	vsub.f32 $0.0e+00, v8  }
0x203: {  	v1 =	vsub.f32 v63, v44  }
0x204: {  	v0 =	vmul.f32 $1.442695020e+00, v57  }
0x205: {  	v61 =	vsub.f32 v51, v44;
	v1 =	vmul.f32 $1.442695020e+00, v1  }
0x206: {  	[tilespmem:$0x1FDD0] =	vst v63;
	(erf) = vpow2.f32 v0  }
0x207: {  	[tilespmem:$0x1FDF0] =	vst v5;
	v5 =	vsub.f32 v5, v44;
	v63 =	vmul.f32 $1.442695020e+00, v61;
	(erf) = vpow2.f32 v1;
	_ =	sdelay $0x1  }
0x208: {  	[tilespmem:$0x1FD20] =	vst v6;
	v7 =	vsub.f32 v54, v44;
	v6 =	vmul.f32 $1.442695020e+00, v5;
	(erf) = vpow2.f32 v63;
	_ =	sdelay $0x1  }
0x209: {  	[tilespmem:$0x1FFD0] =	vst v8;
	v9 =	vsub.f32 v50, v44;
	v8 =	vmul.f32 $1.442695020e+00, v7;
	(erf) = vpow2.f32 v6;
	_ =	sdelay $0x1  }
0x20a: {  	v13 =	vsub.f32 v47, v44;
	v12 =	vmul.f32 $1.442695020e+00, v9;
	(erf) = vpow2.f32 v8;
	_ =	sdelay $0x1  }
0x20b: {  	[tilespmem:$0x1FE40] =	vst v47;
	v47 =	vsub.f32 v46, v44;
	v16 =	vmul.f32 $1.442695020e+00, v13;
	v14 =	vpop (erf);
	(erf) = vpow2.f32 v12  }
0x20c: {  	[tilespmem:$0x1FE00] =	vst v54;
	v54 =	vsub.f32 v23, v44;
	v42 =	vpop (erf)  }
0x20d: {  	[tilespmem:$0x1FE10] =	vst v50;
	v50 =	vmul.f32 $1.442695020e+00, v47;
	(erf) = vpow2.f32 v16;
	v1 =	vadd.f32 $0.0e+00, v42  }
0x20e: {  	[tilespmem:$0x1FDE0] =	vst v51;
	v57 =	vsub.f32 v3, v44;
	v51 =	vpop (erf)  }
0x20f: {  	v56 =	vmul.f32 $1.442695020e+00, v54;
	(erf) = vpow2.f32 v50;
	v1 =	vadd.f32 v1, v51  }
0x210: {  	v63 =	vmul.f32 $1.442695020e+00, v57;
	v61 =	vpop (erf)  }
0x211: {  	v12 =	vsub.f32 v43, v44;
	(erf) = vpow2.f32 v56;
	v1 =	vadd.f32 v1, v61  }
0x212: {  	v16 =	vsub.f32 v4, v44;
	v5 =	vpop (erf)  }
0x213: {  	[tilespmem:$0x1FE90] =	vst v43;
	v13 =	vmul.f32 $1.442695020e+00, v12;
	(erf) = vpow2.f32 v63;
	v1 =	vadd.f32 v1, v5  }
0x214: {  	v43 =	vsub.f32 v40, v44;
	[tilespmem:$0x1FEC0] =	vst v14;
	v14 =	vpop (erf)  }
0x215: {  	[tilespmem:$0x1FE70] =	vst v23;
	v23 =	vmul.f32 $1.442695020e+00, v16;
	(erf) = vpow2.f32 v13;
	v1 =	vadd.f32 v1, v14  }
0x216: {  	[tilespmem:$0x1FE60] =	vst v46;
	v46 =	vmul.f32 $1.442695020e+00, v43;
	v42 =	vpop (erf)  }
0x217: {  	v50 =	vsub.f32 v25, v44;
	(erf) = vpow2.f32 v23;
	v1 =	vadd.f32 v1, v42  }
0x218: {  	v56 =	vsub.f32 v24, v44;
	v47 =	vpop (erf)  }
0x219: {  	v51 =	vmul.f32 $1.442695020e+00, v50;
	(erf) = vpow2.f32 v46;
	v1 =	vadd.f32 v1, v47  }
0x21a: {  	v63 =	vsub.f32 v22, v44;
	v54 =	vpop (erf)  }
0x21b: {  	v57 =	vmul.f32 $1.442695020e+00, v56;
	(erf) = vpow2.f32 v51;
	v1 =	vadd.f32 v1, v54  }
0x21c: {  	[tilespmem:$0x1FEA0] =	vst v4;
	v4 =	vmul.f32 $1.442695020e+00, v63;
	v61 =	vpop (erf)  }
0x21d: {  	v5 =	vsub.f32 v2, v44;
	(erf) = vpow2.f32 v57;
	v1 =	vadd.f32 v1, v61  }
0x21e: {  	v12 =	vpop (erf)  }
0x21f: {  	v13 =	vmul.f32 $1.442695020e+00, v5;
	(erf) = vpow2.f32 v4;
	v1 =	vadd.f32 v1, v12  }
0x220: {  	v14 =	vpop (erf)  }
0x221: {  	(erf) = vpow2.f32 v13;
	v1 =	vadd.f32 v1, v14  }
0x222: {  	v16 =	vpop (erf)  }
0x223: {  	v0 =	vadd.f32 v1, v16  }
0x224: {  	[tilespmem:$0x1FF30] =	vst v22;
	v22 =	vpop (erf)  }
0x225: {  	v0 =	vadd.f32 v0, v22  }
0x226: {  	v23 =	vpop (erf)  }
0x227: {  	v0 =	vadd.f32 v0, v23  }
0x228: {  	[tilespmem:$0x1FF00] =	vst v24;
	v24 =	vpop (erf)  }
0x229: {  	v0 =	vadd.f32 v0, v24  }
0x22a: {  	[tilespmem:$0x1FEE0] =	vst v25;
	v25 =	vpop (erf)  }
0x22b: {  	v0 =	vadd.f32 v0, v25;
	_ =	sdelay $0x1  }
0x22c: {  	v1 =	vperm.xlane v0, v59;
	_ =	sdelay $0x1  }
0x22d: {  	v0 =	vadd.f32 v0, v1;
	_ =	sdelay $0x1  }
0x22e: {  	v1 =	vperm.xlane v0, v49;
	_ =	sdelay $0x1  }
0x22f: {  	v0 =	vadd.f32 v0, v1;
	_ =	sdelay $0x1  }
0x230: {  	v1 =	vperm.xlane v0, v52;
	_ =	sdelay $0x1  }
0x231: {  	v0 =	vadd.f32 v0, v1;
	_ =	sdelay $0x1  }
0x232: {  	v1 =	vperm.xlane v0, v58;
	_ =	sdelay $0x1  }
0x233: {  	v61 =	vadd.f32 v0, v1;
	_ =	sdelay $0x1  }
0x234: {  	v0 =	vshrl.u32 v61, $0x17;
	v1 =	vand.u32 $0x7FFFFF, v61  }
0x235: {  	v0 =	vand.u32 $0xFF, v0;
	v1 =	vcvt.s32.f32 v1  }
0x236: {  	v0 =	vadd.s32 $0xFFFFFF81, v0  }
0x237: {  	v1 =	vmul.f32 $1.192092900e-07, v1;
	v0 =	vcvt.s32.f32 v0;
	_ =	sdelay $0x1  }
0x238: {  	v0 =	vadd.f32 v0, v1;
	_ =	sdelay $0x1  }
0x239: {  	v0 =	vmul.f32 $6.931471820e-01, v0;
	_ =	sdelay $0x1  }
0x23a: {  	[tilespmem:$0x1FEB0] =	vst v40;
	v40 =	vsub.f32 $0.0e+00, v0;
	_ =	sdelay $0x1  }
0x23b: {  	v1 =	vmul.f32 $1.442695020e+00, v40;
	_ =	sdelay $0x1  }
0x23c: {  	(erf) = vpow2.f32 v1;
	_ =	sdelay $0x6  }
0x23d: {  	v7 =	vld [tilespmem:$0x430]  }
0x23e: {  	v6 =	vld [tilespmem:$0x410]  }
0x23f: {  	v63 =	vld [tilespmem:$0x400];
	v1 =	vpop (erf)  }
0x240: {  	v51 =	vld [tilespmem:$0x420];
	v1 =	vmul.f32 v1, v61  }
0x241: {  	v5 =	vld [tilespmem:$0x470]  }
0x242: {  	v12 =	vld [tilespmem:$0x440];
	v0 =	vadd.f32 v1, v0  }
0x243: {  	v13 =	vld [tilespmem:$0x450]  }
0x244: {  	v42 =	vmax.f32 v63, v6;
	v14 =	vld [tilespmem:$0x460];
	v0 =	vadd.f32 $-1.000000000e+00, v0  }
0x245: {  	v57 =	vld [tilespmem:$0x80];
	v1 =	vmax.f32 v42, v51  }
0x246: {  	v16 =	vld [tilespmem:$0x800];
	v1 =	vmax.f32 v1, v7;
	v43 =	vsub.f32 $0.0e+00, v0  }
0x247: {  	v4 =	vld [tilespmem:$0x810];
	v1 =	vmax.f32 v1, v12  }
0x248: {  	[tilespmem:$0x1FE80] =	vst v3;
	v3 =	vld [tilespmem:$0x820];
	v1 =	vmax.f32 v1, v13;
	v8 =	vmul.f32 $1.442695020e+00, v43  }
0x249: {  	v54 =	vld [tilespmem:$0x830];
	v1 =	vmax.f32 v1, v14  }
0x24a: {  	v22 =	vld [tilespmem:$0x840];
	v1 =	vmax.f32 v1, v5;
	(erf) = vpow2.f32 v8  }
0x24b: {  	v46 =	vimm.s32 $0x0;
	v47 =	vld [tilespmem:$0x850];
	v1 =	vmax.f32 v1, v16  }
0x24c: {  	v24 =	vld [tilespmem:$0x860];
	v25 =	vperm.xlane v57, v46;
	v1 =	vmax.f32 v1, v4  }
0x24d: {  	v50 =	vadd.f32 $0.0e+00, v17;
	v56 =	vld [tilespmem:$0x870];
	v23 =	vor.u32 $0x10, v60;
	v1 =	vmax.f32 v1, v3  }
0x24e: {  	vm10 =	veq.s32 v25, v60;
	vm11 =	veq.s32 v25, v23;
	v1 =	vmax.f32 v1, v54  }
0x24f: {  	v10 =	vnsel vm11, $0x0, v10;
	v40 =	vor.u32 $0x30, v60;
	v1 =	vmax.f32 v1, v22  }
0x250: {  	vm13 =	veq.s32 v25, v40;
	v42 =	vor.u32 $0x20, v60;
	v1 =	vmax.f32 v1, v47  }
0x251: {  	vm12 =	veq.s32 v25, v42;
	v8 =	vnsel vm10, $0x0, v50;
	v1 =	vmax.f32 v1, v24  }
0x252: {  	v46 =	vnsel vm12, $0x0, v20;
	v8 =	vadd.f32 v10, v8;
	v1 =	vmax.f32 v1, v56  }
0x253: {  	v20 =	vmov v56;
	v43 =	vor.u32 $0x40, v60;
	v50 =	vperm.xlane v1, v59;
	v56 =	vpop (erf)  }
0x254: {  	vm14 =	veq.s32 v25, v43;
	v8 =	vadd.f32 v8, v46;
	v10 =	vmul.f32 v56, v61;
	v56 =	vld [tilespmem:$0x1F9A0]  }
0x255: {  	[tilespmem:$0x1FF80] =	vst v2;
	v17 =	vmovc v47;
	v2 =	vnsel vm14, $0x0, v15;
	v47 =	vnsel vm13, $0x0, v11;
	v1 =	vmax.f32 v1, v50  }
0x256: {  	v11 =	vld [tilespmem:$0x1F9B0];
	v8 =	vadd.f32 v8, v47;
	v47 =	vor.u32 $0x50, v60;
	v50 =	vperm.xlane v1, v49  }
0x257: {  	v46 =	vor.u32 $0x70, v60;
	vm15 =	veq.s32 v25, v47;
	v0 =	vadd.f32 v10, v0  }
0x258: {  	v8 =	vadd.f32 v8, v2;
	v1 =	vmax.f32 v1, v50;
	v50 =	vor.u32 $0x60, v60  }
0x259: {  	v10 =	vperm.xlane v1, v52;
	v2 =	vnsel vm15, $0x0, v56;
	v56 =	vadd.f32 $-1.000000000e+00, v0  }
0x25a: {  	vm5 =	veq.s32 v25, v46;
	vm4 =	veq.s32 v25, v50;
	v8 =	vadd.f32 v8, v2  }
0x25b: {  	v15 =	vnsel vm4, $0x0, v11;
	v1 =	vmax.f32 v1, v10;
	[tilespmem:$0x1FFF0] =	vst v56;
	v56 =	vsub.f32 $0.0e+00, v56  }
0x25c: {  	v0 =	vadd.f32 v8, v15;
	v15 =	vnsel vm5, $0x0, v32;
	v32 =	vperm.xlane v1, v58  }
0x25d: {  	v10 =	vor.u32 $0x90, v60;
	v56 =	vmul.f32 $1.442695020e+00, v56  }
0x25e: {  	v0 =	vadd.f32 v0, v15;
	v15 =	vor.u32 $0x80, v60;
	v9 =	vmax.f32 v1, v32  }
0x25f: {  	vm7 =	veq.s32 v25, v10;
	vm6 =	veq.s32 v25, v15;
	v11 =	vsub.f32 v63, v9  }
0x260: {  	[tilespmem:$0x1FEF0] =	vst v51;
	(erf) = vpow2.f32 v56;
	v32 =	vsub.f32 v6, v9;
	v51 =	vsub.f32 v51, v9  }
0x261: {  	v1 =	vsub.f32 v13, v9;
	v2 =	vnsel vm6, $0x0, v31;
	v8 =	vmul.f32 $1.442695020e+00, v11  }
0x262: {  	[tilespmem:$0x1FF50] =	vst v14;
	v56 =	vor.u32 $0xA0, v60;
	v14 =	vsub.f32 v14, v9;
	v0 =	vadd.f32 v0, v2  }
0x263: {  	v31 =	vnsel vm7, $0x0, v18;
	v32 =	vmul.f32 $1.442695020e+00, v32;
	(erf) = vpow2.f32 v8  }
0x264: {  	vm8 =	veq.s32 v25, v56;
	v18 =	vor.u32 $0xB0, v60;
	v0 =	vadd.f32 v0, v31  }
0x265: {  	vm9 =	veq.s32 v25, v18;
	v31 =	vnsel vm8, $0x0, v19;
	(erf) = vpow2.f32 v32  }
0x266: {  	v11 =	vor.u32 $0xC0, v60;
	v32 =	vsub.f32 v7, v9;
	v0 =	vadd.f32 v0, v31  }
0x267: {  	[tilespmem:$0x1FED0] =	vst v6;
	v6 =	vimm.s32 $0x1;
	v30 =	vnsel vm9, $0x0, v30;
	vm10 =	veq.s32 v25, v11  }
0x268: {  	v19 =	vmul.f32 $1.442695020e+00, v51;
	v51 =	vor.u32 $0xD0, v60;
	v0 =	vadd.f32 v0, v30  }
0x269: {  	v8 =	vor.u32 $0xF0, v60;
	vm11 =	veq.s32 v25, v51;
	v31 =	vnsel vm10, $0x0, v27  }
0x26a: {  	[tilespmem:$0x1FF10] =	vst v7;
	(erf) = vpow2.f32 v19;
	v30 =	vmul.f32 $1.442695020e+00, v32;
	v32 =	vpop (erf);
	v0 =	vadd.f32 v0, v31  }
0x26b: {  	v2 =	vnsel vm11, $0x0, v26;
	v19 =	vor.u32 $0xE0, v60;
	v31 =	vsub.f32 v12, v9;
	[tilespmem:$0x1FFE0] =	vst v32;
	v32 =	vld [tilespmem:$0x1F9C0]  }
0x26c: {  	[tilespmem:$0x1FF40] =	vst v13;
	vm12 =	veq.s32 v25, v19;
	(erf) = vpow2.f32 v30;
	v0 =	vadd.f32 v0, v2;
	v7 =	vpop (erf)  }
0x26d: {  	[tilespmem:$0x1FF20] =	vst v12;
	v2 =	vnsel vm12, $0x0, v29;
	v27 =	vmul.f32 $1.442695020e+00, v31;
	v29 =	vadd.f32 $0.0e+00, v7  }
0x26e: {  	[tilespmem:$0x1FF70] =	vst v16;
	v16 =	vsub.f32 v16, v9;
	vm13 =	veq.s32 v25, v8;
	v12 =	vmul.f32 $1.442695020e+00, v1;
	v13 =	vpop (erf)  }
0x26f: {  	v0 =	vadd.f32 v0, v2;
	(erf) = vpow2.f32 v27;
	v25 =	vadd.f32 v29, v13;
	v13 =	vld [tilespmem:$0x1F9D0]  }
0x270: {  	v26 =	vmul.f32 $1.442695020e+00, v14;
	v7 =	vsub.f32 v5, v9;
	v2 =	vnsel vm13, $0x0, v32  }
0x271: {  	(erf) = vpow2.f32 v12;
	v32 =	vld [tilespmem:$0x1F9E0];
	v27 =	vadd.f32 v0, v2;
	v0 =	vperm.xlane v57, v6  }
0x272: {  	v1 =	vsub.f32 v17, v9;
	v30 =	vmul.f32 $1.442695020e+00, v7;
	(erf) = vpow2.f32 v26  }
0x273: {  	v12 =	vpop (erf);
	v26 =	vmul.f32 $1.442695020e+00, v16;
	v6 =	vsub.f32 v4, v9;
	v7 =	vld [tilespmem:$0x1F9F0];
	v16 =	vsub.f32 v3, v9  }
0x274: {  	v25 =	vadd.f32 v25, v12;
	vm14 =	veq.s32 v0, v60;
	v14 =	vadd.f32 $0.0e+00, v13  }
0x275: {  	(erf) = vpow2.f32 v30;
	vm15 =	veq.s32 v0, v23;
	vm4 =	veq.s32 v0, v42  }
0x276: {  	[tilespmem:$0x1FF60] =	vst v5;
	vm5 =	veq.s32 v0, v40;
	v5 =	vpop (erf);
	(erf) = vpow2.f32 v26;
	v2 =	vnsel vm15, $0x0, v32  }
0x277: {  	v25 =	vadd.f32 v25, v5;
	v32 =	vld [tilespmem:$0x1FA00];
	v13 =	vmul.f32 $1.442695020e+00, v6;
	v29 =	vnsel vm14, $0x0, v14  }
0x278: {  	[tilespmem:$0x1FF90] =	vst v4;
	v4 =	vmul.f32 $1.442695020e+00, v16;
	v16 =	vld [tilespmem:$0x1FA10];
	v12 =	vnsel vm4, $0x0, v7;
	v29 =	vadd.f32 v2, v29;
	v14 =	vpop (erf)  }
0x279: {  	v6 =	vsub.f32 v54, v9;
	(erf) = vpow2.f32 v13;
	v25 =	vadd.f32 v25, v14  }
0x27a: {  	vm6 =	veq.s32 v0, v43;
	v7 =	vsub.f32 v22, v9;
	v26 =	vadd.f32 v29, v12;
	v5 =	vpop (erf)  }
0x27b: {  	(erf) = vpow2.f32 v4;
	v12 =	vmul.f32 $1.442695020e+00, v6;
	v25 =	vadd.f32 v25, v5  }
0x27c: {  	[tilespmem:$0x1FFA0] =	vst v3;
	vm7 =	veq.s32 v0, v47;
	v30 =	vmul.f32 $1.442695020e+00, v7;
	v3 =	vnsel vm5, $0x0, v32;
	v13 =	vpop (erf)  }
0x27d: {  	v14 =	vmovc v22;
	v22 =	vnsel vm6, $0x0, v16;
	(erf) = vpow2.f32 v12;
	v25 =	vadd.f32 v25, v13  }
0x27e: {  	[tilespmem:$0x1FFB0] =	vst v54;
	v26 =	vadd.f32 v26, v3;
	v54 =	vpop (erf);
	v3 =	vmul.f32 $1.442695020e+00, v1;
	v5 =	vsub.f32 v24, v9  }
0x27f: {  	v16 =	vmovc v20;
	v12 =	vsub.f32 v20, v9;
	v20 =	vld [tilespmem:$0x1FA20];
	(erf) = vpow2.f32 v30;
	v25 =	vadd.f32 v25, v54  }
0x280: {  	vm8 =	veq.s32 v0, v50;
	v2 =	vnsel vm7, $0x0, v55;
	v4 =	vpop (erf);
	v26 =	vadd.f32 v26, v22  }
0x281: {  	v55 =	vld [tilespmem:$0x1FA30];
	(erf) = vpow2.f32 v3;
	v6 =	vmul.f32 $1.442695020e+00, v5;
	v25 =	vadd.f32 v25, v4  }
0x282: {  	vm9 =	veq.s32 v0, v46;
	vm10 =	veq.s32 v0, v15;
	v31 =	vmul.f32 $1.442695020e+00, v12;
	v7 =	vpop (erf)  }
0x283: {  	v26 =	vadd.f32 v26, v2;
	(erf) = vpow2.f32 v6;
	v25 =	vadd.f32 v25, v7;
	v7 =	vld [tilespmem:$0x1FA40]  }
0x284: {  	vm11 =	veq.s32 v0, v10;
	v13 =	vperm.xlane v27, v59;
	v22 =	vnsel vm8, $0x0, v20;
	v54 =	vpop (erf)  }
0x285: {  	v26 =	vadd.f32 v26, v22;
	(erf) = vpow2.f32 v31;
	v25 =	vadd.f32 v25, v54  }
0x286: {  	vm12 =	veq.s32 v0, v56;
	v27 =	vadd.f32 v27, v13;
	v4 =	vnsel vm9, $0x0, v55;
	v6 =	vpop (erf)  }
0x287: {  	vm14 =	veq.s32 v0, v18;
	v55 =	vld [tilespmem:$0x1FA50];
	v26 =	vadd.f32 v26, v4;
	v25 =	vadd.f32 v25, v6  }
0x288: {  	vm7 =	veq.s32 v0, v51;
	v5 =	vperm.xlane v27, v49;
	v13 =	vpop (erf);
	v12 =	vnsel vm10, $0x0, v7  }
0x289: {  	v22 =	vimm.s32 $0x2;
	v6 =	vld [tilespmem:$0x1FA60];
	v26 =	vadd.f32 v26, v12;
	v25 =	vadd.f32 v25, v13  }
0x28a: {  	v20 =	vnsel vm11, $0x0, v45;
	v29 =	vperm.xlane v57, v22;
	v27 =	vadd.f32 v27, v5;
	v45 =	vpop (erf)  }
0x28b: {  	vm5 =	veq.s32 v0, v11;
	v26 =	vadd.f32 v26, v20;
	v25 =	vadd.f32 v25, v45;
	v20 =	vld [tilespmem:$0x1FA70]  }
0x28c: {  	vm13 =	veq.s32 v29, v60;
	vm1 =	veq.s32 v29, v23;
	v3 =	vadd.f32 $0.0e+00, v55;
	v4 =	vpop (erf)  }
0x28d: {  	v32 =	vld [tilespmem:$0x1FA80];
	vm15 =	veq.s32 v29, v42;
	vm4 =	veq.s32 v29, v40;
	v25 =	vadd.f32 v25, v4  }
0x28e: {  	vm6 =	veq.s32 v29, v43;
	v5 =	vnsel vm13, $0x0, v3;
	v12 =	vpop (erf);
	v7 =	vnsel vm1, $0x0, v6  }
0x28f: {  	vm8 =	veq.s32 v29, v47;
	v55 =	vld [tilespmem:$0x1FAA0];
	v30 =	vadd.f32 v7, v5;
	v25 =	vadd.f32 v25, v12  }
0x290: {  	vm9 =	veq.s32 v29, v50;
	vm11 =	veq.s32 v29, v46;
	v45 =	vld [tilespmem:$0x1FA90];
	v22 =	vnsel vm15, $0x0, v20  }
0x291: {  	v54 =	vnsel vm12, $0x0, v41;
	v5 =	vld [tilespmem:$0x1FAB0];
	v30 =	vadd.f32 v30, v22;
	v41 =	vperm.xlane v25, v59  }
0x292: {  	v13 =	vnsel vm14, $0x0, v39;
	v39 =	vnsel vm4, $0x0, v32;
	v26 =	vadd.f32 v26, v54  }
0x293: {  	vm12 =	veq.s32 v0, v8;
	v12 =	vld [tilespmem:$0x1FAC0];
	v30 =	vadd.f32 v30, v39;
	v25 =	vadd.f32 v25, v41  }
0x294: {  	vm10 =	veq.s32 v0, v19;
	v3 =	vnsel vm6, $0x0, v55;
	v26 =	vadd.f32 v26, v13  }
0x295: {  	v54 =	vnsel vm5, $0x0, v45;
	v22 =	vld [tilespmem:$0x1FAD0];
	v30 =	vadd.f32 v30, v3;
	v7 =	vperm.xlane v25, v49  }
0x296: {  	vm13 =	veq.s32 v29, v15;
	v45 =	vld [tilespmem:$0x1FAE0];
	v26 =	vadd.f32 v26, v54;
	v6 =	vnsel vm8, $0x0, v5  }
0x297: {  	v55 =	vld [tilespmem:$0x1FAF0];
	v4 =	vnsel vm7, $0x0, v33;
	v30 =	vadd.f32 v30, v6;
	v25 =	vadd.f32 v25, v7  }
0x298: {  	vm14 =	veq.s32 v29, v10;
	v26 =	vadd.f32 v26, v4;
	v13 =	vnsel vm9, $0x0, v12  }
0x299: {  	v20 =	vnsel vm10, $0x0, v35;
	v5 =	vld [tilespmem:$0x1FB00];
	v30 =	vadd.f32 v30, v13;
	v39 =	vperm.xlane v25, v52  }
0x29a: {  	[tilespmem:$0x1FFC0] =	vst v24;
	vm4 =	veq.s32 v29, v18;
	v26 =	vadd.f32 v26, v20;
	v24 =	vnsel vm11, $0x0, v22  }
0x29b: {  	v54 =	vnsel vm12, $0x0, v45;
	v13 =	vld [tilespmem:$0x1FB10];
	v41 =	vadd.f32 v30, v24;
	v25 =	vadd.f32 v25, v39  }
0x29c: {  	vm6 =	veq.s32 v29, v51;
	v4 =	vnsel vm13, $0x0, v55;
	v26 =	vadd.f32 v26, v54  }
0x29d: {  	vm15 =	veq.s32 v29, v56;
	v35 =	vld [tilespmem:$0x1FB20];
	v0 =	vadd.f32 v41, v4;
	v32 =	vperm.xlane v25, v58  }
0x29e: {  	v6 =	vnsel vm14, $0x0, v5;
	v7 =	vperm.xlane v27, v52;
	v12 =	vperm.xlane v26, v59  }
0x29f: {  	vm5 =	veq.s32 v29, v11;
	v41 =	vld [tilespmem:$0x1FB30];
	v0 =	vadd.f32 v0, v6;
	v24 =	vadd.f32 v25, v32  }
0x2a0: {  	v27 =	vadd.f32 v27, v7;
	v7 =	vld [tilespmem:$0x1FB60];
	v26 =	vadd.f32 v26, v12;
	v20 =	vnsel vm15, $0x0, v13  }
0x2a1: {  	v55 =	vld [tilespmem:$0x1FB40];
	v0 =	vadd.f32 v0, v20;
	v22 =	vshrl.u32 v24, $0x17;
	v25 =	vand.u32 $0x7FFFFF, v24  }
0x2a2: {  	v39 =	vnsel vm4, $0x0, v35;
	v30 =	vand.u32 $0xFF, v22;
	v31 =	vcvt.s32.f32 v25  }
0x2a3: {  	v5 =	vld [tilespmem:$0x1FB50];
	v4 =	vperm.xlane v26, v49;
	v0 =	vadd.f32 v0, v39;
	v30 =	vadd.s32 $0xFFFFFF81, v30  }
0x2a4: {  	v13 =	vld [tilespmem:$0x1FB70];
	v45 =	vnsel vm5, $0x0, v41;
	v31 =	vmul.f32 $1.192092900e-07, v31;
	v30 =	vcvt.s32.f32 v30  }
0x2a5: {  	v54 =	vperm.xlane v27, v58;
	v12 =	vmul.f32 v7, v38;
	v38 =	vld [tilespmem:$0x1FB80];
	v0 =	vadd.f32 v0, v45  }
0x2a6: {  	v3 =	vnsel vm6, $0x0, v55;
	v7 =	vld [tilespmem:$0x1FB90];
	v26 =	vadd.f32 v26, v4;
	v30 =	vadd.f32 v30, v31  }
0x2a7: {  	vm7 =	veq.s32 v29, v19;
	v27 =	vadd.f32 v27, v54;
	v0 =	vadd.f32 v0, v3  }
0x2a8: {  	v6 =	vnsel vm7, $0x0, v5;
	v20 =	vperm.xlane v26, v52;
	v35 =	vmul.f32 $6.931471820e-01, v30  }
0x2a9: {  	vm8 =	veq.s32 v29, v8;
	v27 =	vadd.f32 $0.0e+00, v27;
	v0 =	vadd.f32 v0, v6  }
0x2aa: {  	v29 =	vnsel vm8, $0x0, v13;
	v26 =	vadd.f32 v26, v20;
	v22 =	vsub.f32 $0.0e+00, v35  }
0x2ab: {  	v32 =	vld [tilespmem:$0x4C0];
	v39 =	vadd.f32 v12, v38;
	v12 =	vmul.f32 v7, v37;
	v0 =	vadd.f32 v0, v29  }
0x2ac: {  	v20 =	vld [tilespmem:$0x1FBA0];
	v55 =	vperm.xlane v26, v58;
	v41 =	vmul.f32 $1.442695020e+00, v22  }
0x2ad: {  	v37 =	vld [tilespmem:$0x1FBB0];
	v45 =	vsub.f32 v27, v36;
	v29 =	vadd.f32 $-1.000000000e+00, v39;
	v54 =	vperm.xlane v0, v59  }
0x2ae: {  	v27 =	vld [tilespmem:$0x490];
	v26 =	vadd.f32 v26, v55;
	(erf) = vpow2.f32 v41  }
0x2af: {  	v31 =	vld [tilespmem:$0x4D0];
	v5 =	vsub.f32 v45, v29;
	v0 =	vadd.f32 v0, v54  }
0x2b0: {  	v30 =	vld [tilespmem:$0x4B0]  }
0x2b1: {  	v5 =	vadd.f32 v26, v5;
	v26 =	vld [tilespmem:$0x480];
	v13 =	vperm.xlane v0, v49  }
0x2b2: {  	v33 =	vimm.s32 $0x3;
	v22 =	vadd.f32 v12, v20;
	v54 =	vld [tilespmem:$0x1FBC0]  }
0x2b3: {  	v55 =	vperm.xlane v57, v33;
	v38 =	vadd.f32 $0.0e+00, v37;
	v29 =	vld [tilespmem:$0x4A0];
	v0 =	vadd.f32 v0, v13  }
0x2b4: {  	v36 =	vadd.f32 $-1.000000000e+00, v22;
	v5 =	vsub.f32 v5, v34;
	v13 =	vld [tilespmem:$0x1FBD0]  }
0x2b5: {  	v33 =	vld [tilespmem:$0x4E0];
	vm9 =	veq.s32 v55, v60;
	vm10 =	veq.s32 v55, v23;
	v39 =	vperm.xlane v0, v52  }
0x2b6: {  	vm11 =	veq.s32 v55, v42;
	v41 =	vnsel vm9, $0x0, v38;
	v22 =	vld [tilespmem:$0x1FBE0];
	v5 =	vsub.f32 v5, v36  }
0x2b7: {  	v34 =	vld [tilespmem:$0x4F0];
	v2 =	vmax.f32 v26, v27;
	v3 =	vadd.f32 v0, v39;
	v45 =	vpop (erf);
	v0 =	vnsel vm10, $0x0, v54  }
0x2b8: {  	v36 =	vld [tilespmem:$0x890];
	v37 =	vmax.f32 v2, v29;
	v1 =	vmul.f32 v45, v24;
	v7 =	vadd.f32 v0, v41  }
0x2b9: {  	vm12 =	veq.s32 v55, v40;
	v37 =	vmax.f32 v37, v30;
	v54 =	vld [tilespmem:$0x1FBF0];
	v20 =	vnsel vm11, $0x0, v13  }
0x2ba: {  	v37 =	vmax.f32 v37, v32;
	v12 =	vadd.f32 v1, v35;
	v35 =	vld [tilespmem:$0x880];
	v7 =	vadd.f32 v7, v20  }
0x2bb: {  	v25 =	vnsel vm12, $0x0, v22;
	v41 =	vmax.f32 v37, v31;
	v37 =	vld [tilespmem:$0x8A0]  }
0x2bc: {  	v7 =	vadd.f32 v7, v25;
	v25 =	vld [tilespmem:$0x1FC00]  }
0x2bd: {  	v38 =	vld [tilespmem:$0x8B0];
	v45 =	vmax.f32 v41, v33;
	v4 =	vadd.f32 $-1.000000000e+00, v12  }
0x2be: {  	vm13 =	veq.s32 v55, v43;
	v13 =	vld [tilespmem:$0x8C0];
	v39 =	vmax.f32 v45, v34  }
0x2bf: {  	v41 =	vld [tilespmem:$0x8E0];
	v6 =	vnsel vm13, $0x0, v54;
	v20 =	vsub.f32 $0.0e+00, v4;
	v22 =	vmax.f32 v39, v35  }
0x2c0: {  	vm14 =	veq.s32 v55, v47;
	v7 =	vadd.f32 v7, v6;
	v12 =	vmax.f32 v22, v36;
	v22 =	vld [tilespmem:$0x1FC10]  }
0x2c1: {  	v39 =	vld [tilespmem:$0x8D0];
	v54 =	vmul.f32 $1.442695020e+00, v20;
	v0 =	vnsel vm14, $0x0, v25;
	v20 =	vmax.f32 v12, v37  }
0x2c2: {  	v45 =	vld [tilespmem:$0x8F0];
	v0 =	vadd.f32 v7, v0;
	v7 =	vmax.f32 v20, v38  }
0x2c3: {  	(erf) = vpow2.f32 v54;
	v54 =	vmax.f32 v7, v13;
	v7 =	vld [tilespmem:$0x1FC20]  }
0x2c4: {  	vm15 =	veq.s32 v55, v50  }
0x2c5: {  	v1 =	vnsel vm15, $0x0, v22  }
0x2c6: {  	v25 =	vadd.f32 v0, v1;
	v1 =	vmax.f32 v54, v39  }
0x2c7: {  	vm4 =	veq.s32 v55, v46;
	v20 =	vperm.xlane v3, v58;
	v22 =	vld [tilespmem:$0x1FC30];
	v1 =	vmax.f32 v1, v41  }
0x2c8: {  	v12 =	vnsel vm4, $0x0, v7;
	v1 =	vmax.f32 v1, v45  }
0x2c9: {  	v0 =	vadd.f32 v3, v20;
	v54 =	vld [tilespmem:$0x1FC40];
	v2 =	vadd.f32 v25, v12;
	v25 =	vperm.xlane v1, v59  }
0x2ca: {  	v20 =	vld [tilespmem:$0x1FC60]  }
0x2cb: {  	vm5 =	veq.s32 v55, v15;
	v0 =	vadd.f32 v0, v5;
	v7 =	vld [tilespmem:$0x1FC50];
	v1 =	vmax.f32 v1, v25  }
0x2cc: {  	v3 =	vnsel vm5, $0x0, v22;
	v12 =	vperm.xlane v1, v49  }
0x2cd: {  	vm6 =	veq.s32 v55, v10;
	v2 =	vadd.f32 v2, v3;
	v25 =	vsub.f32 v0, v28;
	v28 =	vld [tilespmem:$0x1FC70]  }
0x2ce: {  	v5 =	vnsel vm6, $0x0, v54;
	v1 =	vmax.f32 v1, v12;
	v12 =	vld [tilespmem:$0x1FC90]  }
0x2cf: {  	vm7 =	veq.s32 v55, v56;
	v0 =	vmul.f32 v20, v53;
	v53 =	vld [tilespmem:$0x1FC80];
	v2 =	vadd.f32 v2, v5  }
0x2d0: {  	v22 =	vpop (erf);
	v3 =	vnsel vm7, $0x0, v7  }
0x2d1: {  	v20 =	vld [tilespmem:$0x1FCA0];
	v2 =	vadd.f32 v2, v3;
	v3 =	vmul.f32 v22, v24  }
0x2d2: {  	vm9 =	veq.s32 v55, v11  }
0x2d3: {  	vm8 =	veq.s32 v55, v18;
	v3 =	vadd.f32 v3, v4;
	v4 =	vnsel vm9, $0x0, v12;
	v12 =	vld [tilespmem:$0x1FCB0]  }
0x2d4: {  	v6 =	vimm.s32 $0x4;
	v7 =	vadd.f32 v0, v28;
	v0 =	vnsel vm8, $0x0, v53  }
0x2d5: {  	v2 =	vadd.f32 v2, v0;
	v0 =	vperm.xlane v57, v6  }
0x2d6: {  	v22 =	vadd.f32 $0.0e+00, v20  }
0x2d7: {  	vm10 =	veq.s32 v0, v60;
	vm11 =	veq.s32 v0, v23  }
0x2d8: {  	v6 =	vnsel vm10, $0x0, v22;
	v20 =	vnsel vm11, $0x0, v12  }
0x2d9: {  	v54 =	vperm.xlane v1, v52;
	v5 =	vadd.f32 v2, v4;
	v4 =	vadd.f32 v20, v6;
	v6 =	vld [tilespmem:$0x1FCC0];
	_ =	sdelay $0x1  }
0x2da: {  	v1 =	vmax.f32 v1, v54;
	v54 =	vadd.f32 $-1.000000000e+00, v3  }
0x2db: {  	v28 =	vperm.xlane v1, v58  }
0x2dc: {  	vm12 =	veq.s32 v55, v51;
	v22 =	vsub.f32 $0.0e+00, v54  }
0x2dd: {  	v28 =	vmax.f32 v1, v28;
	v12 =	vnsel vm12, $0x0, v6  }
0x2de: {  	v53 =	vmul.f32 $1.442695020e+00, v22;
	v20 =	vsub.f32 v26, v28;
	v3 =	vadd.f32 v5, v12;
	v12 =	vld [tilespmem:$0x1FCD0];
	_ =	sdelay $0x1  }
0x2df: {  	(erf) = vpow2.f32 v53;
	v53 =	vld [tilespmem:$0x1FCF0];
	v1 =	vmul.f32 $1.442695020e+00, v20;
	v20 =	vsub.f32 v29, v28  }
0x2e0: {  	vm13 =	veq.s32 v0, v42  }
0x2e1: {  	v22 =	vsub.f32 v27, v28;
	(erf) = vpow2.f32 v1;
	v1 =	vmul.f32 $1.442695020e+00, v20;
	v20 =	vld [tilespmem:$0x1FD00]  }
0x2e2: {  	v5 =	vnsel vm13, $0x0, v12  }
0x2e3: {  	vm15 =	veq.s32 v0, v40;
	v2 =	vmul.f32 $1.442695020e+00, v22;
	v4 =	vadd.f32 v4, v5  }
0x2e4: {  	vm14 =	veq.s32 v55, v19;
	v5 =	vnsel vm15, $0x0, v53  }
0x2e5: {  	vm4 =	veq.s32 v0, v43;
	v22 =	vld [tilespmem:$0x1FCE0];
	(erf) = vpow2.f32 v2;
	v12 =	vadd.f32 v4, v5  }
0x2e6: {  	vm5 =	veq.s32 v55, v8;
	v55 =	vld [tilespmem:$0x1FD10];
	(erf) = vpow2.f32 v1;
	v1 =	vnsel vm4, $0x0, v20  }
0x2e7: {  	v1 =	vadd.f32 v12, v1;
	v12 =	vld [tilespmem:$0x1FD20];
	_ =	sdelay $0x2  }
0x2e8: {  	vm6 =	veq.s32 v0, v47;
	v2 =	vnsel vm14, $0x0, v22  }
0x2e9: {  	v6 =	vsub.f32 v30, v28;
	v2 =	vadd.f32 v3, v2;
	v4 =	vnsel vm5, $0x0, v55;
	v55 =	vpop (erf)  }
0x2ea: {  	v53 =	vsub.f32 v32, v28;
	v5 =	vnsel vm6, $0x0, v12;
	v12 =	vpop (erf)  }
0x2eb: {  	v22 =	vmul.f32 $1.442695020e+00, v6;
	v6 =	vadd.f32 v2, v4;
	v4 =	vadd.f32 $0.0e+00, v12;
	v12 =	vld [tilespmem:$0x1FD30]  }
0x2ec: {  	v20 =	vsub.f32 v31, v28  }
0x2ed: {  	v3 =	vmul.f32 $1.442695020e+00, v53  }
0x2ee: {  	(erf) = vpow2.f32 v22;
	v22 =	vmul.f32 $1.442695020e+00, v20;
	v20 =	vsub.f32 v33, v28  }
0x2ef: {  	vm7 =	veq.s32 v0, v50;
	(erf) = vpow2.f32 v3;
	v1 =	vadd.f32 v1, v5  }
0x2f0: {  	(erf) = vpow2.f32 v22;
	v22 =	vmul.f32 $1.442695020e+00, v20;
	v2 =	vpop (erf);
	v20 =	vnsel vm7, $0x0, v12  }
0x2f1: {  	v4 =	vadd.f32 v4, v2;
	v2 =	vadd.f32 v1, v20;
	v20 =	vld [tilespmem:$0x1FD40];
	_ =	sdelay $0x2  }
0x2f2: {  	v53 =	vsub.f32 v34, v28;
	v12 =	vsub.f32 v35, v28  }
0x2f3: {  	vm8 =	veq.s32 v0, v46;
	(erf) = vpow2.f32 v22;
	v22 =	vpop (erf)  }
0x2f4: {  	v53 =	vmul.f32 $1.442695020e+00, v53;
	v3 =	vadd.f32 v4, v22;
	v22 =	vnsel vm8, $0x0, v20  }
0x2f5: {  	v2 =	vadd.f32 v2, v22;
	v22 =	vld [tilespmem:$0x1FD50]  }
0x2f6: {  	v5 =	vmul.f32 $1.442695020e+00, v12;
	v12 =	vpop (erf)  }
0x2f7: {  	v3 =	vadd.f32 v3, v12;
	v20 =	vsub.f32 v36, v28  }
0x2f8: {  	vm9 =	veq.s32 v0, v15;
	(erf) = vpow2.f32 v53;
	v53 =	vpop (erf);
	v12 =	vsub.f32 v37, v28  }
0x2f9: {  	(erf) = vpow2.f32 v5;
	v3 =	vadd.f32 v3, v53;
	v1 =	vmul.f32 $1.442695020e+00, v20;
	v20 =	vld [tilespmem:$0x1FD60]  }
0x2fa: {  	v4 =	vnsel vm9, $0x0, v22;
	v22 =	vmul.f32 $1.442695020e+00, v12;
	v12 =	vsub.f32 v38, v28  }
0x2fb: {  	v53 =	vpop (erf);
	(erf) = vpow2.f32 v1  }
0x2fc: {  	v3 =	vadd.f32 v3, v53;
	(erf) = vpow2.f32 v22;
	v22 =	vmul.f32 $1.442695020e+00, v12;
	v12 =	vld [tilespmem:$0x1FD70]  }
0x2fd: {  	vm10 =	veq.s32 v0, v10;
	v53 =	vpop (erf)  }
0x2fe: {  	v3 =	vadd.f32 v3, v53;
	v53 =	vld [tilespmem:$0x1FD80];
	v1 =	vnsel vm10, $0x0, v20;
	v20 =	vsub.f32 v13, v28  }
0x2ff: {  	(erf) = vpow2.f32 v22;
	v22 =	vsub.f32 v39, v28  }
0x300: {  	vm11 =	veq.s32 v0, v56;
	v2 =	vadd.f32 v2, v4;
	v4 =	vmul.f32 $1.442695020e+00, v20  }
0x301: {  	v5 =	vnsel vm11, $0x0, v12;
	v12 =	vmul.f32 $1.442695020e+00, v22;
	v22 =	vsub.f32 v41, v28  }
0x302: {  	vm12 =	veq.s32 v0, v18;
	v1 =	vadd.f32 v2, v1;
	v20 =	vpop (erf);
	(erf) = vpow2.f32 v4  }
0x303: {  	v2 =	vadd.f32 v3, v20;
	v3 =	vnsel vm12, $0x0, v53;
	v53 =	vmul.f32 $1.442695020e+00, v22  }
0x304: {  	v20 =	vpop (erf);
	(erf) = vpow2.f32 v12  }
0x305: {  	v12 =	vpop (erf);
	(erf) = vpow2.f32 v53;
	v53 =	vld [tilespmem:$0x1FD90]  }
0x306: {  	v1 =	vadd.f32 v1, v5  }
0x307: {  	v2 =	vadd.f32 v2, v20;
	v20 =	vsub.f32 v45, v28  }
0x308: {  	vm13 =	veq.s32 v0, v11;
	v22 =	vperm.xlane v6, v59  }
0x309: {  	v1 =	vadd.f32 v1, v3;
	v5 =	vmul.f32 $1.442695020e+00, v20;
	v20 =	vadd.f32 $-1.000000000e+00, v7  }
0x30a: {  	v4 =	vadd.f32 v6, v22;
	v22 =	vld [tilespmem:$0x1FDA0];
	v3 =	vnsel vm13, $0x0, v53  }
0x30b: {  	v1 =	vadd.f32 v1, v3;
	v3 =	vsub.f32 v25, v20;
	v20 =	vld [tilespmem:$0x1FDB0]  }
0x30c: {  	v2 =	vadd.f32 v2, v12  }
0x30d: {  	v12 =	vpop (erf)  }
0x30e: {  	vm14 =	veq.s32 v0, v51;
	(erf) = vpow2.f32 v5;
	v2 =	vadd.f32 v2, v12  }
0x30f: {  	vm15 =	veq.s32 v0, v19;
	v12 =	vperm.xlane v4, v49;
	v5 =	vnsel vm14, $0x0, v22;
	v53 =	vpop (erf)  }
0x310: {  	v2 =	vadd.f32 v2, v53;
	v1 =	vadd.f32 v1, v5;
	v5 =	vnsel vm15, $0x0, v20;
	v20 =	vld [tilespmem:$0x1FDC0]  }
0x311: {  	v4 =	vadd.f32 v4, v12;
	v22 =	vpop (erf)  }
0x312: {  	v25 =	vimm.s32 $0x5;
	v2 =	vadd.f32 v2, v22;
	v22 =	vld [tilespmem:$0x1FDD0]  }
0x313: {  	v53 =	vpop (erf);
	v12 =	vperm.xlane v4, v52  }
0x314: {  	vm4 =	veq.s32 v0, v8;
	v2 =	vadd.f32 v2, v53;
	v53 =	vld [tilespmem:$0x1FDE0];
	v1 =	vadd.f32 v1, v5  }
0x315: {  	v0 =	vperm.xlane v57, v25;
	v4 =	vadd.f32 v4, v12;
	v25 =	vpop (erf);
	v5 =	vnsel vm4, $0x0, v20  }
0x316: {  	v2 =	vadd.f32 v2, v25;
	v1 =	vadd.f32 v1, v5  }
0x317: {  	v12 =	vperm.xlane v4, v58;
	v7 =	vadd.f32 $0.0e+00, v22;
	v22 =	vpop (erf)  }
0x318: {  	vm6 =	veq.s32 v0, v23;
	v2 =	vadd.f32 v2, v22;
	v20 =	vperm.xlane v1, v59  }
0x319: {  	v4 =	vadd.f32 v4, v12;
	v6 =	vnsel vm6, $0x0, v53;
	v53 =	vld [tilespmem:$0x1FDF0]  }
0x31a: {  	v12 =	vperm.xlane v2, v59;
	v1 =	vadd.f32 v1, v20;
	v20 =	vld [tilespmem:$0x1FE00]  }
0x31b: {  	vm5 =	veq.s32 v0, v60;
	v3 =	vadd.f32 v4, v3  }
0x31c: {  	vm7 =	veq.s32 v0, v42;
	v5 =	vnsel vm5, $0x0, v7;
	v2 =	vadd.f32 v2, v12  }
0x31d: {  	vm8 =	veq.s32 v0, v40;
	v25 =	vld [tilespmem:$0x1FE10];
	v3 =	vsub.f32 v3, v21;
	v5 =	vadd.f32 v6, v5  }
0x31e: {  	v21 =	vld [tilespmem:$0x1FE30];
	v6 =	vnsel vm7, $0x0, v53;
	v53 =	vperm.xlane v2, v49;
	v22 =	vperm.xlane v1, v49  }
0x31f: {  	v5 =	vadd.f32 v5, v6;
	v4 =	vnsel vm8, $0x0, v20;
	v20 =	vld [tilespmem:$0x1FE20]  }
0x320: {  	v2 =	vadd.f32 v2, v53;
	v53 =	vld [tilespmem:$0x1FE50];
	v1 =	vadd.f32 v1, v22  }
0x321: {  	vm9 =	veq.s32 v0, v43;
	v22 =	vld [tilespmem:$0x1FE40]  }
0x322: {  	v4 =	vadd.f32 v5, v4;
	v5 =	vnsel vm9, $0x0, v25;
	v25 =	vperm.xlane v1, v52;
	_ =	sdelay $0x1  }
0x323: {  	v1 =	vadd.f32 v1, v25;
	v6 =	vmul.f32 v20, v21;
	v20 =	vld [tilespmem:$0x1FE60]  }
0x324: {  	vm10 =	veq.s32 v0, v47;
	v4 =	vadd.f32 v4, v5  }
0x325: {  	v7 =	vnsel vm10, $0x0, v22;
	v22 =	vld [tilespmem:$0x1FE70];
	v12 =	vperm.xlane v1, v58;
	v5 =	vadd.f32 v6, v53  }
0x326: {  	v25 =	vld [tilespmem:$0x1FE80];
	v4 =	vadd.f32 v4, v7;
	v21 =	vperm.xlane v2, v52  }
0x327: {  	vm11 =	veq.s32 v0, v50;
	v1 =	vadd.f32 v1, v12;
	v12 =	vld [tilespmem:$0x1FE90];
	v5 =	vadd.f32 $-1.000000000e+00, v5  }
0x328: {  	vm12 =	veq.s32 v0, v46;
	v2 =	vadd.f32 v2, v21;
	v6 =	vnsel vm11, $0x0, v20  }
0x329: {  	vm13 =	veq.s32 v0, v15;
	v20 =	vld [tilespmem:$0x1FEA0];
	v4 =	vadd.f32 v4, v6;
	v3 =	vsub.f32 v3, v5  }
0x32a: {  	vm14 =	veq.s32 v0, v10;
	v7 =	vnsel vm12, $0x0, v22;
	v53 =	vperm.xlane v2, v58  }
0x32b: {  	vm15 =	veq.s32 v0, v56;
	v4 =	vadd.f32 v4, v7;
	v1 =	vadd.f32 v1, v3  }
0x32c: {  	v5 =	vnsel vm13, $0x0, v25;
	v3 =	vnsel vm14, $0x0, v12;
	v12 =	vadd.f32 v2, v53;
	v53 =	vld [tilespmem:$0x1FEC0]  }
0x32d: {  	vm4 =	veq.s32 v0, v18;
	v4 =	vadd.f32 v4, v5;
	v1 =	vsub.f32 v1, v48;
	v48 =	vld [tilespmem:$0x1FEB0]  }
0x32e: {  	vm7 =	veq.s32 v0, v11;
	v25 =	vimm.s32 $0x6;
	v2 =	vnsel vm15, $0x0, v20  }
0x32f: {  	v22 =	vand.u32 $0x7FFFFF, v12;
	v5 =	vperm.xlane v57, v25;
	v25 =	vld [tilespmem:$0x1FEE0];
	v3 =	vadd.f32 v4, v3  }
0x330: {  	v21 =	vshrl.u32 v12, $0x17;
	v20 =	vadd.f32 $0.0e+00, v63;
	v4 =	vcvt.s32.f32 v22;
	v22 =	vld [tilespmem:$0x1FED0]  }
0x331: {  	v7 =	vmul.f32 v53, v62;
	v62 =	vld [tilespmem:$0x1FF10];
	v2 =	vadd.f32 v3, v2;
	v3 =	vand.u32 $0xFF, v21  }
0x332: {  	vm5 =	veq.s32 v5, v60;
	v3 =	vadd.s32 $0xFFFFFF81, v3;
	v6 =	vnsel vm4, $0x0, v48;
	v48 =	vld [tilespmem:$0x1FEF0]  }
0x333: {  	vm6 =	veq.s32 v5, v23;
	v4 =	vmul.f32 $1.192092900e-07, v4;
	v3 =	vcvt.s32.f32 v3  }
0x334: {  	vm8 =	veq.s32 v5, v42;
	vm10 =	veq.s32 v5, v40;
	v53 =	vld [tilespmem:$0x1FF00];
	v21 =	vnsel vm5, $0x0, v20  }
0x335: {  	v2 =	vadd.f32 v2, v6;
	v6 =	vnsel vm6, $0x0, v22;
	v3 =	vadd.f32 v3, v4  }
0x336: {  	v4 =	vadd.f32 v6, v21;
	v6 =	vnsel vm7, $0x0, v25;
	v63 =	vnsel vm10, $0x0, v62;
	v62 =	vld [tilespmem:$0x1FF30]  }
0x337: {  	v2 =	vadd.f32 v2, v6;
	v6 =	vnsel vm8, $0x0, v48;
	v3 =	vmul.f32 $6.931471820e-01, v3  }
0x338: {  	v26 =	vadd.f32 $0.0e+00, v26;
	vm9 =	veq.s32 v0, v51;
	v21 =	vld [tilespmem:$0x1FF20];
	v4 =	vadd.f32 v4, v6  }
0x339: {  	vm12 =	veq.s32 v0, v19;
	v6 =	vnsel vm9, $0x0, v53;
	v20 =	vsub.f32 $0.0e+00, v3  }
0x33a: {  	vm11 =	veq.s32 v5, v43;
	v2 =	vadd.f32 v2, v6;
	v4 =	vadd.f32 v4, v63;
	v63 =	vld [tilespmem:$0x1FF40]  }
0x33b: {  	vm13 =	veq.s32 v5, v47;
	v25 =	vnsel vm12, $0x0, v62;
	v22 =	vmul.f32 $1.442695020e+00, v20  }
0x33c: {  	vm15 =	veq.s32 v5, v50;
	vm4 =	veq.s32 v5, v46;
	v2 =	vadd.f32 v2, v25;
	v25 =	vld [tilespmem:$0x1FF50]  }
0x33d: {  	v53 =	vimm.s32 $0x7;
	v6 =	vnsel vm11, $0x0, v21;
	(erf) = vpow2.f32 v22  }
0x33e: {  	vm6 =	veq.s32 v5, v15;
	v4 =	vadd.f32 v4, v6;
	v6 =	vperm.xlane v57, v53;
	v57 =	vld [tilespmem:$0x1FF60]  }
0x33f: {  	vm8 =	veq.s32 v0, v8;
	vm9 =	veq.s32 v5, v10;
	v22 =	vnsel vm13, $0x0, v63  }
0x340: {  	vm14 =	veq.s32 v6, v60;
	vm2 =	veq.s32 v6, v23;
	v63 =	vld [tilespmem:$0x1FF70];
	v4 =	vadd.f32 v4, v22  }
0x341: {  	vm5 =	veq.s32 v6, v42;
	v48 =	vnsel vm14, $0x0, v26;
	v20 =	vnsel vm15, $0x0, v25  }
0x342: {  	v53 =	vnsel vm2, $0x0, v27;
	v62 =	vnsel vm5, $0x0, v29;
	v29 =	vld [tilespmem:$0x1FF80];
	v4 =	vadd.f32 v4, v20  }
0x343: {  	vm12 =	veq.s32 v5, v56;
	v60 =	vnsel vm4, $0x0, v57;
	v20 =	vadd.f32 v53, v48  }
0x344: {  	vm7 =	veq.s32 v6, v40;
	vm10 =	veq.s32 v6, v43;
	v4 =	vadd.f32 v4, v60  }
0x345: {  	vm11 =	veq.s32 v6, v47;
	v20 =	vadd.f32 v20, v62;
	v25 =	vnsel vm6, $0x0, v63  }
0x346: {  	v40 =	vld [tilespmem:$0x1FF90];
	v26 =	vnsel vm7, $0x0, v30;
	v42 =	vnsel vm10, $0x0, v32;
	v27 =	vadd.f32 v4, v25;
	v30 =	vpop (erf)  }
0x347: {  	v4 =	vnsel vm8, $0x0, v29;
	v20 =	vadd.f32 v20, v26;
	v21 =	vmul.f32 v30, v12  }
0x348: {  	v47 =	vnsel vm11, $0x0, v31;
	vm13 =	veq.s32 v6, v50;
	v48 =	vld [tilespmem:$0x1FFA0];
	v2 =	vadd.f32 v2, v4  }
0x349: {  	vm14 =	veq.s32 v6, v46;
	v4 =	vadd.f32 v20, v42;
	v3 =	vadd.f32 v21, v3  }
0x34a: {  	vm5 =	veq.s32 v5, v11;
	vm7 =	veq.s32 v5, v51;
	vm10 =	veq.s32 v6, v18;
	v60 =	vld [tilespmem:$0x1FFB0]  }
0x34b: {  	v22 =	vnsel vm9, $0x0, v40;
	v4 =	vadd.f32 v4, v47;
	v3 =	vadd.f32 $-1.000000000e+00, v3  }
0x34c: {  	v50 =	vnsel vm13, $0x0, v33;
	vm15 =	veq.s32 v5, v18;
	v0 =	vadd.f32 v27, v22  }
0x34d: {  	v21 =	vnsel vm12, $0x0, v48;
	v4 =	vadd.f32 v4, v50;
	v57 =	vsub.f32 $0.0e+00, v3  }
0x34e: {  	vm4 =	veq.s32 v6, v15;
	v53 =	vnsel vm14, $0x0, v34;
	v0 =	vadd.f32 v0, v21  }
0x34f: {  	v20 =	vnsel vm15, $0x0, v60;
	v4 =	vadd.f32 v4, v53;
	v21 =	vmul.f32 $1.442695020e+00, v57  }
0x350: {  	v15 =	vnsel vm4, $0x0, v35;
	v62 =	vnsel vm5, $0x0, v14;
	v25 =	vld [tilespmem:$0x1FFC0];
	v0 =	vadd.f32 v0, v20  }
0x351: {  	vm6 =	veq.s32 v6, v10;
	v4 =	vadd.f32 v4, v15;
	(erf) = vpow2.f32 v21  }
0x352: {  	vm9 =	veq.s32 v5, v19;
	v10 =	vnsel vm6, $0x0, v36;
	v0 =	vadd.f32 v0, v62  }
0x353: {  	v14 =	vnsel vm7, $0x0, v17;
	vm8 =	veq.s32 v6, v56;
	v4 =	vadd.f32 v4, v10  }
0x354: {  	v17 =	vnsel vm8, $0x0, v37;
	v43 =	vperm.xlane v2, v59;
	v0 =	vadd.f32 v0, v14  }
0x355: {  	vm11 =	veq.s32 v5, v8;
	v26 =	vnsel vm9, $0x0, v25;
	v4 =	vadd.f32 v4, v17  }
0x356: {  	v27 =	vnsel vm10, $0x0, v38;
	v2 =	vadd.f32 v2, v43;
	v0 =	vadd.f32 v0, v26  }
0x357: {  	v5 =	vnsel vm11, $0x0, v16;
	vm12 =	veq.s32 v6, v11;
	v4 =	vadd.f32 v4, v27  }
0x358: {  	v29 =	vnsel vm12, $0x0, v13;
	v63 =	vperm.xlane v2, v49;
	v0 =	vadd.f32 v0, v5  }
0x359: {  	vm13 =	veq.s32 v6, v51;
	v30 =	vld [tilespmem:$0x1FFD0];
	v4 =	vadd.f32 v4, v29  }
0x35a: {  	v33 =	vnsel vm13, $0x0, v39;
	v2 =	vadd.f32 v2, v63;
	v32 =	vperm.xlane v0, v59;
	v34 =	vpop (erf)  }
0x35b: {  	vm14 =	veq.s32 v6, v19;
	v4 =	vadd.f32 v4, v33;
	v35 =	vmul.f32 v34, v12  }
0x35c: {  	v36 =	vnsel vm14, $0x0, v41;
	v31 =	vperm.xlane v2, v52;
	v0 =	vadd.f32 v0, v32  }
0x35d: {  	vm15 =	veq.s32 v6, v8;
	v43 =	vld [tilespmem:$0x1FFE0];
	v4 =	vadd.f32 v4, v36;
	v3 =	vadd.f32 v35, v3  }
0x35e: {  	v39 =	vnsel vm15, $0x0, v45;
	v7 =	vadd.f32 v7, v30;
	v2 =	vadd.f32 v2, v31  }
0x35f: {  	v48 =	vld [tilespmem:$0x1FFF0];
	v38 =	vperm.xlane v0, v49;
	v4 =	vadd.f32 v4, v39;
	v3 =	vadd.f32 $-1.000000000e+00, v3  }
0x360: {  	v37 =	vadd.f32 $-1.000000000e+00, v7;
	v40 =	vperm.xlane v2, v58  }
0x361: {  	v0 =	vadd.f32 v0, v38;
	v41 =	vperm.xlane v4, v59;
	v42 =	vsub.f32 $0.0e+00, v3  }
0x362: {  	v1 =	vsub.f32 v1, v37;
	v7 =	vmul.f32 v43, v61;
	v2 =	vadd.f32 v2, v40  }
0x363: {  	v45 =	vperm.xlane v0, v52;
	v46 =	vadd.f32 v4, v41;
	v47 =	vmul.f32 $1.442695020e+00, v42  }
0x364: {  	v5 =	vadd.f32 v7, v48;
	v1 =	vadd.f32 v2, v1  }
0x365: {  	v0 =	vadd.f32 v0, v45;
	v50 =	vperm.xlane v46, v49;
	(erf) = vpow2.f32 v47  }
0x366: {  	v51 =	vadd.f32 $-1.000000000e+00, v5  }
0x367: {  	v1 =	vsub.f32 v1, v44;
	v53 =	vperm.xlane v0, v58;
	v2 =	vadd.f32 v46, v50  }
0x368: {  	v55 =	vmul.f32 v55, v24  }
0x369: {  	v1 =	vsub.f32 v1, v51;
	v0 =	vadd.f32 v0, v53;
	v56 =	vperm.xlane v2, v52  }
0x36a: {  	v57 =	vadd.f32 v55, v54  }
0x36b: {  	v0 =	vadd.f32 v0, v1;
	v2 =	vadd.f32 v2, v56;
	_ =	sdelay $0x1  }
0x36c: {  	v1 =	vadd.f32 $-1.000000000e+00, v57;
	v0 =	vsub.f32 v0, v9;
	v59 =	vperm.xlane v2, v58  }
0x36d: {  	v60 =	vpop (erf)  }
0x36e: {  	v0 =	vsub.f32 v0, v1;
	v61 =	vadd.f32 v2, v59;
	v62 =	vmul.f32 v60, v12;
	_ =	sdelay $0x1  }
0x36f: {  	v0 =	vadd.f32 v61, v0;
	v63 =	vadd.f32 v62, v3;
	_ =	sdelay $0x1  }
0x370: {  	v0 =	vsub.f32 v0, v28;
	v1 =	vadd.f32 $-1.000000000e+00, v63;
	_ =	sdelay $0x1  }
0x371: {  	v0 =	vsub.f32 v0, v1  }
0x372: {  	s3 =	sadd.s32 $0x600, s3;
	s30 =	sshll.u32 s4, $0x4  }
0x373: {  	s31 =	simm.s32 $0x900;
	s4 =	sadd.s32 s3, s30;
	[tilespmem:$0x900] =	vst v0  }
0x374: {  	[hbm4b:s4+s2] =	stream.linear.scatter [tilespmem:s31], [sflag:$0x2], $0x80, $0x38;
	[tilespmem:$0xE00] =	vst v63  }
0x375: {  	_ =	swait.ge [sflag:s26], $0x80  }
0x376: {  	[sflag:s26] =	ssyncset.done $0x0  }
0x377: {  	[sflag:s26] =	ssyncadd.s32 $0xFFFFFF80  }
0x378: {  	s2 =	simm.s32 @!p0 $0x0;
	s4 =	simm.s32 @!p0 $0xA00;
	[bflag:$0x0] =	sbarrier.arrive $0xFFFF  }
0x379: {  	[tilespmem:s4], [sflag:$0x2] =	stream.linear.gather @!p0 [hbm4b:s3+s2], $0x400, $0x38;
	[tilespmem:$0xE00] =	vst v63  }
0x37a: {  	s3 =	simm.s32 @!p0 $0x2  }
0x37b: {  	_ =	swait.ge @!p0 [sflag:s3], $0x400  }
0x37c: {  	[sflag:s3] =	ssyncset.done @!p0 $0x0  }
0x37d: {  	[sflag:s3] =	ssyncadd.s32 @!p0 $0xFFFFFC00  }
0x37e: {  	v0 =	vld @!p0 [tilespmem:$0xA00]  }
0x37f: {  	v1 =	vld @!p0 [tilespmem:$0xA80];
	_ =	sdelay $0x1  }
0x380: {  	v2 =	vld @!p0 [tilespmem:$0xB00];
	_ =	sdelay $0x1  }
0x381: {  	v3 =	vld @!p0 [tilespmem:$0xB80]  }
0x382: {  	v0 =	vadd.f32 @!p0 v1, v0  }
0x383: {  	v1 =	vld @!p0 [tilespmem:$0xC00]  }
0x384: {  	v0 =	vadd.f32 @!p0 v2, v0  }
0x385: {  	v2 =	vld @!p0 [tilespmem:$0xC80]  }
0x386: {  	v0 =	vadd.f32 @!p0 v3, v0  }
0x387: {  	v3 =	vld @!p0 [tilespmem:$0xD00]  }
0x388: {  	v0 =	vadd.f32 @!p0 v1, v0  }
0x389: {  	v1 =	vld @!p0 [tilespmem:$0xD80]  }
0x38a: {  	v0 =	vadd.f32 @!p0 v2, v0;
	_ =	sdelay $0x1  }
0x38b: {  	v0 =	vadd.f32 @!p0 v3, v0;
	_ =	sdelay $0x1  }
0x38c: {  	v0 =	vadd.f32 @!p0 v1, v0;
	_ =	sdelay $0x1  }
0x38d: {  	v0 =	vmul.f32 @!p0 $1.562500000e-02, v0;
	_ =	sdelay $0x1  }
.Ltmp1:
0x38e: {  	s4 =	simm.s32 @!p0 $0x980;
	[tilespmem:$0x980] =	vst @!p0 v0;
	(pc) =	sbr.rel .LBB2_3-.Ltmp1, $4  }
0x38f: {  	[hbm4b:s1+s2] =	stream.linear.scatter @!p0 [tilespmem:s4], [sflag:$0x2], $0x80, $0x38;
	[tilespmem:$0xE00] =	vst v63  }
0x390: {  	_ =	swait.ge @!p0 [sflag:s3], $0x80  }
0x391: {  	[sflag:s3] =	ssyncset.done @!p0 $0x0  }
0x392: {  	[sflag:s3] =	ssyncadd.s32 @!p0 $0xFFFFFF80  }
.LBB2_1:
0x393: {  	[bflag:$0x0] =	sbarrier.arrive $0xFFFF  }
.LBB2_3:
0x394: {  	_ =	sfence.sel $0x180000  }
0x395: {  	[bflag:$0x0] =	sbarrier.arrive $0xFFFF  }
0x396: {  	_ =	strace $0x90000047  }
0x397: {  	s0 =	sadd.s32 @!p0 $0x100000, s0;
	[bflag:$0x2] =	sbarrier.arrive $0xFFFF  }
0x398: {  	[sflag:s0] =	ssyncadd.tile.s32 @!p0 $0x1;
	_ =	shalt  }
.Lfunc_end2:
_tile_overlayer_lowered:
.L_overlay_start_2:
0x399: {  	(tag) =	ssettag $0x2  }
0x39a: {  	s0 =	rddreg [dreg:$0x0];
	s2 =	stileid.u32  }
0x39b: {  	s1 =	rddreg [dreg:$0x1];
	p0 =	sne.s32 s2, $0x0  }
0x39c: {  	s3 =	rddreg [dreg:$0x2];
	[bflag:$0x3] =	sbarrier.arrive $0xFFFF;
	s2 =	simm.s32 @!p0 $0x1C02  }
0x39d: {  	[timem:s3], [sflag:s2] =	dma.local @!p0 [hbm:s0], s1  }
0x39e: {  	s0 =	simm.s32 @!p0 $0x2  }
0x39f: {  	_ =	swait.ge @!p0 [sflag:s0], s1  }
0x3a0: {  	s1 =	ssub.s32 @!p0 $0x0, s1;
	[sflag:s0] =	ssyncset.done @!p0 $0x0  }
0x3a1: {  	[sflag:s0] =	ssyncadd.s32 @!p0 s1  }
0x3a2: {  	[bflag:$0x3] =	sbarrier.arrive $0xFFFF  }
0x3a3: {  	_ =	shalt  }

</sc_bundles>
